<compile_context>
chip_gen: v7x
topology: tpu7x:2x2x1
jax: 0.10.2.dev20260603
libtpu: 0.0.44.dev20260713+nightly
codegen_flags: <defaults>
</compile_context>

<pallas_src>
import functools

import jax
import jax.numpy as jnp
from jax import lax
from jax.experimental import pallas as pl
from jax.experimental.pallas import tpu as pltpu
from jax.experimental.pallas import tpu_sc as plsc

_NC, _NS = 2, 16
_NW = _NC * _NS


def _vq_idx_body(z_ref, cb_ref, idx_ref):
    zb = z_ref[...].reshape(-1, z_ref.shape[-1])
    cb = cb_ref[...]
    K = cb.shape[0]
    BT = zb.shape[0]
    cross = lax.dot_general(
        zb, cb, (((1,), (1,)), ((), ())),
        preferred_element_type=jnp.float32)
    z_sq = jnp.sum(zb * zb, axis=-1, keepdims=True)
    e_sq = jnp.sum(cb * cb, axis=-1)
    C = 128
    TB = 64
    G = K // C
    liota = lax.broadcasted_iota(jnp.int32, (TB, C), 1)
    for t in range(BT // TB):
        zs = z_sq[t * TB:(t + 1) * TB, :]
        bd = zs - 2.0 * cross[t * TB:(t + 1) * TB, :C] + e_sq[None, :C]
        bg = jnp.zeros((TB, C), jnp.int32)
        for g in range(1, G):
            d = (zs - 2.0 * cross[t * TB:(t + 1) * TB, g * C:(g + 1) * C]
                 + e_sq[None, g * C:(g + 1) * C])
            lt = d < bd
            bd = jnp.where(lt, d, bd)
            bg = jnp.where(lt, g, bg)
        m = jnp.min(bd, axis=-1, keepdims=True)
        cand = jnp.where(bd == m, bg * C + liota, K)
        idx_ref[0, 0, pl.ds(t * TB, TB)] = jnp.min(cand, axis=-1)


def _sc_gather(codebook, idx3, N, D):
    b_per_w = N // _NW
    G3, _, BT3 = idx3.shape
    mesh = plsc.VectorSubcoreMesh(core_axis_name="c", subcore_axis_name="s")

    @functools.partial(
        pl.kernel,
        mesh=mesh,
        out_type=jax.ShapeDtypeStruct((N, D), jnp.float32),
        scratch_types=[
            pltpu.VMEM((b_per_w,), jnp.int32),
            pltpu.VMEM((b_per_w, D), jnp.float32),
            pltpu.SemaphoreType.DMA,
        ],
        compiler_params=pltpu.CompilerParams(use_tc_tiling_on_sc=False),
    )
    def gk(table_hbm, idx_hbm, out_hbm, idx_v, rows_v, sem):
        wid = lax.axis_index("s") * _NC + lax.axis_index("c")
        base = wid * b_per_w
        pltpu.sync_copy(
            idx_hbm.at[base // BT3, 0, pl.ds(base % BT3, b_per_w)], idx_v)
        pltpu.async_copy(table_hbm.at[idx_v], rows_v, sem).wait()
        pltpu.sync_copy(rows_v, out_hbm.at[pl.ds(base, b_per_w)])

    return gk(codebook, idx3)


def kernel(z_e, codebook):
    B, T, D = z_e.shape
    K = codebook.shape[0]
    N = B * T
    BB = 2
    BT = BB * T
    CH = 2
    BH = B // CH
    GH = BH // BB

    idx_parts, zq_parts = [], []
    for c in range(CH):
        idx3 = pl.pallas_call(
            _vq_idx_body,
            grid=(GH,),
            in_specs=[
                pl.BlockSpec((BB, T, D), lambda i, c=c: (c * GH + i, 0, 0)),
                pl.BlockSpec((K, D), lambda i: (0, 0)),
            ],
            out_specs=pl.BlockSpec((1, 1, BT), lambda i: (i, 0, 0)),
            out_shape=jax.ShapeDtypeStruct((GH, 1, BT), jnp.int32),
        )(z_e, codebook)
        idx_parts.append(idx3)
        zq_parts.append(_sc_gather(codebook, idx3, BH * T, D))

    idx = jnp.concatenate(idx_parts, axis=0).reshape(B, T)
    zq = jnp.concatenate(zq_parts, axis=0).reshape(B, T, D)
    return idx, zq

# --- scband reference (transcript-rebuilt; emitter-appended) ---
"""Pipeline reference for scband-lvl1-vq-79843442032955 (READ-ONLY COPY).

The authoritative reference and input builder live on the scoring server;
editing this copy changes nothing except your own understanding.
"""

import jax, jax.numpy as jnp
import numpy as np


def setup_inputs(seed: int = 0) -> dict:
    key = jax.random.key(seed)
    k1, k2 = jax.random.split(key)
    z_e = jax.random.normal(k1, (16, 576, 64), dtype=jnp.float32)
    # learned codebook parameter: [num_tokens=1024, token_dim=64]
    codebook = jax.random.normal(k2, (1024, 64), dtype=jnp.float32) * 0.02
    return {"z_e": z_e, "codebook": codebook}


def reference(z_e, codebook):
    # extract_indices: nearest-neighbor lookup in the codebook under L2 distance
    # ||z - e||^2 = ||z||^2 - 2 z.e + ||e||^2
    z_sq = jnp.sum(z_e ** 2, axis=-1, keepdims=True)            # [B, T, 1]
    e_sq = jnp.sum(codebook ** 2, axis=-1)                      # [K]
    cross = jnp.einsum('btd,kd->btk', z_e, codebook)            # [B, T, K]
    dists = z_sq - 2.0 * cross + e_sq                           # [B, T, K]
    indices = jnp.argmin(dists, axis=-1)                        # [B, T] int
    # vq_codebook(indices): embedding gather
    z_q = jnp.take(codebook, indices, axis=0)                   # [B, T, D]
    # output dict {'indices': indices, 'v_q': z_q} -> return as tuple
    return indices, z_q

if __name__ == "__main__":
    import jax
    _d = setup_inputs()
    print(jax.jit(kernel)(*tuple(_d.values())))

</pallas_src>

<mosaic_0001>
#map = affine_map<(d0, d1) -> (0, 0)>
#map1 = affine_map<(d0, d1) -> (0, 0, 0)>
module attributes {stable_mosaic.version = 14 : i64} {
  func.func @gk(%arg0: i32, %arg1: i32, %arg2: memref<1024x64xf32, #tpu.memory_space<hbm>>, %arg3: memref<4x1x1152xi32, #tpu.memory_space<hbm>>, %arg4: memref<4608x64xf32, #tpu.memory_space<hbm>>, %arg5: memref<144xi32, #tpu.memory_space<vmem>>, %arg6: memref<144x64xf32, #tpu.memory_space<vmem>>, %arg7: memref<!tpu.dma_semaphore, #tpu.memory_space<semaphore_mem>>) attributes {dimension_semantics = [#tpu.dimension_semantics<core_parallel>, #tpu.dimension_semantics<subcore_parallel>], iteration_bounds = array<i64: 2, 16>, scalar_prefetch = 0 : i64, scratch_operands = 3 : i64, tpu.core_type = #tpu.core_type<sc_vector_subcore>, window_params = [{transform_indices = #map}, {transform_indices = #map1}, {transform_indices = #map}]} {
    %mul3A = arith.constant 2 : i32
    %mul3A_0 = arith.muli %arg1, %mul3A : i32
    %add3A = arith.addi %mul3A_0, %arg0 : i32
    %mul3A_1 = arith.constant 144 : i32
    %mul3A_2 = arith.muli %add3A, %mul3A_1 : i32
    %jit3A = arith.constant 1152 : i32
    %div3A = arith.divsi %mul3A_2, %jit3A : i32
    %sign3A = arith.constant 0 : i32
    %sign3A_3 = arith.cmpi sgt, %mul3A_2, %sign3A : i32
    %sign3A_4 = arith.extui %sign3A_3 : i1 to i32
    %sign3A_5 = arith.constant 0 : i32
    %sign3A_6 = arith.cmpi slt, %mul3A_2, %sign3A_5 : i32
    %sign3A_7 = arith.extui %sign3A_6 : i1 to i32
    %sign3A_8 = arith.subi %sign3A_4, %sign3A_7 : i32
    %sign3A_9 = arith.constant 0 : i32
    %sign3A_10 = arith.cmpi sgt, %jit3A, %sign3A_9 : i32
    %sign3A_11 = arith.extui %sign3A_10 : i1 to i32
    %sign3A_12 = arith.constant 0 : i32
    %sign3A_13 = arith.cmpi slt, %jit3A, %sign3A_12 : i32
    %sign3A_14 = arith.extui %sign3A_13 : i1 to i32
    %sign3A_15 = arith.subi %sign3A_11, %sign3A_14 : i32
    %ne3A = arith.cmpi ne, %sign3A_8, %sign3A_15 : i32
    %rem3A = arith.remsi %mul3A_2, %jit3A : i32
    %ne3A_16 = arith.constant 0 : i32
    %ne3A_17 = arith.cmpi ne, %rem3A, %ne3A_16 : i32
    %and3A = arith.andi %ne3A, %ne3A_17 : i1
    %sub3A = arith.constant 1 : i32
    %sub3A_18 = arith.subi %div3A, %sub3A : i32
    %select_n3A = arith.select %and3A, %sub3A_18, %div3A : i32
    %jit3A_19 = arith.constant 1152 : i32
    %eq3A = arith.constant 0 : i32
    %eq3A_20 = arith.cmpi eq, %jit3A_19, %eq3A : i32
    %jit3A_21 = arith.constant 1 : i32
    %select_n3A_22 = arith.select %eq3A_20, %jit3A_21, %jit3A_19 : i32
    %rem3A_23 = arith.remsi %mul3A_2, %select_n3A_22 : i32
    %ne3A_24 = arith.constant 0 : i32
    %ne3A_25 = arith.cmpi ne, %rem3A_23, %ne3A_24 : i32
    %lt3A = arith.constant 0 : i32
    %lt3A_26 = arith.cmpi slt, %rem3A_23, %lt3A : i32
    %lt3A_27 = arith.constant 0 : i32
    %lt3A_28 = arith.cmpi slt, %select_n3A_22, %lt3A_27 : i32
    %ne3A_29 = arith.xori %lt3A_26, %lt3A_28 : i1
    %and3A_30 = arith.andi %ne3A_29, %ne3A_25 : i1
    %add3A_31 = arith.addi %rem3A_23, %select_n3A_22 : i32
    %select_n3A_32 = arith.select %and3A_30, %add3A_31, %rem3A_23 : i32
    %run_scoped3A = arith.constant 0 : i32
    "tpu.region"() ({
      %run_scoped3A_37 = tpu.sem_alloc : memref<!tpu.dma_semaphore, #tpu.memory_space<semaphore_mem>>
      %dma_start3A_38 = tpu.memref_slice %arg3[%select_n3A, %run_scoped3A, %select_n3A_32] : memref<4x1x1152xi32, #tpu.memory_space<hbm>> -> memref<1x1x144xi32, #tpu.memory_space<hbm>>
      %dma_start3A_39 = tpu.memref_squeeze %dma_start3A_38 : memref<1x1x144xi32, #tpu.memory_space<hbm>> -> memref<144xi32, #tpu.memory_space<hbm>>
      %dma_start3A_40 = tpu.memref_slice %arg3[%select_n3A, %run_scoped3A, %select_n3A_32] : memref<4x1x1152xi32, #tpu.memory_space<hbm>> -> memref<1x1x144xi32, #tpu.memory_space<hbm>>
      %dma_start3A_41 = tpu.memref_squeeze %dma_start3A_40 : memref<1x1x144xi32, #tpu.memory_space<hbm>> -> memref<144xi32, #tpu.memory_space<hbm>>
      tpu.enqueue_dma source(%dma_start3A_41 : memref<144xi32, #tpu.memory_space<hbm>>) target(%arg5 : memref<144xi32, #tpu.memory_space<vmem>>) target_semaphore(%run_scoped3A_37 : memref<!tpu.dma_semaphore, #tpu.memory_space<semaphore_mem>>)
      %dma_wait3A_42 = tpu.memref_slice %arg3[%select_n3A, %run_scoped3A, %select_n3A_32] : memref<4x1x1152xi32, #tpu.memory_space<hbm>> -> memref<1x1x144xi32, #tpu.memory_space<hbm>>
      %dma_wait3A_43 = tpu.memref_squeeze %dma_wait3A_42 : memref<1x1x144xi32, #tpu.memory_space<hbm>> -> memref<144xi32, #tpu.memory_space<hbm>>
      %dma_wait3A_44 = tpu.memref_slice %arg3[%select_n3A, %run_scoped3A, %select_n3A_32] : memref<4x1x1152xi32, #tpu.memory_space<hbm>> -> memref<1x1x144xi32, #tpu.memory_space<hbm>>
      %dma_wait3A_45 = tpu.memref_squeeze %dma_wait3A_44 : memref<1x1x144xi32, #tpu.memory_space<hbm>> -> memref<144xi32, #tpu.memory_space<hbm>>
      tpu.wait_dma2 semaphore(%run_scoped3A_37 : memref<!tpu.dma_semaphore, #tpu.memory_space<semaphore_mem>>) src(%dma_wait3A_45 : memref<144xi32, #tpu.memory_space<hbm>>) dst(%arg5 : memref<144xi32, #tpu.memory_space<vmem>>)
      tpu.yield
    }) : () -> ()
    %dma_start3A = arith.constant 0 : i32
    %dma_start3A_33 = arith.constant 0 : i32
    %dma_start3A_34 = tpu.memref_slice %arg2[%dma_start3A, %dma_start3A_33] : memref<1024x64xf32, #tpu.memory_space<hbm>> -> memref<1024x64xf32, #tpu.memory_space<hbm>>
    tpu.enqueue_indirect_dma source(%dma_start3A_34 : memref<1024x64xf32, #tpu.memory_space<hbm>>) target(%arg6 : memref<144x64xf32, #tpu.memory_space<vmem>>) offsets(%arg5 : memref<144xi32, #tpu.memory_space<vmem>>) semaphore(%arg7 : memref<!tpu.dma_semaphore, #tpu.memory_space<semaphore_mem>>)
    %dma_wait3A = arith.constant 0 : i32
    %dma_wait3A_35 = arith.constant 0 : i32
    %dma_wait3A_36 = tpu.memref_slice %arg2[%dma_wait3A, %dma_wait3A_35] : memref<1024x64xf32, #tpu.memory_space<hbm>> -> memref<1024x64xf32, #tpu.memory_space<hbm>>
    tpu.wait_indirect_dma semaphore(%arg7 : memref<!tpu.dma_semaphore, #tpu.memory_space<semaphore_mem>>) src(%dma_wait3A_36 : memref<1024x64xf32, #tpu.memory_space<hbm>>) dst(%arg6 : memref<144x64xf32, #tpu.memory_space<vmem>>)
    "tpu.region"() ({
      %run_scoped3A_37 = tpu.sem_alloc : memref<!tpu.dma_semaphore, #tpu.memory_space<semaphore_mem>>
      %dma_start3A_38 = arith.constant 0 : i32
      %dma_start3A_39 = tpu.memref_slice %arg4[%mul3A_2, %dma_start3A_38] : memref<4608x64xf32, #tpu.memory_space<hbm>> -> memref<144x64xf32, #tpu.memory_space<hbm>>
      %dma_start3A_40 = arith.constant 0 : i32
      %dma_start3A_41 = tpu.memref_slice %arg4[%mul3A_2, %dma_start3A_40] : memref<4608x64xf32, #tpu.memory_space<hbm>> -> memref<144x64xf32, #tpu.memory_space<hbm>>
      tpu.enqueue_dma source(%arg6 : memref<144x64xf32, #tpu.memory_space<vmem>>) target(%dma_start3A_41 : memref<144x64xf32, #tpu.memory_space<hbm>>) target_semaphore(%run_scoped3A_37 : memref<!tpu.dma_semaphore, #tpu.memory_space<semaphore_mem>>)
      %dma_wait3A_42 = arith.constant 0 : i32
      %dma_wait3A_43 = tpu.memref_slice %arg4[%mul3A_2, %dma_wait3A_42] : memref<4608x64xf32, #tpu.memory_space<hbm>> -> memref<144x64xf32, #tpu.memory_space<hbm>>
      %dma_wait3A_44 = arith.constant 0 : i32
      %dma_wait3A_45 = tpu.memref_slice %arg4[%mul3A_2, %dma_wait3A_44] : memref<4608x64xf32, #tpu.memory_space<hbm>> -> memref<144x64xf32, #tpu.memory_space<hbm>>
      tpu.wait_dma2 semaphore(%run_scoped3A_37 : memref<!tpu.dma_semaphore, #tpu.memory_space<semaphore_mem>>) src(%arg6 : memref<144x64xf32, #tpu.memory_space<vmem>>) dst(%dma_wait3A_45 : memref<144x64xf32, #tpu.memory_space<hbm>>)
      tpu.yield
    }) : () -> ()
    return
  }
}

#map = affine_map<(d0, d1) -> (0, 0)>
#map1 = affine_map<(d0, d1) -> (0, 0, 0)>
module attributes {stable_mosaic.version = 14 : i64} {
  func.func @gk(%arg0: i32, %arg1: i32, %arg2: memref<1024x64xf32, #tpu.memory_space<hbm>>, %arg3: memref<4x1x1152xi32, #tpu.memory_space<hbm>>, %arg4: memref<4608x64xf32, #tpu.memory_space<hbm>>, %arg5: memref<144xi32, #tpu.memory_space<vmem>>, %arg6: memref<144x64xf32, #tpu.memory_space<vmem>>, %arg7: memref<!tpu.dma_semaphore, #tpu.memory_space<semaphore_mem>>) attributes {dimension_semantics = [#tpu.dimension_semantics<core_parallel>, #tpu.dimension_semantics<subcore_parallel>], iteration_bounds = array<i64: 2, 16>, scalar_prefetch = 0 : i64, scratch_operands = 3 : i64, tpu.core_type = #tpu.core_type<sc_vector_subcore>, window_params = [{transform_indices = #map}, {transform_indices = #map1}, {transform_indices = #map}]} {
    %mul3A = arith.constant 2 : i32
    %mul3A_0 = arith.muli %arg1, %mul3A : i32
    %add3A = arith.addi %mul3A_0, %arg0 : i32
    %mul3A_1 = arith.constant 144 : i32
    %mul3A_2 = arith.muli %add3A, %mul3A_1 : i32
    %jit3A = arith.constant 1152 : i32
    %div3A = arith.divsi %mul3A_2, %jit3A : i32
    %sign3A = arith.constant 0 : i32
    %sign3A_3 = arith.cmpi sgt, %mul3A_2, %sign3A : i32
    %sign3A_4 = arith.extui %sign3A_3 : i1 to i32
    %sign3A_5 = arith.constant 0 : i32
    %sign3A_6 = arith.cmpi slt, %mul3A_2, %sign3A_5 : i32
    %sign3A_7 = arith.extui %sign3A_6 : i1 to i32
    %sign3A_8 = arith.subi %sign3A_4, %sign3A_7 : i32
    %sign3A_9 = arith.constant 0 : i32
    %sign3A_10 = arith.cmpi sgt, %jit3A, %sign3A_9 : i32
    %sign3A_11 = arith.extui %sign3A_10 : i1 to i32
    %sign3A_12 = arith.constant 0 : i32
    %sign3A_13 = arith.cmpi slt, %jit3A, %sign3A_12 : i32
    %sign3A_14 = arith.extui %sign3A_13 : i1 to i32
    %sign3A_15 = arith.subi %sign3A_11, %sign3A_14 : i32
    %ne3A = arith.cmpi ne, %sign3A_8, %sign3A_15 : i32
    %rem3A = arith.remsi %mul3A_2, %jit3A : i32
    %ne3A_16 = arith.constant 0 : i32
    %ne3A_17 = arith.cmpi ne, %rem3A, %ne3A_16 : i32
    %and3A = arith.andi %ne3A, %ne3A_17 : i1
    %sub3A = arith.constant 1 : i32
    %sub3A_18 = arith.subi %div3A, %sub3A : i32
    %select_n3A = arith.select %and3A, %sub3A_18, %div3A : i32
    %jit3A_19 = arith.constant 1152 : i32
    %eq3A = arith.constant 0 : i32
    %eq3A_20 = arith.cmpi eq, %jit3A_19, %eq3A : i32
    %jit3A_21 = arith.constant 1 : i32
    %select_n3A_22 = arith.select %eq3A_20, %jit3A_21, %jit3A_19 : i32
    %rem3A_23 = arith.remsi %mul3A_2, %select_n3A_22 : i32
    %ne3A_24 = arith.constant 0 : i32
    %ne3A_25 = arith.cmpi ne, %rem3A_23, %ne3A_24 : i32
    %lt3A = arith.constant 0 : i32
    %lt3A_26 = arith.cmpi slt, %rem3A_23, %lt3A : i32
    %lt3A_27 = arith.constant 0 : i32
    %lt3A_28 = arith.cmpi slt, %select_n3A_22, %lt3A_27 : i32
    %ne3A_29 = arith.xori %lt3A_26, %lt3A_28 : i1
    %and3A_30 = arith.andi %ne3A_29, %ne3A_25 : i1
    %add3A_31 = arith.addi %rem3A_23, %select_n3A_22 : i32
    %select_n3A_32 = arith.select %and3A_30, %add3A_31, %rem3A_23 : i32
    %run_scoped3A = arith.constant 0 : i32
    "tpu.region"() ({
      %run_scoped3A_37 = tpu.sem_alloc : memref<!tpu.dma_semaphore, #tpu.memory_space<semaphore_mem>>
      %dma_start3A_38 = tpu.memref_slice %arg3[%select_n3A, %run_scoped3A, %select_n3A_32] : memref<4x1x1152xi32, #tpu.memory_space<hbm>> -> memref<1x1x144xi32, #tpu.memory_space<hbm>>
      %dma_start3A_39 = tpu.memref_squeeze %dma_start3A_38 : memref<1x1x144xi32, #tpu.memory_space<hbm>> -> memref<144xi32, #tpu.memory_space<hbm>>
      %dma_start3A_40 = tpu.memref_slice %arg3[%select_n3A, %run_scoped3A, %select_n3A_32] : memref<4x1x1152xi32, #tpu.memory_space<hbm>> -> memref<1x1x144xi32, #tpu.memory_space<hbm>>
      %dma_start3A_41 = tpu.memref_squeeze %dma_start3A_40 : memref<1x1x144xi32, #tpu.memory_space<hbm>> -> memref<144xi32, #tpu.memory_space<hbm>>
      tpu.enqueue_dma source(%dma_start3A_41 : memref<144xi32, #tpu.memory_space<hbm>>) target(%arg5 : memref<144xi32, #tpu.memory_space<vmem>>) target_semaphore(%run_scoped3A_37 : memref<!tpu.dma_semaphore, #tpu.memory_space<semaphore_mem>>)
      %dma_wait3A_42 = tpu.memref_slice %arg3[%select_n3A, %run_scoped3A, %select_n3A_32] : memref<4x1x1152xi32, #tpu.memory_space<hbm>> -> memref<1x1x144xi32, #tpu.memory_space<hbm>>
      %dma_wait3A_43 = tpu.memref_squeeze %dma_wait3A_42 : memref<1x1x144xi32, #tpu.memory_space<hbm>> -> memref<144xi32, #tpu.memory_space<hbm>>
      %dma_wait3A_44 = tpu.memref_slice %arg3[%select_n3A, %run_scoped3A, %select_n3A_32] : memref<4x1x1152xi32, #tpu.memory_space<hbm>> -> memref<1x1x144xi32, #tpu.memory_space<hbm>>
      %dma_wait3A_45 = tpu.memref_squeeze %dma_wait3A_44 : memref<1x1x144xi32, #tpu.memory_space<hbm>> -> memref<144xi32, #tpu.memory_space<hbm>>
      tpu.wait_dma2 semaphore(%run_scoped3A_37 : memref<!tpu.dma_semaphore, #tpu.memory_space<semaphore_mem>>) src(%dma_wait3A_45 : memref<144xi32, #tpu.memory_space<hbm>>) dst(%arg5 : memref<144xi32, #tpu.memory_space<vmem>>)
      tpu.yield
    }) : () -> ()
    %dma_start3A = arith.constant 0 : i32
    %dma_start3A_33 = arith.constant 0 : i32
    %dma_start3A_34 = tpu.memref_slice %arg2[%dma_start3A, %dma_start3A_33] : memref<1024x64xf32, #tpu.memory_space<hbm>> -> memref<1024x64xf32, #tpu.memory_space<hbm>>
    tpu.enqueue_indirect_dma source(%dma_start3A_34 : memref<1024x64xf32, #tpu.memory_space<hbm>>) target(%arg6 : memref<144x64xf32, #tpu.memory_space<vmem>>) offsets(%arg5 : memref<144xi32, #tpu.memory_space<vmem>>) semaphore(%arg7 : memref<!tpu.dma_semaphore, #tpu.memory_space<semaphore_mem>>)
    %dma_wait3A = arith.constant 0 : i32
    %dma_wait3A_35 = arith.constant 0 : i32
    %dma_wait3A_36 = tpu.memref_slice %arg2[%dma_wait3A, %dma_wait3A_35] : memref<1024x64xf32, #tpu.memory_space<hbm>> -> memref<1024x64xf32, #tpu.memory_space<hbm>>
    tpu.wait_indirect_dma semaphore(%arg7 : memref<!tpu.dma_semaphore, #tpu.memory_space<semaphore_mem>>) src(%dma_wait3A_36 : memref<1024x64xf32, #tpu.memory_space<hbm>>) dst(%arg6 : memref<144x64xf32, #tpu.memory_space<vmem>>)
    "tpu.region"() ({
      %run_scoped3A_37 = tpu.sem_alloc : memref<!tpu.dma_semaphore, #tpu.memory_space<semaphore_mem>>
      %dma_start3A_38 = arith.constant 0 : i32
      %dma_start3A_39 = tpu.memref_slice %arg4[%mul3A_2, %dma_start3A_38] : memref<4608x64xf32, #tpu.memory_space<hbm>> -> memref<144x64xf32, #tpu.memory_space<hbm>>
      %dma_start3A_40 = arith.constant 0 : i32
      %dma_start3A_41 = tpu.memref_slice %arg4[%mul3A_2, %dma_start3A_40] : memref<4608x64xf32, #tpu.memory_space<hbm>> -> memref<144x64xf32, #tpu.memory_space<hbm>>
      tpu.enqueue_dma source(%arg6 : memref<144x64xf32, #tpu.memory_space<vmem>>) target(%dma_start3A_41 : memref<144x64xf32, #tpu.memory_space<hbm>>) target_semaphore(%run_scoped3A_37 : memref<!tpu.dma_semaphore, #tpu.memory_space<semaphore_mem>>)
      %dma_wait3A_42 = arith.constant 0 : i32
      %dma_wait3A_43 = tpu.memref_slice %arg4[%mul3A_2, %dma_wait3A_42] : memref<4608x64xf32, #tpu.memory_space<hbm>> -> memref<144x64xf32, #tpu.memory_space<hbm>>
      %dma_wait3A_44 = arith.constant 0 : i32
      %dma_wait3A_45 = tpu.memref_slice %arg4[%mul3A_2, %dma_wait3A_44] : memref<4608x64xf32, #tpu.memory_space<hbm>> -> memref<144x64xf32, #tpu.memory_space<hbm>>
      tpu.wait_dma2 semaphore(%run_scoped3A_37 : memref<!tpu.dma_semaphore, #tpu.memory_space<semaphore_mem>>) src(%arg6 : memref<144x64xf32, #tpu.memory_space<vmem>>) dst(%dma_wait3A_45 : memref<144x64xf32, #tpu.memory_space<hbm>>)
      tpu.yield
    }) : () -> ()
    return
  }
}

module attributes {stable_mosaic.version = 14 : i64} {
  func.func @_vq_idx_body(%arg0: i32, %arg1: memref<2x576x64xf32, #tpu.memory_space<vmem>>, %arg2: memref<1024x64xf32, #tpu.memory_space<vmem>>, %arg3: memref<1x1x1152xi32, #tpu.memory_space<vmem>>) attributes {dimension_semantics = [#tpu.dimension_semantics<arbitrary>], iteration_bounds = array<i64: 4>, scalar_prefetch = 0 : i64, scratch_operands = 0 : i64, tpu.core_type = #tpu.core_type<tc>, window_params = [{transform_indices = @transform_0, window_bounds = array<i64: 2, 576, 64>}, {pipeline_mode = #tpu.pipeline_mode<synchronous>, transform_indices = @transform_1, window_bounds = array<i64: 1024, 64>}, {transform_indices = @transform_2, window_bounds = array<i64: 1, 1, 1152>}]} {
    %get3A = arith.constant 0 : index
    %get3A_0 = arith.constant 0 : index
    %get3A_1 = arith.constant 0 : index
    %get3A_2 = vector.load %arg1[%get3A, %get3A_0, %get3A_1] : memref<2x576x64xf32, #tpu.memory_space<vmem>>, vector<2x576x64xf32>
    %reshape3A = vector.shape_cast %get3A_2 : vector<2x576x64xf32> to vector<1152x64xf32>
    %get3A_3 = arith.constant 0 : index
    %get3A_4 = arith.constant 0 : index
    %get3A_5 = vector.load %arg2[%get3A_3, %get3A_4] : memref<1024x64xf32, #tpu.memory_space<vmem>>, vector<1024x64xf32>
    %dot_general3A = arith.constant dense<0.000000e+00> : vector<1152x1024xf32>
    %dot_general3A_6 = tpu.matmul %reshape3A, %get3A_5, %dot_general3A {dimension_numbers = #tpu.dot_dimension_numbers<[1], [1], [0], [0], [0, 0, 1, 0], [], []>, transpose_lhs_hint = false} : vector<1152x64xf32>, vector<1024x64xf32>, vector<1152x1024xf32> -> vector<1152x1024xf32>
    %mul3A = arith.mulf %reshape3A, %reshape3A : vector<1152x64xf32>
    %reduce_sum3A = arith.constant dense<0.000000e+00> : vector<1152xf32>
    %reduce_sum3A_7 = vector.multi_reduction <add>, %mul3A, %reduce_sum3A [1] : vector<1152x64xf32> to vector<1152xf32>
    %broadcast_in_dim3A = vector.shape_cast %reduce_sum3A_7 : vector<1152xf32> to vector<1152x1xf32>
    %mul3A_8 = arith.mulf %get3A_5, %get3A_5 : vector<1024x64xf32>
    %reduce_sum3A_9 = arith.constant dense<0.000000e+00> : vector<1024xf32>
    %reduce_sum3A_10 = vector.multi_reduction <add>, %mul3A_8, %reduce_sum3A_9 [1] : vector<1024x64xf32> to vector<1024xf32>
    %iota3A = tpu.iota {dimensions = array<i32: 1>} : vector<64x128xi32>
    %slice3A = vector.extract_strided_slice %broadcast_in_dim3A {offsets = [0, 0], sizes = [64, 1], strides = [1, 1]} : vector<1152x1xf32> to vector<64x1xf32>
    %slice3A_11 = vector.extract_strided_slice %dot_general3A_6 {offsets = [0, 0], sizes = [64, 128], strides = [1, 1]} : vector<1152x1024xf32> to vector<64x128xf32>
    %mul3A_12 = arith.constant 2.000000e+00 : f32
    %mul3A_13 = vector.broadcast %mul3A_12 : f32 to vector<64x128xf32>
    %mul3A_14 = arith.mulf %mul3A_13, %slice3A_11 : vector<64x128xf32>
    %sub3A = vector.broadcast %slice3A : vector<64x1xf32> to vector<64x128xf32>
    %sub3A_15 = arith.subf %sub3A, %mul3A_14 : vector<64x128xf32>
    %slice3A_16 = vector.extract_strided_slice %reduce_sum3A_10 {offsets = [0], sizes = [128], strides = [1]} : vector<1024xf32> to vector<128xf32>
    %broadcast_in_dim3A_17 = vector.shape_cast %slice3A_16 : vector<128xf32> to vector<1x128xf32>
    %add3A = vector.broadcast %broadcast_in_dim3A_17 : vector<1x128xf32> to vector<64x128xf32>
    %add3A_18 = arith.addf %sub3A_15, %add3A : vector<64x128xf32>
    %broadcast_in_dim3A_19 = arith.constant 0 : i32
    %broadcast_in_dim3A_20 = vector.broadcast %broadcast_in_dim3A_19 : i32 to vector<64x128xi32>
    %slice3A_21 = vector.extract_strided_slice %dot_general3A_6 {offsets = [0, 128], sizes = [64, 128], strides = [1, 1]} : vector<1152x1024xf32> to vector<64x128xf32>
    %mul3A_22 = arith.constant 2.000000e+00 : f32
    %mul3A_23 = vector.broadcast %mul3A_22 : f32 to vector<64x128xf32>
    %mul3A_24 = arith.mulf %mul3A_23, %slice3A_21 : vector<64x128xf32>
    %sub3A_25 = vector.broadcast %slice3A : vector<64x1xf32> to vector<64x128xf32>
    %sub3A_26 = arith.subf %sub3A_25, %mul3A_24 : vector<64x128xf32>
    %slice3A_27 = vector.extract_strided_slice %reduce_sum3A_10 {offsets = [128], sizes = [128], strides = [1]} : vector<1024xf32> to vector<128xf32>
    %broadcast_in_dim3A_28 = vector.shape_cast %slice3A_27 : vector<128xf32> to vector<1x128xf32>
    %add3A_29 = vector.broadcast %broadcast_in_dim3A_28 : vector<1x128xf32> to vector<64x128xf32>
    %add3A_30 = arith.addf %sub3A_26, %add3A_29 : vector<64x128xf32>
    %lt3A = arith.cmpf olt, %add3A_30, %add3A_18 : vector<64x128xf32>
    %select_n3A = arith.select %lt3A, %add3A_30, %add3A_18 : vector<64x128xi1>, vector<64x128xf32>
    %jit3A = arith.constant 1 : i32
    %broadcast_in_dim3A_31 = vector.broadcast %jit3A : i32 to vector<64x128xi32>
    %select_n3A_32 = arith.select %lt3A, %broadcast_in_dim3A_31, %broadcast_in_dim3A_20 : vector<64x128xi1>, vector<64x128xi32>
    %slice3A_33 = vector.extract_strided_slice %dot_general3A_6 {offsets = [0, 256], sizes = [64, 128], strides = [1, 1]} : vector<1152x1024xf32> to vector<64x128xf32>
    %mul3A_34 = arith.constant 2.000000e+00 : f32
    %mul3A_35 = vector.broadcast %mul3A_34 : f32 to vector<64x128xf32>
    %mul3A_36 = arith.mulf %mul3A_35, %slice3A_33 : vector<64x128xf32>
    %sub3A_37 = vector.broadcast %slice3A : vector<64x1xf32> to vector<64x128xf32>
    %sub3A_38 = arith.subf %sub3A_37, %mul3A_36 : vector<64x128xf32>
    %slice3A_39 = vector.extract_strided_slice %reduce_sum3A_10 {offsets = [256], sizes = [128], strides = [1]} : vector<1024xf32> to vector<128xf32>
    %broadcast_in_dim3A_40 = vector.shape_cast %slice3A_39 : vector<128xf32> to vector<1x128xf32>
    %add3A_41 = vector.broadcast %broadcast_in_dim3A_40 : vector<1x128xf32> to vector<64x128xf32>
    %add3A_42 = arith.addf %sub3A_38, %add3A_41 : vector<64x128xf32>
    %lt3A_43 = arith.cmpf olt, %add3A_42, %select_n3A : vector<64x128xf32>
    %select_n3A_44 = arith.select %lt3A_43, %add3A_42, %select_n3A : vector<64x128xi1>, vector<64x128xf32>
    %jit3A_45 = arith.constant 2 : i32
    %broadcast_in_dim3A_46 = vector.broadcast %jit3A_45 : i32 to vector<64x128xi32>
    %select_n3A_47 = arith.select %lt3A_43, %broadcast_in_dim3A_46, %select_n3A_32 : vector<64x128xi1>, vector<64x128xi32>
    %slice3A_48 = vector.extract_strided_slice %dot_general3A_6 {offsets = [0, 384], sizes = [64, 128], strides = [1, 1]} : vector<1152x1024xf32> to vector<64x128xf32>
    %mul3A_49 = arith.constant 2.000000e+00 : f32
    %mul3A_50 = vector.broadcast %mul3A_49 : f32 to vector<64x128xf32>
    %mul3A_51 = arith.mulf %mul3A_50, %slice3A_48 : vector<64x128xf32>
    %sub3A_52 = vector.broadcast %slice3A : vector<64x1xf32> to vector<64x128xf32>
    %sub3A_53 = arith.subf %sub3A_52, %mul3A_51 : vector<64x128xf32>
    %slice3A_54 = vector.extract_strided_slice %reduce_sum3A_10 {offsets = [384], sizes = [128], strides = [1]} : vector<1024xf32> to vector<128xf32>
    %broadcast_in_dim3A_55 = vector.shape_cast %slice3A_54 : vector<128xf32> to vector<1x128xf32>
    %add3A_56 = vector.broadcast %broadcast_in_dim3A_55 : vector<1x128xf32> to vector<64x128xf32>
    %add3A_57 = arith.addf %sub3A_53, %add3A_56 : vector<64x128xf32>
    %lt3A_58 = arith.cmpf olt, %add3A_57, %select_n3A_44 : vector<64x128xf32>
    %select_n3A_59 = arith.select %lt3A_58, %add3A_57, %select_n3A_44 : vector<64x128xi1>, vector<64x128xf32>
    %jit3A_60 = arith.constant 3 : i32
    %broadcast_in_dim3A_61 = vector.broadcast %jit3A_60 : i32 to vector<64x128xi32>
    %select_n3A_62 = arith.select %lt3A_58, %broadcast_in_dim3A_61, %select_n3A_47 : vector<64x128xi1>, vector<64x128xi32>
    %slice3A_63 = vector.extract_strided_slice %dot_general3A_6 {offsets = [0, 512], sizes = [64, 128], strides = [1, 1]} : vector<1152x1024xf32> to vector<64x128xf32>
    %mul3A_64 = arith.constant 2.000000e+00 : f32
    %mul3A_65 = vector.broadcast %mul3A_64 : f32 to vector<64x128xf32>
    %mul3A_66 = arith.mulf %mul3A_65, %slice3A_63 : vector<64x128xf32>
    %sub3A_67 = vector.broadcast %slice3A : vector<64x1xf32> to vector<64x128xf32>
    %sub3A_68 = arith.subf %sub3A_67, %mul3A_66 : vector<64x128xf32>
    %slice3A_69 = vector.extract_strided_slice %reduce_sum3A_10 {offsets = [512], sizes = [128], strides = [1]} : vector<1024xf32> to vector<128xf32>
    %broadcast_in_dim3A_70 = vector.shape_cast %slice3A_69 : vector<128xf32> to vector<1x128xf32>
    %add3A_71 = vector.broadcast %broadcast_in_dim3A_70 : vector<1x128xf32> to vector<64x128xf32>
    %add3A_72 = arith.addf %sub3A_68, %add3A_71 : vector<64x128xf32>
    %lt3A_73 = arith.cmpf olt, %add3A_72, %select_n3A_59 : vector<64x128xf32>
    %select_n3A_74 = arith.select %lt3A_73, %add3A_72, %select_n3A_59 : vector<64x128xi1>, vector<64x128xf32>
    %jit3A_75 = arith.constant 4 : i32
    %broadcast_in_dim3A_76 = vector.broadcast %jit3A_75 : i32 to vector<64x128xi32>
    %select_n3A_77 = arith.select %lt3A_73, %broadcast_in_dim3A_76, %select_n3A_62 : vector<64x128xi1>, vector<64x128xi32>
    %slice3A_78 = vector.extract_strided_slice %dot_general3A_6 {offsets = [0, 640], sizes = [64, 128], strides = [1, 1]} : vector<1152x1024xf32> to vector<64x128xf32>
    %mul3A_79 = arith.constant 2.000000e+00 : f32
    %mul3A_80 = vector.broadcast %mul3A_79 : f32 to vector<64x128xf32>
    %mul3A_81 = arith.mulf %mul3A_80, %slice3A_78 : vector<64x128xf32>
    %sub3A_82 = vector.broadcast %slice3A : vector<64x1xf32> to vector<64x128xf32>
    %sub3A_83 = arith.subf %sub3A_82, %mul3A_81 : vector<64x128xf32>
    %slice3A_84 = vector.extract_strided_slice %reduce_sum3A_10 {offsets = [640], sizes = [128], strides = [1]} : vector<1024xf32> to vector<128xf32>
    %broadcast_in_dim3A_85 = vector.shape_cast %slice3A_84 : vector<128xf32> to vector<1x128xf32>
    %add3A_86 = vector.broadcast %broadcast_in_dim3A_85 : vector<1x128xf32> to vector<64x128xf32>
    %add3A_87 = arith.addf %sub3A_83, %add3A_86 : vector<64x128xf32>
    %lt3A_88 = arith.cmpf olt, %add3A_87, %select_n3A_74 : vector<64x128xf32>
    %select_n3A_89 = arith.select %lt3A_88, %add3A_87, %select_n3A_74 : vector<64x128xi1>, vector<64x128xf32>
    %jit3A_90 = arith.constant 5 : i32
    %broadcast_in_dim3A_91 = vector.broadcast %jit3A_90 : i32 to vector<64x128xi32>
    %select_n3A_92 = arith.select %lt3A_88, %broadcast_in_dim3A_91, %select_n3A_77 : vector<64x128xi1>, vector<64x128xi32>
    %slice3A_93 = vector.extract_strided_slice %dot_general3A_6 {offsets = [0, 768], sizes = [64, 128], strides = [1, 1]} : vector<1152x1024xf32> to vector<64x128xf32>
    %mul3A_94 = arith.constant 2.000000e+00 : f32
    %mul3A_95 = vector.broadcast %mul3A_94 : f32 to vector<64x128xf32>
    %mul3A_96 = arith.mulf %mul3A_95, %slice3A_93 : vector<64x128xf32>
    %sub3A_97 = vector.broadcast %slice3A : vector<64x1xf32> to vector<64x128xf32>
    %sub3A_98 = arith.subf %sub3A_97, %mul3A_96 : vector<64x128xf32>
    %slice3A_99 = vector.extract_strided_slice %reduce_sum3A_10 {offsets = [768], sizes = [128], strides = [1]} : vector<1024xf32> to vector<128xf32>
    %broadcast_in_dim3A_100 = vector.shape_cast %slice3A_99 : vector<128xf32> to vector<1x128xf32>
    %add3A_101 = vector.broadcast %broadcast_in_dim3A_100 : vector<1x128xf32> to vector<64x128xf32>
    %add3A_102 = arith.addf %sub3A_98, %add3A_101 : vector<64x128xf32>
    %lt3A_103 = arith.cmpf olt, %add3A_102, %select_n3A_89 : vector<64x128xf32>
    %select_n3A_104 = arith.select %lt3A_103, %add3A_102, %select_n3A_89 : vector<64x128xi1>, vector<64x128xf32>
    %jit3A_105 = arith.constant 6 : i32
    %broadcast_in_dim3A_106 = vector.broadcast %jit3A_105 : i32 to vector<64x128xi32>
    %select_n3A_107 = arith.select %lt3A_103, %broadcast_in_dim3A_106, %select_n3A_92 : vector<64x128xi1>, vector<64x128xi32>
    %slice3A_108 = vector.extract_strided_slice %dot_general3A_6 {offsets = [0, 896], sizes = [64, 128], strides = [1, 1]} : vector<1152x1024xf32> to vector<64x128xf32>
    %mul3A_109 = arith.constant 2.000000e+00 : f32
    %mul3A_110 = vector.broadcast %mul3A_109 : f32 to vector<64x128xf32>
    %mul3A_111 = arith.mulf %mul3A_110, %slice3A_108 : vector<64x128xf32>
    %sub3A_112 = vector.broadcast %slice3A : vector<64x1xf32> to vector<64x128xf32>
    %sub3A_113 = arith.subf %sub3A_112, %mul3A_111 : vector<64x128xf32>
    %slice3A_114 = vector.extract_strided_slice %reduce_sum3A_10 {offsets = [896], sizes = [128], strides = [1]} : vector<1024xf32> to vector<128xf32>
    %broadcast_in_dim3A_115 = vector.shape_cast %slice3A_114 : vector<128xf32> to vector<1x128xf32>
    %add3A_116 = vector.broadcast %broadcast_in_dim3A_115 : vector<1x128xf32> to vector<64x128xf32>
    %add3A_117 = arith.addf %sub3A_113, %add3A_116 : vector<64x128xf32>
    %lt3A_118 = arith.cmpf olt, %add3A_117, %select_n3A_104 : vector<64x128xf32>
    %select_n3A_119 = arith.select %lt3A_118, %add3A_117, %select_n3A_104 : vector<64x128xi1>, vector<64x128xf32>
    %jit3A_120 = arith.constant 7 : i32
    %broadcast_in_dim3A_121 = vector.broadcast %jit3A_120 : i32 to vector<64x128xi32>
    %select_n3A_122 = arith.select %lt3A_118, %broadcast_in_dim3A_121, %select_n3A_107 : vector<64x128xi1>, vector<64x128xi32>
    %reduce_min3A = arith.constant dense<0x7F800000> : vector<64xf32>
    %reduce_min3A_123 = vector.multi_reduction <minimumf>, %select_n3A_119, %reduce_min3A [1] : vector<64x128xf32> to vector<64xf32>
    %broadcast_in_dim3A_124 = vector.shape_cast %reduce_min3A_123 : vector<64xf32> to vector<64x1xf32>
    %eq3A = vector.broadcast %broadcast_in_dim3A_124 : vector<64x1xf32> to vector<64x128xf32>
    %eq3A_125 = arith.cmpf oeq, %select_n3A_119, %eq3A : vector<64x128xf32>
    %mul3A_126 = arith.constant 128 : i32
    %mul3A_127 = vector.broadcast %mul3A_126 : i32 to vector<64x128xi32>
    %mul3A_128 = arith.muli %select_n3A_122, %mul3A_127 : vector<64x128xi32>
    %add3A_129 = arith.addi %mul3A_128, %iota3A : vector<64x128xi32>
    %jit3A_130 = arith.constant 1024 : i32
    %broadcast_in_dim3A_131 = vector.broadcast %jit3A_130 : i32 to vector<64x128xi32>
    %select_n3A_132 = arith.select %eq3A_125, %add3A_129, %broadcast_in_dim3A_131 : vector<64x128xi1>, vector<64x128xi32>
    %reduce_min3A_133 = arith.constant dense<2147483647> : vector<64xi32>
    %reduce_min3A_134 = vector.multi_reduction <minsi>, %select_n3A_132, %reduce_min3A_133 [1] : vector<64x128xi32> to vector<64xi32>
    %swap3A = arith.constant 0 : index
    %swap3A_135 = arith.constant 0 : index
    %swap3A_136 = arith.constant 0 : index
    %swap3A_137 = vector.load %arg3[%swap3A, %swap3A_135, %swap3A_136] : memref<1x1x1152xi32, #tpu.memory_space<vmem>>, vector<1x1x64xi32>
    %swap3A_138 = vector.shape_cast %swap3A_137 : vector<1x1x64xi32> to vector<64xi32>
    %swap3A_139 = vector.shape_cast %reduce_min3A_134 : vector<64xi32> to vector<1x1x64xi32>
    tpu.vector_store %arg3[%swap3A, %swap3A_135, %swap3A_136], %swap3A_139 {strides = array<i32>} : memref<1x1x1152xi32, #tpu.memory_space<vmem>>, vector<1x1x64xi32>,
    %slice3A_140 = vector.extract_strided_slice %broadcast_in_dim3A {offsets = [64, 0], sizes = [64, 1], strides = [1, 1]} : vector<1152x1xf32> to vector<64x1xf32>
    %slice3A_141 = vector.extract_strided_slice %dot_general3A_6 {offsets = [64, 0], sizes = [64, 128], strides = [1, 1]} : vector<1152x1024xf32> to vector<64x128xf32>
    %mul3A_142 = arith.constant 2.000000e+00 : f32
    %mul3A_143 = vector.broadcast %mul3A_142 : f32 to vector<64x128xf32>
    %mul3A_144 = arith.mulf %mul3A_143, %slice3A_141 : vector<64x128xf32>
    %sub3A_145 = vector.broadcast %slice3A_140 : vector<64x1xf32> to vector<64x128xf32>
    %sub3A_146 = arith.subf %sub3A_145, %mul3A_144 : vector<64x128xf32>
    %slice3A_147 = vector.extract_strided_slice %reduce_sum3A_10 {offsets = [0], sizes = [128], strides = [1]} : vector<1024xf32> to vector<128xf32>
    %broadcast_in_dim3A_148 = vector.shape_cast %slice3A_147 : vector<128xf32> to vector<1x128xf32>
    %add3A_149 = vector.broadcast %broadcast_in_dim3A_148 : vector<1x128xf32> to vector<64x128xf32>
    %add3A_150 = arith.addf %sub3A_146, %add3A_149 : vector<64x128xf32>
    %broadcast_in_dim3A_151 = arith.constant 0 : i32
    %broadcast_in_dim3A_152 = vector.broadcast %broadcast_in_dim3A_151 : i32 to vector<64x128xi32>
    %slice3A_153 = vector.extract_strided_slice %dot_general3A_6 {offsets = [64, 128], sizes = [64, 128], strides = [1, 1]} : vector<1152x1024xf32> to vector<64x128xf32>
    %mul3A_154 = arith.constant 2.000000e+00 : f32
    %mul3A_155 = vector.broadcast %mul3A_154 : f32 to vector<64x128xf32>
    %mul3A_156 = arith.mulf %mul3A_155, %slice3A_153 : vector<64x128xf32>
    %sub3A_157 = vector.broadcast %slice3A_140 : vector<64x1xf32> to vector<64x128xf32>
    %sub3A_158 = arith.subf %sub3A_157, %mul3A_156 : vector<64x128xf32>
    %slice3A_159 = vector.extract_strided_slice %reduce_sum3A_10 {offsets = [128], sizes = [128], strides = [1]} : vector<1024xf32> to vector<128xf32>
    %broadcast_in_dim3A_160 = vector.shape_cast %slice3A_159 : vector<128xf32> to vector<1x128xf32>
    %add3A_161 = vector.broadcast %broadcast_in_dim3A_160 : vector<1x128xf32> to vector<64x128xf32>
    %add3A_162 = arith.addf %sub3A_158, %add3A_161 : vector<64x128xf32>
    %lt3A_163 = arith.cmpf olt, %add3A_162, %add3A_150 : vector<64x128xf32>
    %select_n3A_164 = arith.select %lt3A_163, %add3A_162, %add3A_150 : vector<64x128xi1>, vector<64x128xf32>
    %jit3A_165 = arith.constant 1 : i32
    %broadcast_in_dim3A_166 = vector.broadcast %jit3A_165 : i32 to vector<64x128xi32>
    %select_n3A_167 = arith.select %lt3A_163, %broadcast_in_dim3A_166, %broadcast_in_dim3A_152 : vector<64x128xi1>, vector<64x128xi32>
    %slice3A_168 = vector.extract_strided_slice %dot_general3A_6 {offsets = [64, 256], sizes = [64, 128], strides = [1, 1]} : vector<1152x1024xf32> to vector<64x128xf32>
    %mul3A_169 = arith.constant 2.000000e+00 : f32
    %mul3A_170 = vector.broadcast %mul3A_169 : f32 to vector<64x128xf32>
    %mul3A_171 = arith.mulf %mul3A_170, %slice3A_168 : vector<64x128xf32>
    %sub3A_172 = vector.broadcast %slice3A_140 : vector<64x1xf32> to vector<64x128xf32>
    %sub3A_173 = arith.subf %sub3A_172, %mul3A_171 : vector<64x128xf32>
    %slice3A_174 = vector.extract_strided_slice %reduce_sum3A_10 {offsets = [256], sizes = [128], strides = [1]} : vector<1024xf32> to vector<128xf32>
    %broadcast_in_dim3A_175 = vector.shape_cast %slice3A_174 : vector<128xf32> to vector<1x128xf32>
    %add3A_176 = vector.broadcast %broadcast_in_dim3A_175 : vector<1x128xf32> to vector<64x128xf32>
    %add3A_177 = arith.addf %sub3A_173, %add3A_176 : vector<64x128xf32>
    %lt3A_178 = arith.cmpf olt, %add3A_177, %select_n3A_164 : vector<64x128xf32>
    %select_n3A_179 = arith.select %lt3A_178, %add3A_177, %select_n3A_164 : vector<64x128xi1>, vector<64x128xf32>
    %jit3A_180 = arith.constant 2 : i32
    %broadcast_in_dim3A_181 = vector.broadcast %jit3A_180 : i32 to vector<64x128xi32>
    %select_n3A_182 = arith.select %lt3A_178, %broadcast_in_dim3A_181, %select_n3A_167 : vector<64x128xi1>, vector<64x128xi32>
    %slice3A_183 = vector.extract_strided_slice %dot_general3A_6 {offsets = [64, 384], sizes = [64, 128], strides = [1, 1]} : vector<1152x1024xf32> to vector<64x128xf32>
    %mul3A_184 = arith.constant 2.000000e+00 : f32
    %mul3A_185 = vector.broadcast %mul3A_184 : f32 to vector<64x128xf32>
    %mul3A_186 = arith.mulf %mul3A_185, %slice3A_183 : vector<64x128xf32>
    %sub3A_187 = vector.broadcast %slice3A_140 : vector<64x1xf32> to vector<64x128xf32>
    %sub3A_188 = arith.subf %sub3A_187, %mul3A_186 : vector<64x128xf32>
    %slice3A_189 = vector.extract_strided_slice %reduce_sum3A_10 {offsets = [384], sizes = [128], strides = [1]} : vector<1024xf32> to vector<128xf32>
    %broadcast_in_dim3A_190 = vector.shape_cast %slice3A_189 : vector<128xf32> to vector<1x128xf32>
    %add3A_191 = vector.broadcast %broadcast_in_dim3A_190 : vector<1x128xf32> to vector<64x128xf32>
    %add3A_192 = arith.addf %sub3A_188, %add3A_191 : vector<64x128xf32>
    %lt3A_193 = arith.cmpf olt, %add3A_192, %select_n3A_179 : vector<64x128xf32>
    %select_n3A_194 = arith.select %lt3A_193, %add3A_192, %select_n3A_179 : vector<64x128xi1>, vector<64x128xf32>
    %jit3A_195 = arith.constant 3 : i32
    %broadcast_in_dim3A_196 = vector.broadcast %jit3A_195 : i32 to vector<64x128xi32>
    %select_n3A_197 = arith.select %lt3A_193, %broadcast_in_dim3A_196, %select_n3A_182 : vector<64x128xi1>, vector<64x128xi32>
    %slice3A_198 = vector.extract_strided_slice %dot_general3A_6 {offsets = [64, 512], sizes = [64, 128], strides = [1, 1]} : vector<1152x1024xf32> to vector<64x128xf32>
    %mul3A_199 = arith.constant 2.000000e+00 : f32
    %mul3A_200 = vector.broadcast %mul3A_199 : f32 to vector<64x128xf32>
    %mul3A_201 = arith.mulf %mul3A_200, %slice3A_198 : vector<64x128xf32>
    %sub3A_202 = vector.broadcast %slice3A_140 : vector<64x1xf32> to vector<64x128xf32>
    %sub3A_203 = arith.subf %sub3A_202, %mul3A_201 : vector<64x128xf32>
    %slice3A_204 = vector.extract_strided_slice %reduce_sum3A_10 {offsets = [512], sizes = [128], strides = [1]} : vector<1024xf32> to vector<128xf32>
    %broadcast_in_dim3A_205 = vector.shape_cast %slice3A_204 : vector<128xf32> to vector<1x128xf32>
    %add3A_206 = vector.broadcast %broadcast_in_dim3A_205 : vector<1x128xf32> to vector<64x128xf32>
    %add3A_207 = arith.addf %sub3A_203, %add3A_206 : vector<64x128xf32>
    %lt3A_208 = arith.cmpf olt, %add3A_207, %select_n3A_194 : vector<64x128xf32>
    %select_n3A_209 = arith.select %lt3A_208, %add3A_207, %select_n3A_194 : vector<64x128xi1>, vector<64x128xf32>
    %jit3A_210 = arith.constant 4 : i32
    %broadcast_in_dim3A_211 = vector.broadcast %jit3A_210 : i32 to vector<64x128xi32>
    %select_n3A_212 = arith.select %lt3A_208, %broadcast_in_dim3A_211, %select_n3A_197 : vector<64x128xi1>, vector<64x128xi32>
    %slice3A_213 = vector.extract_strided_slice %dot_general3A_6 {offsets = [64, 640], sizes = [64, 128], strides = [1, 1]} : vector<1152x1024xf32> to vector<64x128xf32>
    %mul3A_214 = arith.constant 2.000000e+00 : f32
    %mul3A_215 = vector.broadcast %mul3A_214 : f32 to vector<64x128xf32>
    %mul3A_216 = arith.mulf %mul3A_215, %slice3A_213 : vector<64x128xf32>
    %sub3A_217 = vector.broadcast %slice3A_140 : vector<64x1xf32> to vector<64x128xf32>
    %sub3A_218 = arith.subf %sub3A_217, %mul3A_216 : vector<64x128xf32>
    %slice3A_219 = vector.extract_strided_slice %reduce_sum3A_10 {offsets = [640], sizes = [128], strides = [1]} : vector<1024xf32> to vector<128xf32>
    %broadcast_in_dim3A_220 = vector.shape_cast %slice3A_219 : vector<128xf32> to vector<1x128xf32>
    %add3A_221 = vector.broadcast %broadcast_in_dim3A_220 : vector<1x128xf32> to vector<64x128xf32>
    %add3A_222 = arith.addf %sub3A_218, %add3A_221 : vector<64x128xf32>
    %lt3A_223 = arith.cmpf olt, %add3A_222, %select_n3A_209 : vector<64x128xf32>
    %select_n3A_224 = arith.select %lt3A_223, %add3A_222, %select_n3A_209 : vector<64x128xi1>, vector<64x128xf32>
    %jit3A_225 = arith.constant 5 : i32
    %broadcast_in_dim3A_226 = vector.broadcast %jit3A_225 : i32 to vector<64x128xi32>
    %select_n3A_227 = arith.select %lt3A_223, %broadcast_in_dim3A_226, %select_n3A_212 : vector<64x128xi1>, vector<64x128xi32>
    %slice3A_228 = vector.extract_strided_slice %dot_general3A_6 {offsets = [64, 768], sizes = [64, 128], strides = [1, 1]} : vector<1152x1024xf32> to vector<64x128xf32>
    %mul3A_229 = arith.constant 2.000000e+00 : f32
    %mul3A_230 = vector.broadcast %mul3A_229 : f32 to vector<64x128xf32>
    %mul3A_231 = arith.mulf %mul3A_230, %slice3A_228 : vector<64x128xf32>
    %sub3A_232 = vector.broadcast %slice3A_140 : vector<64x1xf32> to vector<64x128xf32>
    %sub3A_233 = arith.subf %sub3A_232, %mul3A_231 : vector<64x128xf32>
    %slice3A_234 = vector.extract_strided_slice %reduce_sum3A_10 {offsets = [768], sizes = [128], strides = [1]} : vector<1024xf32> to vector<128xf32>
    %broadcast_in_dim3A_235 = vector.shape_cast %slice3A_234 : vector<128xf32> to vector<1x128xf32>
    %add3A_236 = vector.broadcast %broadcast_in_dim3A_235 : vector<1x128xf32> to vector<64x128xf32>
    %add3A_237 = arith.addf %sub3A_233, %add3A_236 : vector<64x128xf32>
    %lt3A_238 = arith.cmpf olt, %add3A_237, %select_n3A_224 : vector<64x128xf32>
    %select_n3A_239 = arith.select %lt3A_238, %add3A_237, %select_n3A_224 : vector<64x128xi1>, vector<64x128xf32>
    %jit3A_240 = arith.constant 6 : i32
    %broadcast_in_dim3A_241 = vector.broadcast %jit3A_240 : i32 to vector<64x128xi32>
    %select_n3A_242 = arith.select %lt3A_238, %broadcast_in_dim3A_241, %select_n3A_227 : vector<64x128xi1>, vector<64x128xi32>
    %slice3A_243 = vector.extract_strided_slice %dot_general3A_6 {offsets = [64, 896], sizes = [64, 128], strides = [1, 1]} : vector<1152x1024xf32> to vector<64x128xf32>
    %mul3A_244 = arith.constant 2.000000e+00 : f32
    %mul3A_245 = vector.broadcast %mul3A_244 : f32 to vector<64x128xf32>
    %mul3A_246 = arith.mulf %mul3A_245, %slice3A_243 : vector<64x128xf32>
    %sub3A_247 = vector.broadcast %slice3A_140 : vector<64x1xf32> to vector<64x128xf32>
    %sub3A_248 = arith.subf %sub3A_247, %mul3A_246 : vector<64x128xf32>
    %slice3A_249 = vector.extract_strided_slice %reduce_sum3A_10 {offsets = [896], sizes = [128], strides = [1]} : vector<1024xf32> to vector<128xf32>
    %broadcast_in_dim3A_250 = vector.shape_cast %slice3A_249 : vector<128xf32> to vector<1x128xf32>
    %add3A_251 = vector.broadcast %broadcast_in_dim3A_250 : vector<1x128xf32> to vector<64x128xf32>
    %add3A_252 = arith.addf %sub3A_248, %add3A_251 : vector<64x128xf32>
    %lt3A_253 = arith.cmpf olt, %add3A_252, %select_n3A_239 : vector<64x128xf32>
    %select_n3A_254 = arith.select %lt3A_253, %add3A_252, %select_n3A_239 : vector<64x128xi1>, vector<64x128xf32>
    %jit3A_255 = arith.constant 7 : i32
    %broadcast_in_dim3A_256 = vector.broadcast %jit3A_255 : i32 to vector<64x128xi32>
    %select_n3A_257 = arith.select %lt3A_253, %broadcast_in_dim3A_256, %select_n3A_242 : vector<64x128xi1>, vector<64x128xi32>
    %reduce_min3A_258 = arith.constant dense<0x7F800000> : vector<64xf32>
    %reduce_min3A_259 = vector.multi_reduction <minimumf>, %select_n3A_254, %reduce_min3A_258 [1] : vector<64x128xf32> to vector<64xf32>
    %broadcast_in_dim3A_260 = vector.shape_cast %reduce_min3A_259 : vector<64xf32> to vector<64x1xf32>
    %eq3A_261 = vector.broadcast %broadcast_in_dim3A_260 : vector<64x1xf32> to vector<64x128xf32>
    %eq3A_262 = arith.cmpf oeq, %select_n3A_254, %eq3A_261 : vector<64x128xf32>
    %mul3A_263 = arith.constant 128 : i32
    %mul3A_264 = vector.broadcast %mul3A_263 : i32 to vector<64x128xi32>
    %mul3A_265 = arith.muli %select_n3A_257, %mul3A_264 : vector<64x128xi32>
    %add3A_266 = arith.addi %mul3A_265, %iota3A : vector<64x128xi32>
    %jit3A_267 = arith.constant 1024 : i32
    %broadcast_in_dim3A_268 = vector.broadcast %jit3A_267 : i32 to vector<64x128xi32>
    %select_n3A_269 = arith.select %eq3A_262, %add3A_266, %broadcast_in_dim3A_268 : vector<64x128xi1>, vector<64x128xi32>
    %reduce_min3A_270 = arith.constant dense<2147483647> : vector<64xi32>
    %reduce_min3A_271 = vector.multi_reduction <minsi>, %select_n3A_269, %reduce_min3A_270 [1] : vector<64x128xi32> to vector<64xi32>
    %swap3A_272 = arith.constant 0 : index
    %swap3A_273 = arith.constant 0 : index
    %swap3A_274 = arith.constant 64 : index
    %swap3A_275 = vector.load %arg3[%swap3A_272, %swap3A_273, %swap3A_274] : memref<1x1x1152xi32, #tpu.memory_space<vmem>>, vector<1x1x64xi32>
    %swap3A_276 = vector.shape_cast %swap3A_275 : vector<1x1x64xi32> to vector<64xi32>
    %swap3A_277 = vector.shape_cast %reduce_min3A_271 : vector<64xi32> to vector<1x1x64xi32>
    tpu.vector_store %arg3[%swap3A_272, %swap3A_273, %swap3A_274], %swap3A_277 {strides = array<i32>} : memref<1x1x1152xi32, #tpu.memory_space<vmem>>, vector<1x1x64xi32>,
    %slice3A_278 = vector.extract_strided_slice %broadcast_in_dim3A {offsets = [128, 0], sizes = [64, 1], strides = [1, 1]} : vector<1152x1xf32> to vector<64x1xf32>
    %slice3A_279 = vector.extract_strided_slice %dot_general3A_6 {offsets = [128, 0], sizes = [64, 128], strides = [1, 1]} : vector<1152x1024xf32> to vector<64x128xf32>
    %mul3A_280 = arith.constant 2.000000e+00 : f32
    %mul3A_281 = vector.broadcast %mul3A_280 : f32 to vector<64x128xf32>
    %mul3A_282 = arith.mulf %mul3A_281, %slice3A_279 : vector<64x128xf32>
    %sub3A_283 = vector.broadcast %slice3A_278 : vector<64x1xf32> to vector<64x128xf32>
    %sub3A_284 = arith.subf %sub3A_283, %mul3A_282 : vector<64x128xf32>
    %slice3A_285 = vector.extract_strided_slice %reduce_sum3A_10 {offsets = [0], sizes = [128], strides = [1]} : vector<1024xf32> to vector<128xf32>
    %broadcast_in_dim3A_286 = vector.shape_cast %slice3A_285 : vector<128xf32> to vector<1x128xf32>
    %add3A_287 = vector.broadcast %broadcast_in_dim3A_286 : vector<1x128xf32> to vector<64x128xf32>
    %add3A_288 = arith.addf %sub3A_284, %add3A_287 : vector<64x128xf32>
    %broadcast_in_dim3A_289 = arith.constant 0 : i32
    %broadcast_in_dim3A_290 = vector.broadcast %broadcast_in_dim3A_289 : i32 to vector<64x128xi32>
    %slice3A_291 = vector.extract_strided_slice %dot_general3A_6 {offsets = [128, 128], sizes = [64, 128], strides = [1, 1]} : vector<1152x1024xf32> to vector<64x128xf32>
    %mul3A_292 = arith.constant 2.000000e+00 : f32
    %mul3A_293 = vector.broadcast %mul3A_292 : f32 to vector<64x128xf32>
    %mul3A_294 = arith.mulf %mul3A_293, %slice3A_291 : vector<64x128xf32>
    %sub3A_295 = vector.broadcast %slice3A_278 : vector<64x1xf32> to vector<64x128xf32>
    %sub3A_296 = arith.subf %sub3A_295, %mul3A_294 : vector<64x128xf32>
    %slice3A_297 = vector.extract_strided_slice %reduce_sum3A_10 {offsets = [128], sizes = [128], strides = [1]} : vector<1024xf32> to vector<128xf32>
    %broadcast_in_dim3A_298 = vector.shape_cast %slice3A_297 : vector<128xf32> to vector<1x128xf32>
    %add3A_299 = vector.broadcast %broadcast_in_dim3A_298 : vector<1x128xf32> to vector<64x128xf32>
    %add3A_300 = arith.addf %sub3A_296, %add3A_299 : vector<64x128xf32>
    %lt3A_301 = arith.cmpf olt, %add3A_300, %add3A_288 : vector<64x128xf32>
    %select_n3A_302 = arith.select %lt3A_301, %add3A_300, %add3A_288 : vector<64x128xi1>, vector<64x128xf32>
    %jit3A_303 = arith.constant 1 : i32
    %broadcast_in_dim3A_304 = vector.broadcast %jit3A_303 : i32 to vector<64x128xi32>
    %select_n3A_305 = arith.select %lt3A_301, %broadcast_in_dim3A_304, %broadcast_in_dim3A_290 : vector<64x128xi1>, vector<64x128xi32>
    %slice3A_306 = vector.extract_strided_slice %dot_general3A_6 {offsets = [128, 256], sizes = [64, 128], strides = [1, 1]} : vector<1152x1024xf32> to vector<64x128xf32>
    %mul3A_307 = arith.constant 2.000000e+00 : f32
    %mul3A_308 = vector.broadcast %mul3A_307 : f32 to vector<64x128xf32>
    %mul3A_309 = arith.mulf %mul3A_308, %slice3A_306 : vector<64x128xf32>
    %sub3A_310 = vector.broadcast %slice3A_278 : vector<64x1xf32> to vector<64x128xf32>
    %sub3A_311 = arith.subf %sub3A_310, %mul3A_309 : vector<64x128xf32>
    %slice3A_312 = vector.extract_strided_slice %reduce_sum3A_10 {offsets = [256], sizes = [128], strides = [1]} : vector<1024xf32> to vector<128xf32>
    %broadcast_in_dim3A_313 = vector.shape_cast %slice3A_312 : vector<128xf32> to vector<1x128xf32>
    %add3A_314 = vector.broadcast %broadcast_in_dim3A_313 : vector<1x128xf32> to vector<64x128xf32>
    %add3A_315 = arith.addf %sub3A_311, %add3A_314 : vector<64x128xf32>
    %lt3A_316 = arith.cmpf olt, %add3A_315, %select_n3A_302 : vector<64x128xf32>
    %select_n3A_317 = arith.select %lt3A_316, %add3A_315, %select_n3A_302 : vector<64x128xi1>, vector<64x128xf32>
    %jit3A_318 = arith.constant 2 : i32
    %broadcast_in_dim3A_319 = vector.broadcast %jit3A_318 : i32 to vector<64x128xi32>
    %select_n3A_320 = arith.select %lt3A_316, %broadcast_in_dim3A_319, %select_n3A_305 : vector<64x128xi1>, vector<64x128xi32>
    %slice3A_321 = vector.extract_strided_slice %dot_general3A_6 {offsets = [128, 384], sizes = [64, 128], strides = [1, 1]} : vector<1152x1024xf32> to vector<64x128xf32>
    %mul3A_322 = arith.constant 2.000000e+00 : f32
    %mul3A_323 = vector.broadcast %mul3A_322 : f32 to vector<64x128xf32>
    %mul3A_324 = arith.mulf %mul3A_323, %slice3A_321 : vector<64x128xf32>
    %sub3A_325 = vector.broadcast %slice3A_278 : vector<64x1xf32> to vector<64x128xf32>
    %sub3A_326 = arith.subf %sub3A_325, %mul3A_324 : vector<64x128xf32>
    %slice3A_327 = vector.extract_strided_slice %reduce_sum3A_10 {offsets = [384], sizes = [128], strides = [1]} : vector<1024xf32> to vector<128xf32>
    %broadcast_in_dim3A_328 = vector.shape_cast %slice3A_327 : vector<128xf32> to vector<1x128xf32>
    %add3A_329 = vector.broadcast %broadcast_in_dim3A_328 : vector<1x128xf32> to vector<64x128xf32>
    %add3A_330 = arith.addf %sub3A_326, %add3A_329 : vector<64x128xf32>
    %lt3A_331 = arith.cmpf olt, %add3A_330, %select_n3A_317 : vector<64x128xf32>
    %select_n3A_332 = arith.select %lt3A_331, %add3A_330, %select_n3A_317 : vector<64x128xi1>, vector<64x128xf32>
    %jit3A_333 = arith.constant 3 : i32
    %broadcast_in_dim3A_334 = vector.broadcast %jit3A_333 : i32 to vector<64x128xi32>
    %select_n3A_335 = arith.select %lt3A_331, %broadcast_in_dim3A_334, %select_n3A_320 : vector<64x128xi1>, vector<64x128xi32>
    %slice3A_336 = vector.extract_strided_slice %dot_general3A_6 {offsets = [128, 512], sizes = [64, 128], strides = [1, 1]} : vector<1152x1024xf32> to vector<64x128xf32>
    %mul3A_337 = arith.constant 2.000000e+00 : f32
    %mul3A_338 = vector.broadcast %mul3A_337 : f32 to vector<64x128xf32>
    %mul3A_339 = arith.mulf %mul3A_338, %slice3A_336 : vector<64x128xf32>
    %sub3A_340 = vector.broadcast %slice3A_278 : vector<64x1xf32> to vector<64x128xf32>
    %sub3A_341 = arith.subf %sub3A_340, %mul3A_339 : vector<64x128xf32>
    %slice3A_342 = vector.extract_strided_slice %reduce_sum3A_10 {offsets = [512], sizes = [128], strides = [1]} : vector<1024xf32> to vector<128xf32>
    %broadcast_in_dim3A_343 = vector.shape_cast %slice3A_342 : vector<128xf32> to vector<1x128xf32>
    %add3A_344 = vector.broadcast %broadcast_in_dim3A_343 : vector<1x128xf32> to vector<64x128xf32>
    %add3A_345 = arith.addf %sub3A_341, %add3A_344 : vector<64x128xf32>
    %lt3A_346 = arith.cmpf olt, %add3A_345, %select_n3A_332 : vector<64x128xf32>
    %select_n3A_347 = arith.select %lt3A_346, %add3A_345, %select_n3A_332 : vector<64x128xi1>, vector<64x128xf32>
    %jit3A_348 = arith.constant 4 : i32
    %broadcast_in_dim3A_349 = vector.broadcast %jit3A_348 : i32 to vector<64x128xi32>
    %select_n3A_350 = arith.select %lt3A_346, %broadcast_in_dim3A_349, %select_n3A_335 : vector<64x128xi1>, vector<64x128xi32>
    %slice3A_351 = vector.extract_strided_slice %dot_general3A_6 {offsets = [128, 640], sizes = [64, 128], strides = [1, 1]} : vector<1152x1024xf32> to vector<64x128xf32>
    %mul3A_352 = arith.constant 2.000000e+00 : f32
    %mul3A_353 = vector.broadcast %mul3A_352 : f32 to vector<64x128xf32>
    %mul3A_354 = arith.mulf %mul3A_353, %slice3A_351 : vector<64x128xf32>
    %sub3A_355 = vector.broadcast %slice3A_278 : vector<64x1xf32> to vector<64x128xf32>
    %sub3A_356 = arith.subf %sub3A_355, %mul3A_354 : vector<64x128xf32>
    %slice3A_357 = vector.extract_strided_slice %reduce_sum3A_10 {offsets = [640], sizes = [128], strides = [1]} : vector<1024xf32> to vector<128xf32>
    %broadcast_in_dim3A_358 = vector.shape_cast %slice3A_357 : vector<128xf32> to vector<1x128xf32>
    %add3A_359 = vector.broadcast %broadcast_in_dim3A_358 : vector<1x128xf32> to vector<64x128xf32>
    %add3A_360 = arith.addf %sub3A_356, %add3A_359 : vector<64x128xf32>
    %lt3A_361 = arith.cmpf olt, %add3A_360, %select_n3A_347 : vector<64x128xf32>
    %select_n3A_362 = arith.select %lt3A_361, %add3A_360, %select_n3A_347 : vector<64x128xi1>, vector<64x128xf32>
    %jit3A_363 = arith.constant 5 : i32
    %broadcast_in_dim3A_364 = vector.broadcast %jit3A_363 : i32 to vector<64x128xi32>
    %select_n3A_365 = arith.select %lt3A_361, %broadcast_in_dim3A_364, %select_n3A_350 : vector<64x128xi1>, vector<64x128xi32>
    %slice3A_366 = vector.extract_strided_slice %dot_general3A_6 {offsets = [128, 768], sizes = [64, 128], strides = [1, 1]} : vector<1152x1024xf32> to vector<64x128xf32>
    %mul3A_367 = arith.constant 2.000000e+00 : f32
    %mul3A_368 = vector.broadcast %mul3A_367 : f32 to vector<64x128xf32>
    %mul3A_369 = arith.mulf %mul3A_368, %slice3A_366 : vector<64x128xf32>
    %sub3A_370 = vector.broadcast %slice3A_278 : vector<64x1xf32> to vector<64x128xf32>
    %sub3A_371 = arith.subf %sub3A_370, %mul3A_369 : vector<64x128xf32>
    %slice3A_372 = vector.extract_strided_slice %reduce_sum3A_10 {offsets = [768], sizes = [128], strides = [1]} : vector<1024xf32> to vector<128xf32>
    %broadcast_in_dim3A_373 = vector.shape_cast %slice3A_372 : vector<128xf32> to vector<1x128xf32>
    %add3A_374 = vector.broadcast %broadcast_in_dim3A_373 : vector<1x128xf32> to vector<64x128xf32>
    %add3A_375 = arith.addf %sub3A_371, %add3A_374 : vector<64x128xf32>
    %lt3A_376 = arith.cmpf olt, %add3A_375, %select_n3A_362 : vector<64x128xf32>
    %select_n3A_377 = arith.select %lt3A_376, %add3A_375, %select_n3A_362 : vector<64x128xi1>, vector<64x128xf32>
    %jit3A_378 = arith.constant 6 : i32
    %broadcast_in_dim3A_379 = vector.broadcast %jit3A_378 : i32 to vector<64x128xi32>
    %select_n3A_380 = arith.select %lt3A_376, %broadcast_in_dim3A_379, %select_n3A_365 : vector<64x128xi1>, vector<64x128xi32>
    %slice3A_381 = vector.extract_strided_slice %dot_general3A_6 {offsets = [128, 896], sizes = [64, 128], strides = [1, 1]} : vector<1152x1024xf32> to vector<64x128xf32>
    %mul3A_382 = arith.constant 2.000000e+00 : f32
    %mul3A_383 = vector.broadcast %mul3A_382 : f32 to vector<64x128xf32>
    %mul3A_384 = arith.mulf %mul3A_383, %slice3A_381 : vector<64x128xf32>
    %sub3A_385 = vector.broadcast %slice3A_278 : vector<64x1xf32> to vector<64x128xf32>
    %sub3A_386 = arith.subf %sub3A_385, %mul3A_384 : vector<64x128xf32>
    %slice3A_387 = vector.extract_strided_slice %reduce_sum3A_10 {offsets = [896], sizes = [128], strides = [1]} : vector<1024xf32> to vector<128xf32>
    %broadcast_in_dim3A_388 = vector.shape_cast %slice3A_387 : vector<128xf32> to vector<1x128xf32>
    %add3A_389 = vector.broadcast %broadcast_in_dim3A_388 : vector<1x128xf32> to vector<64x128xf32>
    %add3A_390 = arith.addf %sub3A_386, %add3A_389 : vector<64x128xf32>
    %lt3A_391 = arith.cmpf olt, %add3A_390, %select_n3A_377 : vector<64x128xf32>
    %select_n3A_392 = arith.select %lt3A_391, %add3A_390, %select_n3A_377 : vector<64x128xi1>, vector<64x128xf32>
    %jit3A_393 = arith.constant 7 : i32
    %broadcast_in_dim3A_394 = vector.broadcast %jit3A_393 : i32 to vector<64x128xi32>
    %select_n3A_395 = arith.select %lt3A_391, %broadcast_in_dim3A_394, %select_n3A_380 : vector<64x128xi1>, vector<64x128xi32>
    %reduce_min3A_396 = arith.constant dense<0x7F800000> : vector<64xf32>
    %reduce_min3A_397 = vector.multi_reduction <minimumf>, %select_n3A_392, %reduce_min3A_396 [1] : vector<64x128xf32> to vector<64xf32>
    %broadcast_in_dim3A_398 = vector.shape_cast %reduce_min3A_397 : vector<64xf32> to vector<64x1xf32>
    %eq3A_399 = vector.broadcast %broadcast_in_dim3A_398 : vector<64x1xf32> to vector<64x128xf32>
    %eq3A_400 = arith.cmpf oeq, %select_n3A_392, %eq3A_399 : vector<64x128xf32>
    %mul3A_401 = arith.constant 128 : i32
    %mul3A_402 = vector.broadcast %mul3A_401 : i32 to vector<64x128xi32>
    %mul3A_403 = arith.muli %select_n3A_395, %mul3A_402 : vector<64x128xi32>
    %add3A_404 = arith.addi %mul3A_403, %iota3A : vector<64x128xi32>
    %jit3A_405 = arith.constant 1024 : i32
    %broadcast_in_dim3A_406 = vector.broadcast %jit3A_405 : i32 to vector<64x128xi32>
    %select_n3A_407 = arith.select %eq3A_400, %add3A_404, %broadcast_in_dim3A_406 : vector<64x128xi1>, vector<64x128xi32>
    %reduce_min3A_408 = arith.constant dense<2147483647> : vector<64xi32>
    %reduce_min3A_409 = vector.multi_reduction <minsi>, %select_n3A_407, %reduce_min3A_408 [1] : vector<64x128xi32> to vector<64xi32>
    %swap3A_410 = arith.constant 0 : index
    %swap3A_411 = arith.constant 0 : index
    %swap3A_412 = arith.constant 128 : index
    %swap3A_413 = vector.load %arg3[%swap3A_410, %swap3A_411, %swap3A_412] : memref<1x1x1152xi32, #tpu.memory_space<vmem>>, vector<1x1x64xi32>
    %swap3A_414 = vector.shape_cast %swap3A_413 : vector<1x1x64xi32> to vector<64xi32>
    %swap3A_415 = vector.shape_cast %reduce_min3A_409 : vector<64xi32> to vector<1x1x64xi32>
    tpu.vector_store %arg3[%swap3A_410, %swap3A_411, %swap3A_412], %swap3A_415 {strides = array<i32>} : memref<1x1x1152xi32, #tpu.memory_space<vmem>>, vector<1x1x64xi32>,
    %slice3A_416 = vector.extract_strided_slice %broadcast_in_dim3A {offsets = [192, 0], sizes = [64, 1], strides = [1, 1]} : vector<1152x1xf32> to vector<64x1xf32>
    %slice3A_417 = vector.extract_strided_slice %dot_general3A_6 {offsets = [192, 0], sizes = [64, 128], strides = [1, 1]} : vector<1152x1024xf32> to vector<64x128xf32>
    %mul3A_418 = arith.constant 2.000000e+00 : f32
    %mul3A_419 = vector.broadcast %mul3A_418 : f32 to vector<64x128xf32>
    %mul3A_420 = arith.mulf %mul3A_419, %slice3A_417 : vector<64x128xf32>
    %sub3A_421 = vector.broadcast %slice3A_416 : vector<64x1xf32> to vector<64x128xf32>
    %sub3A_422 = arith.subf %sub3A_421, %mul3A_420 : vector<64x128xf32>
    %slice3A_423 = vector.extract_strided_slice %reduce_sum3A_10 {offsets = [0], sizes = [128], strides = [1]} : vector<1024xf32> to vector<128xf32>
    %broadcast_in_dim3A_424 = vector.shape_cast %slice3A_423 : vector<128xf32> to vector<1x128xf32>
    %add3A_425 = vector.broadcast %broadcast_in_dim3A_424 : vector<1x128xf32> to vector<64x128xf32>
    %add3A_426 = arith.addf %sub3A_422, %add3A_425 : vector<64x128xf32>
    %broadcast_in_dim3A_427 = arith.constant 0 : i32
    %broadcast_in_dim3A_428 = vector.broadcast %broadcast_in_dim3A_427 : i32 to vector<64x128xi32>
    %slice3A_429 = vector.extract_strided_slice %dot_general3A_6 {offsets = [192, 128], sizes = [64, 128], strides = [1, 1]} : vector<1152x1024xf32> to vector<64x128xf32>
    %mul3A_430 = arith.constant 2.000000e+00 : f32
    %mul3A_431 = vector.broadcast %mul3A_430 : f32 to vector<64x128xf32>
    %mul3A_432 = arith.mulf %mul3A_431, %slice3A_429 : vector<64x128xf32>
    %sub3A_433 = vector.broadcast %slice3A_416 : vector<64x1xf32> to vector<64x128xf32>
    %sub3A_434 = arith.subf %sub3A_433, %mul3A_432 : vector<64x128xf32>
    %slice3A_435 = vector.extract_strided_slice %reduce_sum3A_10 {offsets = [128], sizes = [128], strides = [1]} : vector<1024xf32> to vector<128xf32>
    %broadcast_in_dim3A_436 = vector.shape_cast %slice3A_435 : vector<128xf32> to vector<1x128xf32>
    %add3A_437 = vector.broadcast %broadcast_in_dim3A_436 : vector<1x128xf32> to vector<64x128xf32>
    %add3A_438 = arith.addf %sub3A_434, %add3A_437 : vector<64x128xf32>
    %lt3A_439 = arith.cmpf olt, %add3A_438, %add3A_426 : vector<64x128xf32>
    %select_n3A_440 = arith.select %lt3A_439, %add3A_438, %add3A_426 : vector<64x128xi1>, vector<64x128xf32>
    %jit3A_441 = arith.constant 1 : i32
    %broadcast_in_dim3A_442 = vector.broadcast %jit3A_441 : i32 to vector<64x128xi32>
    %select_n3A_443 = arith.select %lt3A_439, %broadcast_in_dim3A_442, %broadcast_in_dim3A_428 : vector<64x128xi1>, vector<64x128xi32>
    %slice3A_444 = vector.extract_strided_slice %dot_general3A_6 {offsets = [192, 256], sizes = [64, 128], strides = [1, 1]} : vector<1152x1024xf32> to vector<64x128xf32>
    %mul3A_445 = arith.constant 2.000000e+00 : f32
    %mul3A_446 = vector.broadcast %mul3A_445 : f32 to vector<64x128xf32>
    %mul3A_447 = arith.mulf %mul3A_446, %slice3A_444 : vector<64x128xf32>
    %sub3A_448 = vector.broadcast %slice3A_416 : vector<64x1xf32> to vector<64x128xf32>
    %sub3A_449 = arith.subf %sub3A_448, %mul3A_447 : vector<64x128xf32>
    %slice3A_450 = vector.extract_strided_slice %reduce_sum3A_10 {offsets = [256], sizes = [128], strides = [1]} : vector<1024xf32> to vector<128xf32>
    %broadcast_in_dim3A_451 = vector.shape_cast %slice3A_450 : vector<128xf32> to vector<1x128xf32>
    %add3A_452 = vector.broadcast %broadcast_in_dim3A_451 : vector<1x128xf32> to vector<64x128xf32>
    %add3A_453 = arith.addf %sub3A_449, %add3A_452 : vector<64x128xf32>
    %lt3A_454 = arith.cmpf olt, %add3A_453, %select_n3A_440 : vector<64x128xf32>
    %select_n3A_455 = arith.select %lt3A_454, %add3A_453, %select_n3A_440 : vector<64x128xi1>, vector<64x128xf32>
    %jit3A_456 = arith.constant 2 : i32
    %broadcast_in_dim3A_457 = vector.broadcast %jit3A_456 : i32 to vector<64x128xi32>
    %select_n3A_458 = arith.select %lt3A_454, %broadcast_in_dim3A_457, %select_n3A_443 : vector<64x128xi1>, vector<64x128xi32>
    %slice3A_459 = vector.extract_strided_slice %dot_general3A_6 {offsets = [192, 384], sizes = [64, 128], strides = [1, 1]} : vector<1152x1024xf32> to vector<64x128xf32>
    %mul3A_460 = arith.constant 2.000000e+00 : f32
    %mul3A_461 = vector.broadcast %mul3A_460 : f32 to vector<64x128xf32>
    %mul3A_462 = arith.mulf %mul3A_461, %slice3A_459 : vector<64x128xf32>
    %sub3A_463 = vector.broadcast %slice3A_416 : vector<64x1xf32> to vector<64x128xf32>
    %sub3A_464 = arith.subf %sub3A_463, %mul3A_462 : vector<64x128xf32>
    %slice3A_465 = vector.extract_strided_slice %reduce_sum3A_10 {offsets = [384], sizes = [128], strides = [1]} : vector<1024xf32> to vector<128xf32>
    %broadcast_in_dim3A_466 = vector.shape_cast %slice3A_465 : vector<128xf32> to vector<1x128xf32>
    %add3A_467 = vector.broadcast %broadcast_in_dim3A_466 : vector<1x128xf32> to vector<64x128xf32>
    %add3A_468 = arith.addf %sub3A_464, %add3A_467 : vector<64x128xf32>
    %lt3A_469 = arith.cmpf olt, %add3A_468, %select_n3A_455 : vector<64x128xf32>
    %select_n3A_470 = arith.select %lt3A_469, %add3A_468, %select_n3A_455 : vector<64x128xi1>, vector<64x128xf32>
    %jit3A_471 = arith.constant 3 : i32
    %broadcast_in_dim3A_472 = vector.broadcast %jit3A_471 : i32 to vector<64x128xi32>
    %select_n3A_473 = arith.select %lt3A_469, %broadcast_in_dim3A_472, %select_n3A_458 : vector<64x128xi1>, vector<64x128xi32>
    %slice3A_474 = vector.extract_strided_slice %dot_general3A_6 {offsets = [192, 512], sizes = [64, 128], strides = [1, 1]} : vector<1152x1024xf32> to vector<64x128xf32>
    %mul3A_475 = arith.constant 2.000000e+00 : f32
    %mul3A_476 = vector.broadcast %mul3A_475 : f32 to vector<64x128xf32>
    %mul3A_477 = arith.mulf %mul3A_476, %slice3A_474 : vector<64x128xf32>
    %sub3A_478 = vector.broadcast %slice3A_416 : vector<64x1xf32> to vector<64x128xf32>
    %sub3A_479 = arith.subf %sub3A_478, %mul3A_477 : vector<64x128xf32>
    %slice3A_480 = vector.extract_strided_slice %reduce_sum3A_10 {offsets = [512], sizes = [128], strides = [1]} : vector<1024xf32> to vector<128xf32>
    %broadcast_in_dim3A_481 = vector.shape_cast %slice3A_480 : vector<128xf32> to vector<1x128xf32>
    %add3A_482 = vector.broadcast %broadcast_in_dim3A_481 : vector<1x128xf32> to vector<64x128xf32>
    %add3A_483 = arith.addf %sub3A_479, %add3A_482 : vector<64x128xf32>
    %lt3A_484 = arith.cmpf olt, %add3A_483, %select_n3A_470 : vector<64x128xf32>
    %select_n3A_485 = arith.select %lt3A_484, %add3A_483, %select_n3A_470 : vector<64x128xi1>, vector<64x128xf32>
    %jit3A_486 = arith.constant 4 : i32
    %broadcast_in_dim3A_487 = vector.broadcast %jit3A_486 : i32 to vector<64x128xi32>
    %select_n3A_488 = arith.select %lt3A_484, %broadcast_in_dim3A_487, %select_n3A_473 : vector<64x128xi1>, vector<64x128xi32>
    %slice3A_489 = vector.extract_strided_slice %dot_general3A_6 {offsets = [192, 640], sizes = [64, 128], strides = [1, 1]} : vector<1152x1024xf32> to vector<64x128xf32>
    %mul3A_490 = arith.constant 2.000000e+00 : f32
    %mul3A_491 = vector.broadcast %mul3A_490 : f32 to vector<64x128xf32>
    %mul3A_492 = arith.mulf %mul3A_491, %slice3A_489 : vector<64x128xf32>
    %sub3A_493 = vector.broadcast %slice3A_416 : vector<64x1xf32> to vector<64x128xf32>
    %sub3A_494 = arith.subf %sub3A_493, %mul3A_492 : vector<64x128xf32>
    %slice3A_495 = vector.extract_strided_slice %reduce_sum3A_10 {offsets = [640], sizes = [128], strides = [1]} : vector<1024xf32> to vector<128xf32>
    %broadcast_in_dim3A_496 = vector.shape_cast %slice3A_495 : vector<128xf32> to vector<1x128xf32>
    %add3A_497 = vector.broadcast %broadcast_in_dim3A_496 : vector<1x128xf32> to vector<64x128xf32>
    %add3A_498 = arith.addf %sub3A_494, %add3A_497 : vector<64x128xf32>
    %lt3A_499 = arith.cmpf olt, %add3A_498, %select_n3A_485 : vector<64x128xf32>
    %select_n3A_500 = arith.select %lt3A_499, %add3A_498, %select_n3A_485 : vector<64x128xi1>, vector<64x128xf32>
    %jit3A_501 = arith.constant 5 : i32
    %broadcast_in_dim3A_502 = vector.broadcast %jit3A_501 : i32 to vector<64x128xi32>
    %select_n3A_503 = arith.select %lt3A_499, %broadcast_in_dim3A_502, %select_n3A_488 : vector<64x128xi1>, vector<64x128xi32>
    %slice3A_504 = vector.extract_strided_slice %dot_general3A_6 {offsets = [192, 768], sizes = [64, 128], strides = [1, 1]} : vector<1152x1024xf32> to vector<64x128xf32>
    %mul3A_505 = arith.constant 2.000000e+00 : f32
    %mul3A_506 = vector.broadcast %mul3A_505 : f32 to vector<64x128xf32>
    %mul3A_507 = arith.mulf %mul3A_506, %slice3A_504 : vector<64x128xf32>
    %sub3A_508 = vector.broadcast %slice3A_416 : vector<64x1xf32> to vector<64x128xf32>
    %sub3A_509 = arith.subf %sub3A_508, %mul3A_507 : vector<64x128xf32>
    %slice3A_510 = vector.extract_strided_slice %reduce_sum3A_10 {offsets = [768], sizes = [128], strides = [1]} : vector<1024xf32> to vector<128xf32>
    %broadcast_in_dim3A_511 = vector.shape_cast %slice3A_510 : vector<128xf32> to vector<1x128xf32>
    %add3A_512 = vector.broadcast %broadcast_in_dim3A_511 : vector<1x128xf32> to vector<64x128xf32>
    %add3A_513 = arith.addf %sub3A_509, %add3A_512 : vector<64x128xf32>
    %lt3A_514 = arith.cmpf olt, %add3A_513, %select_n3A_500 : vector<64x128xf32>
    %select_n3A_515 = arith.select %lt3A_514, %add3A_513, %select_n3A_500 : vector<64x128xi1>, vector<64x128xf32>
    %jit3A_516 = arith.constant 6 : i32
    %broadcast_in_dim3A_517 = vector.broadcast %jit3A_516 : i32 to vector<64x128xi32>
    %select_n3A_518 = arith.select %lt3A_514, %broadcast_in_dim3A_517, %select_n3A_503 : vector<64x128xi1>, vector<64x128xi32>
    %slice3A_519 = vector.extract_strided_slice %dot_general3A_6 {offsets = [192, 896], sizes = [64, 128], strides = [1, 1]} : vector<1152x1024xf32> to vector<64x128xf32>
    %mul3A_520 = arith.constant 2.000000e+00 : f32
    %mul3A_521 = vector.broadcast %mul3A_520 : f32 to vector<64x128xf32>
    %mul3A_522 = arith.mulf %mul3A_521, %slice3A_519 : vector<64x128xf32>
    %sub3A_523 = vector.broadcast %slice3A_416 : vector<64x1xf32> to vector<64x128xf32>
    %sub3A_524 = arith.subf %sub3A_523, %mul3A_522 : vector<64x128xf32>
    %slice3A_525 = vector.extract_strided_slice %reduce_sum3A_10 {offsets = [896], sizes = [128], strides = [1]} : vector<1024xf32> to vector<128xf32>
    %broadcast_in_dim3A_526 = vector.shape_cast %slice3A_525 : vector<128xf32> to vector<1x128xf32>
    %add3A_527 = vector.broadcast %broadcast_in_dim3A_526 : vector<1x128xf32> to vector<64x128xf32>
    %add3A_528 = arith.addf %sub3A_524, %add3A_527 : vector<64x128xf32>
    %lt3A_529 = arith.cmpf olt, %add3A_528, %select_n3A_515 : vector<64x128xf32>
    %select_n3A_530 = arith.select %lt3A_529, %add3A_528, %select_n3A_515 : vector<64x128xi1>, vector<64x128xf32>
    %jit3A_531 = arith.constant 7 : i32
    %broadcast_in_dim3A_532 = vector.broadcast %jit3A_531 : i32 to vector<64x128xi32>
    %select_n3A_533 = arith.select %lt3A_529, %broadcast_in_dim3A_532, %select_n3A_518 : vector<64x128xi1>, vector<64x128xi32>
    %reduce_min3A_534 = arith.constant dense<0x7F800000> : vector<64xf32>
    %reduce_min3A_535 = vector.multi_reduction <minimumf>, %select_n3A_530, %reduce_min3A_534 [1] : vector<64x128xf32> to vector<64xf32>
    %broadcast_in_dim3A_536 = vector.shape_cast %reduce_min3A_535 : vector<64xf32> to vector<64x1xf32>
    %eq3A_537 = vector.broadcast %broadcast_in_dim3A_536 : vector<64x1xf32> to vector<64x128xf32>
    %eq3A_538 = arith.cmpf oeq, %select_n3A_530, %eq3A_537 : vector<64x128xf32>
    %mul3A_539 = arith.constant 128 : i32
    %mul3A_540 = vector.broadcast %mul3A_539 : i32 to vector<64x128xi32>
    %mul3A_541 = arith.muli %select_n3A_533, %mul3A_540 : vector<64x128xi32>
    %add3A_542 = arith.addi %mul3A_541, %iota3A : vector<64x128xi32>
    %jit3A_543 = arith.constant 1024 : i32
    %broadcast_in_dim3A_544 = vector.broadcast %jit3A_543 : i32 to vector<64x128xi32>
    %select_n3A_545 = arith.select %eq3A_538, %add3A_542, %broadcast_in_dim3A_544 : vector<64x128xi1>, vector<64x128xi32>
    %reduce_min3A_546 = arith.constant dense<2147483647> : vector<64xi32>
    %reduce_min3A_547 = vector.multi_reduction <minsi>, %select_n3A_545, %reduce_min3A_546 [1] : vector<64x128xi32> to vector<64xi32>
    %swap3A_548 = arith.constant 0 : index
    %swap3A_549 = arith.constant 0 : index
    %swap3A_550 = arith.constant 192 : index
    %swap3A_551 = vector.load %arg3[%swap3A_548, %swap3A_549, %swap3A_550] : memref<1x1x1152xi32, #tpu.memory_space<vmem>>, vector<1x1x64xi32>
    %swap3A_552 = vector.shape_cast %swap3A_551 : vector<1x1x64xi32> to vector<64xi32>
    %swap3A_553 = vector.shape_cast %reduce_min3A_547 : vector<64xi32> to vector<1x1x64xi32>
    tpu.vector_store %arg3[%swap3A_548, %swap3A_549, %swap3A_550], %swap3A_553 {strides = array<i32>} : memref<1x1x1152xi32, #tpu.memory_space<vmem>>, vector<1x1x64xi32>,
    %slice3A_554 = vector.extract_strided_slice %broadcast_in_dim3A {offsets = [256, 0], sizes = [64, 1], strides = [1, 1]} : vector<1152x1xf32> to vector<64x1xf32>
    %slice3A_555 = vector.extract_strided_slice %dot_general3A_6 {offsets = [256, 0], sizes = [64, 128], strides = [1, 1]} : vector<1152x1024xf32> to vector<64x128xf32>
    %mul3A_556 = arith.constant 2.000000e+00 : f32
    %mul3A_557 = vector.broadcast %mul3A_556 : f32 to vector<64x128xf32>
    %mul3A_558 = arith.mulf %mul3A_557, %slice3A_555 : vector<64x128xf32>
    %sub3A_559 = vector.broadcast %slice3A_554 : vector<64x1xf32> to vector<64x128xf32>
    %sub3A_560 = arith.subf %sub3A_559, %mul3A_558 : vector<64x128xf32>
    %slice3A_561 = vector.extract_strided_slice %reduce_sum3A_10 {offsets = [0], sizes = [128], strides = [1]} : vector<1024xf32> to vector<128xf32>
    %broadcast_in_dim3A_562 = vector.shape_cast %slice3A_561 : vector<128xf32> to vector<1x128xf32>
    %add3A_563 = vector.broadcast %broadcast_in_dim3A_562 : vector<1x128xf32> to vector<64x128xf32>
    %add3A_564 = arith.addf %sub3A_560, %add3A_563 : vector<64x128xf32>
    %broadcast_in_dim3A_565 = arith.constant 0 : i32
    %broadcast_in_dim3A_566 = vector.broadcast %broadcast_in_dim3A_565 : i32 to vector<64x128xi32>
    %slice3A_567 = vector.extract_strided_slice %dot_general3A_6 {offsets = [256, 128], sizes = [64, 128], strides = [1, 1]} : vector<1152x1024xf32> to vector<64x128xf32>
    %mul3A_568 = arith.constant 2.000000e+00 : f32
    %mul3A_569 = vector.broadcast %mul3A_568 : f32 to vector<64x128xf32>
    %mul3A_570 = arith.mulf %mul3A_569, %slice3A_567 : vector<64x128xf32>
    %sub3A_571 = vector.broadcast %slice3A_554 : vector<64x1xf32> to vector<64x128xf32>
    %sub3A_572 = arith.subf %sub3A_571, %mul3A_570 : vector<64x128xf32>
    %slice3A_573 = vector.extract_strided_slice %reduce_sum3A_10 {offsets = [128], sizes = [128], strides = [1]} : vector<1024xf32> to vector<128xf32>
    %broadcast_in_dim3A_574 = vector.shape_cast %slice3A_573 : vector<128xf32> to vector<1x128xf32>
    %add3A_575 = vector.broadcast %broadcast_in_dim3A_574 : vector<1x128xf32> to vector<64x128xf32>
    %add3A_576 = arith.addf %sub3A_572, %add3A_575 : vector<64x128xf32>
    %lt3A_577 = arith.cmpf olt, %add3A_576, %add3A_564 : vector<64x128xf32>
    %select_n3A_578 = arith.select %lt3A_577, %add3A_576, %add3A_564 : vector<64x128xi1>, vector<64x128xf32>
    %jit3A_579 = arith.constant 1 : i32
    %broadcast_in_dim3A_580 = vector.broadcast %jit3A_579 : i32 to vector<64x128xi32>
    %select_n3A_581 = arith.select %lt3A_577, %broadcast_in_dim3A_580, %broadcast_in_dim3A_566 : vector<64x128xi1>, vector<64x128xi32>
    %slice3A_582 = vector.extract_strided_slice %dot_general3A_6 {offsets = [256, 256], sizes = [64, 128], strides = [1, 1]} : vector<1152x1024xf32> to vector<64x128xf32>
    %mul3A_583 = arith.constant 2.000000e+00 : f32
    %mul3A_584 = vector.broadcast %mul3A_583 : f32 to vector<64x128xf32>
    %mul3A_585 = arith.mulf %mul3A_584, %slice3A_582 : vector<64x128xf32>
    %sub3A_586 = vector.broadcast %slice3A_554 : vector<64x1xf32> to vector<64x128xf32>
    %sub3A_587 = arith.subf %sub3A_586, %mul3A_585 : vector<64x128xf32>
    %slice3A_588 = vector.extract_strided_slice %reduce_sum3A_10 {offsets = [256], sizes = [128], strides = [1]} : vector<1024xf32> to vector<128xf32>
    %broadcast_in_dim3A_589 = vector.shape_cast %slice3A_588 : vector<128xf32> to vector<1x128xf32>
    %add3A_590 = vector.broadcast %broadcast_in_dim3A_589 : vector<1x128xf32> to vector<64x128xf32>
    %add3A_591 = arith.addf %sub3A_587, %add3A_590 : vector<64x128xf32>
    %lt3A_592 = arith.cmpf olt, %add3A_591, %select_n3A_578 : vector<64x128xf32>
    %select_n3A_593 = arith.select %lt3A_592, %add3A_591, %select_n3A_578 : vector<64x128xi1>, vector<64x128xf32>
    %jit3A_594 = arith.constant 2 : i32
    %broadcast_in_dim3A_595 = vector.broadcast %jit3A_594 : i32 to vector<64x128xi32>
    %select_n3A_596 = arith.select %lt3A_592, %broadcast_in_dim3A_595, %select_n3A_581 : vector<64x128xi1>, vector<64x128xi32>
    %slice3A_597 = vector.extract_strided_slice %dot_general3A_6 {offsets = [256, 384], sizes = [64, 128], strides = [1, 1]} : vector<1152x1024xf32> to vector<64x128xf32>
    %mul3A_598 = arith.constant 2.000000e+00 : f32
    %mul3A_599 = vector.broadcast %mul3A_598 : f32 to vector<64x128xf32>
    %mul3A_600 = arith.mulf %mul3A_599, %slice3A_597 : vector<64x128xf32>
    %sub3A_601 = vector.broadcast %slice3A_554 : vector<64x1xf32> to vector<64x128xf32>
    %sub3A_602 = arith.subf %sub3A_601, %mul3A_600 : vector<64x128xf32>
    %slice3A_603 = vector.extract_strided_slice %reduce_sum3A_10 {offsets = [384], sizes = [128], strides = [1]} : vector<1024xf32> to vector<128xf32>
    %broadcast_in_dim3A_604 = vector.shape_cast %slice3A_603 : vector<128xf32> to vector<1x128xf32>
    %add3A_605 = vector.broadcast %broadcast_in_dim3A_604 : vector<1x128xf32> to vector<64x128xf32>
    %add3A_606 = arith.addf %sub3A_602, %add3A_605 : vector<64x128xf32>
    %lt3A_607 = arith.cmpf olt, %add3A_606, %select_n3A_593 : vector<64x128xf32>
    %select_n3A_608 = arith.select %lt3A_607, %add3A_606, %select_n3A_593 : vector<64x128xi1>, vector<64x128xf32>
    %jit3A_609 = arith.constant 3 : i32
    %broadcast_in_dim3A_610 = vector.broadcast %jit3A_609 : i32 to vector<64x128xi32>
    %select_n3A_611 = arith.select %lt3A_607, %broadcast_in_dim3A_610, %select_n3A_596 : vector<64x128xi1>, vector<64x128xi32>
    %slice3A_612 = vector.extract_strided_slice %dot_general3A_6 {offsets = [256, 512], sizes = [64, 128], strides = [1, 1]} : vector<1152x1024xf32> to vector<64x128xf32>
    %mul3A_613 = arith.constant 2.000000e+00 : f32
    %mul3A_614 = vector.broadcast %mul3A_613 : f32 to vector<64x128xf32>
    %mul3A_615 = arith.mulf %mul3A_614, %slice3A_612 : vector<64x128xf32>
    %sub3A_616 = vector.broadcast %slice3A_554 : vector<64x1xf32> to vector<64x128xf32>
    %sub3A_617 = arith.subf %sub3A_616, %mul3A_615 : vector<64x128xf32>
    %slice3A_618 = vector.extract_strided_slice %reduce_sum3A_10 {offsets = [512], sizes = [128], strides = [1]} : vector<1024xf32> to vector<128xf32>
    %broadcast_in_dim3A_619 = vector.shape_cast %slice3A_618 : vector<128xf32> to vector<1x128xf32>
    %add3A_620 = vector.broadcast %broadcast_in_dim3A_619 : vector<1x128xf32> to vector<64x128xf32>
    %add3A_621 = arith.addf %sub3A_617, %add3A_620 : vector<64x128xf32>
    %lt3A_622 = arith.cmpf olt, %add3A_621, %select_n3A_608 : vector<64x128xf32>
    %select_n3A_623 = arith.select %lt3A_622, %add3A_621, %select_n3A_608 : vector<64x128xi1>, vector<64x128xf32>
    %jit3A_624 = arith.constant 4 : i32
    %broadcast_in_dim3A_625 = vector.broadcast %jit3A_624 : i32 to vector<64x128xi32>
    %select_n3A_626 = arith.select %lt3A_622, %broadcast_in_dim3A_625, %select_n3A_611 : vector<64x128xi1>, vector<64x128xi32>
    %slice3A_627 = vector.extract_strided_slice %dot_general3A_6 {offsets = [256, 640], sizes = [64, 128], strides = [1, 1]} : vector<1152x1024xf32> to vector<64x128xf32>
    %mul3A_628 = arith.constant 2.000000e+00 : f32
    %mul3A_629 = vector.broadcast %mul3A_628 : f32 to vector<64x128xf32>
    %mul3A_630 = arith.mulf %mul3A_629, %slice3A_627 : vector<64x128xf32>
    %sub3A_631 = vector.broadcast %slice3A_554 : vector<64x1xf32> to vector<64x128xf32>
    %sub3A_632 = arith.subf %sub3A_631, %mul3A_630 : vector<64x128xf32>
    %slice3A_633 = vector.extract_strided_slice %reduce_sum3A_10 {offsets = [640], sizes = [128], strides = [1]} : vector<1024xf32> to vector<128xf32>
    %broadcast_in_dim3A_634 = vector.shape_cast %slice3A_633 : vector<128xf32> to vector<1x128xf32>
    %add3A_635 = vector.broadcast %broadcast_in_dim3A_634 : vector<1x128xf32> to vector<64x128xf32>
    %add3A_636 = arith.addf %sub3A_632, %add3A_635 : vector<64x128xf32>
    %lt3A_637 = arith.cmpf olt, %add3A_636, %select_n3A_623 : vector<64x128xf32>
    %select_n3A_638 = arith.select %lt3A_637, %add3A_636, %select_n3A_623 : vector<64x128xi1>, vector<64x128xf32>
    %jit3A_639 = arith.constant 5 : i32
    %broadcast_in_dim3A_640 = vector.broadcast %jit3A_639 : i32 to vector<64x128xi32>
    %select_n3A_641 = arith.select %lt3A_637, %broadcast_in_dim3A_640, %select_n3A_626 : vector<64x128xi1>, vector<64x128xi32>
    %slice3A_642 = vector.extract_strided_slice %dot_general3A_6 {offsets = [256, 768], sizes = [64, 128], strides = [1, 1]} : vector<1152x1024xf32> to vector<64x128xf32>
    %mul3A_643 = arith.constant 2.000000e+00 : f32
    %mul3A_644 = vector.broadcast %mul3A_643 : f32 to vector<64x128xf32>
    %mul3A_645 = arith.mulf %mul3A_644, %slice3A_642 : vector<64x128xf32>
    %sub3A_646 = vector.broadcast %slice3A_554 : vector<64x1xf32> to vector<64x128xf32>
    %sub3A_647 = arith.subf %sub3A_646, %mul3A_645 : vector<64x128xf32>
    %slice3A_648 = vector.extract_strided_slice %reduce_sum3A_10 {offsets = [768], sizes = [128], strides = [1]} : vector<1024xf32> to vector<128xf32>
    %broadcast_in_dim3A_649 = vector.shape_cast %slice3A_648 : vector<128xf32> to vector<1x128xf32>
    %add3A_650 = vector.broadcast %broadcast_in_dim3A_649 : vector<1x128xf32> to vector<64x128xf32>
    %add3A_651 = arith.addf %sub3A_647, %add3A_650 : vector<64x128xf32>
    %lt3A_652 = arith.cmpf olt, %add3A_651, %select_n3A_638 : vector<64x128xf32>
    %select_n3A_653 = arith.select %lt3A_652, %add3A_651, %select_n3A_638 : vector<64x128xi1>, vector<64x128xf32>
    %jit3A_654 = arith.constant 6 : i32
    %broadcast_in_dim3A_655 = vector.broadcast %jit3A_654 : i32 to vector<64x128xi32>
    %select_n3A_656 = arith.select %lt3A_652, %broadcast_in_dim3A_655, %select_n3A_641 : vector<64x128xi1>, vector<64x128xi32>
    %slice3A_657 = vector.extract_strided_slice %dot_general3A_6 {offsets = [256, 896], sizes = [64, 128], strides = [1, 1]} : vector<1152x1024xf32> to vector<64x128xf32>
    %mul3A_658 = arith.constant 2.000000e+00 : f32
    %mul3A_659 = vector.broadcast %mul3A_658 : f32 to vector<64x128xf32>
    %mul3A_660 = arith.mulf %mul3A_659, %slice3A_657 : vector<64x128xf32>
    %sub3A_661 = vector.broadcast %slice3A_554 : vector<64x1xf32> to vector<64x128xf32>
    %sub3A_662 = arith.subf %sub3A_661, %mul3A_660 : vector<64x128xf32>
    %slice3A_663 = vector.extract_strided_slice %reduce_sum3A_10 {offsets = [896], sizes = [128], strides = [1]} : vector<1024xf32> to vector<128xf32>
    %broadcast_in_dim3A_664 = vector.shape_cast %slice3A_663 : vector<128xf32> to vector<1x128xf32>
    %add3A_665 = vector.broadcast %broadcast_in_dim3A_664 : vector<1x128xf32> to vector<64x128xf32>
    %add3A_666 = arith.addf %sub3A_662, %add3A_665 : vector<64x128xf32>
    %lt3A_667 = arith.cmpf olt, %add3A_666, %select_n3A_653 : vector<64x128xf32>
    %select_n3A_668 = arith.select %lt3A_667, %add3A_666, %select_n3A_653 : vector<64x128xi1>, vector<64x128xf32>
    %jit3A_669 = arith.constant 7 : i32
    %broadcast_in_dim3A_670 = vector.broadcast %jit3A_669 : i32 to vector<64x128xi32>
    %select_n3A_671 = arith.select %lt3A_667, %broadcast_in_dim3A_670, %select_n3A_656 : vector<64x128xi1>, vector<64x128xi32>
    %reduce_min3A_672 = arith.constant dense<0x7F800000> : vector<64xf32>
    %reduce_min3A_673 = vector.multi_reduction <minimumf>, %select_n3A_668, %reduce_min3A_672 [1] : vector<64x128xf32> to vector<64xf32>
    %broadcast_in_dim3A_674 = vector.shape_cast %reduce_min3A_673 : vector<64xf32> to vector<64x1xf32>
    %eq3A_675 = vector.broadcast %broadcast_in_dim3A_674 : vector<64x1xf32> to vector<64x128xf32>
    %eq3A_676 = arith.cmpf oeq, %select_n3A_668, %eq3A_675 : vector<64x128xf32>
    %mul3A_677 = arith.constant 128 : i32
    %mul3A_678 = vector.broadcast %mul3A_677 : i32 to vector<64x128xi32>
    %mul3A_679 = arith.muli %select_n3A_671, %mul3A_678 : vector<64x128xi32>
    %add3A_680 = arith.addi %mul3A_679, %iota3A : vector<64x128xi32>
    %jit3A_681 = arith.constant 1024 : i32
    %broadcast_in_dim3A_682 = vector.broadcast %jit3A_681 : i32 to vector<64x128xi32>
    %select_n3A_683 = arith.select %eq3A_676, %add3A_680, %broadcast_in_dim3A_682 : vector<64x128xi1>, vector<64x128xi32>
    %reduce_min3A_684 = arith.constant dense<2147483647> : vector<64xi32>
    %reduce_min3A_685 = vector.multi_reduction <minsi>, %select_n3A_683, %reduce_min3A_684 [1] : vector<64x128xi32> to vector<64xi32>
    %swap3A_686 = arith.constant 0 : index
    %swap3A_687 = arith.constant 0 : index
    %swap3A_688 = arith.constant 256 : index
    %swap3A_689 = vector.load %arg3[%swap3A_686, %swap3A_687, %swap3A_688] : memref<1x1x1152xi32, #tpu.memory_space<vmem>>, vector<1x1x64xi32>
    %swap3A_690 = vector.shape_cast %swap3A_689 : vector<1x1x64xi32> to vector<64xi32>
    %swap3A_691 = vector.shape_cast %reduce_min3A_685 : vector<64xi32> to vector<1x1x64xi32>
    tpu.vector_store %arg3[%swap3A_686, %swap3A_687, %swap3A_688], %swap3A_691 {strides = array<i32>} : memref<1x1x1152xi32, #tpu.memory_space<vmem>>, vector<1x1x64xi32>,
    %slice3A_692 = vector.extract_strided_slice %broadcast_in_dim3A {offsets = [320, 0], sizes = [64, 1], strides = [1, 1]} : vector<1152x1xf32> to vector<64x1xf32>
    %slice3A_693 = vector.extract_strided_slice %dot_general3A_6 {offsets = [320, 0], sizes = [64, 128], strides = [1, 1]} : vector<1152x1024xf32> to vector<64x128xf32>
    %mul3A_694 = arith.constant 2.000000e+00 : f32
    %mul3A_695 = vector.broadcast %mul3A_694 : f32 to vector<64x128xf32>
    %mul3A_696 = arith.mulf %mul3A_695, %slice3A_693 : vector<64x128xf32>
    %sub3A_697 = vector.broadcast %slice3A_692 : vector<64x1xf32> to vector<64x128xf32>
    %sub3A_698 = arith.subf %sub3A_697, %mul3A_696 : vector<64x128xf32>
    %slice3A_699 = vector.extract_strided_slice %reduce_sum3A_10 {offsets = [0], sizes = [128], strides = [1]} : vector<1024xf32> to vector<128xf32>
    %broadcast_in_dim3A_700 = vector.shape_cast %slice3A_699 : vector<128xf32> to vector<1x128xf32>
    %add3A_701 = vector.broadcast %broadcast_in_dim3A_700 : vector<1x128xf32> to vector<64x128xf32>
    %add3A_702 = arith.addf %sub3A_698, %add3A_701 : vector<64x128xf32>
    %broadcast_in_dim3A_703 = arith.constant 0 : i32
    %broadcast_in_dim3A_704 = vector.broadcast %broadcast_in_dim3A_703 : i32 to vector<64x128xi32>
    %slice3A_705 = vector.extract_strided_slice %dot_general3A_6 {offsets = [320, 128], sizes = [64, 128], strides = [1, 1]} : vector<1152x1024xf32> to vector<64x128xf32>
    %mul3A_706 = arith.constant 2.000000e+00 : f32
    %mul3A_707 = vector.broadcast %mul3A_706 : f32 to vector<64x128xf32>
    %mul3A_708 = arith.mulf %mul3A_707, %slice3A_705 : vector<64x128xf32>
    %sub3A_709 = vector.broadcast %slice3A_692 : vector<64x1xf32> to vector<64x128xf32>
    %sub3A_710 = arith.subf %sub3A_709, %mul3A_708 : vector<64x128xf32>
    %slice3A_711 = vector.extract_strided_slice %reduce_sum3A_10 {offsets = [128], sizes = [128], strides = [1]} : vector<1024xf32> to vector<128xf32>
    %broadcast_in_dim3A_712 = vector.shape_cast %slice3A_711 : vector<128xf32> to vector<1x128xf32>
    %add3A_713 = vector.broadcast %broadcast_in_dim3A_712 : vector<1x128xf32> to vector<64x128xf32>
    %add3A_714 = arith.addf %sub3A_710, %add3A_713 : vector<64x128xf32>
    %lt3A_715 = arith.cmpf olt, %add3A_714, %add3A_702 : vector<64x128xf32>
    %select_n3A_716 = arith.select %lt3A_715, %add3A_714, %add3A_702 : vector<64x128xi1>, vector<64x128xf32>
    %jit3A_717 = arith.constant 1 : i32
    %broadcast_in_dim3A_718 = vector.broadcast %jit3A_717 : i32 to vector<64x128xi32>
    %select_n3A_719 = arith.select %lt3A_715, %broadcast_in_dim3A_718, %broadcast_in_dim3A_704 : vector<64x128xi1>, vector<64x128xi32>
    %slice3A_720 = vector.extract_strided_slice %dot_general3A_6 {offsets = [320, 256], sizes = [64, 128], strides = [1, 1]} : vector<1152x1024xf32> to vector<64x128xf32>
    %mul3A_721 = arith.constant 2.000000e+00 : f32
    %mul3A_722 = vector.broadcast %mul3A_721 : f32 to vector<64x128xf32>
    %mul3A_723 = arith.mulf %mul3A_722, %slice3A_720 : vector<64x128xf32>
    %sub3A_724 = vector.broadcast %slice3A_692 : vector<64x1xf32> to vector<64x128xf32>
    %sub3A_725 = arith.subf %sub3A_724, %mul3A_723 : vector<64x128xf32>
    %slice3A_726 = vector.extract_strided_slice %reduce_sum3A_10 {offsets = [256], sizes = [128], strides = [1]} : vector<1024xf32> to vector<128xf32>
    %broadcast_in_dim3A_727 = vector.shape_cast %slice3A_726 : vector<128xf32> to vector<1x128xf32>
    %add3A_728 = vector.broadcast %broadcast_in_dim3A_727 : vector<1x128xf32> to vector<64x128xf32>
    %add3A_729 = arith.addf %sub3A_725, %add3A_728 : vector<64x128xf32>
    %lt3A_730 = arith.cmpf olt, %add3A_729, %select_n3A_716 : vector<64x128xf32>
    %select_n3A_731 = arith.select %lt3A_730, %add3A_729, %select_n3A_716 : vector<64x128xi1>, vector<64x128xf32>
    %jit3A_732 = arith.constant 2 : i32
    %broadcast_in_dim3A_733 = vector.broadcast %jit3A_732 : i32 to vector<64x128xi32>
    %select_n3A_734 = arith.select %lt3A_730, %broadcast_in_dim3A_733, %select_n3A_719 : vector<64x128xi1>, vector<64x128xi32>
    %slice3A_735 = vector.extract_strided_slice %dot_general3A_6 {offsets = [320, 384], sizes = [64, 128], strides = [1, 1]} : vector<1152x1024xf32> to vector<64x128xf32>
    %mul3A_736 = arith.constant 2.000000e+00 : f32
    %mul3A_737 = vector.broadcast %mul3A_736 : f32 to vector<64x128xf32>
    %mul3A_738 = arith.mulf %mul3A_737, %slice3A_735 : vector<64x128xf32>
    %sub3A_739 = vector.broadcast %slice3A_692 : vector<64x1xf32> to vector<64x128xf32>
    %sub3A_740 = arith.subf %sub3A_739, %mul3A_738 : vector<64x128xf32>
    %slice3A_741 = vector.extract_strided_slice %reduce_sum3A_10 {offsets = [384], sizes = [128], strides = [1]} : vector<1024xf32> to vector<128xf32>
    %broadcast_in_dim3A_742 = vector.shape_cast %slice3A_741 : vector<128xf32> to vector<1x128xf32>
    %add3A_743 = vector.broadcast %broadcast_in_dim3A_742 : vector<1x128xf32> to vector<64x128xf32>
    %add3A_744 = arith.addf %sub3A_740, %add3A_743 : vector<64x128xf32>
    %lt3A_745 = arith.cmpf olt, %add3A_744, %select_n3A_731 : vector<64x128xf32>
    %select_n3A_746 = arith.select %lt3A_745, %add3A_744, %select_n3A_731 : vector<64x128xi1>, vector<64x128xf32>
    %jit3A_747 = arith.constant 3 : i32
    %broadcast_in_dim3A_748 = vector.broadcast %jit3A_747 : i32 to vector<64x128xi32>
    %select_n3A_749 = arith.select %lt3A_745, %broadcast_in_dim3A_748, %select_n3A_734 : vector<64x128xi1>, vector<64x128xi32>
    %slice3A_750 = vector.extract_strided_slice %dot_general3A_6 {offsets = [320, 512], sizes = [64, 128], strides = [1, 1]} : vector<1152x1024xf32> to vector<64x128xf32>
    %mul3A_751 = arith.constant 2.000000e+00 : f32
    %mul3A_752 = vector.broadcast %mul3A_751 : f32 to vector<64x128xf32>
    %mul3A_753 = arith.mulf %mul3A_752, %slice3A_750 : vector<64x128xf32>
    %sub3A_754 = vector.broadcast %slice3A_692 : vector<64x1xf32> to vector<64x128xf32>
    %sub3A_755 = arith.subf %sub3A_754, %mul3A_753 : vector<64x128xf32>
    %slice3A_756 = vector.extract_strided_slice %reduce_sum3A_10 {offsets = [512], sizes = [128], strides = [1]} : vector<1024xf32> to vector<128xf32>
    %broadcast_in_dim3A_757 = vector.shape_cast %slice3A_756 : vector<128xf32> to vector<1x128xf32>
    %add3A_758 = vector.broadcast %broadcast_in_dim3A_757 : vector<1x128xf32> to vector<64x128xf32>
    %add3A_759 = arith.addf %sub3A_755, %add3A_758 : vector<64x128xf32>
    %lt3A_760 = arith.cmpf olt, %add3A_759, %select_n3A_746 : vector<64x128xf32>
    %select_n3A_761 = arith.select %lt3A_760, %add3A_759, %select_n3A_746 : vector<64x128xi1>, vector<64x128xf32>
    %jit3A_762 = arith.constant 4 : i32
    %broadcast_in_dim3A_763 = vector.broadcast %jit3A_762 : i32 to vector<64x128xi32>
    %select_n3A_764 = arith.select %lt3A_760, %broadcast_in_dim3A_763, %select_n3A_749 : vector<64x128xi1>, vector<64x128xi32>
    %slice3A_765 = vector.extract_strided_slice %dot_general3A_6 {offsets = [320, 640], sizes = [64, 128], strides = [1, 1]} : vector<1152x1024xf32> to vector<64x128xf32>
    %mul3A_766 = arith.constant 2.000000e+00 : f32
    %mul3A_767 = vector.broadcast %mul3A_766 : f32 to vector<64x128xf32>
    %mul3A_768 = arith.mulf %mul3A_767, %slice3A_765 : vector<64x128xf32>
    %sub3A_769 = vector.broadcast %slice3A_692 : vector<64x1xf32> to vector<64x128xf32>
    %sub3A_770 = arith.subf %sub3A_769, %mul3A_768 : vector<64x128xf32>
    %slice3A_771 = vector.extract_strided_slice %reduce_sum3A_10 {offsets = [640], sizes = [128], strides = [1]} : vector<1024xf32> to vector<128xf32>
    %broadcast_in_dim3A_772 = vector.shape_cast %slice3A_771 : vector<128xf32> to vector<1x128xf32>
    %add3A_773 = vector.broadcast %broadcast_in_dim3A_772 : vector<1x128xf32> to vector<64x128xf32>
    %add3A_774 = arith.addf %sub3A_770, %add3A_773 : vector<64x128xf32>
    %lt3A_775 = arith.cmpf olt, %add3A_774, %select_n3A_761 : vector<64x128xf32>
    %select_n3A_776 = arith.select %lt3A_775, %add3A_774, %select_n3A_761 : vector<64x128xi1>, vector<64x128xf32>
    %jit3A_777 = arith.constant 5 : i32
    %broadcast_in_dim3A_778 = vector.broadcast %jit3A_777 : i32 to vector<64x128xi32>
    %select_n3A_779 = arith.select %lt3A_775, %broadcast_in_dim3A_778, %select_n3A_764 : vector<64x128xi1>, vector<64x128xi32>
    %slice3A_780 = vector.extract_strided_slice %dot_general3A_6 {offsets = [320, 768], sizes = [64, 128], strides = [1, 1]} : vector<1152x1024xf32> to vector<64x128xf32>
    %mul3A_781 = arith.constant 2.000000e+00 : f32
    %mul3A_782 = vector.broadcast %mul3A_781 : f32 to vector<64x128xf32>
    %mul3A_783 = arith.mulf %mul3A_782, %slice3A_780 : vector<64x128xf32>
    %sub3A_784 = vector.broadcast %slice3A_692 : vector<64x1xf32> to vector<64x128xf32>
    %sub3A_785 = arith.subf %sub3A_784, %mul3A_783 : vector<64x128xf32>
    %slice3A_786 = vector.extract_strided_slice %reduce_sum3A_10 {offsets = [768], sizes = [128], strides = [1]} : vector<1024xf32> to vector<128xf32>
    %broadcast_in_dim3A_787 = vector.shape_cast %slice3A_786 : vector<128xf32> to vector<1x128xf32>
    %add3A_788 = vector.broadcast %broadcast_in_dim3A_787 : vector<1x128xf32> to vector<64x128xf32>
    %add3A_789 = arith.addf %sub3A_785, %add3A_788 : vector<64x128xf32>
    %lt3A_790 = arith.cmpf olt, %add3A_789, %select_n3A_776 : vector<64x128xf32>
    %select_n3A_791 = arith.select %lt3A_790, %add3A_789, %select_n3A_776 : vector<64x128xi1>, vector<64x128xf32>
    %jit3A_792 = arith.constant 6 : i32
    %broadcast_in_dim3A_793 = vector.broadcast %jit3A_792 : i32 to vector<64x128xi32>
    %select_n3A_794 = arith.select %lt3A_790, %broadcast_in_dim3A_793, %select_n3A_779 : vector<64x128xi1>, vector<64x128xi32>
    %slice3A_795 = vector.extract_strided_slice %dot_general3A_6 {offsets = [320, 896], sizes = [64, 128], strides = [1, 1]} : vector<1152x1024xf32> to vector<64x128xf32>
    %mul3A_796 = arith.constant 2.000000e+00 : f32
    %mul3A_797 = vector.broadcast %mul3A_796 : f32 to vector<64x128xf32>
    %mul3A_798 = arith.mulf %mul3A_797, %slice3A_795 : vector<64x128xf32>
    %sub3A_799 = vector.broadcast %slice3A_692 : vector<64x1xf32> to vector<64x128xf32>
    %sub3A_800 = arith.subf %sub3A_799, %mul3A_798 : vector<64x128xf32>
    %slice3A_801 = vector.extract_strided_slice %reduce_sum3A_10 {offsets = [896], sizes = [128], strides = [1]} : vector<1024xf32> to vector<128xf32>
    %broadcast_in_dim3A_802 = vector.shape_cast %slice3A_801 : vector<128xf32> to vector<1x128xf32>
    %add3A_803 = vector.broadcast %broadcast_in_dim3A_802 : vector<1x128xf32> to vector<64x128xf32>
    %add3A_804 = arith.addf %sub3A_800, %add3A_803 : vector<64x128xf32>
    %lt3A_805 = arith.cmpf olt, %add3A_804, %select_n3A_791 : vector<64x128xf32>
    %select_n3A_806 = arith.select %lt3A_805, %add3A_804, %select_n3A_791 : vector<64x128xi1>, vector<64x128xf32>
    %jit3A_807 = arith.constant 7 : i32
    %broadcast_in_dim3A_808 = vector.broadcast %jit3A_807 : i32 to vector<64x128xi32>
    %select_n3A_809 = arith.select %lt3A_805, %broadcast_in_dim3A_808, %select_n3A_794 : vector<64x128xi1>, vector<64x128xi32>
    %reduce_min3A_810 = arith.constant dense<0x7F800000> : vector<64xf32>
    %reduce_min3A_811 = vector.multi_reduction <minimumf>, %select_n3A_806, %reduce_min3A_810 [1] : vector<64x128xf32> to vector<64xf32>
    %broadcast_in_dim3A_812 = vector.shape_cast %reduce_min3A_811 : vector<64xf32> to vector<64x1xf32>
    %eq3A_813 = vector.broadcast %broadcast_in_dim3A_812 : vector<64x1xf32> to vector<64x128xf32>
    %eq3A_814 = arith.cmpf oeq, %select_n3A_806, %eq3A_813 : vector<64x128xf32>
    %mul3A_815 = arith.constant 128 : i32
    %mul3A_816 = vector.broadcast %mul3A_815 : i32 to vector<64x128xi32>
    %mul3A_817 = arith.muli %select_n3A_809, %mul3A_816 : vector<64x128xi32>
    %add3A_818 = arith.addi %mul3A_817, %iota3A : vector<64x128xi32>
    %jit3A_819 = arith.constant 1024 : i32
    %broadcast_in_dim3A_820 = vector.broadcast %jit3A_819 : i32 to vector<64x128xi32>
    %select_n3A_821 = arith.select %eq3A_814, %add3A_818, %broadcast_in_dim3A_820 : vector<64x128xi1>, vector<64x128xi32>
    %reduce_min3A_822 = arith.constant dense<2147483647> : vector<64xi32>
    %reduce_min3A_823 = vector.multi_reduction <minsi>, %select_n3A_821, %reduce_min3A_822 [1] : vector<64x128xi32> to vector<64xi32>
    %swap3A_824 = arith.constant 0 : index
    %swap3A_825 = arith.constant 0 : index
    %swap3A_826 = arith.constant 320 : index
    %swap3A_827 = vector.load %arg3[%swap3A_824, %swap3A_825, %swap3A_826] : memref<1x1x1152xi32, #tpu.memory_space<vmem>>, vector<1x1x64xi32>
    %swap3A_828 = vector.shape_cast %swap3A_827 : vector<1x1x64xi32> to vector<64xi32>
    %swap3A_829 = vector.shape_cast %reduce_min3A_823 : vector<64xi32> to vector<1x1x64xi32>
    tpu.vector_store %arg3[%swap3A_824, %swap3A_825, %swap3A_826], %swap3A_829 {strides = array<i32>} : memref<1x1x1152xi32, #tpu.memory_space<vmem>>, vector<1x1x64xi32>,
    %slice3A_830 = vector.extract_strided_slice %broadcast_in_dim3A {offsets = [384, 0], sizes = [64, 1], strides = [1, 1]} : vector<1152x1xf32> to vector<64x1xf32>
    %slice3A_831 = vector.extract_strided_slice %dot_general3A_6 {offsets = [384, 0], sizes = [64, 128], strides = [1, 1]} : vector<1152x1024xf32> to vector<64x128xf32>
    %mul3A_832 = arith.constant 2.000000e+00 : f32
    %mul3A_833 = vector.broadcast %mul3A_832 : f32 to vector<64x128xf32>
    %mul3A_834 = arith.mulf %mul3A_833, %slice3A_831 : vector<64x128xf32>
    %sub3A_835 = vector.broadcast %slice3A_830 : vector<64x1xf32> to vector<64x128xf32>
    %sub3A_836 = arith.subf %sub3A_835, %mul3A_834 : vector<64x128xf32>
    %slice3A_837 = vector.extract_strided_slice %reduce_sum3A_10 {offsets = [0], sizes = [128], strides = [1]} : vector<1024xf32> to vector<128xf32>
    %broadcast_in_dim3A_838 = vector.shape_cast %slice3A_837 : vector<128xf32> to vector<1x128xf32>
    %add3A_839 = vector.broadcast %broadcast_in_dim3A_838 : vector<1x128xf32> to vector<64x128xf32>
    %add3A_840 = arith.addf %sub3A_836, %add3A_839 : vector<64x128xf32>
    %broadcast_in_dim3A_841 = arith.constant 0 : i32
    %broadcast_in_dim3A_842 = vector.broadcast %broadcast_in_dim3A_841 : i32 to vector<64x128xi32>
    %slice3A_843 = vector.extract_strided_slice %dot_general3A_6 {offsets = [384, 128], sizes = [64, 128], strides = [1, 1]} : vector<1152x1024xf32> to vector<64x128xf32>
    %mul3A_844 = arith.constant 2.000000e+00 : f32
    %mul3A_845 = vector.broadcast %mul3A_844 : f32 to vector<64x128xf32>
    %mul3A_846 = arith.mulf %mul3A_845, %slice3A_843 : vector<64x128xf32>
    %sub3A_847 = vector.broadcast %slice3A_830 : vector<64x1xf32> to vector<64x128xf32>
    %sub3A_848 = arith.subf %sub3A_847, %mul3A_846 : vector<64x128xf32>
    %slice3A_849 = vector.extract_strided_slice %reduce_sum3A_10 {offsets = [128], sizes = [128], strides = [1]} : vector<1024xf32> to vector<128xf32>
    %broadcast_in_dim3A_850 = vector.shape_cast %slice3A_849 : vector<128xf32> to vector<1x128xf32>
    %add3A_851 = vector.broadcast %broadcast_in_dim3A_850 : vector<1x128xf32> to vector<64x128xf32>
    %add3A_852 = arith.addf %sub3A_848, %add3A_851 : vector<64x128xf32>
    %lt3A_853 = arith.cmpf olt, %add3A_852, %add3A_840 : vector<64x128xf32>
    %select_n3A_854 = arith.select %lt3A_853, %add3A_852, %add3A_840 : vector<64x128xi1>, vector<64x128xf32>
    %jit3A_855 = arith.constant 1 : i32
    %broadcast_in_dim3A_856 = vector.broadcast %jit3A_855 : i32 to vector<64x128xi32>
    %select_n3A_857 = arith.select %lt3A_853, %broadcast_in_dim3A_856, %broadcast_in_dim3A_842 : vector<64x128xi1>, vector<64x128xi32>
    %slice3A_858 = vector.extract_strided_slice %dot_general3A_6 {offsets = [384, 256], sizes = [64, 128], strides = [1, 1]} : vector<1152x1024xf32> to vector<64x128xf32>
    %mul3A_859 = arith.constant 2.000000e+00 : f32
    %mul3A_860 = vector.broadcast %mul3A_859 : f32 to vector<64x128xf32>
    %mul3A_861 = arith.mulf %mul3A_860, %slice3A_858 : vector<64x128xf32>
    %sub3A_862 = vector.broadcast %slice3A_830 : vector<64x1xf32> to vector<64x128xf32>
    %sub3A_863 = arith.subf %sub3A_862, %mul3A_861 : vector<64x128xf32>
    %slice3A_864 = vector.extract_strided_slice %reduce_sum3A_10 {offsets = [256], sizes = [128], strides = [1]} : vector<1024xf32> to vector<128xf32>
    %broadcast_in_dim3A_865 = vector.shape_cast %slice3A_864 : vector<128xf32> to vector<1x128xf32>
    %add3A_866 = vector.broadcast %broadcast_in_dim3A_865 : vector<1x128xf32> to vector<64x128xf32>
    %add3A_867 = arith.addf %sub3A_863, %add3A_866 : vector<64x128xf32>
    %lt3A_868 = arith.cmpf olt, %add3A_867, %select_n3A_854 : vector<64x128xf32>
    %select_n3A_869 = arith.select %lt3A_868, %add3A_867, %select_n3A_854 : vector<64x128xi1>, vector<64x128xf32>
    %jit3A_870 = arith.constant 2 : i32
    %broadcast_in_dim3A_871 = vector.broadcast %jit3A_870 : i32 to vector<64x128xi32>
    %select_n3A_872 = arith.select %lt3A_868, %broadcast_in_dim3A_871, %select_n3A_857 : vector<64x128xi1>, vector<64x128xi32>
    %slice3A_873 = vector.extract_strided_slice %dot_general3A_6 {offsets = [384, 384], sizes = [64, 128], strides = [1, 1]} : vector<1152x1024xf32> to vector<64x128xf32>
    %mul3A_874 = arith.constant 2.000000e+00 : f32
    %mul3A_875 = vector.broadcast %mul3A_874 : f32 to vector<64x128xf32>
    %mul3A_876 = arith.mulf %mul3A_875, %slice3A_873 : vector<64x128xf32>
    %sub3A_877 = vector.broadcast %slice3A_830 : vector<64x1xf32> to vector<64x128xf32>
    %sub3A_878 = arith.subf %sub3A_877, %mul3A_876 : vector<64x128xf32>
    %slice3A_879 = vector.extract_strided_slice %reduce_sum3A_10 {offsets = [384], sizes = [128], strides = [1]} : vector<1024xf32> to vector<128xf32>
    %broadcast_in_dim3A_880 = vector.shape_cast %slice3A_879 : vector<128xf32> to vector<1x128xf32>
    %add3A_881 = vector.broadcast %broadcast_in_dim3A_880 : vector<1x128xf32> to vector<64x128xf32>
    %add3A_882 = arith.addf %sub3A_878, %add3A_881 : vector<64x128xf32>
    %lt3A_883 = arith.cmpf olt, %add3A_882, %select_n3A_869 : vector<64x128xf32>
    %select_n3A_884 = arith.select %lt3A_883, %add3A_882, %select_n3A_869 : vector<64x128xi1>, vector<64x128xf32>
    %jit3A_885 = arith.constant 3 : i32
    %broadcast_in_dim3A_886 = vector.broadcast %jit3A_885 : i32 to vector<64x128xi32>
    %select_n3A_887 = arith.select %lt3A_883, %broadcast_in_dim3A_886, %select_n3A_872 : vector<64x128xi1>, vector<64x128xi32>
    %slice3A_888 = vector.extract_strided_slice %dot_general3A_6 {offsets = [384, 512], sizes = [64, 128], strides = [1, 1]} : vector<1152x1024xf32> to vector<64x128xf32>
    %mul3A_889 = arith.constant 2.000000e+00 : f32
    %mul3A_890 = vector.broadcast %mul3A_889 : f32 to vector<64x128xf32>
    %mul3A_891 = arith.mulf %mul3A_890, %slice3A_888 : vector<64x128xf32>
    %sub3A_892 = vector.broadcast %slice3A_830 : vector<64x1xf32> to vector<64x128xf32>
    %sub3A_893 = arith.subf %sub3A_892, %mul3A_891 : vector<64x128xf32>
    %slice3A_894 = vector.extract_strided_slice %reduce_sum3A_10 {offsets = [512], sizes = [128], strides = [1]} : vector<1024xf32> to vector<128xf32>
    %broadcast_in_dim3A_895 = vector.shape_cast %slice3A_894 : vector<128xf32> to vector<1x128xf32>
    %add3A_896 = vector.broadcast %broadcast_in_dim3A_895 : vector<1x128xf32> to vector<64x128xf32>
    %add3A_897 = arith.addf %sub3A_893, %add3A_896 : vector<64x128xf32>
    %lt3A_898 = arith.cmpf olt, %add3A_897, %select_n3A_884 : vector<64x128xf32>
    %select_n3A_899 = arith.select %lt3A_898, %add3A_897, %select_n3A_884 : vector<64x128xi1>, vector<64x128xf32>
    %jit3A_900 = arith.constant 4 : i32
    %broadcast_in_dim3A_901 = vector.broadcast %jit3A_900 : i32 to vector<64x128xi32>
    %select_n3A_902 = arith.select %lt3A_898, %broadcast_in_dim3A_901, %select_n3A_887 : vector<64x128xi1>, vector<64x128xi32>
    %slice3A_903 = vector.extract_strided_slice %dot_general3A_6 {offsets = [384, 640], sizes = [64, 128], strides = [1, 1]} : vector<1152x1024xf32> to vector<64x128xf32>
    %mul3A_904 = arith.constant 2.000000e+00 : f32
    %mul3A_905 = vector.broadcast %mul3A_904 : f32 to vector<64x128xf32>
    %mul3A_906 = arith.mulf %mul3A_905, %slice3A_903 : vector<64x128xf32>
    %sub3A_907 = vector.broadcast %slice3A_830 : vector<64x1xf32> to vector<64x128xf32>
    %sub3A_908 = arith.subf %sub3A_907, %mul3A_906 : vector<64x128xf32>
    %slice3A_909 = vector.extract_strided_slice %reduce_sum3A_10 {offsets = [640], sizes = [128], strides = [1]} : vector<1024xf32> to vector<128xf32>
    %broadcast_in_dim3A_910 = vector.shape_cast %slice3A_909 : vector<128xf32> to vector<1x128xf32>
    %add3A_911 = vector.broadcast %broadcast_in_dim3A_910 : vector<1x128xf32> to vector<64x128xf32>
    %add3A_912 = arith.addf %sub3A_908, %add3A_911 : vector<64x128xf32>
    %lt3A_913 = arith.cmpf olt, %add3A_912, %select_n3A_899 : vector<64x128xf32>
    %select_n3A_914 = arith.select %lt3A_913, %add3A_912, %select_n3A_899 : vector<64x128xi1>, vector<64x128xf32>
    %jit3A_915 = arith.constant 5 : i32
    %broadcast_in_dim3A_916 = vector.broadcast %jit3A_915 : i32 to vector<64x128xi32>
    %select_n3A_917 = arith.select %lt3A_913, %broadcast_in_dim3A_916, %select_n3A_902 : vector<64x128xi1>, vector<64x128xi32>
    %slice3A_918 = vector.extract_strided_slice %dot_general3A_6 {offsets = [384, 768], sizes = [64, 128], strides = [1, 1]} : vector<1152x1024xf32> to vector<64x128xf32>
    %mul3A_919 = arith.constant 2.000000e+00 : f32
    %mul3A_920 = vector.broadcast %mul3A_919 : f32 to vector<64x128xf32>
    %mul3A_921 = arith.mulf %mul3A_920, %slice3A_918 : vector<64x128xf32>
    %sub3A_922 = vector.broadcast %slice3A_830 : vector<64x1xf32> to vector<64x128xf32>
    %sub3A_923 = arith.subf %sub3A_922, %mul3A_921 : vector<64x128xf32>
    %slice3A_924 = vector.extract_strided_slice %reduce_sum3A_10 {offsets = [768], sizes = [128], strides = [1]} : vector<1024xf32> to vector<128xf32>
    %broadcast_in_dim3A_925 = vector.shape_cast %slice3A_924 : vector<128xf32> to vector<1x128xf32>
    %add3A_926 = vector.broadcast %broadcast_in_dim3A_925 : vector<1x128xf32> to vector<64x128xf32>
    %add3A_927 = arith.addf %sub3A_923, %add3A_926 : vector<64x128xf32>
    %lt3A_928 = arith.cmpf olt, %add3A_927, %select_n3A_914 : vector<64x128xf32>
    %select_n3A_929 = arith.select %lt3A_928, %add3A_927, %select_n3A_914 : vector<64x128xi1>, vector<64x128xf32>
    %jit3A_930 = arith.constant 6 : i32
    %broadcast_in_dim3A_931 = vector.broadcast %jit3A_930 : i32 to vector<64x128xi32>
    %select_n3A_932 = arith.select %lt3A_928, %broadcast_in_dim3A_931, %select_n3A_917 : vector<64x128xi1>, vector<64x128xi32>
    %slice3A_933 = vector.extract_strided_slice %dot_general3A_6 {offsets = [384, 896], sizes = [64, 128], strides = [1, 1]} : vector<1152x1024xf32> to vector<64x128xf32>
    %mul3A_934 = arith.constant 2.000000e+00 : f32
    %mul3A_935 = vector.broadcast %mul3A_934 : f32 to vector<64x128xf32>
    %mul3A_936 = arith.mulf %mul3A_935, %slice3A_933 : vector<64x128xf32>
    %sub3A_937 = vector.broadcast %slice3A_830 : vector<64x1xf32> to vector<64x128xf32>
    %sub3A_938 = arith.subf %sub3A_937, %mul3A_936 : vector<64x128xf32>
    %slice3A_939 = vector.extract_strided_slice %reduce_sum3A_10 {offsets = [896], sizes = [128], strides = [1]} : vector<1024xf32> to vector<128xf32>
    %broadcast_in_dim3A_940 = vector.shape_cast %slice3A_939 : vector<128xf32> to vector<1x128xf32>
    %add3A_941 = vector.broadcast %broadcast_in_dim3A_940 : vector<1x128xf32> to vector<64x128xf32>
    %add3A_942 = arith.addf %sub3A_938, %add3A_941 : vector<64x128xf32>
    %lt3A_943 = arith.cmpf olt, %add3A_942, %select_n3A_929 : vector<64x128xf32>
    %select_n3A_944 = arith.select %lt3A_943, %add3A_942, %select_n3A_929 : vector<64x128xi1>, vector<64x128xf32>
    %jit3A_945 = arith.constant 7 : i32
    %broadcast_in_dim3A_946 = vector.broadcast %jit3A_945 : i32 to vector<64x128xi32>
    %select_n3A_947 = arith.select %lt3A_943, %broadcast_in_dim3A_946, %select_n3A_932 : vector<64x128xi1>, vector<64x128xi32>
    %reduce_min3A_948 = arith.constant dense<0x7F800000> : vector<64xf32>
    %reduce_min3A_949 = vector.multi_reduction <minimumf>, %select_n3A_944, %reduce_min3A_948 [1] : vector<64x128xf32> to vector<64xf32>
    %broadcast_in_dim3A_950 = vector.shape_cast %reduce_min3A_949 : vector<64xf32> to vector<64x1xf32>
    %eq3A_951 = vector.broadcast %broadcast_in_dim3A_950 : vector<64x1xf32> to vector<64x128xf32>
    %eq3A_952 = arith.cmpf oeq, %select_n3A_944, %eq3A_951 : vector<64x128xf32>
    %mul3A_953 = arith.constant 128 : i32
    %mul3A_954 = vector.broadcast %mul3A_953 : i32 to vector<64x128xi32>
    %mul3A_955 = arith.muli %select_n3A_947, %mul3A_954 : vector<64x128xi32>
    %add3A_956 = arith.addi %mul3A_955, %iota3A : vector<64x128xi32>
    %jit3A_957 = arith.constant 1024 : i32
    %broadcast_in_dim3A_958 = vector.broadcast %jit3A_957 : i32 to vector<64x128xi32>
    %select_n3A_959 = arith.select %eq3A_952, %add3A_956, %broadcast_in_dim3A_958 : vector<64x128xi1>, vector<64x128xi32>
    %reduce_min3A_960 = arith.constant dense<2147483647> : vector<64xi32>
    %reduce_min3A_961 = vector.multi_reduction <minsi>, %select_n3A_959, %reduce_min3A_960 [1] : vector<64x128xi32> to vector<64xi32>
    %swap3A_962 = arith.constant 0 : index
    %swap3A_963 = arith.constant 0 : index
    %swap3A_964 = arith.constant 384 : index
    %swap3A_965 = vector.load %arg3[%swap3A_962, %swap3A_963, %swap3A_964] : memref<1x1x1152xi32, #tpu.memory_space<vmem>>, vector<1x1x64xi32>
    %swap3A_966 = vector.shape_cast %swap3A_965 : vector<1x1x64xi32> to vector<64xi32>
    %swap3A_967 = vector.shape_cast %reduce_min3A_961 : vector<64xi32> to vector<1x1x64xi32>
    tpu.vector_store %arg3[%swap3A_962, %swap3A_963, %swap3A_964], %swap3A_967 {strides = array<i32>} : memref<1x1x1152xi32, #tpu.memory_space<vmem>>, vector<1x1x64xi32>,
    %slice3A_968 = vector.extract_strided_slice %broadcast_in_dim3A {offsets = [448, 0], sizes = [64, 1], strides = [1, 1]} : vector<1152x1xf32> to vector<64x1xf32>
    %slice3A_969 = vector.extract_strided_slice %dot_general3A_6 {offsets = [448, 0], sizes = [64, 128], strides = [1, 1]} : vector<1152x1024xf32> to vector<64x128xf32>
    %mul3A_970 = arith.constant 2.000000e+00 : f32
    %mul3A_971 = vector.broadcast %mul3A_970 : f32 to vector<64x128xf32>
    %mul3A_972 = arith.mulf %mul3A_971, %slice3A_969 : vector<64x128xf32>
    %sub3A_973 = vector.broadcast %slice3A_968 : vector<64x1xf32> to vector<64x128xf32>
    %sub3A_974 = arith.subf %sub3A_973, %mul3A_972 : vector<64x128xf32>
    %slice3A_975 = vector.extract_strided_slice %reduce_sum3A_10 {offsets = [0], sizes = [128], strides = [1]} : vector<1024xf32> to vector<128xf32>
    %broadcast_in_dim3A_976 = vector.shape_cast %slice3A_975 : vector<128xf32> to vector<1x128xf32>
    %add3A_977 = vector.broadcast %broadcast_in_dim3A_976 : vector<1x128xf32> to vector<64x128xf32>
    %add3A_978 = arith.addf %sub3A_974, %add3A_977 : vector<64x128xf32>
    %broadcast_in_dim3A_979 = arith.constant 0 : i32
    %broadcast_in_dim3A_980 = vector.broadcast %broadcast_in_dim3A_979 : i32 to vector<64x128xi32>
    %slice3A_981 = vector.extract_strided_slice %dot_general3A_6 {offsets = [448, 128], sizes = [64, 128], strides = [1, 1]} : vector<1152x1024xf32> to vector<64x128xf32>
    %mul3A_982 = arith.constant 2.000000e+00 : f32
    %mul3A_983 = vector.broadcast %mul3A_982 : f32 to vector<64x128xf32>
    %mul3A_984 = arith.mulf %mul3A_983, %slice3A_981 : vector<64x128xf32>
    %sub3A_985 = vector.broadcast %slice3A_968 : vector<64x1xf32> to vector<64x128xf32>
    %sub3A_986 = arith.subf %sub3A_985, %mul3A_984 : vector<64x128xf32>
    %slice3A_987 = vector.extract_strided_slice %reduce_sum3A_10 {offsets = [128], sizes = [128], strides = [1]} : vector<1024xf32> to vector<128xf32>
    %broadcast_in_dim3A_988 = vector.shape_cast %slice3A_987 : vector<128xf32> to vector<1x128xf32>
    %add3A_989 = vector.broadcast %broadcast_in_dim3A_988 : vector<1x128xf32> to vector<64x128xf32>
    %add3A_990 = arith.addf %sub3A_986, %add3A_989 : vector<64x128xf32>
    %lt3A_991 = arith.cmpf olt, %add3A_990, %add3A_978 : vector<64x128xf32>
    %select_n3A_992 = arith.select %lt3A_991, %add3A_990, %add3A_978 : vector<64x128xi1>, vector<64x128xf32>
    %jit3A_993 = arith.constant 1 : i32
    %broadcast_in_dim3A_994 = vector.broadcast %jit3A_993 : i32 to vector<64x128xi32>
    %select_n3A_995 = arith.select %lt3A_991, %broadcast_in_dim3A_994, %broadcast_in_dim3A_980 : vector<64x128xi1>, vector<64x128xi32>
    %slice3A_996 = vector.extract_strided_slice %dot_general3A_6 {offsets = [448, 256], sizes = [64, 128], strides = [1, 1]} : vector<1152x1024xf32> to vector<64x128xf32>
    %mul3A_997 = arith.constant 2.000000e+00 : f32
    %mul3A_998 = vector.broadcast %mul3A_997 : f32 to vector<64x128xf32>
    %mul3A_999 = arith.mulf %mul3A_998, %slice3A_996 : vector<64x128xf32>
    %sub3A_1000 = vector.broadcast %slice3A_968 : vector<64x1xf32> to vector<64x128xf32>
    %sub3A_1001 = arith.subf %sub3A_1000, %mul3A_999 : vector<64x128xf32>
    %slice3A_1002 = vector.extract_strided_slice %reduce_sum3A_10 {offsets = [256], sizes = [128], strides = [1]} : vector<1024xf32> to vector<128xf32>
    %broadcast_in_dim3A_1003 = vector.shape_cast %slice3A_1002 : vector<128xf32> to vector<1x128xf32>
    %add3A_1004 = vector.broadcast %broadcast_in_dim3A_1003 : vector<1x128xf32> to vector<64x128xf32>
    %add3A_1005 = arith.addf %sub3A_1001, %add3A_1004 : vector<64x128xf32>
    %lt3A_1006 = arith.cmpf olt, %add3A_1005, %select_n3A_992 : vector<64x128xf32>
    %select_n3A_1007 = arith.select %lt3A_1006, %add3A_1005, %select_n3A_992 : vector<64x128xi1>, vector<64x128xf32>
    %jit3A_1008 = arith.constant 2 : i32
    %broadcast_in_dim3A_1009 = vector.broadcast %jit3A_1008 : i32 to vector<64x128xi32>
    %select_n3A_1010 = arith.select %lt3A_1006, %broadcast_in_dim3A_1009, %select_n3A_995 : vector<64x128xi1>, vector<64x128xi32>
    %slice3A_1011 = vector.extract_strided_slice %dot_general3A_6 {offsets = [448, 384], sizes = [64, 128], strides = [1, 1]} : vector<1152x1024xf32> to vector<64x128xf32>
    %mul3A_1012 = arith.constant 2.000000e+00 : f32
    %mul3A_1013 = vector.broadcast %mul3A_1012 : f32 to vector<64x128xf32>
    %mul3A_1014 = arith.mulf %mul3A_1013, %slice3A_1011 : vector<64x128xf32>
    %sub3A_1015 = vector.broadcast %slice3A_968 : vector<64x1xf32> to vector<64x128xf32>
    %sub3A_1016 = arith.subf %sub3A_1015, %mul3A_1014 : vector<64x128xf32>
    %slice3A_1017 = vector.extract_strided_slice %reduce_sum3A_10 {offsets = [384], sizes = [128], strides = [1]} : vector<1024xf32> to vector<128xf32>
    %broadcast_in_dim3A_1018 = vector.shape_cast %slice3A_1017 : vector<128xf32> to vector<1x128xf32>
    %add3A_1019 = vector.broadcast %broadcast_in_dim3A_1018 : vector<1x128xf32> to vector<64x128xf32>
    %add3A_1020 = arith.addf %sub3A_1016, %add3A_1019 : vector<64x128xf32>
    %lt3A_1021 = arith.cmpf olt, %add3A_1020, %select_n3A_1007 : vector<64x128xf32>
    %select_n3A_1022 = arith.select %lt3A_1021, %add3A_1020, %select_n3A_1007 : vector<64x128xi1>, vector<64x128xf32>
    %jit3A_1023 = arith.constant 3 : i32
    %broadcast_in_dim3A_1024 = vector.broadcast %jit3A_1023 : i32 to vector<64x128xi32>
    %select_n3A_1025 = arith.select %lt3A_1021, %broadcast_in_dim3A_1024, %select_n3A_1010 : vector<64x128xi1>, vector<64x128xi32>
    %slice3A_1026 = vector.extract_strided_slice %dot_general3A_6 {offsets = [448, 512], sizes = [64, 128], strides = [1, 1]} : vector<1152x1024xf32> to vector<64x128xf32>
    %mul3A_1027 = arith.constant 2.000000e+00 : f32
    %mul3A_1028 = vector.broadcast %mul3A_1027 : f32 to vector<64x128xf32>
    %mul3A_1029 = arith.mulf %mul3A_1028, %slice3A_1026 : vector<64x128xf32>
    %sub3A_1030 = vector.broadcast %slice3A_968 : vector<64x1xf32> to vector<64x128xf32>
    %sub3A_1031 = arith.subf %sub3A_1030, %mul3A_1029 : vector<64x128xf32>
    %slice3A_1032 = vector.extract_strided_slice %reduce_sum3A_10 {offsets = [512], sizes = [128], strides = [1]} : vector<1024xf32> to vector<128xf32>
    %broadcast_in_dim3A_1033 = vector.shape_cast %slice3A_1032 : vector<128xf32> to vector<1x128xf32>
    %add3A_1034 = vector.broadcast %broadcast_in_dim3A_1033 : vector<1x128xf32> to vector<64x128xf32>
    %add3A_1035 = arith.addf %sub3A_1031, %add3A_1034 : vector<64x128xf32>
    %lt3A_1036 = arith.cmpf olt, %add3A_1035, %select_n3A_1022 : vector<64x128xf32>
    %select_n3A_1037 = arith.select %lt3A_1036, %add3A_1035, %select_n3A_1022 : vector<64x128xi1>, vector<64x128xf32>
    %jit3A_1038 = arith.constant 4 : i32
    %broadcast_in_dim3A_1039 = vector.broadcast %jit3A_1038 : i32 to vector<64x128xi32>
    %select_n3A_1040 = arith.select %lt3A_1036, %broadcast_in_dim3A_1039, %select_n3A_1025 : vector<64x128xi1>, vector<64x128xi32>
    %slice3A_1041 = vector.extract_strided_slice %dot_general3A_6 {offsets = [448, 640], sizes = [64, 128], strides = [1, 1]} : vector<1152x1024xf32> to vector<64x128xf32>
    %mul3A_1042 = arith.constant 2.000000e+00 : f32
    %mul3A_1043 = vector.broadcast %mul3A_1042 : f32 to vector<64x128xf32>
    %mul3A_1044 = arith.mulf %mul3A_1043, %slice3A_1041 : vector<64x128xf32>
    %sub3A_1045 = vector.broadcast %slice3A_968 : vector<64x1xf32> to vector<64x128xf32>
    %sub3A_1046 = arith.subf %sub3A_1045, %mul3A_1044 : vector<64x128xf32>
    %slice3A_1047 = vector.extract_strided_slice %reduce_sum3A_10 {offsets = [640], sizes = [128], strides = [1]} : vector<1024xf32> to vector<128xf32>
    %broadcast_in_dim3A_1048 = vector.shape_cast %slice3A_1047 : vector<128xf32> to vector<1x128xf32>
    %add3A_1049 = vector.broadcast %broadcast_in_dim3A_1048 : vector<1x128xf32> to vector<64x128xf32>
    %add3A_1050 = arith.addf %sub3A_1046, %add3A_1049 : vector<64x128xf32>
    %lt3A_1051 = arith.cmpf olt, %add3A_1050, %select_n3A_1037 : vector<64x128xf32>
    %select_n3A_1052 = arith.select %lt3A_1051, %add3A_1050, %select_n3A_1037 : vector<64x128xi1>, vector<64x128xf32>
    %jit3A_1053 = arith.constant 5 : i32
    %broadcast_in_dim3A_1054 = vector.broadcast %jit3A_1053 : i32 to vector<64x128xi32>
    %select_n3A_1055 = arith.select %lt3A_1051, %broadcast_in_dim3A_1054, %select_n3A_1040 : vector<64x128xi1>, vector<64x128xi32>
    %slice3A_1056 = vector.extract_strided_slice %dot_general3A_6 {offsets = [448, 768], sizes = [64, 128], strides = [1, 1]} : vector<1152x1024xf32> to vector<64x128xf32>
    %mul3A_1057 = arith.constant 2.000000e+00 : f32
    %mul3A_1058 = vector.broadcast %mul3A_1057 : f32 to vector<64x128xf32>
    %mul3A_1059 = arith.mulf %mul3A_1058, %slice3A_1056 : vector<64x128xf32>
    %sub3A_1060 = vector.broadcast %slice3A_968 : vector<64x1xf32> to vector<64x128xf32>
    %sub3A_1061 = arith.subf %sub3A_1060, %mul3A_1059 : vector<64x128xf32>
    %slice3A_1062 = vector.extract_strided_slice %reduce_sum3A_10 {offsets = [768], sizes = [128], strides = [1]} : vector<1024xf32> to vector<128xf32>
    %broadcast_in_dim3A_1063 = vector.shape_cast %slice3A_1062 : vector<128xf32> to vector<1x128xf32>
    %add3A_1064 = vector.broadcast %broadcast_in_dim3A_1063 : vector<1x128xf32> to vector<64x128xf32>
    %add3A_1065 = arith.addf %sub3A_1061, %add3A_1064 : vector<64x128xf32>
    %lt3A_1066 = arith.cmpf olt, %add3A_1065, %select_n3A_1052 : vector<64x128xf32>
    %select_n3A_1067 = arith.select %lt3A_1066, %add3A_1065, %select_n3A_1052 : vector<64x128xi1>, vector<64x128xf32>
    %jit3A_1068 = arith.constant 6 : i32
    %broadcast_in_dim3A_1069 = vector.broadcast %jit3A_1068 : i32 to vector<64x128xi32>
    %select_n3A_1070 = arith.select %lt3A_1066, %broadcast_in_dim3A_1069, %select_n3A_1055 : vector<64x128xi1>, vector<64x128xi32>
    %slice3A_1071 = vector.extract_strided_slice %dot_general3A_6 {offsets = [448, 896], sizes = [64, 128], strides = [1, 1]} : vector<1152x1024xf32> to vector<64x128xf32>
    %mul3A_1072 = arith.constant 2.000000e+00 : f32
    %mul3A_1073 = vector.broadcast %mul3A_1072 : f32 to vector<64x128xf32>
    %mul3A_1074 = arith.mulf %mul3A_1073, %slice3A_1071 : vector<64x128xf32>
    %sub3A_1075 = vector.broadcast %slice3A_968 : vector<64x1xf32> to vector<64x128xf32>
    %sub3A_1076 = arith.subf %sub3A_1075, %mul3A_1074 : vector<64x128xf32>
    %slice3A_1077 = vector.extract_strided_slice %reduce_sum3A_10 {offsets = [896], sizes = [128], strides = [1]} : vector<1024xf32> to vector<128xf32>
    %broadcast_in_dim3A_1078 = vector.shape_cast %slice3A_1077 : vector<128xf32> to vector<1x128xf32>
    %add3A_1079 = vector.broadcast %broadcast_in_dim3A_1078 : vector<1x128xf32> to vector<64x128xf32>
    %add3A_1080 = arith.addf %sub3A_1076, %add3A_1079 : vector<64x128xf32>
    %lt3A_1081 = arith.cmpf olt, %add3A_1080, %select_n3A_1067 : vector<64x128xf32>
    %select_n3A_1082 = arith.select %lt3A_1081, %add3A_1080, %select_n3A_1067 : vector<64x128xi1>, vector<64x128xf32>
    %jit3A_1083 = arith.constant 7 : i32
    %broadcast_in_dim3A_1084 = vector.broadcast %jit3A_1083 : i32 to vector<64x128xi32>
    %select_n3A_1085 = arith.select %lt3A_1081, %broadcast_in_dim3A_1084, %select_n3A_1070 : vector<64x128xi1>, vector<64x128xi32>
    %reduce_min3A_1086 = arith.constant dense<0x7F800000> : vector<64xf32>
    %reduce_min3A_1087 = vector.multi_reduction <minimumf>, %select_n3A_1082, %reduce_min3A_1086 [1] : vector<64x128xf32> to vector<64xf32>
    %broadcast_in_dim3A_1088 = vector.shape_cast %reduce_min3A_1087 : vector<64xf32> to vector<64x1xf32>
    %eq3A_1089 = vector.broadcast %broadcast_in_dim3A_1088 : vector<64x1xf32> to vector<64x128xf32>
    %eq3A_1090 = arith.cmpf oeq, %select_n3A_1082, %eq3A_1089 : vector<64x128xf32>
    %mul3A_1091 = arith.constant 128 : i32
    %mul3A_1092 = vector.broadcast %mul3A_1091 : i32 to vector<64x128xi32>
    %mul3A_1093 = arith.muli %select_n3A_1085, %mul3A_1092 : vector<64x128xi32>
    %add3A_1094 = arith.addi %mul3A_1093, %iota3A : vector<64x128xi32>
    %jit3A_1095 = arith.constant 1024 : i32
    %broadcast_in_dim3A_1096 = vector.broadcast %jit3A_1095 : i32 to vector<64x128xi32>
    %select_n3A_1097 = arith.select %eq3A_1090, %add3A_1094, %broadcast_in_dim3A_1096 : vector<64x128xi1>, vector<64x128xi32>
    %reduce_min3A_1098 = arith.constant dense<2147483647> : vector<64xi32>
    %reduce_min3A_1099 = vector.multi_reduction <minsi>, %select_n3A_1097, %reduce_min3A_1098 [1] : vector<64x128xi32> to vector<64xi32>
    %swap3A_1100 = arith.constant 0 : index
    %swap3A_1101 = arith.constant 0 : index
    %swap3A_1102 = arith.constant 448 : index
    %swap3A_1103 = vector.load %arg3[%swap3A_1100, %swap3A_1101, %swap3A_1102] : memref<1x1x1152xi32, #tpu.memory_space<vmem>>, vector<1x1x64xi32>
    %swap3A_1104 = vector.shape_cast %swap3A_1103 : vector<1x1x64xi32> to vector<64xi32>
    %swap3A_1105 = vector.shape_cast %reduce_min3A_1099 : vector<64xi32> to vector<1x1x64xi32>
    tpu.vector_store %arg3[%swap3A_1100, %swap3A_1101, %swap3A_1102], %swap3A_1105 {strides = array<i32>} : memref<1x1x1152xi32, #tpu.memory_space<vmem>>, vector<1x1x64xi32>,
    %slice3A_1106 = vector.extract_strided_slice %broadcast_in_dim3A {offsets = [512, 0], sizes = [64, 1], strides = [1, 1]} : vector<1152x1xf32> to vector<64x1xf32>
    %slice3A_1107 = vector.extract_strided_slice %dot_general3A_6 {offsets = [512, 0], sizes = [64, 128], strides = [1, 1]} : vector<1152x1024xf32> to vector<64x128xf32>
    %mul3A_1108 = arith.constant 2.000000e+00 : f32
    %mul3A_1109 = vector.broadcast %mul3A_1108 : f32 to vector<64x128xf32>
    %mul3A_1110 = arith.mulf %mul3A_1109, %slice3A_1107 : vector<64x128xf32>
    %sub3A_1111 = vector.broadcast %slice3A_1106 : vector<64x1xf32> to vector<64x128xf32>
    %sub3A_1112 = arith.subf %sub3A_1111, %mul3A_1110 : vector<64x128xf32>
    %slice3A_1113 = vector.extract_strided_slice %reduce_sum3A_10 {offsets = [0], sizes = [128], strides = [1]} : vector<1024xf32> to vector<128xf32>
    %broadcast_in_dim3A_1114 = vector.shape_cast %slice3A_1113 : vector<128xf32> to vector<1x128xf32>
    %add3A_1115 = vector.broadcast %broadcast_in_dim3A_1114 : vector<1x128xf32> to vector<64x128xf32>
    %add3A_1116 = arith.addf %sub3A_1112, %add3A_1115 : vector<64x128xf32>
    %broadcast_in_dim3A_1117 = arith.constant 0 : i32
    %broadcast_in_dim3A_1118 = vector.broadcast %broadcast_in_dim3A_1117 : i32 to vector<64x128xi32>
    %slice3A_1119 = vector.extract_strided_slice %dot_general3A_6 {offsets = [512, 128], sizes = [64, 128], strides = [1, 1]} : vector<1152x1024xf32> to vector<64x128xf32>
    %mul3A_1120 = arith.constant 2.000000e+00 : f32
    %mul3A_1121 = vector.broadcast %mul3A_1120 : f32 to vector<64x128xf32>
    %mul3A_1122 = arith.mulf %mul3A_1121, %slice3A_1119 : vector<64x128xf32>
    %sub3A_1123 = vector.broadcast %slice3A_1106 : vector<64x1xf32> to vector<64x128xf32>
    %sub3A_1124 = arith.subf %sub3A_1123, %mul3A_1122 : vector<64x128xf32>
    %slice3A_1125 = vector.extract_strided_slice %reduce_sum3A_10 {offsets = [128], sizes = [128], strides = [1]} : vector<1024xf32> to vector<128xf32>
    %broadcast_in_dim3A_1126 = vector.shape_cast %slice3A_1125 : vector<128xf32> to vector<1x128xf32>
    %add3A_1127 = vector.broadcast %broadcast_in_dim3A_1126 : vector<1x128xf32> to vector<64x128xf32>
    %add3A_1128 = arith.addf %sub3A_1124, %add3A_1127 : vector<64x128xf32>
    %lt3A_1129 = arith.cmpf olt, %add3A_1128, %add3A_1116 : vector<64x128xf32>
    %select_n3A_1130 = arith.select %lt3A_1129, %add3A_1128, %add3A_1116 : vector<64x128xi1>, vector<64x128xf32>
    %jit3A_1131 = arith.constant 1 : i32
    %broadcast_in_dim3A_1132 = vector.broadcast %jit3A_1131 : i32 to vector<64x128xi32>
    %select_n3A_1133 = arith.select %lt3A_1129, %broadcast_in_dim3A_1132, %broadcast_in_dim3A_1118 : vector<64x128xi1>, vector<64x128xi32>
    %slice3A_1134 = vector.extract_strided_slice %dot_general3A_6 {offsets = [512, 256], sizes = [64, 128], strides = [1, 1]} : vector<1152x1024xf32> to vector<64x128xf32>
    %mul3A_1135 = arith.constant 2.000000e+00 : f32
    %mul3A_1136 = vector.broadcast %mul3A_1135 : f32 to vector<64x128xf32>
    %mul3A_1137 = arith.mulf %mul3A_1136, %slice3A_1134 : vector<64x128xf32>
    %sub3A_1138 = vector.broadcast %slice3A_1106 : vector<64x1xf32> to vector<64x128xf32>
    %sub3A_1139 = arith.subf %sub3A_1138, %mul3A_1137 : vector<64x128xf32>
    %slice3A_1140 = vector.extract_strided_slice %reduce_sum3A_10 {offsets = [256], sizes = [128], strides = [1]} : vector<1024xf32> to vector<128xf32>
    %broadcast_in_dim3A_1141 = vector.shape_cast %slice3A_1140 : vector<128xf32> to vector<1x128xf32>
    %add3A_1142 = vector.broadcast %broadcast_in_dim3A_1141 : vector<1x128xf32> to vector<64x128xf32>
    %add3A_1143 = arith.addf %sub3A_1139, %add3A_1142 : vector<64x128xf32>
    %lt3A_1144 = arith.cmpf olt, %add3A_1143, %select_n3A_1130 : vector<64x128xf32>
    %select_n3A_1145 = arith.select %lt3A_1144, %add3A_1143, %select_n3A_1130 : vector<64x128xi1>, vector<64x128xf32>
    %jit3A_1146 = arith.constant 2 : i32
    %broadcast_in_dim3A_1147 = vector.broadcast %jit3A_1146 : i32 to vector<64x128xi32>
    %select_n3A_1148 = arith.select %lt3A_1144, %broadcast_in_dim3A_1147, %select_n3A_1133 : vector<64x128xi1>, vector<64x128xi32>
    %slice3A_1149 = vector.extract_strided_slice %dot_general3A_6 {offsets = [512, 384], sizes = [64, 128], strides = [1, 1]} : vector<1152x1024xf32> to vector<64x128xf32>
    %mul3A_1150 = arith.constant 2.000000e+00 : f32
    %mul3A_1151 = vector.broadcast %mul3A_1150 : f32 to vector<64x128xf32>
    %mul3A_1152 = arith.mulf %mul3A_1151, %slice3A_1149 : vector<64x128xf32>
    %sub3A_1153 = vector.broadcast %slice3A_1106 : vector<64x1xf32> to vector<64x128xf32>
    %sub3A_1154 = arith.subf %sub3A_1153, %mul3A_1152 : vector<64x128xf32>
    %slice3A_1155 = vector.extract_strided_slice %reduce_sum3A_10 {offsets = [384], sizes = [128], strides = [1]} : vector<1024xf32> to vector<128xf32>
    %broadcast_in_dim3A_1156 = vector.shape_cast %slice3A_1155 : vector<128xf32> to vector<1x128xf32>
    %add3A_1157 = vector.broadcast %broadcast_in_dim3A_1156 : vector<1x128xf32> to vector<64x128xf32>
    %add3A_1158 = arith.addf %sub3A_1154, %add3A_1157 : vector<64x128xf32>
    %lt3A_1159 = arith.cmpf olt, %add3A_1158, %select_n3A_1145 : vector<64x128xf32>
    %select_n3A_1160 = arith.select %lt3A_1159, %add3A_1158, %select_n3A_1145 : vector<64x128xi1>, vector<64x128xf32>
    %jit3A_1161 = arith.constant 3 : i32
    %broadcast_in_dim3A_1162 = vector.broadcast %jit3A_1161 : i32 to vector<64x128xi32>
    %select_n3A_1163 = arith.select %lt3A_1159, %broadcast_in_dim3A_1162, %select_n3A_1148 : vector<64x128xi1>, vector<64x128xi32>
    %slice3A_1164 = vector.extract_strided_slice %dot_general3A_6 {offsets = [512, 512], sizes = [64, 128], strides = [1, 1]} : vector<1152x1024xf32> to vector<64x128xf32>
    %mul3A_1165 = arith.constant 2.000000e+00 : f32
    %mul3A_1166 = vector.broadcast %mul3A_1165 : f32 to vector<64x128xf32>
    %mul3A_1167 = arith.mulf %mul3A_1166, %slice3A_1164 : vector<64x128xf32>
    %sub3A_1168 = vector.broadcast %slice3A_1106 : vector<64x1xf32> to vector<64x128xf32>
    %sub3A_1169 = arith.subf %sub3A_1168, %mul3A_1167 : vector<64x128xf32>
    %slice3A_1170 = vector.extract_strided_slice %reduce_sum3A_10 {offsets = [512], sizes = [128], strides = [1]} : vector<1024xf32> to vector<128xf32>
    %broadcast_in_dim3A_1171 = vector.shape_cast %slice3A_1170 : vector<128xf32> to vector<1x128xf32>
    %add3A_1172 = vector.broadcast %broadcast_in_dim3A_1171 : vector<1x128xf32> to vector<64x128xf32>
    %add3A_1173 = arith.addf %sub3A_1169, %add3A_1172 : vector<64x128xf32>
    %lt3A_1174 = arith.cmpf olt, %add3A_1173, %select_n3A_1160 : vector<64x128xf32>
    %select_n3A_1175 = arith.select %lt3A_1174, %add3A_1173, %select_n3A_1160 : vector<64x128xi1>, vector<64x128xf32>
    %jit3A_1176 = arith.constant 4 : i32
    %broadcast_in_dim3A_1177 = vector.broadcast %jit3A_1176 : i32 to vector<64x128xi32>
    %select_n3A_1178 = arith.select %lt3A_1174, %broadcast_in_dim3A_1177, %select_n3A_1163 : vector<64x128xi1>, vector<64x128xi32>
    %slice3A_1179 = vector.extract_strided_slice %dot_general3A_6 {offsets = [512, 640], sizes = [64, 128], strides = [1, 1]} : vector<1152x1024xf32> to vector<64x128xf32>
    %mul3A_1180 = arith.constant 2.000000e+00 : f32
    %mul3A_1181 = vector.broadcast %mul3A_1180 : f32 to vector<64x128xf32>
    %mul3A_1182 = arith.mulf %mul3A_1181, %slice3A_1179 : vector<64x128xf32>
    %sub3A_1183 = vector.broadcast %slice3A_1106 : vector<64x1xf32> to vector<64x128xf32>
    %sub3A_1184 = arith.subf %sub3A_1183, %mul3A_1182 : vector<64x128xf32>
    %slice3A_1185 = vector.extract_strided_slice %reduce_sum3A_10 {offsets = [640], sizes = [128], strides = [1]} : vector<1024xf32> to vector<128xf32>
    %broadcast_in_dim3A_1186 = vector.shape_cast %slice3A_1185 : vector<128xf32> to vector<1x128xf32>
    %add3A_1187 = vector.broadcast %broadcast_in_dim3A_1186 : vector<1x128xf32> to vector<64x128xf32>
    %add3A_1188 = arith.addf %sub3A_1184, %add3A_1187 : vector<64x128xf32>
    %lt3A_1189 = arith.cmpf olt, %add3A_1188, %select_n3A_1175 : vector<64x128xf32>
    %select_n3A_1190 = arith.select %lt3A_1189, %add3A_1188, %select_n3A_1175 : vector<64x128xi1>, vector<64x128xf32>
    %jit3A_1191 = arith.constant 5 : i32
    %broadcast_in_dim3A_1192 = vector.broadcast %jit3A_1191 : i32 to vector<64x128xi32>
    %select_n3A_1193 = arith.select %lt3A_1189, %broadcast_in_dim3A_1192, %select_n3A_1178 : vector<64x128xi1>, vector<64x128xi32>
    %slice3A_1194 = vector.extract_strided_slice %dot_general3A_6 {offsets = [512, 768], sizes = [64, 128], strides = [1, 1]} : vector<1152x1024xf32> to vector<64x128xf32>
    %mul3A_1195 = arith.constant 2.000000e+00 : f32
    %mul3A_1196 = vector.broadcast %mul3A_1195 : f32 to vector<64x128xf32>
    %mul3A_1197 = arith.mulf %mul3A_1196, %slice3A_1194 : vector<64x128xf32>
    %sub3A_1198 = vector.broadcast %slice3A_1106 : vector<64x1xf32> to vector<64x128xf32>
    %sub3A_1199 = arith.subf %sub3A_1198, %mul3A_1197 : vector<64x128xf32>
    %slice3A_1200 = vector.extract_strided_slice %reduce_sum3A_10 {offsets = [768], sizes = [128], strides = [1]} : vector<1024xf32> to vector<128xf32>
    %broadcast_in_dim3A_1201 = vector.shape_cast %slice3A_1200 : vector<128xf32> to vector<1x128xf32>
    %add3A_1202 = vector.broadcast %broadcast_in_dim3A_1201 : vector<1x128xf32> to vector<64x128xf32>
    %add3A_1203 = arith.addf %sub3A_1199, %add3A_1202 : vector<64x128xf32>
    %lt3A_1204 = arith.cmpf olt, %add3A_1203, %select_n3A_1190 : vector<64x128xf32>
    %select_n3A_1205 = arith.select %lt3A_1204, %add3A_1203, %select_n3A_1190 : vector<64x128xi1>, vector<64x128xf32>
    %jit3A_1206 = arith.constant 6 : i32
    %broadcast_in_dim3A_1207 = vector.broadcast %jit3A_1206 : i32 to vector<64x128xi32>
    %select_n3A_1208 = arith.select %lt3A_1204, %broadcast_in_dim3A_1207, %select_n3A_1193 : vector<64x128xi1>, vector<64x128xi32>
    %slice3A_1209 = vector.extract_strided_slice %dot_general3A_6 {offsets = [512, 896], sizes = [64, 128], strides = [1, 1]} : vector<1152x1024xf32> to vector<64x128xf32>
    %mul3A_1210 = arith.constant 2.000000e+00 : f32
    %mul3A_1211 = vector.broadcast %mul3A_1210 : f32 to vector<64x128xf32>
    %mul3A_1212 = arith.mulf %mul3A_1211, %slice3A_1209 : vector<64x128xf32>
    %sub3A_1213 = vector.broadcast %slice3A_1106 : vector<64x1xf32> to vector<64x128xf32>
    %sub3A_1214 = arith.subf %sub3A_1213, %mul3A_1212 : vector<64x128xf32>
    %slice3A_1215 = vector.extract_strided_slice %reduce_sum3A_10 {offsets = [896], sizes = [128], strides = [1]} : vector<1024xf32> to vector<128xf32>
    %broadcast_in_dim3A_1216 = vector.shape_cast %slice3A_1215 : vector<128xf32> to vector<1x128xf32>
    %add3A_1217 = vector.broadcast %broadcast_in_dim3A_1216 : vector<1x128xf32> to vector<64x128xf32>
    %add3A_1218 = arith.addf %sub3A_1214, %add3A_1217 : vector<64x128xf32>
    %lt3A_1219 = arith.cmpf olt, %add3A_1218, %select_n3A_1205 : vector<64x128xf32>
    %select_n3A_1220 = arith.select %lt3A_1219, %add3A_1218, %select_n3A_1205 : vector<64x128xi1>, vector<64x128xf32>
    %jit3A_1221 = arith.constant 7 : i32
    %broadcast_in_dim3A_1222 = vector.broadcast %jit3A_1221 : i32 to vector<64x128xi32>
    %select_n3A_1223 = arith.select %lt3A_1219, %broadcast_in_dim3A_1222, %select_n3A_1208 : vector<64x128xi1>, vector<64x128xi32>
    %reduce_min3A_1224 = arith.constant dense<0x7F800000> : vector<64xf32>
    %reduce_min3A_1225 = vector.multi_reduction <minimumf>, %select_n3A_1220, %reduce_min3A_1224 [1] : vector<64x128xf32> to vector<64xf32>
    %broadcast_in_dim3A_1226 = vector.shape_cast %reduce_min3A_1225 : vector<64xf32> to vector<64x1xf32>
    %eq3A_1227 = vector.broadcast %broadcast_in_dim3A_1226 : vector<64x1xf32> to vector<64x128xf32>
    %eq3A_1228 = arith.cmpf oeq, %select_n3A_1220, %eq3A_1227 : vector<64x128xf32>
    %mul3A_1229 = arith.constant 128 : i32
    %mul3A_1230 = vector.broadcast %mul3A_1229 : i32 to vector<64x128xi32>
    %mul3A_1231 = arith.muli %select_n3A_1223, %mul3A_1230 : vector<64x128xi32>
    %add3A_1232 = arith.addi %mul3A_1231, %iota3A : vector<64x128xi32>
    %jit3A_1233 = arith.constant 1024 : i32
    %broadcast_in_dim3A_1234 = vector.broadcast %jit3A_1233 : i32 to vector<64x128xi32>
    %select_n3A_1235 = arith.select %eq3A_1228, %add3A_1232, %broadcast_in_dim3A_1234 : vector<64x128xi1>, vector<64x128xi32>
    %reduce_min3A_1236 = arith.constant dense<2147483647> : vector<64xi32>
    %reduce_min3A_1237 = vector.multi_reduction <minsi>, %select_n3A_1235, %reduce_min3A_1236 [1] : vector<64x128xi32> to vector<64xi32>
    %swap3A_1238 = arith.constant 0 : index
    %swap3A_1239 = arith.constant 0 : index
    %swap3A_1240 = arith.constant 512 : index
    %swap3A_1241 = vector.load %arg3[%swap3A_1238, %swap3A_1239, %swap3A_1240] : memref<1x1x1152xi32, #tpu.memory_space<vmem>>, vector<1x1x64xi32>
    %swap3A_1242 = vector.shape_cast %swap3A_1241 : vector<1x1x64xi32> to vector<64xi32>
    %swap3A_1243 = vector.shape_cast %reduce_min3A_1237 : vector<64xi32> to vector<1x1x64xi32>
    tpu.vector_store %arg3[%swap3A_1238, %swap3A_1239, %swap3A_1240], %swap3A_1243 {strides = array<i32>} : memref<1x1x1152xi32, #tpu.memory_space<vmem>>, vector<1x1x64xi32>,
    %slice3A_1244 = vector.extract_strided_slice %broadcast_in_dim3A {offsets = [576, 0], sizes = [64, 1], strides = [1, 1]} : vector<1152x1xf32> to vector<64x1xf32>
    %slice3A_1245 = vector.extract_strided_slice %dot_general3A_6 {offsets = [576, 0], sizes = [64, 128], strides = [1, 1]} : vector<1152x1024xf32> to vector<64x128xf32>
    %mul3A_1246 = arith.constant 2.000000e+00 : f32
    %mul3A_1247 = vector.broadcast %mul3A_1246 : f32 to vector<64x128xf32>
    %mul3A_1248 = arith.mulf %mul3A_1247, %slice3A_1245 : vector<64x128xf32>
    %sub3A_1249 = vector.broadcast %slice3A_1244 : vector<64x1xf32> to vector<64x128xf32>
    %sub3A_1250 = arith.subf %sub3A_1249, %mul3A_1248 : vector<64x128xf32>
    %slice3A_1251 = vector.extract_strided_slice %reduce_sum3A_10 {offsets = [0], sizes = [128], strides = [1]} : vector<1024xf32> to vector<128xf32>
    %broadcast_in_dim3A_1252 = vector.shape_cast %slice3A_1251 : vector<128xf32> to vector<1x128xf32>
    %add3A_1253 = vector.broadcast %broadcast_in_dim3A_1252 : vector<1x128xf32> to vector<64x128xf32>
    %add3A_1254 = arith.addf %sub3A_1250, %add3A_1253 : vector<64x128xf32>
    %broadcast_in_dim3A_1255 = arith.constant 0 : i32
    %broadcast_in_dim3A_1256 = vector.broadcast %broadcast_in_dim3A_1255 : i32 to vector<64x128xi32>
    %slice3A_1257 = vector.extract_strided_slice %dot_general3A_6 {offsets = [576, 128], sizes = [64, 128], strides = [1, 1]} : vector<1152x1024xf32> to vector<64x128xf32>
    %mul3A_1258 = arith.constant 2.000000e+00 : f32
    %mul3A_1259 = vector.broadcast %mul3A_1258 : f32 to vector<64x128xf32>
    %mul3A_1260 = arith.mulf %mul3A_1259, %slice3A_1257 : vector<64x128xf32>
    %sub3A_1261 = vector.broadcast %slice3A_1244 : vector<64x1xf32> to vector<64x128xf32>
    %sub3A_1262 = arith.subf %sub3A_1261, %mul3A_1260 : vector<64x128xf32>
    %slice3A_1263 = vector.extract_strided_slice %reduce_sum3A_10 {offsets = [128], sizes = [128], strides = [1]} : vector<1024xf32> to vector<128xf32>
    %broadcast_in_dim3A_1264 = vector.shape_cast %slice3A_1263 : vector<128xf32> to vector<1x128xf32>
    %add3A_1265 = vector.broadcast %broadcast_in_dim3A_1264 : vector<1x128xf32> to vector<64x128xf32>
    %add3A_1266 = arith.addf %sub3A_1262, %add3A_1265 : vector<64x128xf32>
    %lt3A_1267 = arith.cmpf olt, %add3A_1266, %add3A_1254 : vector<64x128xf32>
    %select_n3A_1268 = arith.select %lt3A_1267, %add3A_1266, %add3A_1254 : vector<64x128xi1>, vector<64x128xf32>
    %jit3A_1269 = arith.constant 1 : i32
    %broadcast_in_dim3A_1270 = vector.broadcast %jit3A_1269 : i32 to vector<64x128xi32>
    %select_n3A_1271 = arith.select %lt3A_1267, %broadcast_in_dim3A_1270, %broadcast_in_dim3A_1256 : vector<64x128xi1>, vector<64x128xi32>
    %slice3A_1272 = vector.extract_strided_slice %dot_general3A_6 {offsets = [576, 256], sizes = [64, 128], strides = [1, 1]} : vector<1152x1024xf32> to vector<64x128xf32>
    %mul3A_1273 = arith.constant 2.000000e+00 : f32
    %mul3A_1274 = vector.broadcast %mul3A_1273 : f32 to vector<64x128xf32>
    %mul3A_1275 = arith.mulf %mul3A_1274, %slice3A_1272 : vector<64x128xf32>
    %sub3A_1276 = vector.broadcast %slice3A_1244 : vector<64x1xf32> to vector<64x128xf32>
    %sub3A_1277 = arith.subf %sub3A_1276, %mul3A_1275 : vector<64x128xf32>
    %slice3A_1278 = vector.extract_strided_slice %reduce_sum3A_10 {offsets = [256], sizes = [128], strides = [1]} : vector<1024xf32> to vector<128xf32>
    %broadcast_in_dim3A_1279 = vector.shape_cast %slice3A_1278 : vector<128xf32> to vector<1x128xf32>
    %add3A_1280 = vector.broadcast %broadcast_in_dim3A_1279 : vector<1x128xf32> to vector<64x128xf32>
    %add3A_1281 = arith.addf %sub3A_1277, %add3A_1280 : vector<64x128xf32>
    %lt3A_1282 = arith.cmpf olt, %add3A_1281, %select_n3A_1268 : vector<64x128xf32>
    %select_n3A_1283 = arith.select %lt3A_1282, %add3A_1281, %select_n3A_1268 : vector<64x128xi1>, vector<64x128xf32>
    %jit3A_1284 = arith.constant 2 : i32
    %broadcast_in_dim3A_1285 = vector.broadcast %jit3A_1284 : i32 to vector<64x128xi32>
    %select_n3A_1286 = arith.select %lt3A_1282, %broadcast_in_dim3A_1285, %select_n3A_1271 : vector<64x128xi1>, vector<64x128xi32>
    %slice3A_1287 = vector.extract_strided_slice %dot_general3A_6 {offsets = [576, 384], sizes = [64, 128], strides = [1, 1]} : vector<1152x1024xf32> to vector<64x128xf32>
    %mul3A_1288 = arith.constant 2.000000e+00 : f32
    %mul3A_1289 = vector.broadcast %mul3A_1288 : f32 to vector<64x128xf32>
    %mul3A_1290 = arith.mulf %mul3A_1289, %slice3A_1287 : vector<64x128xf32>
    %sub3A_1291 = vector.broadcast %slice3A_1244 : vector<64x1xf32> to vector<64x128xf32>
    %sub3A_1292 = arith.subf %sub3A_1291, %mul3A_1290 : vector<64x128xf32>
    %slice3A_1293 = vector.extract_strided_slice %reduce_sum3A_10 {offsets = [384], sizes = [128], strides = [1]} : vector<1024xf32> to vector<128xf32>
    %broadcast_in_dim3A_1294 = vector.shape_cast %slice3A_1293 : vector<128xf32> to vector<1x128xf32>
    %add3A_1295 = vector.broadcast %broadcast_in_dim3A_1294 : vector<1x128xf32> to vector<64x128xf32>
    %add3A_1296 = arith.addf %sub3A_1292, %add3A_1295 : vector<64x128xf32>
    %lt3A_1297 = arith.cmpf olt, %add3A_1296, %select_n3A_1283 : vector<64x128xf32>
    %select_n3A_1298 = arith.select %lt3A_1297, %add3A_1296, %select_n3A_1283 : vector<64x128xi1>, vector<64x128xf32>
    %jit3A_1299 = arith.constant 3 : i32
    %broadcast_in_dim3A_1300 = vector.broadcast %jit3A_1299 : i32 to vector<64x128xi32>
    %select_n3A_1301 = arith.select %lt3A_1297, %broadcast_in_dim3A_1300, %select_n3A_1286 : vector<64x128xi1>, vector<64x128xi32>
    %slice3A_1302 = vector.extract_strided_slice %dot_general3A_6 {offsets = [576, 512], sizes = [64, 128], strides = [1, 1]} : vector<1152x1024xf32> to vector<64x128xf32>
    %mul3A_1303 = arith.constant 2.000000e+00 : f32
    %mul3A_1304 = vector.broadcast %mul3A_1303 : f32 to vector<64x128xf32>
    %mul3A_1305 = arith.mulf %mul3A_1304, %slice3A_1302 : vector<64x128xf32>
    %sub3A_1306 = vector.broadcast %slice3A_1244 : vector<64x1xf32> to vector<64x128xf32>
    %sub3A_1307 = arith.subf %sub3A_1306, %mul3A_1305 : vector<64x128xf32>
    %slice3A_1308 = vector.extract_strided_slice %reduce_sum3A_10 {offsets = [512], sizes = [128], strides = [1]} : vector<1024xf32> to vector<128xf32>
    %broadcast_in_dim3A_1309 = vector.shape_cast %slice3A_1308 : vector<128xf32> to vector<1x128xf32>
    %add3A_1310 = vector.broadcast %broadcast_in_dim3A_1309 : vector<1x128xf32> to vector<64x128xf32>
    %add3A_1311 = arith.addf %sub3A_1307, %add3A_1310 : vector<64x128xf32>
    %lt3A_1312 = arith.cmpf olt, %add3A_1311, %select_n3A_1298 : vector<64x128xf32>
    %select_n3A_1313 = arith.select %lt3A_1312, %add3A_1311, %select_n3A_1298 : vector<64x128xi1>, vector<64x128xf32>
    %jit3A_1314 = arith.constant 4 : i32
    %broadcast_in_dim3A_1315 = vector.broadcast %jit3A_1314 : i32 to vector<64x128xi32>
    %select_n3A_1316 = arith.select %lt3A_1312, %broadcast_in_dim3A_1315, %select_n3A_1301 : vector<64x128xi1>, vector<64x128xi32>
    %slice3A_1317 = vector.extract_strided_slice %dot_general3A_6 {offsets = [576, 640], sizes = [64, 128], strides = [1, 1]} : vector<1152x1024xf32> to vector<64x128xf32>
    %mul3A_1318 = arith.constant 2.000000e+00 : f32
    %mul3A_1319 = vector.broadcast %mul3A_1318 : f32 to vector<64x128xf32>
    %mul3A_1320 = arith.mulf %mul3A_1319, %slice3A_1317 : vector<64x128xf32>
    %sub3A_1321 = vector.broadcast %slice3A_1244 : vector<64x1xf32> to vector<64x128xf32>
    %sub3A_1322 = arith.subf %sub3A_1321, %mul3A_1320 : vector<64x128xf32>
    %slice3A_1323 = vector.extract_strided_slice %reduce_sum3A_10 {offsets = [640], sizes = [128], strides = [1]} : vector<1024xf32> to vector<128xf32>
    %broadcast_in_dim3A_1324 = vector.shape_cast %slice3A_1323 : vector<128xf32> to vector<1x128xf32>
    %add3A_1325 = vector.broadcast %broadcast_in_dim3A_1324 : vector<1x128xf32> to vector<64x128xf32>
    %add3A_1326 = arith.addf %sub3A_1322, %add3A_1325 : vector<64x128xf32>
    %lt3A_1327 = arith.cmpf olt, %add3A_1326, %select_n3A_1313 : vector<64x128xf32>
    %select_n3A_1328 = arith.select %lt3A_1327, %add3A_1326, %select_n3A_1313 : vector<64x128xi1>, vector<64x128xf32>
    %jit3A_1329 = arith.constant 5 : i32
    %broadcast_in_dim3A_1330 = vector.broadcast %jit3A_1329 : i32 to vector<64x128xi32>
    %select_n3A_1331 = arith.select %lt3A_1327, %broadcast_in_dim3A_1330, %select_n3A_1316 : vector<64x128xi1>, vector<64x128xi32>
    %slice3A_1332 = vector.extract_strided_slice %dot_general3A_6 {offsets = [576, 768], sizes = [64, 128], strides = [1, 1]} : vector<1152x1024xf32> to vector<64x128xf32>
    %mul3A_1333 = arith.constant 2.000000e+00 : f32
    %mul3A_1334 = vector.broadcast %mul3A_1333 : f32 to vector<64x128xf32>
    %mul3A_1335 = arith.mulf %mul3A_1334, %slice3A_1332 : vector<64x128xf32>
    %sub3A_1336 = vector.broadcast %slice3A_1244 : vector<64x1xf32> to vector<64x128xf32>
    %sub3A_1337 = arith.subf %sub3A_1336, %mul3A_1335 : vector<64x128xf32>
    %slice3A_1338 = vector.extract_strided_slice %reduce_sum3A_10 {offsets = [768], sizes = [128], strides = [1]} : vector<1024xf32> to vector<128xf32>
    %broadcast_in_dim3A_1339 = vector.shape_cast %slice3A_1338 : vector<128xf32> to vector<1x128xf32>
    %add3A_1340 = vector.broadcast %broadcast_in_dim3A_1339 : vector<1x128xf32> to vector<64x128xf32>
    %add3A_1341 = arith.addf %sub3A_1337, %add3A_1340 : vector<64x128xf32>
    %lt3A_1342 = arith.cmpf olt, %add3A_1341, %select_n3A_1328 : vector<64x128xf32>
    %select_n3A_1343 = arith.select %lt3A_1342, %add3A_1341, %select_n3A_1328 : vector<64x128xi1>, vector<64x128xf32>
    %jit3A_1344 = arith.constant 6 : i32
    %broadcast_in_dim3A_1345 = vector.broadcast %jit3A_1344 : i32 to vector<64x128xi32>
    %select_n3A_1346 = arith.select %lt3A_1342, %broadcast_in_dim3A_1345, %select_n3A_1331 : vector<64x128xi1>, vector<64x128xi32>
    %slice3A_1347 = vector.extract_strided_slice %dot_general3A_6 {offsets = [576, 896], sizes = [64, 128], strides = [1, 1]} : vector<1152x1024xf32> to vector<64x128xf32>
    %mul3A_1348 = arith.constant 2.000000e+00 : f32
    %mul3A_1349 = vector.broadcast %mul3A_1348 : f32 to vector<64x128xf32>
    %mul3A_1350 = arith.mulf %mul3A_1349, %slice3A_1347 : vector<64x128xf32>
    %sub3A_1351 = vector.broadcast %slice3A_1244 : vector<64x1xf32> to vector<64x128xf32>
    %sub3A_1352 = arith.subf %sub3A_1351, %mul3A_1350 : vector<64x128xf32>
    %slice3A_1353 = vector.extract_strided_slice %reduce_sum3A_10 {offsets = [896], sizes = [128], strides = [1]} : vector<1024xf32> to vector<128xf32>
    %broadcast_in_dim3A_1354 = vector.shape_cast %slice3A_1353 : vector<128xf32> to vector<1x128xf32>
    %add3A_1355 = vector.broadcast %broadcast_in_dim3A_1354 : vector<1x128xf32> to vector<64x128xf32>
    %add3A_1356 = arith.addf %sub3A_1352, %add3A_1355 : vector<64x128xf32>
    %lt3A_1357 = arith.cmpf olt, %add3A_1356, %select_n3A_1343 : vector<64x128xf32>
    %select_n3A_1358 = arith.select %lt3A_1357, %add3A_1356, %select_n3A_1343 : vector<64x128xi1>, vector<64x128xf32>
    %jit3A_1359 = arith.constant 7 : i32
    %broadcast_in_dim3A_1360 = vector.broadcast %jit3A_1359 : i32 to vector<64x128xi32>
    %select_n3A_1361 = arith.select %lt3A_1357, %broadcast_in_dim3A_1360, %select_n3A_1346 : vector<64x128xi1>, vector<64x128xi32>
    %reduce_min3A_1362 = arith.constant dense<0x7F800000> : vector<64xf32>
    %reduce_min3A_1363 = vector.multi_reduction <minimumf>, %select_n3A_1358, %reduce_min3A_1362 [1] : vector<64x128xf32> to vector<64xf32>
    %broadcast_in_dim3A_1364 = vector.shape_cast %reduce_min3A_1363 : vector<64xf32> to vector<64x1xf32>
    %eq3A_1365 = vector.broadcast %broadcast_in_dim3A_1364 : vector<64x1xf32> to vector<64x128xf32>
    %eq3A_1366 = arith.cmpf oeq, %select_n3A_1358, %eq3A_1365 : vector<64x128xf32>
    %mul3A_1367 = arith.constant 128 : i32
    %mul3A_1368 = vector.broadcast %mul3A_1367 : i32 to vector<64x128xi32>
    %mul3A_1369 = arith.muli %select_n3A_1361, %mul3A_1368 : vector<64x128xi32>
    %add3A_1370 = arith.addi %mul3A_1369, %iota3A : vector<64x128xi32>
    %jit3A_1371 = arith.constant 1024 : i32
    %broadcast_in_dim3A_1372 = vector.broadcast %jit3A_1371 : i32 to vector<64x128xi32>
    %select_n3A_1373 = arith.select %eq3A_1366, %add3A_1370, %broadcast_in_dim3A_1372 : vector<64x128xi1>, vector<64x128xi32>
    %reduce_min3A_1374 = arith.constant dense<2147483647> : vector<64xi32>
    %reduce_min3A_1375 = vector.multi_reduction <minsi>, %select_n3A_1373, %reduce_min3A_1374 [1] : vector<64x128xi32> to vector<64xi32>
    %swap3A_1376 = arith.constant 0 : index
    %swap3A_1377 = arith.constant 0 : index
    %swap3A_1378 = arith.constant 576 : index
    %swap3A_1379 = vector.load %arg3[%swap3A_1376, %swap3A_1377, %swap3A_1378] : memref<1x1x1152xi32, #tpu.memory_space<vmem>>, vector<1x1x64xi32>
    %swap3A_1380 = vector.shape_cast %swap3A_1379 : vector<1x1x64xi32> to vector<64xi32>
    %swap3A_1381 = vector.shape_cast %reduce_min3A_1375 : vector<64xi32> to vector<1x1x64xi32>
    tpu.vector_store %arg3[%swap3A_1376, %swap3A_1377, %swap3A_1378], %swap3A_1381 {strides = array<i32>} : memref<1x1x1152xi32, #tpu.memory_space<vmem>>, vector<1x1x64xi32>,
    %slice3A_1382 = vector.extract_strided_slice %broadcast_in_dim3A {offsets = [640, 0], sizes = [64, 1], strides = [1, 1]} : vector<1152x1xf32> to vector<64x1xf32>
    %slice3A_1383 = vector.extract_strided_slice %dot_general3A_6 {offsets = [640, 0], sizes = [64, 128], strides = [1, 1]} : vector<1152x1024xf32> to vector<64x128xf32>
    %mul3A_1384 = arith.constant 2.000000e+00 : f32
    %mul3A_1385 = vector.broadcast %mul3A_1384 : f32 to vector<64x128xf32>
    %mul3A_1386 = arith.mulf %mul3A_1385, %slice3A_1383 : vector<64x128xf32>
    %sub3A_1387 = vector.broadcast %slice3A_1382 : vector<64x1xf32> to vector<64x128xf32>
    %sub3A_1388 = arith.subf %sub3A_1387, %mul3A_1386 : vector<64x128xf32>
    %slice3A_1389 = vector.extract_strided_slice %reduce_sum3A_10 {offsets = [0], sizes = [128], strides = [1]} : vector<1024xf32> to vector<128xf32>
    %broadcast_in_dim3A_1390 = vector.shape_cast %slice3A_1389 : vector<128xf32> to vector<1x128xf32>
    %add3A_1391 = vector.broadcast %broadcast_in_dim3A_1390 : vector<1x128xf32> to vector<64x128xf32>
    %add3A_1392 = arith.addf %sub3A_1388, %add3A_1391 : vector<64x128xf32>
    %broadcast_in_dim3A_1393 = arith.constant 0 : i32
    %broadcast_in_dim3A_1394 = vector.broadcast %broadcast_in_dim3A_1393 : i32 to vector<64x128xi32>
    %slice3A_1395 = vector.extract_strided_slice %dot_general3A_6 {offsets = [640, 128], sizes = [64, 128], strides = [1, 1]} : vector<1152x1024xf32> to vector<64x128xf32>
    %mul3A_1396 = arith.constant 2.000000e+00 : f32
    %mul3A_1397 = vector.broadcast %mul3A_1396 : f32 to vector<64x128xf32>
    %mul3A_1398 = arith.mulf %mul3A_1397, %slice3A_1395 : vector<64x128xf32>
    %sub3A_1399 = vector.broadcast %slice3A_1382 : vector<64x1xf32> to vector<64x128xf32>
    %sub3A_1400 = arith.subf %sub3A_1399, %mul3A_1398 : vector<64x128xf32>
    %slice3A_1401 = vector.extract_strided_slice %reduce_sum3A_10 {offsets = [128], sizes = [128], strides = [1]} : vector<1024xf32> to vector<128xf32>
    %broadcast_in_dim3A_1402 = vector.shape_cast %slice3A_1401 : vector<128xf32> to vector<1x128xf32>
    %add3A_1403 = vector.broadcast %broadcast_in_dim3A_1402 : vector<1x128xf32> to vector<64x128xf32>
    %add3A_1404 = arith.addf %sub3A_1400, %add3A_1403 : vector<64x128xf32>
    %lt3A_1405 = arith.cmpf olt, %add3A_1404, %add3A_1392 : vector<64x128xf32>
    %select_n3A_1406 = arith.select %lt3A_1405, %add3A_1404, %add3A_1392 : vector<64x128xi1>, vector<64x128xf32>
    %jit3A_1407 = arith.constant 1 : i32
    %broadcast_in_dim3A_1408 = vector.broadcast %jit3A_1407 : i32 to vector<64x128xi32>
    %select_n3A_1409 = arith.select %lt3A_1405, %broadcast_in_dim3A_1408, %broadcast_in_dim3A_1394 : vector<64x128xi1>, vector<64x128xi32>
    %slice3A_1410 = vector.extract_strided_slice %dot_general3A_6 {offsets = [640, 256], sizes = [64, 128], strides = [1, 1]} : vector<1152x1024xf32> to vector<64x128xf32>
    %mul3A_1411 = arith.constant 2.000000e+00 : f32
    %mul3A_1412 = vector.broadcast %mul3A_1411 : f32 to vector<64x128xf32>
    %mul3A_1413 = arith.mulf %mul3A_1412, %slice3A_1410 : vector<64x128xf32>
    %sub3A_1414 = vector.broadcast %slice3A_1382 : vector<64x1xf32> to vector<64x128xf32>
    %sub3A_1415 = arith.subf %sub3A_1414, %mul3A_1413 : vector<64x128xf32>
    %slice3A_1416 = vector.extract_strided_slice %reduce_sum3A_10 {offsets = [256], sizes = [128], strides = [1]} : vector<1024xf32> to vector<128xf32>
    %broadcast_in_dim3A_1417 = vector.shape_cast %slice3A_1416 : vector<128xf32> to vector<1x128xf32>
    %add3A_1418 = vector.broadcast %broadcast_in_dim3A_1417 : vector<1x128xf32> to vector<64x128xf32>
    %add3A_1419 = arith.addf %sub3A_1415, %add3A_1418 : vector<64x128xf32>
    %lt3A_1420 = arith.cmpf olt, %add3A_1419, %select_n3A_1406 : vector<64x128xf32>
    %select_n3A_1421 = arith.select %lt3A_1420, %add3A_1419, %select_n3A_1406 : vector<64x128xi1>, vector<64x128xf32>
    %jit3A_1422 = arith.constant 2 : i32
    %broadcast_in_dim3A_1423 = vector.broadcast %jit3A_1422 : i32 to vector<64x128xi32>
    %select_n3A_1424 = arith.select %lt3A_1420, %broadcast_in_dim3A_1423, %select_n3A_1409 : vector<64x128xi1>, vector<64x128xi32>
    %slice3A_1425 = vector.extract_strided_slice %dot_general3A_6 {offsets = [640, 384], sizes = [64, 128], strides = [1, 1]} : vector<1152x1024xf32> to vector<64x128xf32>
    %mul3A_1426 = arith.constant 2.000000e+00 : f32
    %mul3A_1427 = vector.broadcast %mul3A_1426 : f32 to vector<64x128xf32>
    %mul3A_1428 = arith.mulf %mul3A_1427, %slice3A_1425 : vector<64x128xf32>
    %sub3A_1429 = vector.broadcast %slice3A_1382 : vector<64x1xf32> to vector<64x128xf32>
    %sub3A_1430 = arith.subf %sub3A_1429, %mul3A_1428 : vector<64x128xf32>
    %slice3A_1431 = vector.extract_strided_slice %reduce_sum3A_10 {offsets = [384], sizes = [128], strides = [1]} : vector<1024xf32> to vector<128xf32>
    %broadcast_in_dim3A_1432 = vector.shape_cast %slice3A_1431 : vector<128xf32> to vector<1x128xf32>
    %add3A_1433 = vector.broadcast %broadcast_in_dim3A_1432 : vector<1x128xf32> to vector<64x128xf32>
    %add3A_1434 = arith.addf %sub3A_1430, %add3A_1433 : vector<64x128xf32>
    %lt3A_1435 = arith.cmpf olt, %add3A_1434, %select_n3A_1421 : vector<64x128xf32>
    %select_n3A_1436 = arith.select %lt3A_1435, %add3A_1434, %select_n3A_1421 : vector<64x128xi1>, vector<64x128xf32>
    %jit3A_1437 = arith.constant 3 : i32
    %broadcast_in_dim3A_1438 = vector.broadcast %jit3A_1437 : i32 to vector<64x128xi32>
    %select_n3A_1439 = arith.select %lt3A_1435, %broadcast_in_dim3A_1438, %select_n3A_1424 : vector<64x128xi1>, vector<64x128xi32>
    %slice3A_1440 = vector.extract_strided_slice %dot_general3A_6 {offsets = [640, 512], sizes = [64, 128], strides = [1, 1]} : vector<1152x1024xf32> to vector<64x128xf32>
    %mul3A_1441 = arith.constant 2.000000e+00 : f32
    %mul3A_1442 = vector.broadcast %mul3A_1441 : f32 to vector<64x128xf32>
    %mul3A_1443 = arith.mulf %mul3A_1442, %slice3A_1440 : vector<64x128xf32>
    %sub3A_1444 = vector.broadcast %slice3A_1382 : vector<64x1xf32> to vector<64x128xf32>
    %sub3A_1445 = arith.subf %sub3A_1444, %mul3A_1443 : vector<64x128xf32>
    %slice3A_1446 = vector.extract_strided_slice %reduce_sum3A_10 {offsets = [512], sizes = [128], strides = [1]} : vector<1024xf32> to vector<128xf32>
    %broadcast_in_dim3A_1447 = vector.shape_cast %slice3A_1446 : vector<128xf32> to vector<1x128xf32>
    %add3A_1448 = vector.broadcast %broadcast_in_dim3A_1447 : vector<1x128xf32> to vector<64x128xf32>
    %add3A_1449 = arith.addf %sub3A_1445, %add3A_1448 : vector<64x128xf32>
    %lt3A_1450 = arith.cmpf olt, %add3A_1449, %select_n3A_1436 : vector<64x128xf32>
    %select_n3A_1451 = arith.select %lt3A_1450, %add3A_1449, %select_n3A_1436 : vector<64x128xi1>, vector<64x128xf32>
    %jit3A_1452 = arith.constant 4 : i32
    %broadcast_in_dim3A_1453 = vector.broadcast %jit3A_1452 : i32 to vector<64x128xi32>
    %select_n3A_1454 = arith.select %lt3A_1450, %broadcast_in_dim3A_1453, %select_n3A_1439 : vector<64x128xi1>, vector<64x128xi32>
    %slice3A_1455 = vector.extract_strided_slice %dot_general3A_6 {offsets = [640, 640], sizes = [64, 128], strides = [1, 1]} : vector<1152x1024xf32> to vector<64x128xf32>
    %mul3A_1456 = arith.constant 2.000000e+00 : f32
    %mul3A_1457 = vector.broadcast %mul3A_1456 : f32 to vector<64x128xf32>
    %mul3A_1458 = arith.mulf %mul3A_1457, %slice3A_1455 : vector<64x128xf32>
    %sub3A_1459 = vector.broadcast %slice3A_1382 : vector<64x1xf32> to vector<64x128xf32>
    %sub3A_1460 = arith.subf %sub3A_1459, %mul3A_1458 : vector<64x128xf32>
    %slice3A_1461 = vector.extract_strided_slice %reduce_sum3A_10 {offsets = [640], sizes = [128], strides = [1]} : vector<1024xf32> to vector<128xf32>
    %broadcast_in_dim3A_1462 = vector.shape_cast %slice3A_1461 : vector<128xf32> to vector<1x128xf32>
    %add3A_1463 = vector.broadcast %broadcast_in_dim3A_1462 : vector<1x128xf32> to vector<64x128xf32>
    %add3A_1464 = arith.addf %sub3A_1460, %add3A_1463 : vector<64x128xf32>
    %lt3A_1465 = arith.cmpf olt, %add3A_1464, %select_n3A_1451 : vector<64x128xf32>
    %select_n3A_1466 = arith.select %lt3A_1465, %add3A_1464, %select_n3A_1451 : vector<64x128xi1>, vector<64x128xf32>
    %jit3A_1467 = arith.constant 5 : i32
    %broadcast_in_dim3A_1468 = vector.broadcast %jit3A_1467 : i32 to vector<64x128xi32>
    %select_n3A_1469 = arith.select %lt3A_1465, %broadcast_in_dim3A_1468, %select_n3A_1454 : vector<64x128xi1>, vector<64x128xi32>
    %slice3A_1470 = vector.extract_strided_slice %dot_general3A_6 {offsets = [640, 768], sizes = [64, 128], strides = [1, 1]} : vector<1152x1024xf32> to vector<64x128xf32>
    %mul3A_1471 = arith.constant 2.000000e+00 : f32
    %mul3A_1472 = vector.broadcast %mul3A_1471 : f32 to vector<64x128xf32>
    %mul3A_1473 = arith.mulf %mul3A_1472, %slice3A_1470 : vector<64x128xf32>
    %sub3A_1474 = vector.broadcast %slice3A_1382 : vector<64x1xf32> to vector<64x128xf32>
    %sub3A_1475 = arith.subf %sub3A_1474, %mul3A_1473 : vector<64x128xf32>
    %slice3A_1476 = vector.extract_strided_slice %reduce_sum3A_10 {offsets = [768], sizes = [128], strides = [1]} : vector<1024xf32> to vector<128xf32>
    %broadcast_in_dim3A_1477 = vector.shape_cast %slice3A_1476 : vector<128xf32> to vector<1x128xf32>
    %add3A_1478 = vector.broadcast %broadcast_in_dim3A_1477 : vector<1x128xf32> to vector<64x128xf32>
    %add3A_1479 = arith.addf %sub3A_1475, %add3A_1478 : vector<64x128xf32>
    %lt3A_1480 = arith.cmpf olt, %add3A_1479, %select_n3A_1466 : vector<64x128xf32>
    %select_n3A_1481 = arith.select %lt3A_1480, %add3A_1479, %select_n3A_1466 : vector<64x128xi1>, vector<64x128xf32>
    %jit3A_1482 = arith.constant 6 : i32
    %broadcast_in_dim3A_1483 = vector.broadcast %jit3A_1482 : i32 to vector<64x128xi32>
    %select_n3A_1484 = arith.select %lt3A_1480, %broadcast_in_dim3A_1483, %select_n3A_1469 : vector<64x128xi1>, vector<64x128xi32>
    %slice3A_1485 = vector.extract_strided_slice %dot_general3A_6 {offsets = [640, 896], sizes = [64, 128], strides = [1, 1]} : vector<1152x1024xf32> to vector<64x128xf32>
    %mul3A_1486 = arith.constant 2.000000e+00 : f32
    %mul3A_1487 = vector.broadcast %mul3A_1486 : f32 to vector<64x128xf32>
    %mul3A_1488 = arith.mulf %mul3A_1487, %slice3A_1485 : vector<64x128xf32>
    %sub3A_1489 = vector.broadcast %slice3A_1382 : vector<64x1xf32> to vector<64x128xf32>
    %sub3A_1490 = arith.subf %sub3A_1489, %mul3A_1488 : vector<64x128xf32>
    %slice3A_1491 = vector.extract_strided_slice %reduce_sum3A_10 {offsets = [896], sizes = [128], strides = [1]} : vector<1024xf32> to vector<128xf32>
    %broadcast_in_dim3A_1492 = vector.shape_cast %slice3A_1491 : vector<128xf32> to vector<1x128xf32>
    %add3A_1493 = vector.broadcast %broadcast_in_dim3A_1492 : vector<1x128xf32> to vector<64x128xf32>
    %add3A_1494 = arith.addf %sub3A_1490, %add3A_1493 : vector<64x128xf32>
    %lt3A_1495 = arith.cmpf olt, %add3A_1494, %select_n3A_1481 : vector<64x128xf32>
    %select_n3A_1496 = arith.select %lt3A_1495, %add3A_1494, %select_n3A_1481 : vector<64x128xi1>, vector<64x128xf32>
    %jit3A_1497 = arith.constant 7 : i32
    %broadcast_in_dim3A_1498 = vector.broadcast %jit3A_1497 : i32 to vector<64x128xi32>
    %select_n3A_1499 = arith.select %lt3A_1495, %broadcast_in_dim3A_1498, %select_n3A_1484 : vector<64x128xi1>, vector<64x128xi32>
    %reduce_min3A_1500 = arith.constant dense<0x7F800000> : vector<64xf32>
    %reduce_min3A_1501 = vector.multi_reduction <minimumf>, %select_n3A_1496, %reduce_min3A_1500 [1] : vector<64x128xf32> to vector<64xf32>
    %broadcast_in_dim3A_1502 = vector.shape_cast %reduce_min3A_1501 : vector<64xf32> to vector<64x1xf32>
    %eq3A_1503 = vector.broadcast %broadcast_in_dim3A_1502 : vector<64x1xf32> to vector<64x128xf32>
    %eq3A_1504 = arith.cmpf oeq, %select_n3A_1496, %eq3A_1503 : vector<64x128xf32>
    %mul3A_1505 = arith.constant 128 : i32
    %mul3A_1506 = vector.broadcast %mul3A_1505 : i32 to vector<64x128xi32>
    %mul3A_1507 = arith.muli %select_n3A_1499, %mul3A_1506 : vector<64x128xi32>
    %add3A_1508 = arith.addi %mul3A_1507, %iota3A : vector<64x128xi32>
    %jit3A_1509 = arith.constant 1024 : i32
    %broadcast_in_dim3A_1510 = vector.broadcast %jit3A_1509 : i32 to vector<64x128xi32>
    %select_n3A_1511 = arith.select %eq3A_1504, %add3A_1508, %broadcast_in_dim3A_1510 : vector<64x128xi1>, vector<64x128xi32>
    %reduce_min3A_1512 = arith.constant dense<2147483647> : vector<64xi32>
    %reduce_min3A_1513 = vector.multi_reduction <minsi>, %select_n3A_1511, %reduce_min3A_1512 [1] : vector<64x128xi32> to vector<64xi32>
    %swap3A_1514 = arith.constant 0 : index
    %swap3A_1515 = arith.constant 0 : index
    %swap3A_1516 = arith.constant 640 : index
    %swap3A_1517 = vector.load %arg3[%swap3A_1514, %swap3A_1515, %swap3A_1516] : memref<1x1x1152xi32, #tpu.memory_space<vmem>>, vector<1x1x64xi32>
    %swap3A_1518 = vector.shape_cast %swap3A_1517 : vector<1x1x64xi32> to vector<64xi32>
    %swap3A_1519 = vector.shape_cast %reduce_min3A_1513 : vector<64xi32> to vector<1x1x64xi32>
    tpu.vector_store %arg3[%swap3A_1514, %swap3A_1515, %swap3A_1516], %swap3A_1519 {strides = array<i32>} : memref<1x1x1152xi32, #tpu.memory_space<vmem>>, vector<1x1x64xi32>,
    %slice3A_1520 = vector.extract_strided_slice %broadcast_in_dim3A {offsets = [704, 0], sizes = [64, 1], strides = [1, 1]} : vector<1152x1xf32> to vector<64x1xf32>
    %slice3A_1521 = vector.extract_strided_slice %dot_general3A_6 {offsets = [704, 0], sizes = [64, 128], strides = [1, 1]} : vector<1152x1024xf32> to vector<64x128xf32>
    %mul3A_1522 = arith.constant 2.000000e+00 : f32
    %mul3A_1523 = vector.broadcast %mul3A_1522 : f32 to vector<64x128xf32>
    %mul3A_1524 = arith.mulf %mul3A_1523, %slice3A_1521 : vector<64x128xf32>
    %sub3A_1525 = vector.broadcast %slice3A_1520 : vector<64x1xf32> to vector<64x128xf32>
    %sub3A_1526 = arith.subf %sub3A_1525, %mul3A_1524 : vector<64x128xf32>
    %slice3A_1527 = vector.extract_strided_slice %reduce_sum3A_10 {offsets = [0], sizes = [128], strides = [1]} : vector<1024xf32> to vector<128xf32>
    %broadcast_in_dim3A_1528 = vector.shape_cast %slice3A_1527 : vector<128xf32> to vector<1x128xf32>
    %add3A_1529 = vector.broadcast %broadcast_in_dim3A_1528 : vector<1x128xf32> to vector<64x128xf32>
    %add3A_1530 = arith.addf %sub3A_1526, %add3A_1529 : vector<64x128xf32>
    %broadcast_in_dim3A_1531 = arith.constant 0 : i32
    %broadcast_in_dim3A_1532 = vector.broadcast %broadcast_in_dim3A_1531 : i32 to vector<64x128xi32>
    %slice3A_1533 = vector.extract_strided_slice %dot_general3A_6 {offsets = [704, 128], sizes = [64, 128], strides = [1, 1]} : vector<1152x1024xf32> to vector<64x128xf32>
    %mul3A_1534 = arith.constant 2.000000e+00 : f32
    %mul3A_1535 = vector.broadcast %mul3A_1534 : f32 to vector<64x128xf32>
    %mul3A_1536 = arith.mulf %mul3A_1535, %slice3A_1533 : vector<64x128xf32>
    %sub3A_1537 = vector.broadcast %slice3A_1520 : vector<64x1xf32> to vector<64x128xf32>
    %sub3A_1538 = arith.subf %sub3A_1537, %mul3A_1536 : vector<64x128xf32>
    %slice3A_1539 = vector.extract_strided_slice %reduce_sum3A_10 {offsets = [128], sizes = [128], strides = [1]} : vector<1024xf32> to vector<128xf32>
    %broadcast_in_dim3A_1540 = vector.shape_cast %slice3A_1539 : vector<128xf32> to vector<1x128xf32>
    %add3A_1541 = vector.broadcast %broadcast_in_dim3A_1540 : vector<1x128xf32> to vector<64x128xf32>
    %add3A_1542 = arith.addf %sub3A_1538, %add3A_1541 : vector<64x128xf32>
    %lt3A_1543 = arith.cmpf olt, %add3A_1542, %add3A_1530 : vector<64x128xf32>
    %select_n3A_1544 = arith.select %lt3A_1543, %add3A_1542, %add3A_1530 : vector<64x128xi1>, vector<64x128xf32>
    %jit3A_1545 = arith.constant 1 : i32
    %broadcast_in_dim3A_1546 = vector.broadcast %jit3A_1545 : i32 to vector<64x128xi32>
    %select_n3A_1547 = arith.select %lt3A_1543, %broadcast_in_dim3A_1546, %broadcast_in_dim3A_1532 : vector<64x128xi1>, vector<64x128xi32>
    %slice3A_1548 = vector.extract_strided_slice %dot_general3A_6 {offsets = [704, 256], sizes = [64, 128], strides = [1, 1]} : vector<1152x1024xf32> to vector<64x128xf32>
    %mul3A_1549 = arith.constant 2.000000e+00 : f32
    %mul3A_1550 = vector.broadcast %mul3A_1549 : f32 to vector<64x128xf32>
    %mul3A_1551 = arith.mulf %mul3A_1550, %slice3A_1548 : vector<64x128xf32>
    %sub3A_1552 = vector.broadcast %slice3A_1520 : vector<64x1xf32> to vector<64x128xf32>
    %sub3A_1553 = arith.subf %sub3A_1552, %mul3A_1551 : vector<64x128xf32>
    %slice3A_1554 = vector.extract_strided_slice %reduce_sum3A_10 {offsets = [256], sizes = [128], strides = [1]} : vector<1024xf32> to vector<128xf32>
    %broadcast_in_dim3A_1555 = vector.shape_cast %slice3A_1554 : vector<128xf32> to vector<1x128xf32>
    %add3A_1556 = vector.broadcast %broadcast_in_dim3A_1555 : vector<1x128xf32> to vector<64x128xf32>
    %add3A_1557 = arith.addf %sub3A_1553, %add3A_1556 : vector<64x128xf32>
    %lt3A_1558 = arith.cmpf olt, %add3A_1557, %select_n3A_1544 : vector<64x128xf32>
    %select_n3A_1559 = arith.select %lt3A_1558, %add3A_1557, %select_n3A_1544 : vector<64x128xi1>, vector<64x128xf32>
    %jit3A_1560 = arith.constant 2 : i32
    %broadcast_in_dim3A_1561 = vector.broadcast %jit3A_1560 : i32 to vector<64x128xi32>
    %select_n3A_1562 = arith.select %lt3A_1558, %broadcast_in_dim3A_1561, %select_n3A_1547 : vector<64x128xi1>, vector<64x128xi32>
    %slice3A_1563 = vector.extract_strided_slice %dot_general3A_6 {offsets = [704, 384], sizes = [64, 128], strides = [1, 1]} : vector<1152x1024xf32> to vector<64x128xf32>
    %mul3A_1564 = arith.constant 2.000000e+00 : f32
    %mul3A_1565 = vector.broadcast %mul3A_1564 : f32 to vector<64x128xf32>
    %mul3A_1566 = arith.mulf %mul3A_1565, %slice3A_1563 : vector<64x128xf32>
    %sub3A_1567 = vector.broadcast %slice3A_1520 : vector<64x1xf32> to vector<64x128xf32>
    %sub3A_1568 = arith.subf %sub3A_1567, %mul3A_1566 : vector<64x128xf32>
    %slice3A_1569 = vector.extract_strided_slice %reduce_sum3A_10 {offsets = [384], sizes = [128], strides = [1]} : vector<1024xf32> to vector<128xf32>
    %broadcast_in_dim3A_1570 = vector.shape_cast %slice3A_1569 : vector<128xf32> to vector<1x128xf32>
    %add3A_1571 = vector.broadcast %broadcast_in_dim3A_1570 : vector<1x128xf32> to vector<64x128xf32>
    %add3A_1572 = arith.addf %sub3A_1568, %add3A_1571 : vector<64x128xf32>
    %lt3A_1573 = arith.cmpf olt, %add3A_1572, %select_n3A_1559 : vector<64x128xf32>
    %select_n3A_1574 = arith.select %lt3A_1573, %add3A_1572, %select_n3A_1559 : vector<64x128xi1>, vector<64x128xf32>
    %jit3A_1575 = arith.constant 3 : i32
    %broadcast_in_dim3A_1576 = vector.broadcast %jit3A_1575 : i32 to vector<64x128xi32>
    %select_n3A_1577 = arith.select %lt3A_1573, %broadcast_in_dim3A_1576, %select_n3A_1562 : vector<64x128xi1>, vector<64x128xi32>
    %slice3A_1578 = vector.extract_strided_slice %dot_general3A_6 {offsets = [704, 512], sizes = [64, 128], strides = [1, 1]} : vector<1152x1024xf32> to vector<64x128xf32>
    %mul3A_1579 = arith.constant 2.000000e+00 : f32
    %mul3A_1580 = vector.broadcast %mul3A_1579 : f32 to vector<64x128xf32>
    %mul3A_1581 = arith.mulf %mul3A_1580, %slice3A_1578 : vector<64x128xf32>
    %sub3A_1582 = vector.broadcast %slice3A_1520 : vector<64x1xf32> to vector<64x128xf32>
    %sub3A_1583 = arith.subf %sub3A_1582, %mul3A_1581 : vector<64x128xf32>
    %slice3A_1584 = vector.extract_strided_slice %reduce_sum3A_10 {offsets = [512], sizes = [128], strides = [1]} : vector<1024xf32> to vector<128xf32>
    %broadcast_in_dim3A_1585 = vector.shape_cast %slice3A_1584 : vector<128xf32> to vector<1x128xf32>
    %add3A_1586 = vector.broadcast %broadcast_in_dim3A_1585 : vector<1x128xf32> to vector<64x128xf32>
    %add3A_1587 = arith.addf %sub3A_1583, %add3A_1586 : vector<64x128xf32>
    %lt3A_1588 = arith.cmpf olt, %add3A_1587, %select_n3A_1574 : vector<64x128xf32>
    %select_n3A_1589 = arith.select %lt3A_1588, %add3A_1587, %select_n3A_1574 : vector<64x128xi1>, vector<64x128xf32>
    %jit3A_1590 = arith.constant 4 : i32
    %broadcast_in_dim3A_1591 = vector.broadcast %jit3A_1590 : i32 to vector<64x128xi32>
    %select_n3A_1592 = arith.select %lt3A_1588, %broadcast_in_dim3A_1591, %select_n3A_1577 : vector<64x128xi1>, vector<64x128xi32>
    %slice3A_1593 = vector.extract_strided_slice %dot_general3A_6 {offsets = [704, 640], sizes = [64, 128], strides = [1, 1]} : vector<1152x1024xf32> to vector<64x128xf32>
    %mul3A_1594 = arith.constant 2.000000e+00 : f32
    %mul3A_1595 = vector.broadcast %mul3A_1594 : f32 to vector<64x128xf32>
    %mul3A_1596 = arith.mulf %mul3A_1595, %slice3A_1593 : vector<64x128xf32>
    %sub3A_1597 = vector.broadcast %slice3A_1520 : vector<64x1xf32> to vector<64x128xf32>
    %sub3A_1598 = arith.subf %sub3A_1597, %mul3A_1596 : vector<64x128xf32>
    %slice3A_1599 = vector.extract_strided_slice %reduce_sum3A_10 {offsets = [640], sizes = [128], strides = [1]} : vector<1024xf32> to vector<128xf32>
    %broadcast_in_dim3A_1600 = vector.shape_cast %slice3A_1599 : vector<128xf32> to vector<1x128xf32>
    %add3A_1601 = vector.broadcast %broadcast_in_dim3A_1600 : vector<1x128xf32> to vector<64x128xf32>
    %add3A_1602 = arith.addf %sub3A_1598, %add3A_1601 : vector<64x128xf32>
    %lt3A_1603 = arith.cmpf olt, %add3A_1602, %select_n3A_1589 : vector<64x128xf32>
    %select_n3A_1604 = arith.select %lt3A_1603, %add3A_1602, %select_n3A_1589 : vector<64x128xi1>, vector<64x128xf32>
    %jit3A_1605 = arith.constant 5 : i32
    %broadcast_in_dim3A_1606 = vector.broadcast %jit3A_1605 : i32 to vector<64x128xi32>
    %select_n3A_1607 = arith.select %lt3A_1603, %broadcast_in_dim3A_1606, %select_n3A_1592 : vector<64x128xi1>, vector<64x128xi32>
    %slice3A_1608 = vector.extract_strided_slice %dot_general3A_6 {offsets = [704, 768], sizes = [64, 128], strides = [1, 1]} : vector<1152x1024xf32> to vector<64x128xf32>
    %mul3A_1609 = arith.constant 2.000000e+00 : f32
    %mul3A_1610 = vector.broadcast %mul3A_1609 : f32 to vector<64x128xf32>
    %mul3A_1611 = arith.mulf %mul3A_1610, %slice3A_1608 : vector<64x128xf32>
    %sub3A_1612 = vector.broadcast %slice3A_1520 : vector<64x1xf32> to vector<64x128xf32>
    %sub3A_1613 = arith.subf %sub3A_1612, %mul3A_1611 : vector<64x128xf32>
    %slice3A_1614 = vector.extract_strided_slice %reduce_sum3A_10 {offsets = [768], sizes = [128], strides = [1]} : vector<1024xf32> to vector<128xf32>
    %broadcast_in_dim3A_1615 = vector.shape_cast %slice3A_1614 : vector<128xf32> to vector<1x128xf32>
    %add3A_1616 = vector.broadcast %broadcast_in_dim3A_1615 : vector<1x128xf32> to vector<64x128xf32>
    %add3A_1617 = arith.addf %sub3A_1613, %add3A_1616 : vector<64x128xf32>
    %lt3A_1618 = arith.cmpf olt, %add3A_1617, %select_n3A_1604 : vector<64x128xf32>
    %select_n3A_1619 = arith.select %lt3A_1618, %add3A_1617, %select_n3A_1604 : vector<64x128xi1>, vector<64x128xf32>
    %jit3A_1620 = arith.constant 6 : i32
    %broadcast_in_dim3A_1621 = vector.broadcast %jit3A_1620 : i32 to vector<64x128xi32>
    %select_n3A_1622 = arith.select %lt3A_1618, %broadcast_in_dim3A_1621, %select_n3A_1607 : vector<64x128xi1>, vector<64x128xi32>
    %slice3A_1623 = vector.extract_strided_slice %dot_general3A_6 {offsets = [704, 896], sizes = [64, 128], strides = [1, 1]} : vector<1152x1024xf32> to vector<64x128xf32>
    %mul3A_1624 = arith.constant 2.000000e+00 : f32
    %mul3A_1625 = vector.broadcast %mul3A_1624 : f32 to vector<64x128xf32>
    %mul3A_1626 = arith.mulf %mul3A_1625, %slice3A_1623 : vector<64x128xf32>
    %sub3A_1627 = vector.broadcast %slice3A_1520 : vector<64x1xf32> to vector<64x128xf32>
    %sub3A_1628 = arith.subf %sub3A_1627, %mul3A_1626 : vector<64x128xf32>
    %slice3A_1629 = vector.extract_strided_slice %reduce_sum3A_10 {offsets = [896], sizes = [128], strides = [1]} : vector<1024xf32> to vector<128xf32>
    %broadcast_in_dim3A_1630 = vector.shape_cast %slice3A_1629 : vector<128xf32> to vector<1x128xf32>
    %add3A_1631 = vector.broadcast %broadcast_in_dim3A_1630 : vector<1x128xf32> to vector<64x128xf32>
    %add3A_1632 = arith.addf %sub3A_1628, %add3A_1631 : vector<64x128xf32>
    %lt3A_1633 = arith.cmpf olt, %add3A_1632, %select_n3A_1619 : vector<64x128xf32>
    %select_n3A_1634 = arith.select %lt3A_1633, %add3A_1632, %select_n3A_1619 : vector<64x128xi1>, vector<64x128xf32>
    %jit3A_1635 = arith.constant 7 : i32
    %broadcast_in_dim3A_1636 = vector.broadcast %jit3A_1635 : i32 to vector<64x128xi32>
    %select_n3A_1637 = arith.select %lt3A_1633, %broadcast_in_dim3A_1636, %select_n3A_1622 : vector<64x128xi1>, vector<64x128xi32>
    %reduce_min3A_1638 = arith.constant dense<0x7F800000> : vector<64xf32>
    %reduce_min3A_1639 = vector.multi_reduction <minimumf>, %select_n3A_1634, %reduce_min3A_1638 [1] : vector<64x128xf32> to vector<64xf32>
    %broadcast_in_dim3A_1640 = vector.shape_cast %reduce_min3A_1639 : vector<64xf32> to vector<64x1xf32>
    %eq3A_1641 = vector.broadcast %broadcast_in_dim3A_1640 : vector<64x1xf32> to vector<64x128xf32>
    %eq3A_1642 = arith.cmpf oeq, %select_n3A_1634, %eq3A_1641 : vector<64x128xf32>
    %mul3A_1643 = arith.constant 128 : i32
    %mul3A_1644 = vector.broadcast %mul3A_1643 : i32 to vector<64x128xi32>
    %mul3A_1645 = arith.muli %select_n3A_1637, %mul3A_1644 : vector<64x128xi32>
    %add3A_1646 = arith.addi %mul3A_1645, %iota3A : vector<64x128xi32>
    %jit3A_1647 = arith.constant 1024 : i32
    %broadcast_in_dim3A_1648 = vector.broadcast %jit3A_1647 : i32 to vector<64x128xi32>
    %select_n3A_1649 = arith.select %eq3A_1642, %add3A_1646, %broadcast_in_dim3A_1648 : vector<64x128xi1>, vector<64x128xi32>
    %reduce_min3A_1650 = arith.constant dense<2147483647> : vector<64xi32>
    %reduce_min3A_1651 = vector.multi_reduction <minsi>, %select_n3A_1649, %reduce_min3A_1650 [1] : vector<64x128xi32> to vector<64xi32>
    %swap3A_1652 = arith.constant 0 : index
    %swap3A_1653 = arith.constant 0 : index
    %swap3A_1654 = arith.constant 704 : index
    %swap3A_1655 = vector.load %arg3[%swap3A_1652, %swap3A_1653, %swap3A_1654] : memref<1x1x1152xi32, #tpu.memory_space<vmem>>, vector<1x1x64xi32>
    %swap3A_1656 = vector.shape_cast %swap3A_1655 : vector<1x1x64xi32> to vector<64xi32>
    %swap3A_1657 = vector.shape_cast %reduce_min3A_1651 : vector<64xi32> to vector<1x1x64xi32>
    tpu.vector_store %arg3[%swap3A_1652, %swap3A_1653, %swap3A_1654], %swap3A_1657 {strides = array<i32>} : memref<1x1x1152xi32, #tpu.memory_space<vmem>>, vector<1x1x64xi32>,
    %slice3A_1658 = vector.extract_strided_slice %broadcast_in_dim3A {offsets = [768, 0], sizes = [64, 1], strides = [1, 1]} : vector<1152x1xf32> to vector<64x1xf32>
    %slice3A_1659 = vector.extract_strided_slice %dot_general3A_6 {offsets = [768, 0], sizes = [64, 128], strides = [1, 1]} : vector<1152x1024xf32> to vector<64x128xf32>
    %mul3A_1660 = arith.constant 2.000000e+00 : f32
    %mul3A_1661 = vector.broadcast %mul3A_1660 : f32 to vector<64x128xf32>
    %mul3A_1662 = arith.mulf %mul3A_1661, %slice3A_1659 : vector<64x128xf32>
    %sub3A_1663 = vector.broadcast %slice3A_1658 : vector<64x1xf32> to vector<64x128xf32>
    %sub3A_1664 = arith.subf %sub3A_1663, %mul3A_1662 : vector<64x128xf32>
    %slice3A_1665 = vector.extract_strided_slice %reduce_sum3A_10 {offsets = [0], sizes = [128], strides = [1]} : vector<1024xf32> to vector<128xf32>
    %broadcast_in_dim3A_1666 = vector.shape_cast %slice3A_1665 : vector<128xf32> to vector<1x128xf32>
    %add3A_1667 = vector.broadcast %broadcast_in_dim3A_1666 : vector<1x128xf32> to vector<64x128xf32>
    %add3A_1668 = arith.addf %sub3A_1664, %add3A_1667 : vector<64x128xf32>
    %broadcast_in_dim3A_1669 = arith.constant 0 : i32
    %broadcast_in_dim3A_1670 = vector.broadcast %broadcast_in_dim3A_1669 : i32 to vector<64x128xi32>
    %slice3A_1671 = vector.extract_strided_slice %dot_general3A_6 {offsets = [768, 128], sizes = [64, 128], strides = [1, 1]} : vector<1152x1024xf32> to vector<64x128xf32>
    %mul3A_1672 = arith.constant 2.000000e+00 : f32
    %mul3A_1673 = vector.broadcast %mul3A_1672 : f32 to vector<64x128xf32>
    %mul3A_1674 = arith.mulf %mul3A_1673, %slice3A_1671 : vector<64x128xf32>
    %sub3A_1675 = vector.broadcast %slice3A_1658 : vector<64x1xf32> to vector<64x128xf32>
    %sub3A_1676 = arith.subf %sub3A_1675, %mul3A_1674 : vector<64x128xf32>
    %slice3A_1677 = vector.extract_strided_slice %reduce_sum3A_10 {offsets = [128], sizes = [128], strides = [1]} : vector<1024xf32> to vector<128xf32>
    %broadcast_in_dim3A_1678 = vector.shape_cast %slice3A_1677 : vector<128xf32> to vector<1x128xf32>
    %add3A_1679 = vector.broadcast %broadcast_in_dim3A_1678 : vector<1x128xf32> to vector<64x128xf32>
    %add3A_1680 = arith.addf %sub3A_1676, %add3A_1679 : vector<64x128xf32>
    %lt3A_1681 = arith.cmpf olt, %add3A_1680, %add3A_1668 : vector<64x128xf32>
    %select_n3A_1682 = arith.select %lt3A_1681, %add3A_1680, %add3A_1668 : vector<64x128xi1>, vector<64x128xf32>
    %jit3A_1683 = arith.constant 1 : i32
    %broadcast_in_dim3A_1684 = vector.broadcast %jit3A_1683 : i32 to vector<64x128xi32>
    %select_n3A_1685 = arith.select %lt3A_1681, %broadcast_in_dim3A_1684, %broadcast_in_dim3A_1670 : vector<64x128xi1>, vector<64x128xi32>
    %slice3A_1686 = vector.extract_strided_slice %dot_general3A_6 {offsets = [768, 256], sizes = [64, 128], strides = [1, 1]} : vector<1152x1024xf32> to vector<64x128xf32>
    %mul3A_1687 = arith.constant 2.000000e+00 : f32
    %mul3A_1688 = vector.broadcast %mul3A_1687 : f32 to vector<64x128xf32>
    %mul3A_1689 = arith.mulf %mul3A_1688, %slice3A_1686 : vector<64x128xf32>
    %sub3A_1690 = vector.broadcast %slice3A_1658 : vector<64x1xf32> to vector<64x128xf32>
    %sub3A_1691 = arith.subf %sub3A_1690, %mul3A_1689 : vector<64x128xf32>
    %slice3A_1692 = vector.extract_strided_slice %reduce_sum3A_10 {offsets = [256], sizes = [128], strides = [1]} : vector<1024xf32> to vector<128xf32>
    %broadcast_in_dim3A_1693 = vector.shape_cast %slice3A_1692 : vector<128xf32> to vector<1x128xf32>
    %add3A_1694 = vector.broadcast %broadcast_in_dim3A_1693 : vector<1x128xf32> to vector<64x128xf32>
    %add3A_1695 = arith.addf %sub3A_1691, %add3A_1694 : vector<64x128xf32>
    %lt3A_1696 = arith.cmpf olt, %add3A_1695, %select_n3A_1682 : vector<64x128xf32>
    %select_n3A_1697 = arith.select %lt3A_1696, %add3A_1695, %select_n3A_1682 : vector<64x128xi1>, vector<64x128xf32>
    %jit3A_1698 = arith.constant 2 : i32
    %broadcast_in_dim3A_1699 = vector.broadcast %jit3A_1698 : i32 to vector<64x128xi32>
    %select_n3A_1700 = arith.select %lt3A_1696, %broadcast_in_dim3A_1699, %select_n3A_1685 : vector<64x128xi1>, vector<64x128xi32>
    %slice3A_1701 = vector.extract_strided_slice %dot_general3A_6 {offsets = [768, 384], sizes = [64, 128], strides = [1, 1]} : vector<1152x1024xf32> to vector<64x128xf32>
    %mul3A_1702 = arith.constant 2.000000e+00 : f32
    %mul3A_1703 = vector.broadcast %mul3A_1702 : f32 to vector<64x128xf32>
    %mul3A_1704 = arith.mulf %mul3A_1703, %slice3A_1701 : vector<64x128xf32>
    %sub3A_1705 = vector.broadcast %slice3A_1658 : vector<64x1xf32> to vector<64x128xf32>
    %sub3A_1706 = arith.subf %sub3A_1705, %mul3A_1704 : vector<64x128xf32>
    %slice3A_1707 = vector.extract_strided_slice %reduce_sum3A_10 {offsets = [384], sizes = [128], strides = [1]} : vector<1024xf32> to vector<128xf32>
    %broadcast_in_dim3A_1708 = vector.shape_cast %slice3A_1707 : vector<128xf32> to vector<1x128xf32>
    %add3A_1709 = vector.broadcast %broadcast_in_dim3A_1708 : vector<1x128xf32> to vector<64x128xf32>
    %add3A_1710 = arith.addf %sub3A_1706, %add3A_1709 : vector<64x128xf32>
    %lt3A_1711 = arith.cmpf olt, %add3A_1710, %select_n3A_1697 : vector<64x128xf32>
    %select_n3A_1712 = arith.select %lt3A_1711, %add3A_1710, %select_n3A_1697 : vector<64x128xi1>, vector<64x128xf32>
    %jit3A_1713 = arith.constant 3 : i32
    %broadcast_in_dim3A_1714 = vector.broadcast %jit3A_1713 : i32 to vector<64x128xi32>
    %select_n3A_1715 = arith.select %lt3A_1711, %broadcast_in_dim3A_1714, %select_n3A_1700 : vector<64x128xi1>, vector<64x128xi32>
    %slice3A_1716 = vector.extract_strided_slice %dot_general3A_6 {offsets = [768, 512], sizes = [64, 128], strides = [1, 1]} : vector<1152x1024xf32> to vector<64x128xf32>
    %mul3A_1717 = arith.constant 2.000000e+00 : f32
    %mul3A_1718 = vector.broadcast %mul3A_1717 : f32 to vector<64x128xf32>
    %mul3A_1719 = arith.mulf %mul3A_1718, %slice3A_1716 : vector<64x128xf32>
    %sub3A_1720 = vector.broadcast %slice3A_1658 : vector<64x1xf32> to vector<64x128xf32>
    %sub3A_1721 = arith.subf %sub3A_1720, %mul3A_1719 : vector<64x128xf32>
    %slice3A_1722 = vector.extract_strided_slice %reduce_sum3A_10 {offsets = [512], sizes = [128], strides = [1]} : vector<1024xf32> to vector<128xf32>
    %broadcast_in_dim3A_1723 = vector.shape_cast %slice3A_1722 : vector<128xf32> to vector<1x128xf32>
    %add3A_1724 = vector.broadcast %broadcast_in_dim3A_1723 : vector<1x128xf32> to vector<64x128xf32>
    %add3A_1725 = arith.addf %sub3A_1721, %add3A_1724 : vector<64x128xf32>
    %lt3A_1726 = arith.cmpf olt, %add3A_1725, %select_n3A_1712 : vector<64x128xf32>
    %select_n3A_1727 = arith.select %lt3A_1726, %add3A_1725, %select_n3A_1712 : vector<64x128xi1>, vector<64x128xf32>
    %jit3A_1728 = arith.constant 4 : i32
    %broadcast_in_dim3A_1729 = vector.broadcast %jit3A_1728 : i32 to vector<64x128xi32>
    %select_n3A_1730 = arith.select %lt3A_1726, %broadcast_in_dim3A_1729, %select_n3A_1715 : vector<64x128xi1>, vector<64x128xi32>
    %slice3A_1731 = vector.extract_strided_slice %dot_general3A_6 {offsets = [768, 640], sizes = [64, 128], strides = [1, 1]} : vector<1152x1024xf32> to vector<64x128xf32>
    %mul3A_1732 = arith.constant 2.000000e+00 : f32
    %mul3A_1733 = vector.broadcast %mul3A_1732 : f32 to vector<64x128xf32>
    %mul3A_1734 = arith.mulf %mul3A_1733, %slice3A_1731 : vector<64x128xf32>
    %sub3A_1735 = vector.broadcast %slice3A_1658 : vector<64x1xf32> to vector<64x128xf32>
    %sub3A_1736 = arith.subf %sub3A_1735, %mul3A_1734 : vector<64x128xf32>
    %slice3A_1737 = vector.extract_strided_slice %reduce_sum3A_10 {offsets = [640], sizes = [128], strides = [1]} : vector<1024xf32> to vector<128xf32>
    %broadcast_in_dim3A_1738 = vector.shape_cast %slice3A_1737 : vector<128xf32> to vector<1x128xf32>
    %add3A_1739 = vector.broadcast %broadcast_in_dim3A_1738 : vector<1x128xf32> to vector<64x128xf32>
    %add3A_1740 = arith.addf %sub3A_1736, %add3A_1739 : vector<64x128xf32>
    %lt3A_1741 = arith.cmpf olt, %add3A_1740, %select_n3A_1727 : vector<64x128xf32>
    %select_n3A_1742 = arith.select %lt3A_1741, %add3A_1740, %select_n3A_1727 : vector<64x128xi1>, vector<64x128xf32>
    %jit3A_1743 = arith.constant 5 : i32
    %broadcast_in_dim3A_1744 = vector.broadcast %jit3A_1743 : i32 to vector<64x128xi32>
    %select_n3A_1745 = arith.select %lt3A_1741, %broadcast_in_dim3A_1744, %select_n3A_1730 : vector<64x128xi1>, vector<64x128xi32>
    %slice3A_1746 = vector.extract_strided_slice %dot_general3A_6 {offsets = [768, 768], sizes = [64, 128], strides = [1, 1]} : vector<1152x1024xf32> to vector<64x128xf32>
    %mul3A_1747 = arith.constant 2.000000e+00 : f32
    %mul3A_1748 = vector.broadcast %mul3A_1747 : f32 to vector<64x128xf32>
    %mul3A_1749 = arith.mulf %mul3A_1748, %slice3A_1746 : vector<64x128xf32>
    %sub3A_1750 = vector.broadcast %slice3A_1658 : vector<64x1xf32> to vector<64x128xf32>
    %sub3A_1751 = arith.subf %sub3A_1750, %mul3A_1749 : vector<64x128xf32>
    %slice3A_1752 = vector.extract_strided_slice %reduce_sum3A_10 {offsets = [768], sizes = [128], strides = [1]} : vector<1024xf32> to vector<128xf32>
    %broadcast_in_dim3A_1753 = vector.shape_cast %slice3A_1752 : vector<128xf32> to vector<1x128xf32>
    %add3A_1754 = vector.broadcast %broadcast_in_dim3A_1753 : vector<1x128xf32> to vector<64x128xf32>
    %add3A_1755 = arith.addf %sub3A_1751, %add3A_1754 : vector<64x128xf32>
    %lt3A_1756 = arith.cmpf olt, %add3A_1755, %select_n3A_1742 : vector<64x128xf32>
    %select_n3A_1757 = arith.select %lt3A_1756, %add3A_1755, %select_n3A_1742 : vector<64x128xi1>, vector<64x128xf32>
    %jit3A_1758 = arith.constant 6 : i32
    %broadcast_in_dim3A_1759 = vector.broadcast %jit3A_1758 : i32 to vector<64x128xi32>
    %select_n3A_1760 = arith.select %lt3A_1756, %broadcast_in_dim3A_1759, %select_n3A_1745 : vector<64x128xi1>, vector<64x128xi32>
    %slice3A_1761 = vector.extract_strided_slice %dot_general3A_6 {offsets = [768, 896], sizes = [64, 128], strides = [1, 1]} : vector<1152x1024xf32> to vector<64x128xf32>
    %mul3A_1762 = arith.constant 2.000000e+00 : f32
    %mul3A_1763 = vector.broadcast %mul3A_1762 : f32 to vector<64x128xf32>
    %mul3A_1764 = arith.mulf %mul3A_1763, %slice3A_1761 : vector<64x128xf32>
    %sub3A_1765 = vector.broadcast %slice3A_1658 : vector<64x1xf32> to vector<64x128xf32>
    %sub3A_1766 = arith.subf %sub3A_1765, %mul3A_1764 : vector<64x128xf32>
    %slice3A_1767 = vector.extract_strided_slice %reduce_sum3A_10 {offsets = [896], sizes = [128], strides = [1]} : vector<1024xf32> to vector<128xf32>
    %broadcast_in_dim3A_1768 = vector.shape_cast %slice3A_1767 : vector<128xf32> to vector<1x128xf32>
    %add3A_1769 = vector.broadcast %broadcast_in_dim3A_1768 : vector<1x128xf32> to vector<64x128xf32>
    %add3A_1770 = arith.addf %sub3A_1766, %add3A_1769 : vector<64x128xf32>
    %lt3A_1771 = arith.cmpf olt, %add3A_1770, %select_n3A_1757 : vector<64x128xf32>
    %select_n3A_1772 = arith.select %lt3A_1771, %add3A_1770, %select_n3A_1757 : vector<64x128xi1>, vector<64x128xf32>
    %jit3A_1773 = arith.constant 7 : i32
    %broadcast_in_dim3A_1774 = vector.broadcast %jit3A_1773 : i32 to vector<64x128xi32>
    %select_n3A_1775 = arith.select %lt3A_1771, %broadcast_in_dim3A_1774, %select_n3A_1760 : vector<64x128xi1>, vector<64x128xi32>
    %reduce_min3A_1776 = arith.constant dense<0x7F800000> : vector<64xf32>
    %reduce_min3A_1777 = vector.multi_reduction <minimumf>, %select_n3A_1772, %reduce_min3A_1776 [1] : vector<64x128xf32> to vector<64xf32>
    %broadcast_in_dim3A_1778 = vector.shape_cast %reduce_min3A_1777 : vector<64xf32> to vector<64x1xf32>
    %eq3A_1779 = vector.broadcast %broadcast_in_dim3A_1778 : vector<64x1xf32> to vector<64x128xf32>
    %eq3A_1780 = arith.cmpf oeq, %select_n3A_1772, %eq3A_1779 : vector<64x128xf32>
    %mul3A_1781 = arith.constant 128 : i32
    %mul3A_1782 = vector.broadcast %mul3A_1781 : i32 to vector<64x128xi32>
    %mul3A_1783 = arith.muli %select_n3A_1775, %mul3A_1782 : vector<64x128xi32>
    %add3A_1784 = arith.addi %mul3A_1783, %iota3A : vector<64x128xi32>
    %jit3A_1785 = arith.constant 1024 : i32
    %broadcast_in_dim3A_1786 = vector.broadcast %jit3A_1785 : i32 to vector<64x128xi32>
    %select_n3A_1787 = arith.select %eq3A_1780, %add3A_1784, %broadcast_in_dim3A_1786 : vector<64x128xi1>, vector<64x128xi32>
    %reduce_min3A_1788 = arith.constant dense<2147483647> : vector<64xi32>
    %reduce_min3A_1789 = vector.multi_reduction <minsi>, %select_n3A_1787, %reduce_min3A_1788 [1] : vector<64x128xi32> to vector<64xi32>
    %swap3A_1790 = arith.constant 0 : index
    %swap3A_1791 = arith.constant 0 : index
    %swap3A_1792 = arith.constant 768 : index
    %swap3A_1793 = vector.load %arg3[%swap3A_1790, %swap3A_1791, %swap3A_1792] : memref<1x1x1152xi32, #tpu.memory_space<vmem>>, vector<1x1x64xi32>
    %swap3A_1794 = vector.shape_cast %swap3A_1793 : vector<1x1x64xi32> to vector<64xi32>
    %swap3A_1795 = vector.shape_cast %reduce_min3A_1789 : vector<64xi32> to vector<1x1x64xi32>
    tpu.vector_store %arg3[%swap3A_1790, %swap3A_1791, %swap3A_1792], %swap3A_1795 {strides = array<i32>} : memref<1x1x1152xi32, #tpu.memory_space<vmem>>, vector<1x1x64xi32>,
    %slice3A_1796 = vector.extract_strided_slice %broadcast_in_dim3A {offsets = [832, 0], sizes = [64, 1], strides = [1, 1]} : vector<1152x1xf32> to vector<64x1xf32>
    %slice3A_1797 = vector.extract_strided_slice %dot_general3A_6 {offsets = [832, 0], sizes = [64, 128], strides = [1, 1]} : vector<1152x1024xf32> to vector<64x128xf32>
    %mul3A_1798 = arith.constant 2.000000e+00 : f32
    %mul3A_1799 = vector.broadcast %mul3A_1798 : f32 to vector<64x128xf32>
    %mul3A_1800 = arith.mulf %mul3A_1799, %slice3A_1797 : vector<64x128xf32>
    %sub3A_1801 = vector.broadcast %slice3A_1796 : vector<64x1xf32> to vector<64x128xf32>
    %sub3A_1802 = arith.subf %sub3A_1801, %mul3A_1800 : vector<64x128xf32>
    %slice3A_1803 = vector.extract_strided_slice %reduce_sum3A_10 {offsets = [0], sizes = [128], strides = [1]} : vector<1024xf32> to vector<128xf32>
    %broadcast_in_dim3A_1804 = vector.shape_cast %slice3A_1803 : vector<128xf32> to vector<1x128xf32>
    %add3A_1805 = vector.broadcast %broadcast_in_dim3A_1804 : vector<1x128xf32> to vector<64x128xf32>
    %add3A_1806 = arith.addf %sub3A_1802, %add3A_1805 : vector<64x128xf32>
    %broadcast_in_dim3A_1807 = arith.constant 0 : i32
    %broadcast_in_dim3A_1808 = vector.broadcast %broadcast_in_dim3A_1807 : i32 to vector<64x128xi32>
    %slice3A_1809 = vector.extract_strided_slice %dot_general3A_6 {offsets = [832, 128], sizes = [64, 128], strides = [1, 1]} : vector<1152x1024xf32> to vector<64x128xf32>
    %mul3A_1810 = arith.constant 2.000000e+00 : f32
    %mul3A_1811 = vector.broadcast %mul3A_1810 : f32 to vector<64x128xf32>
    %mul3A_1812 = arith.mulf %mul3A_1811, %slice3A_1809 : vector<64x128xf32>
    %sub3A_1813 = vector.broadcast %slice3A_1796 : vector<64x1xf32> to vector<64x128xf32>
    %sub3A_1814 = arith.subf %sub3A_1813, %mul3A_1812 : vector<64x128xf32>
    %slice3A_1815 = vector.extract_strided_slice %reduce_sum3A_10 {offsets = [128], sizes = [128], strides = [1]} : vector<1024xf32> to vector<128xf32>
    %broadcast_in_dim3A_1816 = vector.shape_cast %slice3A_1815 : vector<128xf32> to vector<1x128xf32>
    %add3A_1817 = vector.broadcast %broadcast_in_dim3A_1816 : vector<1x128xf32> to vector<64x128xf32>
    %add3A_1818 = arith.addf %sub3A_1814, %add3A_1817 : vector<64x128xf32>
    %lt3A_1819 = arith.cmpf olt, %add3A_1818, %add3A_1806 : vector<64x128xf32>
    %select_n3A_1820 = arith.select %lt3A_1819, %add3A_1818, %add3A_1806 : vector<64x128xi1>, vector<64x128xf32>
    %jit3A_1821 = arith.constant 1 : i32
    %broadcast_in_dim3A_1822 = vector.broadcast %jit3A_1821 : i32 to vector<64x128xi32>
    %select_n3A_1823 = arith.select %lt3A_1819, %broadcast_in_dim3A_1822, %broadcast_in_dim3A_1808 : vector<64x128xi1>, vector<64x128xi32>
    %slice3A_1824 = vector.extract_strided_slice %dot_general3A_6 {offsets = [832, 256], sizes = [64, 128], strides = [1, 1]} : vector<1152x1024xf32> to vector<64x128xf32>
    %mul3A_1825 = arith.constant 2.000000e+00 : f32
    %mul3A_1826 = vector.broadcast %mul3A_1825 : f32 to vector<64x128xf32>
    %mul3A_1827 = arith.mulf %mul3A_1826, %slice3A_1824 : vector<64x128xf32>
    %sub3A_1828 = vector.broadcast %slice3A_1796 : vector<64x1xf32> to vector<64x128xf32>
    %sub3A_1829 = arith.subf %sub3A_1828, %mul3A_1827 : vector<64x128xf32>
    %slice3A_1830 = vector.extract_strided_slice %reduce_sum3A_10 {offsets = [256], sizes = [128], strides = [1]} : vector<1024xf32> to vector<128xf32>
    %broadcast_in_dim3A_1831 = vector.shape_cast %slice3A_1830 : vector<128xf32> to vector<1x128xf32>
    %add3A_1832 = vector.broadcast %broadcast_in_dim3A_1831 : vector<1x128xf32> to vector<64x128xf32>
    %add3A_1833 = arith.addf %sub3A_1829, %add3A_1832 : vector<64x128xf32>
    %lt3A_1834 = arith.cmpf olt, %add3A_1833, %select_n3A_1820 : vector<64x128xf32>
    %select_n3A_1835 = arith.select %lt3A_1834, %add3A_1833, %select_n3A_1820 : vector<64x128xi1>, vector<64x128xf32>
    %jit3A_1836 = arith.constant 2 : i32
    %broadcast_in_dim3A_1837 = vector.broadcast %jit3A_1836 : i32 to vector<64x128xi32>
    %select_n3A_1838 = arith.select %lt3A_1834, %broadcast_in_dim3A_1837, %select_n3A_1823 : vector<64x128xi1>, vector<64x128xi32>
    %slice3A_1839 = vector.extract_strided_slice %dot_general3A_6 {offsets = [832, 384], sizes = [64, 128], strides = [1, 1]} : vector<1152x1024xf32> to vector<64x128xf32>
    %mul3A_1840 = arith.constant 2.000000e+00 : f32
    %mul3A_1841 = vector.broadcast %mul3A_1840 : f32 to vector<64x128xf32>
    %mul3A_1842 = arith.mulf %mul3A_1841, %slice3A_1839 : vector<64x128xf32>
    %sub3A_1843 = vector.broadcast %slice3A_1796 : vector<64x1xf32> to vector<64x128xf32>
    %sub3A_1844 = arith.subf %sub3A_1843, %mul3A_1842 : vector<64x128xf32>
    %slice3A_1845 = vector.extract_strided_slice %reduce_sum3A_10 {offsets = [384], sizes = [128], strides = [1]} : vector<1024xf32> to vector<128xf32>
    %broadcast_in_dim3A_1846 = vector.shape_cast %slice3A_1845 : vector<128xf32> to vector<1x128xf32>
    %add3A_1847 = vector.broadcast %broadcast_in_dim3A_1846 : vector<1x128xf32> to vector<64x128xf32>
    %add3A_1848 = arith.addf %sub3A_1844, %add3A_1847 : vector<64x128xf32>
    %lt3A_1849 = arith.cmpf olt, %add3A_1848, %select_n3A_1835 : vector<64x128xf32>
    %select_n3A_1850 = arith.select %lt3A_1849, %add3A_1848, %select_n3A_1835 : vector<64x128xi1>, vector<64x128xf32>
    %jit3A_1851 = arith.constant 3 : i32
    %broadcast_in_dim3A_1852 = vector.broadcast %jit3A_1851 : i32 to vector<64x128xi32>
    %select_n3A_1853 = arith.select %lt3A_1849, %broadcast_in_dim3A_1852, %select_n3A_1838 : vector<64x128xi1>, vector<64x128xi32>
    %slice3A_1854 = vector.extract_strided_slice %dot_general3A_6 {offsets = [832, 512], sizes = [64, 128], strides = [1, 1]} : vector<1152x1024xf32> to vector<64x128xf32>
    %mul3A_1855 = arith.constant 2.000000e+00 : f32
    %mul3A_1856 = vector.broadcast %mul3A_1855 : f32 to vector<64x128xf32>
    %mul3A_1857 = arith.mulf %mul3A_1856, %slice3A_1854 : vector<64x128xf32>
    %sub3A_1858 = vector.broadcast %slice3A_1796 : vector<64x1xf32> to vector<64x128xf32>
    %sub3A_1859 = arith.subf %sub3A_1858, %mul3A_1857 : vector<64x128xf32>
    %slice3A_1860 = vector.extract_strided_slice %reduce_sum3A_10 {offsets = [512], sizes = [128], strides = [1]} : vector<1024xf32> to vector<128xf32>
    %broadcast_in_dim3A_1861 = vector.shape_cast %slice3A_1860 : vector<128xf32> to vector<1x128xf32>
    %add3A_1862 = vector.broadcast %broadcast_in_dim3A_1861 : vector<1x128xf32> to vector<64x128xf32>
    %add3A_1863 = arith.addf %sub3A_1859, %add3A_1862 : vector<64x128xf32>
    %lt3A_1864 = arith.cmpf olt, %add3A_1863, %select_n3A_1850 : vector<64x128xf32>
    %select_n3A_1865 = arith.select %lt3A_1864, %add3A_1863, %select_n3A_1850 : vector<64x128xi1>, vector<64x128xf32>
    %jit3A_1866 = arith.constant 4 : i32
    %broadcast_in_dim3A_1867 = vector.broadcast %jit3A_1866 : i32 to vector<64x128xi32>
    %select_n3A_1868 = arith.select %lt3A_1864, %broadcast_in_dim3A_1867, %select_n3A_1853 : vector<64x128xi1>, vector<64x128xi32>
    %slice3A_1869 = vector.extract_strided_slice %dot_general3A_6 {offsets = [832, 640], sizes = [64, 128], strides = [1, 1]} : vector<1152x1024xf32> to vector<64x128xf32>
    %mul3A_1870 = arith.constant 2.000000e+00 : f32
    %mul3A_1871 = vector.broadcast %mul3A_1870 : f32 to vector<64x128xf32>
    %mul3A_1872 = arith.mulf %mul3A_1871, %slice3A_1869 : vector<64x128xf32>
    %sub3A_1873 = vector.broadcast %slice3A_1796 : vector<64x1xf32> to vector<64x128xf32>
    %sub3A_1874 = arith.subf %sub3A_1873, %mul3A_1872 : vector<64x128xf32>
    %slice3A_1875 = vector.extract_strided_slice %reduce_sum3A_10 {offsets = [640], sizes = [128], strides = [1]} : vector<1024xf32> to vector<128xf32>
    %broadcast_in_dim3A_1876 = vector.shape_cast %slice3A_1875 : vector<128xf32> to vector<1x128xf32>
    %add3A_1877 = vector.broadcast %broadcast_in_dim3A_1876 : vector<1x128xf32> to vector<64x128xf32>
    %add3A_1878 = arith.addf %sub3A_1874, %add3A_1877 : vector<64x128xf32>
    %lt3A_1879 = arith.cmpf olt, %add3A_1878, %select_n3A_1865 : vector<64x128xf32>
    %select_n3A_1880 = arith.select %lt3A_1879, %add3A_1878, %select_n3A_1865 : vector<64x128xi1>, vector<64x128xf32>
    %jit3A_1881 = arith.constant 5 : i32
    %broadcast_in_dim3A_1882 = vector.broadcast %jit3A_1881 : i32 to vector<64x128xi32>
    %select_n3A_1883 = arith.select %lt3A_1879, %broadcast_in_dim3A_1882, %select_n3A_1868 : vector<64x128xi1>, vector<64x128xi32>
    %slice3A_1884 = vector.extract_strided_slice %dot_general3A_6 {offsets = [832, 768], sizes = [64, 128], strides = [1, 1]} : vector<1152x1024xf32> to vector<64x128xf32>
    %mul3A_1885 = arith.constant 2.000000e+00 : f32
    %mul3A_1886 = vector.broadcast %mul3A_1885 : f32 to vector<64x128xf32>
    %mul3A_1887 = arith.mulf %mul3A_1886, %slice3A_1884 : vector<64x128xf32>
    %sub3A_1888 = vector.broadcast %slice3A_1796 : vector<64x1xf32> to vector<64x128xf32>
    %sub3A_1889 = arith.subf %sub3A_1888, %mul3A_1887 : vector<64x128xf32>
    %slice3A_1890 = vector.extract_strided_slice %reduce_sum3A_10 {offsets = [768], sizes = [128], strides = [1]} : vector<1024xf32> to vector<128xf32>
    %broadcast_in_dim3A_1891 = vector.shape_cast %slice3A_1890 : vector<128xf32> to vector<1x128xf32>
    %add3A_1892 = vector.broadcast %broadcast_in_dim3A_1891 : vector<1x128xf32> to vector<64x128xf32>
    %add3A_1893 = arith.addf %sub3A_1889, %add3A_1892 : vector<64x128xf32>
    %lt3A_1894 = arith.cmpf olt, %add3A_1893, %select_n3A_1880 : vector<64x128xf32>
    %select_n3A_1895 = arith.select %lt3A_1894, %add3A_1893, %select_n3A_1880 : vector<64x128xi1>, vector<64x128xf32>
    %jit3A_1896 = arith.constant 6 : i32
    %broadcast_in_dim3A_1897 = vector.broadcast %jit3A_1896 : i32 to vector<64x128xi32>
    %select_n3A_1898 = arith.select %lt3A_1894, %broadcast_in_dim3A_1897, %select_n3A_1883 : vector<64x128xi1>, vector<64x128xi32>
    %slice3A_1899 = vector.extract_strided_slice %dot_general3A_6 {offsets = [832, 896], sizes = [64, 128], strides = [1, 1]} : vector<1152x1024xf32> to vector<64x128xf32>
    %mul3A_1900 = arith.constant 2.000000e+00 : f32
    %mul3A_1901 = vector.broadcast %mul3A_1900 : f32 to vector<64x128xf32>
    %mul3A_1902 = arith.mulf %mul3A_1901, %slice3A_1899 : vector<64x128xf32>
    %sub3A_1903 = vector.broadcast %slice3A_1796 : vector<64x1xf32> to vector<64x128xf32>
    %sub3A_1904 = arith.subf %sub3A_1903, %mul3A_1902 : vector<64x128xf32>
    %slice3A_1905 = vector.extract_strided_slice %reduce_sum3A_10 {offsets = [896], sizes = [128], strides = [1]} : vector<1024xf32> to vector<128xf32>
    %broadcast_in_dim3A_1906 = vector.shape_cast %slice3A_1905 : vector<128xf32> to vector<1x128xf32>
    %add3A_1907 = vector.broadcast %broadcast_in_dim3A_1906 : vector<1x128xf32> to vector<64x128xf32>
    %add3A_1908 = arith.addf %sub3A_1904, %add3A_1907 : vector<64x128xf32>
    %lt3A_1909 = arith.cmpf olt, %add3A_1908, %select_n3A_1895 : vector<64x128xf32>
    %select_n3A_1910 = arith.select %lt3A_1909, %add3A_1908, %select_n3A_1895 : vector<64x128xi1>, vector<64x128xf32>
    %jit3A_1911 = arith.constant 7 : i32
    %broadcast_in_dim3A_1912 = vector.broadcast %jit3A_1911 : i32 to vector<64x128xi32>
    %select_n3A_1913 = arith.select %lt3A_1909, %broadcast_in_dim3A_1912, %select_n3A_1898 : vector<64x128xi1>, vector<64x128xi32>
    %reduce_min3A_1914 = arith.constant dense<0x7F800000> : vector<64xf32>
    %reduce_min3A_1915 = vector.multi_reduction <minimumf>, %select_n3A_1910, %reduce_min3A_1914 [1] : vector<64x128xf32> to vector<64xf32>
    %broadcast_in_dim3A_1916 = vector.shape_cast %reduce_min3A_1915 : vector<64xf32> to vector<64x1xf32>
    %eq3A_1917 = vector.broadcast %broadcast_in_dim3A_1916 : vector<64x1xf32> to vector<64x128xf32>
    %eq3A_1918 = arith.cmpf oeq, %select_n3A_1910, %eq3A_1917 : vector<64x128xf32>
    %mul3A_1919 = arith.constant 128 : i32
    %mul3A_1920 = vector.broadcast %mul3A_1919 : i32 to vector<64x128xi32>
    %mul3A_1921 = arith.muli %select_n3A_1913, %mul3A_1920 : vector<64x128xi32>
    %add3A_1922 = arith.addi %mul3A_1921, %iota3A : vector<64x128xi32>
    %jit3A_1923 = arith.constant 1024 : i32
    %broadcast_in_dim3A_1924 = vector.broadcast %jit3A_1923 : i32 to vector<64x128xi32>
    %select_n3A_1925 = arith.select %eq3A_1918, %add3A_1922, %broadcast_in_dim3A_1924 : vector<64x128xi1>, vector<64x128xi32>
    %reduce_min3A_1926 = arith.constant dense<2147483647> : vector<64xi32>
    %reduce_min3A_1927 = vector.multi_reduction <minsi>, %select_n3A_1925, %reduce_min3A_1926 [1] : vector<64x128xi32> to vector<64xi32>
    %swap3A_1928 = arith.constant 0 : index
    %swap3A_1929 = arith.constant 0 : index
    %swap3A_1930 = arith.constant 832 : index
    %swap3A_1931 = vector.load %arg3[%swap3A_1928, %swap3A_1929, %swap3A_1930] : memref<1x1x1152xi32, #tpu.memory_space<vmem>>, vector<1x1x64xi32>
    %swap3A_1932 = vector.shape_cast %swap3A_1931 : vector<1x1x64xi32> to vector<64xi32>
    %swap3A_1933 = vector.shape_cast %reduce_min3A_1927 : vector<64xi32> to vector<1x1x64xi32>
    tpu.vector_store %arg3[%swap3A_1928, %swap3A_1929, %swap3A_1930], %swap3A_1933 {strides = array<i32>} : memref<1x1x1152xi32, #tpu.memory_space<vmem>>, vector<1x1x64xi32>,
    %slice3A_1934 = vector.extract_strided_slice %broadcast_in_dim3A {offsets = [896, 0], sizes = [64, 1], strides = [1, 1]} : vector<1152x1xf32> to vector<64x1xf32>
    %slice3A_1935 = vector.extract_strided_slice %dot_general3A_6 {offsets = [896, 0], sizes = [64, 128], strides = [1, 1]} : vector<1152x1024xf32> to vector<64x128xf32>
    %mul3A_1936 = arith.constant 2.000000e+00 : f32
    %mul3A_1937 = vector.broadcast %mul3A_1936 : f32 to vector<64x128xf32>
    %mul3A_1938 = arith.mulf %mul3A_1937, %slice3A_1935 : vector<64x128xf32>
    %sub3A_1939 = vector.broadcast %slice3A_1934 : vector<64x1xf32> to vector<64x128xf32>
    %sub3A_1940 = arith.subf %sub3A_1939, %mul3A_1938 : vector<64x128xf32>
    %slice3A_1941 = vector.extract_strided_slice %reduce_sum3A_10 {offsets = [0], sizes = [128], strides = [1]} : vector<1024xf32> to vector<128xf32>
    %broadcast_in_dim3A_1942 = vector.shape_cast %slice3A_1941 : vector<128xf32> to vector<1x128xf32>
    %add3A_1943 = vector.broadcast %broadcast_in_dim3A_1942 : vector<1x128xf32> to vector<64x128xf32>
    %add3A_1944 = arith.addf %sub3A_1940, %add3A_1943 : vector<64x128xf32>
    %broadcast_in_dim3A_1945 = arith.constant 0 : i32
    %broadcast_in_dim3A_1946 = vector.broadcast %broadcast_in_dim3A_1945 : i32 to vector<64x128xi32>
    %slice3A_1947 = vector.extract_strided_slice %dot_general3A_6 {offsets = [896, 128], sizes = [64, 128], strides = [1, 1]} : vector<1152x1024xf32> to vector<64x128xf32>
    %mul3A_1948 = arith.constant 2.000000e+00 : f32
    %mul3A_1949 = vector.broadcast %mul3A_1948 : f32 to vector<64x128xf32>
    %mul3A_1950 = arith.mulf %mul3A_1949, %slice3A_1947 : vector<64x128xf32>
    %sub3A_1951 = vector.broadcast %slice3A_1934 : vector<64x1xf32> to vector<64x128xf32>
    %sub3A_1952 = arith.subf %sub3A_1951, %mul3A_1950 : vector<64x128xf32>
    %slice3A_1953 = vector.extract_strided_slice %reduce_sum3A_10 {offsets = [128], sizes = [128], strides = [1]} : vector<1024xf32> to vector<128xf32>
    %broadcast_in_dim3A_1954 = vector.shape_cast %slice3A_1953 : vector<128xf32> to vector<1x128xf32>
    %add3A_1955 = vector.broadcast %broadcast_in_dim3A_1954 : vector<1x128xf32> to vector<64x128xf32>
    %add3A_1956 = arith.addf %sub3A_1952, %add3A_1955 : vector<64x128xf32>
    %lt3A_1957 = arith.cmpf olt, %add3A_1956, %add3A_1944 : vector<64x128xf32>
    %select_n3A_1958 = arith.select %lt3A_1957, %add3A_1956, %add3A_1944 : vector<64x128xi1>, vector<64x128xf32>
    %jit3A_1959 = arith.constant 1 : i32
    %broadcast_in_dim3A_1960 = vector.broadcast %jit3A_1959 : i32 to vector<64x128xi32>
    %select_n3A_1961 = arith.select %lt3A_1957, %broadcast_in_dim3A_1960, %broadcast_in_dim3A_1946 : vector<64x128xi1>, vector<64x128xi32>
    %slice3A_1962 = vector.extract_strided_slice %dot_general3A_6 {offsets = [896, 256], sizes = [64, 128], strides = [1, 1]} : vector<1152x1024xf32> to vector<64x128xf32>
    %mul3A_1963 = arith.constant 2.000000e+00 : f32
    %mul3A_1964 = vector.broadcast %mul3A_1963 : f32 to vector<64x128xf32>
    %mul3A_1965 = arith.mulf %mul3A_1964, %slice3A_1962 : vector<64x128xf32>
    %sub3A_1966 = vector.broadcast %slice3A_1934 : vector<64x1xf32> to vector<64x128xf32>
    %sub3A_1967 = arith.subf %sub3A_1966, %mul3A_1965 : vector<64x128xf32>
    %slice3A_1968 = vector.extract_strided_slice %reduce_sum3A_10 {offsets = [256], sizes = [128], strides = [1]} : vector<1024xf32> to vector<128xf32>
    %broadcast_in_dim3A_1969 = vector.shape_cast %slice3A_1968 : vector<128xf32> to vector<1x128xf32>
    %add3A_1970 = vector.broadcast %broadcast_in_dim3A_1969 : vector<1x128xf32> to vector<64x128xf32>
    %add3A_1971 = arith.addf %sub3A_1967, %add3A_1970 : vector<64x128xf32>
    %lt3A_1972 = arith.cmpf olt, %add3A_1971, %select_n3A_1958 : vector<64x128xf32>
    %select_n3A_1973 = arith.select %lt3A_1972, %add3A_1971, %select_n3A_1958 : vector<64x128xi1>, vector<64x128xf32>
    %jit3A_1974 = arith.constant 2 : i32
    %broadcast_in_dim3A_1975 = vector.broadcast %jit3A_1974 : i32 to vector<64x128xi32>
    %select_n3A_1976 = arith.select %lt3A_1972, %broadcast_in_dim3A_1975, %select_n3A_1961 : vector<64x128xi1>, vector<64x128xi32>
    %slice3A_1977 = vector.extract_strided_slice %dot_general3A_6 {offsets = [896, 384], sizes = [64, 128], strides = [1, 1]} : vector<1152x1024xf32> to vector<64x128xf32>
    %mul3A_1978 = arith.constant 2.000000e+00 : f32
    %mul3A_1979 = vector.broadcast %mul3A_1978 : f32 to vector<64x128xf32>
    %mul3A_1980 = arith.mulf %mul3A_1979, %slice3A_1977 : vector<64x128xf32>
    %sub3A_1981 = vector.broadcast %slice3A_1934 : vector<64x1xf32> to vector<64x128xf32>
    %sub3A_1982 = arith.subf %sub3A_1981, %mul3A_1980 : vector<64x128xf32>
    %slice3A_1983 = vector.extract_strided_slice %reduce_sum3A_10 {offsets = [384], sizes = [128], strides = [1]} : vector<1024xf32> to vector<128xf32>
    %broadcast_in_dim3A_1984 = vector.shape_cast %slice3A_1983 : vector<128xf32> to vector<1x128xf32>
    %add3A_1985 = vector.broadcast %broadcast_in_dim3A_1984 : vector<1x128xf32> to vector<64x128xf32>
    %add3A_1986 = arith.addf %sub3A_1982, %add3A_1985 : vector<64x128xf32>
    %lt3A_1987 = arith.cmpf olt, %add3A_1986, %select_n3A_1973 : vector<64x128xf32>
    %select_n3A_1988 = arith.select %lt3A_1987, %add3A_1986, %select_n3A_1973 : vector<64x128xi1>, vector<64x128xf32>
    %jit3A_1989 = arith.constant 3 : i32
    %broadcast_in_dim3A_1990 = vector.broadcast %jit3A_1989 : i32 to vector<64x128xi32>
    %select_n3A_1991 = arith.select %lt3A_1987, %broadcast_in_dim3A_1990, %select_n3A_1976 : vector<64x128xi1>, vector<64x128xi32>
    %slice3A_1992 = vector.extract_strided_slice %dot_general3A_6 {offsets = [896, 512], sizes = [64, 128], strides = [1, 1]} : vector<1152x1024xf32> to vector<64x128xf32>
    %mul3A_1993 = arith.constant 2.000000e+00 : f32
    %mul3A_1994 = vector.broadcast %mul3A_1993 : f32 to vector<64x128xf32>
    %mul3A_1995 = arith.mulf %mul3A_1994, %slice3A_1992 : vector<64x128xf32>
    %sub3A_1996 = vector.broadcast %slice3A_1934 : vector<64x1xf32> to vector<64x128xf32>
    %sub3A_1997 = arith.subf %sub3A_1996, %mul3A_1995 : vector<64x128xf32>
    %slice3A_1998 = vector.extract_strided_slice %reduce_sum3A_10 {offsets = [512], sizes = [128], strides = [1]} : vector<1024xf32> to vector<128xf32>
    %broadcast_in_dim3A_1999 = vector.shape_cast %slice3A_1998 : vector<128xf32> to vector<1x128xf32>
    %add3A_2000 = vector.broadcast %broadcast_in_dim3A_1999 : vector<1x128xf32> to vector<64x128xf32>
    %add3A_2001 = arith.addf %sub3A_1997, %add3A_2000 : vector<64x128xf32>
    %lt3A_2002 = arith.cmpf olt, %add3A_2001, %select_n3A_1988 : vector<64x128xf32>
    %select_n3A_2003 = arith.select %lt3A_2002, %add3A_2001, %select_n3A_1988 : vector<64x128xi1>, vector<64x128xf32>
    %jit3A_2004 = arith.constant 4 : i32
    %broadcast_in_dim3A_2005 = vector.broadcast %jit3A_2004 : i32 to vector<64x128xi32>
    %select_n3A_2006 = arith.select %lt3A_2002, %broadcast_in_dim3A_2005, %select_n3A_1991 : vector<64x128xi1>, vector<64x128xi32>
    %slice3A_2007 = vector.extract_strided_slice %dot_general3A_6 {offsets = [896, 640], sizes = [64, 128], strides = [1, 1]} : vector<1152x1024xf32> to vector<64x128xf32>
    %mul3A_2008 = arith.constant 2.000000e+00 : f32
    %mul3A_2009 = vector.broadcast %mul3A_2008 : f32 to vector<64x128xf32>
    %mul3A_2010 = arith.mulf %mul3A_2009, %slice3A_2007 : vector<64x128xf32>
    %sub3A_2011 = vector.broadcast %slice3A_1934 : vector<64x1xf32> to vector<64x128xf32>
    %sub3A_2012 = arith.subf %sub3A_2011, %mul3A_2010 : vector<64x128xf32>
    %slice3A_2013 = vector.extract_strided_slice %reduce_sum3A_10 {offsets = [640], sizes = [128], strides = [1]} : vector<1024xf32> to vector<128xf32>
    %broadcast_in_dim3A_2014 = vector.shape_cast %slice3A_2013 : vector<128xf32> to vector<1x128xf32>
    %add3A_2015 = vector.broadcast %broadcast_in_dim3A_2014 : vector<1x128xf32> to vector<64x128xf32>
    %add3A_2016 = arith.addf %sub3A_2012, %add3A_2015 : vector<64x128xf32>
    %lt3A_2017 = arith.cmpf olt, %add3A_2016, %select_n3A_2003 : vector<64x128xf32>
    %select_n3A_2018 = arith.select %lt3A_2017, %add3A_2016, %select_n3A_2003 : vector<64x128xi1>, vector<64x128xf32>
    %jit3A_2019 = arith.constant 5 : i32
    %broadcast_in_dim3A_2020 = vector.broadcast %jit3A_2019 : i32 to vector<64x128xi32>
    %select_n3A_2021 = arith.select %lt3A_2017, %broadcast_in_dim3A_2020, %select_n3A_2006 : vector<64x128xi1>, vector<64x128xi32>
    %slice3A_2022 = vector.extract_strided_slice %dot_general3A_6 {offsets = [896, 768], sizes = [64, 128], strides = [1, 1]} : vector<1152x1024xf32> to vector<64x128xf32>
    %mul3A_2023 = arith.constant 2.000000e+00 : f32
    %mul3A_2024 = vector.broadcast %mul3A_2023 : f32 to vector<64x128xf32>
    %mul3A_2025 = arith.mulf %mul3A_2024, %slice3A_2022 : vector<64x128xf32>
    %sub3A_2026 = vector.broadcast %slice3A_1934 : vector<64x1xf32> to vector<64x128xf32>
    %sub3A_2027 = arith.subf %sub3A_2026, %mul3A_2025 : vector<64x128xf32>
    %slice3A_2028 = vector.extract_strided_slice %reduce_sum3A_10 {offsets = [768], sizes = [128], strides = [1]} : vector<1024xf32> to vector<128xf32>
    %broadcast_in_dim3A_2029 = vector.shape_cast %slice3A_2028 : vector<128xf32> to vector<1x128xf32>
    %add3A_2030 = vector.broadcast %broadcast_in_dim3A_2029 : vector<1x128xf32> to vector<64x128xf32>
    %add3A_2031 = arith.addf %sub3A_2027, %add3A_2030 : vector<64x128xf32>
    %lt3A_2032 = arith.cmpf olt, %add3A_2031, %select_n3A_2018 : vector<64x128xf32>
    %select_n3A_2033 = arith.select %lt3A_2032, %add3A_2031, %select_n3A_2018 : vector<64x128xi1>, vector<64x128xf32>
    %jit3A_2034 = arith.constant 6 : i32
    %broadcast_in_dim3A_2035 = vector.broadcast %jit3A_2034 : i32 to vector<64x128xi32>
    %select_n3A_2036 = arith.select %lt3A_2032, %broadcast_in_dim3A_2035, %select_n3A_2021 : vector<64x128xi1>, vector<64x128xi32>
    %slice3A_2037 = vector.extract_strided_slice %dot_general3A_6 {offsets = [896, 896], sizes = [64, 128], strides = [1, 1]} : vector<1152x1024xf32> to vector<64x128xf32>
    %mul3A_2038 = arith.constant 2.000000e+00 : f32
    %mul3A_2039 = vector.broadcast %mul3A_2038 : f32 to vector<64x128xf32>
    %mul3A_2040 = arith.mulf %mul3A_2039, %slice3A_2037 : vector<64x128xf32>
    %sub3A_2041 = vector.broadcast %slice3A_1934 : vector<64x1xf32> to vector<64x128xf32>
    %sub3A_2042 = arith.subf %sub3A_2041, %mul3A_2040 : vector<64x128xf32>
    %slice3A_2043 = vector.extract_strided_slice %reduce_sum3A_10 {offsets = [896], sizes = [128], strides = [1]} : vector<1024xf32> to vector<128xf32>
    %broadcast_in_dim3A_2044 = vector.shape_cast %slice3A_2043 : vector<128xf32> to vector<1x128xf32>
    %add3A_2045 = vector.broadcast %broadcast_in_dim3A_2044 : vector<1x128xf32> to vector<64x128xf32>
    %add3A_2046 = arith.addf %sub3A_2042, %add3A_2045 : vector<64x128xf32>
    %lt3A_2047 = arith.cmpf olt, %add3A_2046, %select_n3A_2033 : vector<64x128xf32>
    %select_n3A_2048 = arith.select %lt3A_2047, %add3A_2046, %select_n3A_2033 : vector<64x128xi1>, vector<64x128xf32>
    %jit3A_2049 = arith.constant 7 : i32
    %broadcast_in_dim3A_2050 = vector.broadcast %jit3A_2049 : i32 to vector<64x128xi32>
    %select_n3A_2051 = arith.select %lt3A_2047, %broadcast_in_dim3A_2050, %select_n3A_2036 : vector<64x128xi1>, vector<64x128xi32>
    %reduce_min3A_2052 = arith.constant dense<0x7F800000> : vector<64xf32>
    %reduce_min3A_2053 = vector.multi_reduction <minimumf>, %select_n3A_2048, %reduce_min3A_2052 [1] : vector<64x128xf32> to vector<64xf32>
    %broadcast_in_dim3A_2054 = vector.shape_cast %reduce_min3A_2053 : vector<64xf32> to vector<64x1xf32>
    %eq3A_2055 = vector.broadcast %broadcast_in_dim3A_2054 : vector<64x1xf32> to vector<64x128xf32>
    %eq3A_2056 = arith.cmpf oeq, %select_n3A_2048, %eq3A_2055 : vector<64x128xf32>
    %mul3A_2057 = arith.constant 128 : i32
    %mul3A_2058 = vector.broadcast %mul3A_2057 : i32 to vector<64x128xi32>
    %mul3A_2059 = arith.muli %select_n3A_2051, %mul3A_2058 : vector<64x128xi32>
    %add3A_2060 = arith.addi %mul3A_2059, %iota3A : vector<64x128xi32>
    %jit3A_2061 = arith.constant 1024 : i32
    %broadcast_in_dim3A_2062 = vector.broadcast %jit3A_2061 : i32 to vector<64x128xi32>
    %select_n3A_2063 = arith.select %eq3A_2056, %add3A_2060, %broadcast_in_dim3A_2062 : vector<64x128xi1>, vector<64x128xi32>
    %reduce_min3A_2064 = arith.constant dense<2147483647> : vector<64xi32>
    %reduce_min3A_2065 = vector.multi_reduction <minsi>, %select_n3A_2063, %reduce_min3A_2064 [1] : vector<64x128xi32> to vector<64xi32>
    %swap3A_2066 = arith.constant 0 : index
    %swap3A_2067 = arith.constant 0 : index
    %swap3A_2068 = arith.constant 896 : index
    %swap3A_2069 = vector.load %arg3[%swap3A_2066, %swap3A_2067, %swap3A_2068] : memref<1x1x1152xi32, #tpu.memory_space<vmem>>, vector<1x1x64xi32>
    %swap3A_2070 = vector.shape_cast %swap3A_2069 : vector<1x1x64xi32> to vector<64xi32>
    %swap3A_2071 = vector.shape_cast %reduce_min3A_2065 : vector<64xi32> to vector<1x1x64xi32>
    tpu.vector_store %arg3[%swap3A_2066, %swap3A_2067, %swap3A_2068], %swap3A_2071 {strides = array<i32>} : memref<1x1x1152xi32, #tpu.memory_space<vmem>>, vector<1x1x64xi32>,
    %slice3A_2072 = vector.extract_strided_slice %broadcast_in_dim3A {offsets = [960, 0], sizes = [64, 1], strides = [1, 1]} : vector<1152x1xf32> to vector<64x1xf32>
    %slice3A_2073 = vector.extract_strided_slice %dot_general3A_6 {offsets = [960, 0], sizes = [64, 128], strides = [1, 1]} : vector<1152x1024xf32> to vector<64x128xf32>
    %mul3A_2074 = arith.constant 2.000000e+00 : f32
    %mul3A_2075 = vector.broadcast %mul3A_2074 : f32 to vector<64x128xf32>
    %mul3A_2076 = arith.mulf %mul3A_2075, %slice3A_2073 : vector<64x128xf32>
    %sub3A_2077 = vector.broadcast %slice3A_2072 : vector<64x1xf32> to vector<64x128xf32>
    %sub3A_2078 = arith.subf %sub3A_2077, %mul3A_2076 : vector<64x128xf32>
    %slice3A_2079 = vector.extract_strided_slice %reduce_sum3A_10 {offsets = [0], sizes = [128], strides = [1]} : vector<1024xf32> to vector<128xf32>
    %broadcast_in_dim3A_2080 = vector.shape_cast %slice3A_2079 : vector<128xf32> to vector<1x128xf32>
    %add3A_2081 = vector.broadcast %broadcast_in_dim3A_2080 : vector<1x128xf32> to vector<64x128xf32>
    %add3A_2082 = arith.addf %sub3A_2078, %add3A_2081 : vector<64x128xf32>
    %broadcast_in_dim3A_2083 = arith.constant 0 : i32
    %broadcast_in_dim3A_2084 = vector.broadcast %broadcast_in_dim3A_2083 : i32 to vector<64x128xi32>
    %slice3A_2085 = vector.extract_strided_slice %dot_general3A_6 {offsets = [960, 128], sizes = [64, 128], strides = [1, 1]} : vector<1152x1024xf32> to vector<64x128xf32>
    %mul3A_2086 = arith.constant 2.000000e+00 : f32
    %mul3A_2087 = vector.broadcast %mul3A_2086 : f32 to vector<64x128xf32>
    %mul3A_2088 = arith.mulf %mul3A_2087, %slice3A_2085 : vector<64x128xf32>
    %sub3A_2089 = vector.broadcast %slice3A_2072 : vector<64x1xf32> to vector<64x128xf32>
    %sub3A_2090 = arith.subf %sub3A_2089, %mul3A_2088 : vector<64x128xf32>
    %slice3A_2091 = vector.extract_strided_slice %reduce_sum3A_10 {offsets = [128], sizes = [128], strides = [1]} : vector<1024xf32> to vector<128xf32>
    %broadcast_in_dim3A_2092 = vector.shape_cast %slice3A_2091 : vector<128xf32> to vector<1x128xf32>
    %add3A_2093 = vector.broadcast %broadcast_in_dim3A_2092 : vector<1x128xf32> to vector<64x128xf32>
    %add3A_2094 = arith.addf %sub3A_2090, %add3A_2093 : vector<64x128xf32>
    %lt3A_2095 = arith.cmpf olt, %add3A_2094, %add3A_2082 : vector<64x128xf32>
    %select_n3A_2096 = arith.select %lt3A_2095, %add3A_2094, %add3A_2082 : vector<64x128xi1>, vector<64x128xf32>
    %jit3A_2097 = arith.constant 1 : i32
    %broadcast_in_dim3A_2098 = vector.broadcast %jit3A_2097 : i32 to vector<64x128xi32>
    %select_n3A_2099 = arith.select %lt3A_2095, %broadcast_in_dim3A_2098, %broadcast_in_dim3A_2084 : vector<64x128xi1>, vector<64x128xi32>
    %slice3A_2100 = vector.extract_strided_slice %dot_general3A_6 {offsets = [960, 256], sizes = [64, 128], strides = [1, 1]} : vector<1152x1024xf32> to vector<64x128xf32>
    %mul3A_2101 = arith.constant 2.000000e+00 : f32
    %mul3A_2102 = vector.broadcast %mul3A_2101 : f32 to vector<64x128xf32>
    %mul3A_2103 = arith.mulf %mul3A_2102, %slice3A_2100 : vector<64x128xf32>
    %sub3A_2104 = vector.broadcast %slice3A_2072 : vector<64x1xf32> to vector<64x128xf32>
    %sub3A_2105 = arith.subf %sub3A_2104, %mul3A_2103 : vector<64x128xf32>
    %slice3A_2106 = vector.extract_strided_slice %reduce_sum3A_10 {offsets = [256], sizes = [128], strides = [1]} : vector<1024xf32> to vector<128xf32>
    %broadcast_in_dim3A_2107 = vector.shape_cast %slice3A_2106 : vector<128xf32> to vector<1x128xf32>
    %add3A_2108 = vector.broadcast %broadcast_in_dim3A_2107 : vector<1x128xf32> to vector<64x128xf32>
    %add3A_2109 = arith.addf %sub3A_2105, %add3A_2108 : vector<64x128xf32>
    %lt3A_2110 = arith.cmpf olt, %add3A_2109, %select_n3A_2096 : vector<64x128xf32>
    %select_n3A_2111 = arith.select %lt3A_2110, %add3A_2109, %select_n3A_2096 : vector<64x128xi1>, vector<64x128xf32>
    %jit3A_2112 = arith.constant 2 : i32
    %broadcast_in_dim3A_2113 = vector.broadcast %jit3A_2112 : i32 to vector<64x128xi32>
    %select_n3A_2114 = arith.select %lt3A_2110, %broadcast_in_dim3A_2113, %select_n3A_2099 : vector<64x128xi1>, vector<64x128xi32>
    %slice3A_2115 = vector.extract_strided_slice %dot_general3A_6 {offsets = [960, 384], sizes = [64, 128], strides = [1, 1]} : vector<1152x1024xf32> to vector<64x128xf32>
    %mul3A_2116 = arith.constant 2.000000e+00 : f32
    %mul3A_2117 = vector.broadcast %mul3A_2116 : f32 to vector<64x128xf32>
    %mul3A_2118 = arith.mulf %mul3A_2117, %slice3A_2115 : vector<64x128xf32>
    %sub3A_2119 = vector.broadcast %slice3A_2072 : vector<64x1xf32> to vector<64x128xf32>
    %sub3A_2120 = arith.subf %sub3A_2119, %mul3A_2118 : vector<64x128xf32>
    %slice3A_2121 = vector.extract_strided_slice %reduce_sum3A_10 {offsets = [384], sizes = [128], strides = [1]} : vector<1024xf32> to vector<128xf32>
    %broadcast_in_dim3A_2122 = vector.shape_cast %slice3A_2121 : vector<128xf32> to vector<1x128xf32>
    %add3A_2123 = vector.broadcast %broadcast_in_dim3A_2122 : vector<1x128xf32> to vector<64x128xf32>
    %add3A_2124 = arith.addf %sub3A_2120, %add3A_2123 : vector<64x128xf32>
    %lt3A_2125 = arith.cmpf olt, %add3A_2124, %select_n3A_2111 : vector<64x128xf32>
    %select_n3A_2126 = arith.select %lt3A_2125, %add3A_2124, %select_n3A_2111 : vector<64x128xi1>, vector<64x128xf32>
    %jit3A_2127 = arith.constant 3 : i32
    %broadcast_in_dim3A_2128 = vector.broadcast %jit3A_2127 : i32 to vector<64x128xi32>
    %select_n3A_2129 = arith.select %lt3A_2125, %broadcast_in_dim3A_2128, %select_n3A_2114 : vector<64x128xi1>, vector<64x128xi32>
    %slice3A_2130 = vector.extract_strided_slice %dot_general3A_6 {offsets = [960, 512], sizes = [64, 128], strides = [1, 1]} : vector<1152x1024xf32> to vector<64x128xf32>
    %mul3A_2131 = arith.constant 2.000000e+00 : f32
    %mul3A_2132 = vector.broadcast %mul3A_2131 : f32 to vector<64x128xf32>
    %mul3A_2133 = arith.mulf %mul3A_2132, %slice3A_2130 : vector<64x128xf32>
    %sub3A_2134 = vector.broadcast %slice3A_2072 : vector<64x1xf32> to vector<64x128xf32>
    %sub3A_2135 = arith.subf %sub3A_2134, %mul3A_2133 : vector<64x128xf32>
    %slice3A_2136 = vector.extract_strided_slice %reduce_sum3A_10 {offsets = [512], sizes = [128], strides = [1]} : vector<1024xf32> to vector<128xf32>
    %broadcast_in_dim3A_2137 = vector.shape_cast %slice3A_2136 : vector<128xf32> to vector<1x128xf32>
    %add3A_2138 = vector.broadcast %broadcast_in_dim3A_2137 : vector<1x128xf32> to vector<64x128xf32>
    %add3A_2139 = arith.addf %sub3A_2135, %add3A_2138 : vector<64x128xf32>
    %lt3A_2140 = arith.cmpf olt, %add3A_2139, %select_n3A_2126 : vector<64x128xf32>
    %select_n3A_2141 = arith.select %lt3A_2140, %add3A_2139, %select_n3A_2126 : vector<64x128xi1>, vector<64x128xf32>
    %jit3A_2142 = arith.constant 4 : i32
    %broadcast_in_dim3A_2143 = vector.broadcast %jit3A_2142 : i32 to vector<64x128xi32>
    %select_n3A_2144 = arith.select %lt3A_2140, %broadcast_in_dim3A_2143, %select_n3A_2129 : vector<64x128xi1>, vector<64x128xi32>
    %slice3A_2145 = vector.extract_strided_slice %dot_general3A_6 {offsets = [960, 640], sizes = [64, 128], strides = [1, 1]} : vector<1152x1024xf32> to vector<64x128xf32>
    %mul3A_2146 = arith.constant 2.000000e+00 : f32
    %mul3A_2147 = vector.broadcast %mul3A_2146 : f32 to vector<64x128xf32>
    %mul3A_2148 = arith.mulf %mul3A_2147, %slice3A_2145 : vector<64x128xf32>
    %sub3A_2149 = vector.broadcast %slice3A_2072 : vector<64x1xf32> to vector<64x128xf32>
    %sub3A_2150 = arith.subf %sub3A_2149, %mul3A_2148 : vector<64x128xf32>
    %slice3A_2151 = vector.extract_strided_slice %reduce_sum3A_10 {offsets = [640], sizes = [128], strides = [1]} : vector<1024xf32> to vector<128xf32>
    %broadcast_in_dim3A_2152 = vector.shape_cast %slice3A_2151 : vector<128xf32> to vector<1x128xf32>
    %add3A_2153 = vector.broadcast %broadcast_in_dim3A_2152 : vector<1x128xf32> to vector<64x128xf32>
    %add3A_2154 = arith.addf %sub3A_2150, %add3A_2153 : vector<64x128xf32>
    %lt3A_2155 = arith.cmpf olt, %add3A_2154, %select_n3A_2141 : vector<64x128xf32>
    %select_n3A_2156 = arith.select %lt3A_2155, %add3A_2154, %select_n3A_2141 : vector<64x128xi1>, vector<64x128xf32>
    %jit3A_2157 = arith.constant 5 : i32
    %broadcast_in_dim3A_2158 = vector.broadcast %jit3A_2157 : i32 to vector<64x128xi32>
    %select_n3A_2159 = arith.select %lt3A_2155, %broadcast_in_dim3A_2158, %select_n3A_2144 : vector<64x128xi1>, vector<64x128xi32>
    %slice3A_2160 = vector.extract_strided_slice %dot_general3A_6 {offsets = [960, 768], sizes = [64, 128], strides = [1, 1]} : vector<1152x1024xf32> to vector<64x128xf32>
    %mul3A_2161 = arith.constant 2.000000e+00 : f32
    %mul3A_2162 = vector.broadcast %mul3A_2161 : f32 to vector<64x128xf32>
    %mul3A_2163 = arith.mulf %mul3A_2162, %slice3A_2160 : vector<64x128xf32>
    %sub3A_2164 = vector.broadcast %slice3A_2072 : vector<64x1xf32> to vector<64x128xf32>
    %sub3A_2165 = arith.subf %sub3A_2164, %mul3A_2163 : vector<64x128xf32>
    %slice3A_2166 = vector.extract_strided_slice %reduce_sum3A_10 {offsets = [768], sizes = [128], strides = [1]} : vector<1024xf32> to vector<128xf32>
    %broadcast_in_dim3A_2167 = vector.shape_cast %slice3A_2166 : vector<128xf32> to vector<1x128xf32>
    %add3A_2168 = vector.broadcast %broadcast_in_dim3A_2167 : vector<1x128xf32> to vector<64x128xf32>
    %add3A_2169 = arith.addf %sub3A_2165, %add3A_2168 : vector<64x128xf32>
    %lt3A_2170 = arith.cmpf olt, %add3A_2169, %select_n3A_2156 : vector<64x128xf32>
    %select_n3A_2171 = arith.select %lt3A_2170, %add3A_2169, %select_n3A_2156 : vector<64x128xi1>, vector<64x128xf32>
    %jit3A_2172 = arith.constant 6 : i32
    %broadcast_in_dim3A_2173 = vector.broadcast %jit3A_2172 : i32 to vector<64x128xi32>
    %select_n3A_2174 = arith.select %lt3A_2170, %broadcast_in_dim3A_2173, %select_n3A_2159 : vector<64x128xi1>, vector<64x128xi32>
    %slice3A_2175 = vector.extract_strided_slice %dot_general3A_6 {offsets = [960, 896], sizes = [64, 128], strides = [1, 1]} : vector<1152x1024xf32> to vector<64x128xf32>
    %mul3A_2176 = arith.constant 2.000000e+00 : f32
    %mul3A_2177 = vector.broadcast %mul3A_2176 : f32 to vector<64x128xf32>
    %mul3A_2178 = arith.mulf %mul3A_2177, %slice3A_2175 : vector<64x128xf32>
    %sub3A_2179 = vector.broadcast %slice3A_2072 : vector<64x1xf32> to vector<64x128xf32>
    %sub3A_2180 = arith.subf %sub3A_2179, %mul3A_2178 : vector<64x128xf32>
    %slice3A_2181 = vector.extract_strided_slice %reduce_sum3A_10 {offsets = [896], sizes = [128], strides = [1]} : vector<1024xf32> to vector<128xf32>
    %broadcast_in_dim3A_2182 = vector.shape_cast %slice3A_2181 : vector<128xf32> to vector<1x128xf32>
    %add3A_2183 = vector.broadcast %broadcast_in_dim3A_2182 : vector<1x128xf32> to vector<64x128xf32>
    %add3A_2184 = arith.addf %sub3A_2180, %add3A_2183 : vector<64x128xf32>
    %lt3A_2185 = arith.cmpf olt, %add3A_2184, %select_n3A_2171 : vector<64x128xf32>
    %select_n3A_2186 = arith.select %lt3A_2185, %add3A_2184, %select_n3A_2171 : vector<64x128xi1>, vector<64x128xf32>
    %jit3A_2187 = arith.constant 7 : i32
    %broadcast_in_dim3A_2188 = vector.broadcast %jit3A_2187 : i32 to vector<64x128xi32>
    %select_n3A_2189 = arith.select %lt3A_2185, %broadcast_in_dim3A_2188, %select_n3A_2174 : vector<64x128xi1>, vector<64x128xi32>
    %reduce_min3A_2190 = arith.constant dense<0x7F800000> : vector<64xf32>
    %reduce_min3A_2191 = vector.multi_reduction <minimumf>, %select_n3A_2186, %reduce_min3A_2190 [1] : vector<64x128xf32> to vector<64xf32>
    %broadcast_in_dim3A_2192 = vector.shape_cast %reduce_min3A_2191 : vector<64xf32> to vector<64x1xf32>
    %eq3A_2193 = vector.broadcast %broadcast_in_dim3A_2192 : vector<64x1xf32> to vector<64x128xf32>
    %eq3A_2194 = arith.cmpf oeq, %select_n3A_2186, %eq3A_2193 : vector<64x128xf32>
    %mul3A_2195 = arith.constant 128 : i32
    %mul3A_2196 = vector.broadcast %mul3A_2195 : i32 to vector<64x128xi32>
    %mul3A_2197 = arith.muli %select_n3A_2189, %mul3A_2196 : vector<64x128xi32>
    %add3A_2198 = arith.addi %mul3A_2197, %iota3A : vector<64x128xi32>
    %jit3A_2199 = arith.constant 1024 : i32
    %broadcast_in_dim3A_2200 = vector.broadcast %jit3A_2199 : i32 to vector<64x128xi32>
    %select_n3A_2201 = arith.select %eq3A_2194, %add3A_2198, %broadcast_in_dim3A_2200 : vector<64x128xi1>, vector<64x128xi32>
    %reduce_min3A_2202 = arith.constant dense<2147483647> : vector<64xi32>
    %reduce_min3A_2203 = vector.multi_reduction <minsi>, %select_n3A_2201, %reduce_min3A_2202 [1] : vector<64x128xi32> to vector<64xi32>
    %swap3A_2204 = arith.constant 0 : index
    %swap3A_2205 = arith.constant 0 : index
    %swap3A_2206 = arith.constant 960 : index
    %swap3A_2207 = vector.load %arg3[%swap3A_2204, %swap3A_2205, %swap3A_2206] : memref<1x1x1152xi32, #tpu.memory_space<vmem>>, vector<1x1x64xi32>
    %swap3A_2208 = vector.shape_cast %swap3A_2207 : vector<1x1x64xi32> to vector<64xi32>
    %swap3A_2209 = vector.shape_cast %reduce_min3A_2203 : vector<64xi32> to vector<1x1x64xi32>
    tpu.vector_store %arg3[%swap3A_2204, %swap3A_2205, %swap3A_2206], %swap3A_2209 {strides = array<i32>} : memref<1x1x1152xi32, #tpu.memory_space<vmem>>, vector<1x1x64xi32>,
    %slice3A_2210 = vector.extract_strided_slice %broadcast_in_dim3A {offsets = [1024, 0], sizes = [64, 1], strides = [1, 1]} : vector<1152x1xf32> to vector<64x1xf32>
    %slice3A_2211 = vector.extract_strided_slice %dot_general3A_6 {offsets = [1024, 0], sizes = [64, 128], strides = [1, 1]} : vector<1152x1024xf32> to vector<64x128xf32>
    %mul3A_2212 = arith.constant 2.000000e+00 : f32
    %mul3A_2213 = vector.broadcast %mul3A_2212 : f32 to vector<64x128xf32>
    %mul3A_2214 = arith.mulf %mul3A_2213, %slice3A_2211 : vector<64x128xf32>
    %sub3A_2215 = vector.broadcast %slice3A_2210 : vector<64x1xf32> to vector<64x128xf32>
    %sub3A_2216 = arith.subf %sub3A_2215, %mul3A_2214 : vector<64x128xf32>
    %slice3A_2217 = vector.extract_strided_slice %reduce_sum3A_10 {offsets = [0], sizes = [128], strides = [1]} : vector<1024xf32> to vector<128xf32>
    %broadcast_in_dim3A_2218 = vector.shape_cast %slice3A_2217 : vector<128xf32> to vector<1x128xf32>
    %add3A_2219 = vector.broadcast %broadcast_in_dim3A_2218 : vector<1x128xf32> to vector<64x128xf32>
    %add3A_2220 = arith.addf %sub3A_2216, %add3A_2219 : vector<64x128xf32>
    %broadcast_in_dim3A_2221 = arith.constant 0 : i32
    %broadcast_in_dim3A_2222 = vector.broadcast %broadcast_in_dim3A_2221 : i32 to vector<64x128xi32>
    %slice3A_2223 = vector.extract_strided_slice %dot_general3A_6 {offsets = [1024, 128], sizes = [64, 128], strides = [1, 1]} : vector<1152x1024xf32> to vector<64x128xf32>
    %mul3A_2224 = arith.constant 2.000000e+00 : f32
    %mul3A_2225 = vector.broadcast %mul3A_2224 : f32 to vector<64x128xf32>
    %mul3A_2226 = arith.mulf %mul3A_2225, %slice3A_2223 : vector<64x128xf32>
    %sub3A_2227 = vector.broadcast %slice3A_2210 : vector<64x1xf32> to vector<64x128xf32>
    %sub3A_2228 = arith.subf %sub3A_2227, %mul3A_2226 : vector<64x128xf32>
    %slice3A_2229 = vector.extract_strided_slice %reduce_sum3A_10 {offsets = [128], sizes = [128], strides = [1]} : vector<1024xf32> to vector<128xf32>
    %broadcast_in_dim3A_2230 = vector.shape_cast %slice3A_2229 : vector<128xf32> to vector<1x128xf32>
    %add3A_2231 = vector.broadcast %broadcast_in_dim3A_2230 : vector<1x128xf32> to vector<64x128xf32>
    %add3A_2232 = arith.addf %sub3A_2228, %add3A_2231 : vector<64x128xf32>
    %lt3A_2233 = arith.cmpf olt, %add3A_2232, %add3A_2220 : vector<64x128xf32>
    %select_n3A_2234 = arith.select %lt3A_2233, %add3A_2232, %add3A_2220 : vector<64x128xi1>, vector<64x128xf32>
    %jit3A_2235 = arith.constant 1 : i32
    %broadcast_in_dim3A_2236 = vector.broadcast %jit3A_2235 : i32 to vector<64x128xi32>
    %select_n3A_2237 = arith.select %lt3A_2233, %broadcast_in_dim3A_2236, %broadcast_in_dim3A_2222 : vector<64x128xi1>, vector<64x128xi32>
    %slice3A_2238 = vector.extract_strided_slice %dot_general3A_6 {offsets = [1024, 256], sizes = [64, 128], strides = [1, 1]} : vector<1152x1024xf32> to vector<64x128xf32>
    %mul3A_2239 = arith.constant 2.000000e+00 : f32
    %mul3A_2240 = vector.broadcast %mul3A_2239 : f32 to vector<64x128xf32>
    %mul3A_2241 = arith.mulf %mul3A_2240, %slice3A_2238 : vector<64x128xf32>
    %sub3A_2242 = vector.broadcast %slice3A_2210 : vector<64x1xf32> to vector<64x128xf32>
    %sub3A_2243 = arith.subf %sub3A_2242, %mul3A_2241 : vector<64x128xf32>
    %slice3A_2244 = vector.extract_strided_slice %reduce_sum3A_10 {offsets = [256], sizes = [128], strides = [1]} : vector<1024xf32> to vector<128xf32>
    %broadcast_in_dim3A_2245 = vector.shape_cast %slice3A_2244 : vector<128xf32> to vector<1x128xf32>
    %add3A_2246 = vector.broadcast %broadcast_in_dim3A_2245 : vector<1x128xf32> to vector<64x128xf32>
    %add3A_2247 = arith.addf %sub3A_2243, %add3A_2246 : vector<64x128xf32>
    %lt3A_2248 = arith.cmpf olt, %add3A_2247, %select_n3A_2234 : vector<64x128xf32>
    %select_n3A_2249 = arith.select %lt3A_2248, %add3A_2247, %select_n3A_2234 : vector<64x128xi1>, vector<64x128xf32>
    %jit3A_2250 = arith.constant 2 : i32
    %broadcast_in_dim3A_2251 = vector.broadcast %jit3A_2250 : i32 to vector<64x128xi32>
    %select_n3A_2252 = arith.select %lt3A_2248, %broadcast_in_dim3A_2251, %select_n3A_2237 : vector<64x128xi1>, vector<64x128xi32>
    %slice3A_2253 = vector.extract_strided_slice %dot_general3A_6 {offsets = [1024, 384], sizes = [64, 128], strides = [1, 1]} : vector<1152x1024xf32> to vector<64x128xf32>
    %mul3A_2254 = arith.constant 2.000000e+00 : f32
    %mul3A_2255 = vector.broadcast %mul3A_2254 : f32 to vector<64x128xf32>
    %mul3A_2256 = arith.mulf %mul3A_2255, %slice3A_2253 : vector<64x128xf32>
    %sub3A_2257 = vector.broadcast %slice3A_2210 : vector<64x1xf32> to vector<64x128xf32>
    %sub3A_2258 = arith.subf %sub3A_2257, %mul3A_2256 : vector<64x128xf32>
    %slice3A_2259 = vector.extract_strided_slice %reduce_sum3A_10 {offsets = [384], sizes = [128], strides = [1]} : vector<1024xf32> to vector<128xf32>
    %broadcast_in_dim3A_2260 = vector.shape_cast %slice3A_2259 : vector<128xf32> to vector<1x128xf32>
    %add3A_2261 = vector.broadcast %broadcast_in_dim3A_2260 : vector<1x128xf32> to vector<64x128xf32>
    %add3A_2262 = arith.addf %sub3A_2258, %add3A_2261 : vector<64x128xf32>
    %lt3A_2263 = arith.cmpf olt, %add3A_2262, %select_n3A_2249 : vector<64x128xf32>
    %select_n3A_2264 = arith.select %lt3A_2263, %add3A_2262, %select_n3A_2249 : vector<64x128xi1>, vector<64x128xf32>
    %jit3A_2265 = arith.constant 3 : i32
    %broadcast_in_dim3A_2266 = vector.broadcast %jit3A_2265 : i32 to vector<64x128xi32>
    %select_n3A_2267 = arith.select %lt3A_2263, %broadcast_in_dim3A_2266, %select_n3A_2252 : vector<64x128xi1>, vector<64x128xi32>
    %slice3A_2268 = vector.extract_strided_slice %dot_general3A_6 {offsets = [1024, 512], sizes = [64, 128], strides = [1, 1]} : vector<1152x1024xf32> to vector<64x128xf32>
    %mul3A_2269 = arith.constant 2.000000e+00 : f32
    %mul3A_2270 = vector.broadcast %mul3A_2269 : f32 to vector<64x128xf32>
    %mul3A_2271 = arith.mulf %mul3A_2270, %slice3A_2268 : vector<64x128xf32>
    %sub3A_2272 = vector.broadcast %slice3A_2210 : vector<64x1xf32> to vector<64x128xf32>
    %sub3A_2273 = arith.subf %sub3A_2272, %mul3A_2271 : vector<64x128xf32>
    %slice3A_2274 = vector.extract_strided_slice %reduce_sum3A_10 {offsets = [512], sizes = [128], strides = [1]} : vector<1024xf32> to vector<128xf32>
    %broadcast_in_dim3A_2275 = vector.shape_cast %slice3A_2274 : vector<128xf32> to vector<1x128xf32>
    %add3A_2276 = vector.broadcast %broadcast_in_dim3A_2275 : vector<1x128xf32> to vector<64x128xf32>
    %add3A_2277 = arith.addf %sub3A_2273, %add3A_2276 : vector<64x128xf32>
    %lt3A_2278 = arith.cmpf olt, %add3A_2277, %select_n3A_2264 : vector<64x128xf32>
    %select_n3A_2279 = arith.select %lt3A_2278, %add3A_2277, %select_n3A_2264 : vector<64x128xi1>, vector<64x128xf32>
    %jit3A_2280 = arith.constant 4 : i32
    %broadcast_in_dim3A_2281 = vector.broadcast %jit3A_2280 : i32 to vector<64x128xi32>
    %select_n3A_2282 = arith.select %lt3A_2278, %broadcast_in_dim3A_2281, %select_n3A_2267 : vector<64x128xi1>, vector<64x128xi32>
    %slice3A_2283 = vector.extract_strided_slice %dot_general3A_6 {offsets = [1024, 640], sizes = [64, 128], strides = [1, 1]} : vector<1152x1024xf32> to vector<64x128xf32>
    %mul3A_2284 = arith.constant 2.000000e+00 : f32
    %mul3A_2285 = vector.broadcast %mul3A_2284 : f32 to vector<64x128xf32>
    %mul3A_2286 = arith.mulf %mul3A_2285, %slice3A_2283 : vector<64x128xf32>
    %sub3A_2287 = vector.broadcast %slice3A_2210 : vector<64x1xf32> to vector<64x128xf32>
    %sub3A_2288 = arith.subf %sub3A_2287, %mul3A_2286 : vector<64x128xf32>
    %slice3A_2289 = vector.extract_strided_slice %reduce_sum3A_10 {offsets = [640], sizes = [128], strides = [1]} : vector<1024xf32> to vector<128xf32>
    %broadcast_in_dim3A_2290 = vector.shape_cast %slice3A_2289 : vector<128xf32> to vector<1x128xf32>
    %add3A_2291 = vector.broadcast %broadcast_in_dim3A_2290 : vector<1x128xf32> to vector<64x128xf32>
    %add3A_2292 = arith.addf %sub3A_2288, %add3A_2291 : vector<64x128xf32>
    %lt3A_2293 = arith.cmpf olt, %add3A_2292, %select_n3A_2279 : vector<64x128xf32>
    %select_n3A_2294 = arith.select %lt3A_2293, %add3A_2292, %select_n3A_2279 : vector<64x128xi1>, vector<64x128xf32>
    %jit3A_2295 = arith.constant 5 : i32
    %broadcast_in_dim3A_2296 = vector.broadcast %jit3A_2295 : i32 to vector<64x128xi32>
    %select_n3A_2297 = arith.select %lt3A_2293, %broadcast_in_dim3A_2296, %select_n3A_2282 : vector<64x128xi1>, vector<64x128xi32>
    %slice3A_2298 = vector.extract_strided_slice %dot_general3A_6 {offsets = [1024, 768], sizes = [64, 128], strides = [1, 1]} : vector<1152x1024xf32> to vector<64x128xf32>
    %mul3A_2299 = arith.constant 2.000000e+00 : f32
    %mul3A_2300 = vector.broadcast %mul3A_2299 : f32 to vector<64x128xf32>
    %mul3A_2301 = arith.mulf %mul3A_2300, %slice3A_2298 : vector<64x128xf32>
    %sub3A_2302 = vector.broadcast %slice3A_2210 : vector<64x1xf32> to vector<64x128xf32>
    %sub3A_2303 = arith.subf %sub3A_2302, %mul3A_2301 : vector<64x128xf32>
    %slice3A_2304 = vector.extract_strided_slice %reduce_sum3A_10 {offsets = [768], sizes = [128], strides = [1]} : vector<1024xf32> to vector<128xf32>
    %broadcast_in_dim3A_2305 = vector.shape_cast %slice3A_2304 : vector<128xf32> to vector<1x128xf32>
    %add3A_2306 = vector.broadcast %broadcast_in_dim3A_2305 : vector<1x128xf32> to vector<64x128xf32>
    %add3A_2307 = arith.addf %sub3A_2303, %add3A_2306 : vector<64x128xf32>
    %lt3A_2308 = arith.cmpf olt, %add3A_2307, %select_n3A_2294 : vector<64x128xf32>
    %select_n3A_2309 = arith.select %lt3A_2308, %add3A_2307, %select_n3A_2294 : vector<64x128xi1>, vector<64x128xf32>
    %jit3A_2310 = arith.constant 6 : i32
    %broadcast_in_dim3A_2311 = vector.broadcast %jit3A_2310 : i32 to vector<64x128xi32>
    %select_n3A_2312 = arith.select %lt3A_2308, %broadcast_in_dim3A_2311, %select_n3A_2297 : vector<64x128xi1>, vector<64x128xi32>
    %slice3A_2313 = vector.extract_strided_slice %dot_general3A_6 {offsets = [1024, 896], sizes = [64, 128], strides = [1, 1]} : vector<1152x1024xf32> to vector<64x128xf32>
    %mul3A_2314 = arith.constant 2.000000e+00 : f32
    %mul3A_2315 = vector.broadcast %mul3A_2314 : f32 to vector<64x128xf32>
    %mul3A_2316 = arith.mulf %mul3A_2315, %slice3A_2313 : vector<64x128xf32>
    %sub3A_2317 = vector.broadcast %slice3A_2210 : vector<64x1xf32> to vector<64x128xf32>
    %sub3A_2318 = arith.subf %sub3A_2317, %mul3A_2316 : vector<64x128xf32>
    %slice3A_2319 = vector.extract_strided_slice %reduce_sum3A_10 {offsets = [896], sizes = [128], strides = [1]} : vector<1024xf32> to vector<128xf32>
    %broadcast_in_dim3A_2320 = vector.shape_cast %slice3A_2319 : vector<128xf32> to vector<1x128xf32>
    %add3A_2321 = vector.broadcast %broadcast_in_dim3A_2320 : vector<1x128xf32> to vector<64x128xf32>
    %add3A_2322 = arith.addf %sub3A_2318, %add3A_2321 : vector<64x128xf32>
    %lt3A_2323 = arith.cmpf olt, %add3A_2322, %select_n3A_2309 : vector<64x128xf32>
    %select_n3A_2324 = arith.select %lt3A_2323, %add3A_2322, %select_n3A_2309 : vector<64x128xi1>, vector<64x128xf32>
    %jit3A_2325 = arith.constant 7 : i32
    %broadcast_in_dim3A_2326 = vector.broadcast %jit3A_2325 : i32 to vector<64x128xi32>
    %select_n3A_2327 = arith.select %lt3A_2323, %broadcast_in_dim3A_2326, %select_n3A_2312 : vector<64x128xi1>, vector<64x128xi32>
    %reduce_min3A_2328 = arith.constant dense<0x7F800000> : vector<64xf32>
    %reduce_min3A_2329 = vector.multi_reduction <minimumf>, %select_n3A_2324, %reduce_min3A_2328 [1] : vector<64x128xf32> to vector<64xf32>
    %broadcast_in_dim3A_2330 = vector.shape_cast %reduce_min3A_2329 : vector<64xf32> to vector<64x1xf32>
    %eq3A_2331 = vector.broadcast %broadcast_in_dim3A_2330 : vector<64x1xf32> to vector<64x128xf32>
    %eq3A_2332 = arith.cmpf oeq, %select_n3A_2324, %eq3A_2331 : vector<64x128xf32>
    %mul3A_2333 = arith.constant 128 : i32
    %mul3A_2334 = vector.broadcast %mul3A_2333 : i32 to vector<64x128xi32>
    %mul3A_2335 = arith.muli %select_n3A_2327, %mul3A_2334 : vector<64x128xi32>
    %add3A_2336 = arith.addi %mul3A_2335, %iota3A : vector<64x128xi32>
    %jit3A_2337 = arith.constant 1024 : i32
    %broadcast_in_dim3A_2338 = vector.broadcast %jit3A_2337 : i32 to vector<64x128xi32>
    %select_n3A_2339 = arith.select %eq3A_2332, %add3A_2336, %broadcast_in_dim3A_2338 : vector<64x128xi1>, vector<64x128xi32>
    %reduce_min3A_2340 = arith.constant dense<2147483647> : vector<64xi32>
    %reduce_min3A_2341 = vector.multi_reduction <minsi>, %select_n3A_2339, %reduce_min3A_2340 [1] : vector<64x128xi32> to vector<64xi32>
    %swap3A_2342 = arith.constant 0 : index
    %swap3A_2343 = arith.constant 0 : index
    %swap3A_2344 = arith.constant 1024 : index
    %swap3A_2345 = vector.load %arg3[%swap3A_2342, %swap3A_2343, %swap3A_2344] : memref<1x1x1152xi32, #tpu.memory_space<vmem>>, vector<1x1x64xi32>
    %swap3A_2346 = vector.shape_cast %swap3A_2345 : vector<1x1x64xi32> to vector<64xi32>
    %swap3A_2347 = vector.shape_cast %reduce_min3A_2341 : vector<64xi32> to vector<1x1x64xi32>
    tpu.vector_store %arg3[%swap3A_2342, %swap3A_2343, %swap3A_2344], %swap3A_2347 {strides = array<i32>} : memref<1x1x1152xi32, #tpu.memory_space<vmem>>, vector<1x1x64xi32>,
    %slice3A_2348 = vector.extract_strided_slice %broadcast_in_dim3A {offsets = [1088, 0], sizes = [64, 1], strides = [1, 1]} : vector<1152x1xf32> to vector<64x1xf32>
    %slice3A_2349 = vector.extract_strided_slice %dot_general3A_6 {offsets = [1088, 0], sizes = [64, 128], strides = [1, 1]} : vector<1152x1024xf32> to vector<64x128xf32>
    %mul3A_2350 = arith.constant 2.000000e+00 : f32
    %mul3A_2351 = vector.broadcast %mul3A_2350 : f32 to vector<64x128xf32>
    %mul3A_2352 = arith.mulf %mul3A_2351, %slice3A_2349 : vector<64x128xf32>
    %sub3A_2353 = vector.broadcast %slice3A_2348 : vector<64x1xf32> to vector<64x128xf32>
    %sub3A_2354 = arith.subf %sub3A_2353, %mul3A_2352 : vector<64x128xf32>
    %slice3A_2355 = vector.extract_strided_slice %reduce_sum3A_10 {offsets = [0], sizes = [128], strides = [1]} : vector<1024xf32> to vector<128xf32>
    %broadcast_in_dim3A_2356 = vector.shape_cast %slice3A_2355 : vector<128xf32> to vector<1x128xf32>
    %add3A_2357 = vector.broadcast %broadcast_in_dim3A_2356 : vector<1x128xf32> to vector<64x128xf32>
    %add3A_2358 = arith.addf %sub3A_2354, %add3A_2357 : vector<64x128xf32>
    %broadcast_in_dim3A_2359 = arith.constant 0 : i32
    %broadcast_in_dim3A_2360 = vector.broadcast %broadcast_in_dim3A_2359 : i32 to vector<64x128xi32>
    %slice3A_2361 = vector.extract_strided_slice %dot_general3A_6 {offsets = [1088, 128], sizes = [64, 128], strides = [1, 1]} : vector<1152x1024xf32> to vector<64x128xf32>
    %mul3A_2362 = arith.constant 2.000000e+00 : f32
    %mul3A_2363 = vector.broadcast %mul3A_2362 : f32 to vector<64x128xf32>
    %mul3A_2364 = arith.mulf %mul3A_2363, %slice3A_2361 : vector<64x128xf32>
    %sub3A_2365 = vector.broadcast %slice3A_2348 : vector<64x1xf32> to vector<64x128xf32>
    %sub3A_2366 = arith.subf %sub3A_2365, %mul3A_2364 : vector<64x128xf32>
    %slice3A_2367 = vector.extract_strided_slice %reduce_sum3A_10 {offsets = [128], sizes = [128], strides = [1]} : vector<1024xf32> to vector<128xf32>
    %broadcast_in_dim3A_2368 = vector.shape_cast %slice3A_2367 : vector<128xf32> to vector<1x128xf32>
    %add3A_2369 = vector.broadcast %broadcast_in_dim3A_2368 : vector<1x128xf32> to vector<64x128xf32>
    %add3A_2370 = arith.addf %sub3A_2366, %add3A_2369 : vector<64x128xf32>
    %lt3A_2371 = arith.cmpf olt, %add3A_2370, %add3A_2358 : vector<64x128xf32>
    %select_n3A_2372 = arith.select %lt3A_2371, %add3A_2370, %add3A_2358 : vector<64x128xi1>, vector<64x128xf32>
    %jit3A_2373 = arith.constant 1 : i32
    %broadcast_in_dim3A_2374 = vector.broadcast %jit3A_2373 : i32 to vector<64x128xi32>
    %select_n3A_2375 = arith.select %lt3A_2371, %broadcast_in_dim3A_2374, %broadcast_in_dim3A_2360 : vector<64x128xi1>, vector<64x128xi32>
    %slice3A_2376 = vector.extract_strided_slice %dot_general3A_6 {offsets = [1088, 256], sizes = [64, 128], strides = [1, 1]} : vector<1152x1024xf32> to vector<64x128xf32>
    %mul3A_2377 = arith.constant 2.000000e+00 : f32
    %mul3A_2378 = vector.broadcast %mul3A_2377 : f32 to vector<64x128xf32>
    %mul3A_2379 = arith.mulf %mul3A_2378, %slice3A_2376 : vector<64x128xf32>
    %sub3A_2380 = vector.broadcast %slice3A_2348 : vector<64x1xf32> to vector<64x128xf32>
    %sub3A_2381 = arith.subf %sub3A_2380, %mul3A_2379 : vector<64x128xf32>
    %slice3A_2382 = vector.extract_strided_slice %reduce_sum3A_10 {offsets = [256], sizes = [128], strides = [1]} : vector<1024xf32> to vector<128xf32>
    %broadcast_in_dim3A_2383 = vector.shape_cast %slice3A_2382 : vector<128xf32> to vector<1x128xf32>
    %add3A_2384 = vector.broadcast %broadcast_in_dim3A_2383 : vector<1x128xf32> to vector<64x128xf32>
    %add3A_2385 = arith.addf %sub3A_2381, %add3A_2384 : vector<64x128xf32>
    %lt3A_2386 = arith.cmpf olt, %add3A_2385, %select_n3A_2372 : vector<64x128xf32>
    %select_n3A_2387 = arith.select %lt3A_2386, %add3A_2385, %select_n3A_2372 : vector<64x128xi1>, vector<64x128xf32>
    %jit3A_2388 = arith.constant 2 : i32
    %broadcast_in_dim3A_2389 = vector.broadcast %jit3A_2388 : i32 to vector<64x128xi32>
    %select_n3A_2390 = arith.select %lt3A_2386, %broadcast_in_dim3A_2389, %select_n3A_2375 : vector<64x128xi1>, vector<64x128xi32>
    %slice3A_2391 = vector.extract_strided_slice %dot_general3A_6 {offsets = [1088, 384], sizes = [64, 128], strides = [1, 1]} : vector<1152x1024xf32> to vector<64x128xf32>
    %mul3A_2392 = arith.constant 2.000000e+00 : f32
    %mul3A_2393 = vector.broadcast %mul3A_2392 : f32 to vector<64x128xf32>
    %mul3A_2394 = arith.mulf %mul3A_2393, %slice3A_2391 : vector<64x128xf32>
    %sub3A_2395 = vector.broadcast %slice3A_2348 : vector<64x1xf32> to vector<64x128xf32>
    %sub3A_2396 = arith.subf %sub3A_2395, %mul3A_2394 : vector<64x128xf32>
    %slice3A_2397 = vector.extract_strided_slice %reduce_sum3A_10 {offsets = [384], sizes = [128], strides = [1]} : vector<1024xf32> to vector<128xf32>
    %broadcast_in_dim3A_2398 = vector.shape_cast %slice3A_2397 : vector<128xf32> to vector<1x128xf32>
    %add3A_2399 = vector.broadcast %broadcast_in_dim3A_2398 : vector<1x128xf32> to vector<64x128xf32>
    %add3A_2400 = arith.addf %sub3A_2396, %add3A_2399 : vector<64x128xf32>
    %lt3A_2401 = arith.cmpf olt, %add3A_2400, %select_n3A_2387 : vector<64x128xf32>
    %select_n3A_2402 = arith.select %lt3A_2401, %add3A_2400, %select_n3A_2387 : vector<64x128xi1>, vector<64x128xf32>
    %jit3A_2403 = arith.constant 3 : i32
    %broadcast_in_dim3A_2404 = vector.broadcast %jit3A_2403 : i32 to vector<64x128xi32>
    %select_n3A_2405 = arith.select %lt3A_2401, %broadcast_in_dim3A_2404, %select_n3A_2390 : vector<64x128xi1>, vector<64x128xi32>
    %slice3A_2406 = vector.extract_strided_slice %dot_general3A_6 {offsets = [1088, 512], sizes = [64, 128], strides = [1, 1]} : vector<1152x1024xf32> to vector<64x128xf32>
    %mul3A_2407 = arith.constant 2.000000e+00 : f32
    %mul3A_2408 = vector.broadcast %mul3A_2407 : f32 to vector<64x128xf32>
    %mul3A_2409 = arith.mulf %mul3A_2408, %slice3A_2406 : vector<64x128xf32>
    %sub3A_2410 = vector.broadcast %slice3A_2348 : vector<64x1xf32> to vector<64x128xf32>
    %sub3A_2411 = arith.subf %sub3A_2410, %mul3A_2409 : vector<64x128xf32>
    %slice3A_2412 = vector.extract_strided_slice %reduce_sum3A_10 {offsets = [512], sizes = [128], strides = [1]} : vector<1024xf32> to vector<128xf32>
    %broadcast_in_dim3A_2413 = vector.shape_cast %slice3A_2412 : vector<128xf32> to vector<1x128xf32>
    %add3A_2414 = vector.broadcast %broadcast_in_dim3A_2413 : vector<1x128xf32> to vector<64x128xf32>
    %add3A_2415 = arith.addf %sub3A_2411, %add3A_2414 : vector<64x128xf32>
    %lt3A_2416 = arith.cmpf olt, %add3A_2415, %select_n3A_2402 : vector<64x128xf32>
    %select_n3A_2417 = arith.select %lt3A_2416, %add3A_2415, %select_n3A_2402 : vector<64x128xi1>, vector<64x128xf32>
    %jit3A_2418 = arith.constant 4 : i32
    %broadcast_in_dim3A_2419 = vector.broadcast %jit3A_2418 : i32 to vector<64x128xi32>
    %select_n3A_2420 = arith.select %lt3A_2416, %broadcast_in_dim3A_2419, %select_n3A_2405 : vector<64x128xi1>, vector<64x128xi32>
    %slice3A_2421 = vector.extract_strided_slice %dot_general3A_6 {offsets = [1088, 640], sizes = [64, 128], strides = [1, 1]} : vector<1152x1024xf32> to vector<64x128xf32>
    %mul3A_2422 = arith.constant 2.000000e+00 : f32
    %mul3A_2423 = vector.broadcast %mul3A_2422 : f32 to vector<64x128xf32>
    %mul3A_2424 = arith.mulf %mul3A_2423, %slice3A_2421 : vector<64x128xf32>
    %sub3A_2425 = vector.broadcast %slice3A_2348 : vector<64x1xf32> to vector<64x128xf32>
    %sub3A_2426 = arith.subf %sub3A_2425, %mul3A_2424 : vector<64x128xf32>
    %slice3A_2427 = vector.extract_strided_slice %reduce_sum3A_10 {offsets = [640], sizes = [128], strides = [1]} : vector<1024xf32> to vector<128xf32>
    %broadcast_in_dim3A_2428 = vector.shape_cast %slice3A_2427 : vector<128xf32> to vector<1x128xf32>
    %add3A_2429 = vector.broadcast %broadcast_in_dim3A_2428 : vector<1x128xf32> to vector<64x128xf32>
    %add3A_2430 = arith.addf %sub3A_2426, %add3A_2429 : vector<64x128xf32>
    %lt3A_2431 = arith.cmpf olt, %add3A_2430, %select_n3A_2417 : vector<64x128xf32>
    %select_n3A_2432 = arith.select %lt3A_2431, %add3A_2430, %select_n3A_2417 : vector<64x128xi1>, vector<64x128xf32>
    %jit3A_2433 = arith.constant 5 : i32
    %broadcast_in_dim3A_2434 = vector.broadcast %jit3A_2433 : i32 to vector<64x128xi32>
    %select_n3A_2435 = arith.select %lt3A_2431, %broadcast_in_dim3A_2434, %select_n3A_2420 : vector<64x128xi1>, vector<64x128xi32>
    %slice3A_2436 = vector.extract_strided_slice %dot_general3A_6 {offsets = [1088, 768], sizes = [64, 128], strides = [1, 1]} : vector<1152x1024xf32> to vector<64x128xf32>
    %mul3A_2437 = arith.constant 2.000000e+00 : f32
    %mul3A_2438 = vector.broadcast %mul3A_2437 : f32 to vector<64x128xf32>
    %mul3A_2439 = arith.mulf %mul3A_2438, %slice3A_2436 : vector<64x128xf32>
    %sub3A_2440 = vector.broadcast %slice3A_2348 : vector<64x1xf32> to vector<64x128xf32>
    %sub3A_2441 = arith.subf %sub3A_2440, %mul3A_2439 : vector<64x128xf32>
    %slice3A_2442 = vector.extract_strided_slice %reduce_sum3A_10 {offsets = [768], sizes = [128], strides = [1]} : vector<1024xf32> to vector<128xf32>
    %broadcast_in_dim3A_2443 = vector.shape_cast %slice3A_2442 : vector<128xf32> to vector<1x128xf32>
    %add3A_2444 = vector.broadcast %broadcast_in_dim3A_2443 : vector<1x128xf32> to vector<64x128xf32>
    %add3A_2445 = arith.addf %sub3A_2441, %add3A_2444 : vector<64x128xf32>
    %lt3A_2446 = arith.cmpf olt, %add3A_2445, %select_n3A_2432 : vector<64x128xf32>
    %select_n3A_2447 = arith.select %lt3A_2446, %add3A_2445, %select_n3A_2432 : vector<64x128xi1>, vector<64x128xf32>
    %jit3A_2448 = arith.constant 6 : i32
    %broadcast_in_dim3A_2449 = vector.broadcast %jit3A_2448 : i32 to vector<64x128xi32>
    %select_n3A_2450 = arith.select %lt3A_2446, %broadcast_in_dim3A_2449, %select_n3A_2435 : vector<64x128xi1>, vector<64x128xi32>
    %slice3A_2451 = vector.extract_strided_slice %dot_general3A_6 {offsets = [1088, 896], sizes = [64, 128], strides = [1, 1]} : vector<1152x1024xf32> to vector<64x128xf32>
    %mul3A_2452 = arith.constant 2.000000e+00 : f32
    %mul3A_2453 = vector.broadcast %mul3A_2452 : f32 to vector<64x128xf32>
    %mul3A_2454 = arith.mulf %mul3A_2453, %slice3A_2451 : vector<64x128xf32>
    %sub3A_2455 = vector.broadcast %slice3A_2348 : vector<64x1xf32> to vector<64x128xf32>
    %sub3A_2456 = arith.subf %sub3A_2455, %mul3A_2454 : vector<64x128xf32>
    %slice3A_2457 = vector.extract_strided_slice %reduce_sum3A_10 {offsets = [896], sizes = [128], strides = [1]} : vector<1024xf32> to vector<128xf32>
    %broadcast_in_dim3A_2458 = vector.shape_cast %slice3A_2457 : vector<128xf32> to vector<1x128xf32>
    %add3A_2459 = vector.broadcast %broadcast_in_dim3A_2458 : vector<1x128xf32> to vector<64x128xf32>
    %add3A_2460 = arith.addf %sub3A_2456, %add3A_2459 : vector<64x128xf32>
    %lt3A_2461 = arith.cmpf olt, %add3A_2460, %select_n3A_2447 : vector<64x128xf32>
    %select_n3A_2462 = arith.select %lt3A_2461, %add3A_2460, %select_n3A_2447 : vector<64x128xi1>, vector<64x128xf32>
    %jit3A_2463 = arith.constant 7 : i32
    %broadcast_in_dim3A_2464 = vector.broadcast %jit3A_2463 : i32 to vector<64x128xi32>
    %select_n3A_2465 = arith.select %lt3A_2461, %broadcast_in_dim3A_2464, %select_n3A_2450 : vector<64x128xi1>, vector<64x128xi32>
    %reduce_min3A_2466 = arith.constant dense<0x7F800000> : vector<64xf32>
    %reduce_min3A_2467 = vector.multi_reduction <minimumf>, %select_n3A_2462, %reduce_min3A_2466 [1] : vector<64x128xf32> to vector<64xf32>
    %broadcast_in_dim3A_2468 = vector.shape_cast %reduce_min3A_2467 : vector<64xf32> to vector<64x1xf32>
    %eq3A_2469 = vector.broadcast %broadcast_in_dim3A_2468 : vector<64x1xf32> to vector<64x128xf32>
    %eq3A_2470 = arith.cmpf oeq, %select_n3A_2462, %eq3A_2469 : vector<64x128xf32>
    %mul3A_2471 = arith.constant 128 : i32
    %mul3A_2472 = vector.broadcast %mul3A_2471 : i32 to vector<64x128xi32>
    %mul3A_2473 = arith.muli %select_n3A_2465, %mul3A_2472 : vector<64x128xi32>
    %add3A_2474 = arith.addi %mul3A_2473, %iota3A : vector<64x128xi32>
    %jit3A_2475 = arith.constant 1024 : i32
    %broadcast_in_dim3A_2476 = vector.broadcast %jit3A_2475 : i32 to vector<64x128xi32>
    %select_n3A_2477 = arith.select %eq3A_2470, %add3A_2474, %broadcast_in_dim3A_2476 : vector<64x128xi1>, vector<64x128xi32>
    %reduce_min3A_2478 = arith.constant dense<2147483647> : vector<64xi32>
    %reduce_min3A_2479 = vector.multi_reduction <minsi>, %select_n3A_2477, %reduce_min3A_2478 [1] : vector<64x128xi32> to vector<64xi32>
    %swap3A_2480 = arith.constant 0 : index
    %swap3A_2481 = arith.constant 0 : index
    %swap3A_2482 = arith.constant 1088 : index
    %swap3A_2483 = vector.load %arg3[%swap3A_2480, %swap3A_2481, %swap3A_2482] : memref<1x1x1152xi32, #tpu.memory_space<vmem>>, vector<1x1x64xi32>
    %swap3A_2484 = vector.shape_cast %swap3A_2483 : vector<1x1x64xi32> to vector<64xi32>
    %swap3A_2485 = vector.shape_cast %reduce_min3A_2479 : vector<64xi32> to vector<1x1x64xi32>
    tpu.vector_store %arg3[%swap3A_2480, %swap3A_2481, %swap3A_2482], %swap3A_2485 {strides = array<i32>} : memref<1x1x1152xi32, #tpu.memory_space<vmem>>, vector<1x1x64xi32>,
    return
  }
  func.func @transform_0(%arg0: i32) -> (i32, i32, i32) {
    %add3A = arith.constant 0 : i32
    %add3A_0 = arith.addi %add3A, %arg0 : i32
    %c0_i32 = arith.constant 0 : i32
    %c0_i32_1 = arith.constant 0 : i32
    %c0_i32_2 = arith.constant 0 : i32
    return %add3A_0, %c0_i32, %c0_i32_1 : i32, i32, i32
  }
  func.func @transform_1(%arg0: i32) -> (i32, i32) {
    %c0_i32 = arith.constant 0 : i32
    %c0_i32_0 = arith.constant 0 : i32
    %c0_i32_1 = arith.constant 0 : i32
    return %c0_i32, %c0_i32_0 : i32, i32
  }
  func.func @transform_2(%arg0: i32) -> (i32, i32, i32) {
    %c0_i32 = arith.constant 0 : i32
    %c0_i32_0 = arith.constant 0 : i32
    %c0_i32_1 = arith.constant 0 : i32
    return %arg0, %c0_i32, %c0_i32_0 : i32, i32, i32
  }
}

module attributes {stable_mosaic.version = 14 : i64} {
  func.func @_vq_idx_body(%arg0: i32, %arg1: memref<2x576x64xf32, #tpu.memory_space<vmem>>, %arg2: memref<1024x64xf32, #tpu.memory_space<vmem>>, %arg3: memref<1x1x1152xi32, #tpu.memory_space<vmem>>) attributes {dimension_semantics = [#tpu.dimension_semantics<arbitrary>], iteration_bounds = array<i64: 4>, scalar_prefetch = 0 : i64, scratch_operands = 0 : i64, tpu.core_type = #tpu.core_type<tc>, window_params = [{transform_indices = @transform_0, window_bounds = array<i64: 2, 576, 64>}, {pipeline_mode = #tpu.pipeline_mode<synchronous>, transform_indices = @transform_1, window_bounds = array<i64: 1024, 64>}, {transform_indices = @transform_2, window_bounds = array<i64: 1, 1, 1152>}]} {
    %get3A = arith.constant 0 : index
    %get3A_0 = arith.constant 0 : index
    %get3A_1 = arith.constant 0 : index
    %get3A_2 = vector.load %arg1[%get3A, %get3A_0, %get3A_1] : memref<2x576x64xf32, #tpu.memory_space<vmem>>, vector<2x576x64xf32>
    %reshape3A = vector.shape_cast %get3A_2 : vector<2x576x64xf32> to vector<1152x64xf32>
    %get3A_3 = arith.constant 0 : index
    %get3A_4 = arith.constant 0 : index
    %get3A_5 = vector.load %arg2[%get3A_3, %get3A_4] : memref<1024x64xf32, #tpu.memory_space<vmem>>, vector<1024x64xf32>
    %dot_general3A = arith.constant dense<0.000000e+00> : vector<1152x1024xf32>
    %dot_general3A_6 = tpu.matmul %reshape3A, %get3A_5, %dot_general3A {dimension_numbers = #tpu.dot_dimension_numbers<[1], [1], [0], [0], [0, 0, 1, 0], [], []>, transpose_lhs_hint = false} : vector<1152x64xf32>, vector<1024x64xf32>, vector<1152x1024xf32> -> vector<1152x1024xf32>
    %mul3A = arith.mulf %reshape3A, %reshape3A : vector<1152x64xf32>
    %reduce_sum3A = arith.constant dense<0.000000e+00> : vector<1152xf32>
    %reduce_sum3A_7 = vector.multi_reduction <add>, %mul3A, %reduce_sum3A [1] : vector<1152x64xf32> to vector<1152xf32>
    %broadcast_in_dim3A = vector.shape_cast %reduce_sum3A_7 : vector<1152xf32> to vector<1152x1xf32>
    %mul3A_8 = arith.mulf %get3A_5, %get3A_5 : vector<1024x64xf32>
    %reduce_sum3A_9 = arith.constant dense<0.000000e+00> : vector<1024xf32>
    %reduce_sum3A_10 = vector.multi_reduction <add>, %mul3A_8, %reduce_sum3A_9 [1] : vector<1024x64xf32> to vector<1024xf32>
    %iota3A = tpu.iota {dimensions = array<i32: 1>} : vector<64x128xi32>
    %slice3A = vector.extract_strided_slice %broadcast_in_dim3A {offsets = [0, 0], sizes = [64, 1], strides = [1, 1]} : vector<1152x1xf32> to vector<64x1xf32>
    %slice3A_11 = vector.extract_strided_slice %dot_general3A_6 {offsets = [0, 0], sizes = [64, 128], strides = [1, 1]} : vector<1152x1024xf32> to vector<64x128xf32>
    %mul3A_12 = arith.constant 2.000000e+00 : f32
    %mul3A_13 = vector.broadcast %mul3A_12 : f32 to vector<64x128xf32>
    %mul3A_14 = arith.mulf %mul3A_13, %slice3A_11 : vector<64x128xf32>
    %sub3A = vector.broadcast %slice3A : vector<64x1xf32> to vector<64x128xf32>
    %sub3A_15 = arith.subf %sub3A, %mul3A_14 : vector<64x128xf32>
    %slice3A_16 = vector.extract_strided_slice %reduce_sum3A_10 {offsets = [0], sizes = [128], strides = [1]} : vector<1024xf32> to vector<128xf32>
    %broadcast_in_dim3A_17 = vector.shape_cast %slice3A_16 : vector<128xf32> to vector<1x128xf32>
    %add3A = vector.broadcast %broadcast_in_dim3A_17 : vector<1x128xf32> to vector<64x128xf32>
    %add3A_18 = arith.addf %sub3A_15, %add3A : vector<64x128xf32>
    %broadcast_in_dim3A_19 = arith.constant 0 : i32
    %broadcast_in_dim3A_20 = vector.broadcast %broadcast_in_dim3A_19 : i32 to vector<64x128xi32>
    %slice3A_21 = vector.extract_strided_slice %dot_general3A_6 {offsets = [0, 128], sizes = [64, 128], strides = [1, 1]} : vector<1152x1024xf32> to vector<64x128xf32>
    %mul3A_22 = arith.constant 2.000000e+00 : f32
    %mul3A_23 = vector.broadcast %mul3A_22 : f32 to vector<64x128xf32>
    %mul3A_24 = arith.mulf %mul3A_23, %slice3A_21 : vector<64x128xf32>
    %sub3A_25 = vector.broadcast %slice3A : vector<64x1xf32> to vector<64x128xf32>
    %sub3A_26 = arith.subf %sub3A_25, %mul3A_24 : vector<64x128xf32>
    %slice3A_27 = vector.extract_strided_slice %reduce_sum3A_10 {offsets = [128], sizes = [128], strides = [1]} : vector<1024xf32> to vector<128xf32>
    %broadcast_in_dim3A_28 = vector.shape_cast %slice3A_27 : vector<128xf32> to vector<1x128xf32>
    %add3A_29 = vector.broadcast %broadcast_in_dim3A_28 : vector<1x128xf32> to vector<64x128xf32>
    %add3A_30 = arith.addf %sub3A_26, %add3A_29 : vector<64x128xf32>
    %lt3A = arith.cmpf olt, %add3A_30, %add3A_18 : vector<64x128xf32>
    %select_n3A = arith.select %lt3A, %add3A_30, %add3A_18 : vector<64x128xi1>, vector<64x128xf32>
    %jit3A = arith.constant 1 : i32
    %broadcast_in_dim3A_31 = vector.broadcast %jit3A : i32 to vector<64x128xi32>
    %select_n3A_32 = arith.select %lt3A, %broadcast_in_dim3A_31, %broadcast_in_dim3A_20 : vector<64x128xi1>, vector<64x128xi32>
    %slice3A_33 = vector.extract_strided_slice %dot_general3A_6 {offsets = [0, 256], sizes = [64, 128], strides = [1, 1]} : vector<1152x1024xf32> to vector<64x128xf32>
    %mul3A_34 = arith.constant 2.000000e+00 : f32
    %mul3A_35 = vector.broadcast %mul3A_34 : f32 to vector<64x128xf32>
    %mul3A_36 = arith.mulf %mul3A_35, %slice3A_33 : vector<64x128xf32>
    %sub3A_37 = vector.broadcast %slice3A : vector<64x1xf32> to vector<64x128xf32>
    %sub3A_38 = arith.subf %sub3A_37, %mul3A_36 : vector<64x128xf32>
    %slice3A_39 = vector.extract_strided_slice %reduce_sum3A_10 {offsets = [256], sizes = [128], strides = [1]} : vector<1024xf32> to vector<128xf32>
    %broadcast_in_dim3A_40 = vector.shape_cast %slice3A_39 : vector<128xf32> to vector<1x128xf32>
    %add3A_41 = vector.broadcast %broadcast_in_dim3A_40 : vector<1x128xf32> to vector<64x128xf32>
    %add3A_42 = arith.addf %sub3A_38, %add3A_41 : vector<64x128xf32>
    %lt3A_43 = arith.cmpf olt, %add3A_42, %select_n3A : vector<64x128xf32>
    %select_n3A_44 = arith.select %lt3A_43, %add3A_42, %select_n3A : vector<64x128xi1>, vector<64x128xf32>
    %jit3A_45 = arith.constant 2 : i32
    %broadcast_in_dim3A_46 = vector.broadcast %jit3A_45 : i32 to vector<64x128xi32>
    %select_n3A_47 = arith.select %lt3A_43, %broadcast_in_dim3A_46, %select_n3A_32 : vector<64x128xi1>, vector<64x128xi32>
    %slice3A_48 = vector.extract_strided_slice %dot_general3A_6 {offsets = [0, 384], sizes = [64, 128], strides = [1, 1]} : vector<1152x1024xf32> to vector<64x128xf32>
    %mul3A_49 = arith.constant 2.000000e+00 : f32
    %mul3A_50 = vector.broadcast %mul3A_49 : f32 to vector<64x128xf32>
    %mul3A_51 = arith.mulf %mul3A_50, %slice3A_48 : vector<64x128xf32>
    %sub3A_52 = vector.broadcast %slice3A : vector<64x1xf32> to vector<64x128xf32>
    %sub3A_53 = arith.subf %sub3A_52, %mul3A_51 : vector<64x128xf32>
    %slice3A_54 = vector.extract_strided_slice %reduce_sum3A_10 {offsets = [384], sizes = [128], strides = [1]} : vector<1024xf32> to vector<128xf32>
    %broadcast_in_dim3A_55 = vector.shape_cast %slice3A_54 : vector<128xf32> to vector<1x128xf32>
    %add3A_56 = vector.broadcast %broadcast_in_dim3A_55 : vector<1x128xf32> to vector<64x128xf32>
    %add3A_57 = arith.addf %sub3A_53, %add3A_56 : vector<64x128xf32>
    %lt3A_58 = arith.cmpf olt, %add3A_57, %select_n3A_44 : vector<64x128xf32>
    %select_n3A_59 = arith.select %lt3A_58, %add3A_57, %select_n3A_44 : vector<64x128xi1>, vector<64x128xf32>
    %jit3A_60 = arith.constant 3 : i32
    %broadcast_in_dim3A_61 = vector.broadcast %jit3A_60 : i32 to vector<64x128xi32>
    %select_n3A_62 = arith.select %lt3A_58, %broadcast_in_dim3A_61, %select_n3A_47 : vector<64x128xi1>, vector<64x128xi32>
    %slice3A_63 = vector.extract_strided_slice %dot_general3A_6 {offsets = [0, 512], sizes = [64, 128], strides = [1, 1]} : vector<1152x1024xf32> to vector<64x128xf32>
    %mul3A_64 = arith.constant 2.000000e+00 : f32
    %mul3A_65 = vector.broadcast %mul3A_64 : f32 to vector<64x128xf32>
    %mul3A_66 = arith.mulf %mul3A_65, %slice3A_63 : vector<64x128xf32>
    %sub3A_67 = vector.broadcast %slice3A : vector<64x1xf32> to vector<64x128xf32>
    %sub3A_68 = arith.subf %sub3A_67, %mul3A_66 : vector<64x128xf32>
    %slice3A_69 = vector.extract_strided_slice %reduce_sum3A_10 {offsets = [512], sizes = [128], strides = [1]} : vector<1024xf32> to vector<128xf32>
    %broadcast_in_dim3A_70 = vector.shape_cast %slice3A_69 : vector<128xf32> to vector<1x128xf32>
    %add3A_71 = vector.broadcast %broadcast_in_dim3A_70 : vector<1x128xf32> to vector<64x128xf32>
    %add3A_72 = arith.addf %sub3A_68, %add3A_71 : vector<64x128xf32>
    %lt3A_73 = arith.cmpf olt, %add3A_72, %select_n3A_59 : vector<64x128xf32>
    %select_n3A_74 = arith.select %lt3A_73, %add3A_72, %select_n3A_59 : vector<64x128xi1>, vector<64x128xf32>
    %jit3A_75 = arith.constant 4 : i32
    %broadcast_in_dim3A_76 = vector.broadcast %jit3A_75 : i32 to vector<64x128xi32>
    %select_n3A_77 = arith.select %lt3A_73, %broadcast_in_dim3A_76, %select_n3A_62 : vector<64x128xi1>, vector<64x128xi32>
    %slice3A_78 = vector.extract_strided_slice %dot_general3A_6 {offsets = [0, 640], sizes = [64, 128], strides = [1, 1]} : vector<1152x1024xf32> to vector<64x128xf32>
    %mul3A_79 = arith.constant 2.000000e+00 : f32
    %mul3A_80 = vector.broadcast %mul3A_79 : f32 to vector<64x128xf32>
    %mul3A_81 = arith.mulf %mul3A_80, %slice3A_78 : vector<64x128xf32>
    %sub3A_82 = vector.broadcast %slice3A : vector<64x1xf32> to vector<64x128xf32>
    %sub3A_83 = arith.subf %sub3A_82, %mul3A_81 : vector<64x128xf32>
    %slice3A_84 = vector.extract_strided_slice %reduce_sum3A_10 {offsets = [640], sizes = [128], strides = [1]} : vector<1024xf32> to vector<128xf32>
    %broadcast_in_dim3A_85 = vector.shape_cast %slice3A_84 : vector<128xf32> to vector<1x128xf32>
    %add3A_86 = vector.broadcast %broadcast_in_dim3A_85 : vector<1x128xf32> to vector<64x128xf32>
    %add3A_87 = arith.addf %sub3A_83, %add3A_86 : vector<64x128xf32>
    %lt3A_88 = arith.cmpf olt, %add3A_87, %select_n3A_74 : vector<64x128xf32>
    %select_n3A_89 = arith.select %lt3A_88, %add3A_87, %select_n3A_74 : vector<64x128xi1>, vector<64x128xf32>
    %jit3A_90 = arith.constant 5 : i32
    %broadcast_in_dim3A_91 = vector.broadcast %jit3A_90 : i32 to vector<64x128xi32>
    %select_n3A_92 = arith.select %lt3A_88, %broadcast_in_dim3A_91, %select_n3A_77 : vector<64x128xi1>, vector<64x128xi32>
    %slice3A_93 = vector.extract_strided_slice %dot_general3A_6 {offsets = [0, 768], sizes = [64, 128], strides = [1, 1]} : vector<1152x1024xf32> to vector<64x128xf32>
    %mul3A_94 = arith.constant 2.000000e+00 : f32
    %mul3A_95 = vector.broadcast %mul3A_94 : f32 to vector<64x128xf32>
    %mul3A_96 = arith.mulf %mul3A_95, %slice3A_93 : vector<64x128xf32>
    %sub3A_97 = vector.broadcast %slice3A : vector<64x1xf32> to vector<64x128xf32>
    %sub3A_98 = arith.subf %sub3A_97, %mul3A_96 : vector<64x128xf32>
    %slice3A_99 = vector.extract_strided_slice %reduce_sum3A_10 {offsets = [768], sizes = [128], strides = [1]} : vector<1024xf32> to vector<128xf32>
    %broadcast_in_dim3A_100 = vector.shape_cast %slice3A_99 : vector<128xf32> to vector<1x128xf32>
    %add3A_101 = vector.broadcast %broadcast_in_dim3A_100 : vector<1x128xf32> to vector<64x128xf32>
    %add3A_102 = arith.addf %sub3A_98, %add3A_101 : vector<64x128xf32>
    %lt3A_103 = arith.cmpf olt, %add3A_102, %select_n3A_89 : vector<64x128xf32>
    %select_n3A_104 = arith.select %lt3A_103, %add3A_102, %select_n3A_89 : vector<64x128xi1>, vector<64x128xf32>
    %jit3A_105 = arith.constant 6 : i32
    %broadcast_in_dim3A_106 = vector.broadcast %jit3A_105 : i32 to vector<64x128xi32>
    %select_n3A_107 = arith.select %lt3A_103, %broadcast_in_dim3A_106, %select_n3A_92 : vector<64x128xi1>, vector<64x128xi32>
    %slice3A_108 = vector.extract_strided_slice %dot_general3A_6 {offsets = [0, 896], sizes = [64, 128], strides = [1, 1]} : vector<1152x1024xf32> to vector<64x128xf32>
    %mul3A_109 = arith.constant 2.000000e+00 : f32
    %mul3A_110 = vector.broadcast %mul3A_109 : f32 to vector<64x128xf32>
    %mul3A_111 = arith.mulf %mul3A_110, %slice3A_108 : vector<64x128xf32>
    %sub3A_112 = vector.broadcast %slice3A : vector<64x1xf32> to vector<64x128xf32>
    %sub3A_113 = arith.subf %sub3A_112, %mul3A_111 : vector<64x128xf32>
    %slice3A_114 = vector.extract_strided_slice %reduce_sum3A_10 {offsets = [896], sizes = [128], strides = [1]} : vector<1024xf32> to vector<128xf32>
    %broadcast_in_dim3A_115 = vector.shape_cast %slice3A_114 : vector<128xf32> to vector<1x128xf32>
    %add3A_116 = vector.broadcast %broadcast_in_dim3A_115 : vector<1x128xf32> to vector<64x128xf32>
    %add3A_117 = arith.addf %sub3A_113, %add3A_116 : vector<64x128xf32>
    %lt3A_118 = arith.cmpf olt, %add3A_117, %select_n3A_104 : vector<64x128xf32>
    %select_n3A_119 = arith.select %lt3A_118, %add3A_117, %select_n3A_104 : vector<64x128xi1>, vector<64x128xf32>
    %jit3A_120 = arith.constant 7 : i32
    %broadcast_in_dim3A_121 = vector.broadcast %jit3A_120 : i32 to vector<64x128xi32>
    %select_n3A_122 = arith.select %lt3A_118, %broadcast_in_dim3A_121, %select_n3A_107 : vector<64x128xi1>, vector<64x128xi32>
    %reduce_min3A = arith.constant dense<0x7F800000> : vector<64xf32>
    %reduce_min3A_123 = vector.multi_reduction <minimumf>, %select_n3A_119, %reduce_min3A [1] : vector<64x128xf32> to vector<64xf32>
    %broadcast_in_dim3A_124 = vector.shape_cast %reduce_min3A_123 : vector<64xf32> to vector<64x1xf32>
    %eq3A = vector.broadcast %broadcast_in_dim3A_124 : vector<64x1xf32> to vector<64x128xf32>
    %eq3A_125 = arith.cmpf oeq, %select_n3A_119, %eq3A : vector<64x128xf32>
    %mul3A_126 = arith.constant 128 : i32
    %mul3A_127 = vector.broadcast %mul3A_126 : i32 to vector<64x128xi32>
    %mul3A_128 = arith.muli %select_n3A_122, %mul3A_127 : vector<64x128xi32>
    %add3A_129 = arith.addi %mul3A_128, %iota3A : vector<64x128xi32>
    %jit3A_130 = arith.constant 1024 : i32
    %broadcast_in_dim3A_131 = vector.broadcast %jit3A_130 : i32 to vector<64x128xi32>
    %select_n3A_132 = arith.select %eq3A_125, %add3A_129, %broadcast_in_dim3A_131 : vector<64x128xi1>, vector<64x128xi32>
    %reduce_min3A_133 = arith.constant dense<2147483647> : vector<64xi32>
    %reduce_min3A_134 = vector.multi_reduction <minsi>, %select_n3A_132, %reduce_min3A_133 [1] : vector<64x128xi32> to vector<64xi32>
    %swap3A = arith.constant 0 : index
    %swap3A_135 = arith.constant 0 : index
    %swap3A_136 = arith.constant 0 : index
    %swap3A_137 = vector.load %arg3[%swap3A, %swap3A_135, %swap3A_136] : memref<1x1x1152xi32, #tpu.memory_space<vmem>>, vector<1x1x64xi32>
    %swap3A_138 = vector.shape_cast %swap3A_137 : vector<1x1x64xi32> to vector<64xi32>
    %swap3A_139 = vector.shape_cast %reduce_min3A_134 : vector<64xi32> to vector<1x1x64xi32>
    tpu.vector_store %arg3[%swap3A, %swap3A_135, %swap3A_136], %swap3A_139 {strides = array<i32>} : memref<1x1x1152xi32, #tpu.memory_space<vmem>>, vector<1x1x64xi32>,
    %slice3A_140 = vector.extract_strided_slice %broadcast_in_dim3A {offsets = [64, 0], sizes = [64, 1], strides = [1, 1]} : vector<1152x1xf32> to vector<64x1xf32>
    %slice3A_141 = vector.extract_strided_slice %dot_general3A_6 {offsets = [64, 0], sizes = [64, 128], strides = [1, 1]} : vector<1152x1024xf32> to vector<64x128xf32>
    %mul3A_142 = arith.constant 2.000000e+00 : f32
    %mul3A_143 = vector.broadcast %mul3A_142 : f32 to vector<64x128xf32>
    %mul3A_144 = arith.mulf %mul3A_143, %slice3A_141 : vector<64x128xf32>
    %sub3A_145 = vector.broadcast %slice3A_140 : vector<64x1xf32> to vector<64x128xf32>
    %sub3A_146 = arith.subf %sub3A_145, %mul3A_144 : vector<64x128xf32>
    %slice3A_147 = vector.extract_strided_slice %reduce_sum3A_10 {offsets = [0], sizes = [128], strides = [1]} : vector<1024xf32> to vector<128xf32>
    %broadcast_in_dim3A_148 = vector.shape_cast %slice3A_147 : vector<128xf32> to vector<1x128xf32>
    %add3A_149 = vector.broadcast %broadcast_in_dim3A_148 : vector<1x128xf32> to vector<64x128xf32>
    %add3A_150 = arith.addf %sub3A_146, %add3A_149 : vector<64x128xf32>
    %broadcast_in_dim3A_151 = arith.constant 0 : i32
    %broadcast_in_dim3A_152 = vector.broadcast %broadcast_in_dim3A_151 : i32 to vector<64x128xi32>
    %slice3A_153 = vector.extract_strided_slice %dot_general3A_6 {offsets = [64, 128], sizes = [64, 128], strides = [1, 1]} : vector<1152x1024xf32> to vector<64x128xf32>
    %mul3A_154 = arith.constant 2.000000e+00 : f32
    %mul3A_155 = vector.broadcast %mul3A_154 : f32 to vector<64x128xf32>
    %mul3A_156 = arith.mulf %mul3A_155, %slice3A_153 : vector<64x128xf32>
    %sub3A_157 = vector.broadcast %slice3A_140 : vector<64x1xf32> to vector<64x128xf32>
    %sub3A_158 = arith.subf %sub3A_157, %mul3A_156 : vector<64x128xf32>
    %slice3A_159 = vector.extract_strided_slice %reduce_sum3A_10 {offsets = [128], sizes = [128], strides = [1]} : vector<1024xf32> to vector<128xf32>
    %broadcast_in_dim3A_160 = vector.shape_cast %slice3A_159 : vector<128xf32> to vector<1x128xf32>
    %add3A_161 = vector.broadcast %broadcast_in_dim3A_160 : vector<1x128xf32> to vector<64x128xf32>
    %add3A_162 = arith.addf %sub3A_158, %add3A_161 : vector<64x128xf32>
    %lt3A_163 = arith.cmpf olt, %add3A_162, %add3A_150 : vector<64x128xf32>
    %select_n3A_164 = arith.select %lt3A_163, %add3A_162, %add3A_150 : vector<64x128xi1>, vector<64x128xf32>
    %jit3A_165 = arith.constant 1 : i32
    %broadcast_in_dim3A_166 = vector.broadcast %jit3A_165 : i32 to vector<64x128xi32>
    %select_n3A_167 = arith.select %lt3A_163, %broadcast_in_dim3A_166, %broadcast_in_dim3A_152 : vector<64x128xi1>, vector<64x128xi32>
    %slice3A_168 = vector.extract_strided_slice %dot_general3A_6 {offsets = [64, 256], sizes = [64, 128], strides = [1, 1]} : vector<1152x1024xf32> to vector<64x128xf32>
    %mul3A_169 = arith.constant 2.000000e+00 : f32
    %mul3A_170 = vector.broadcast %mul3A_169 : f32 to vector<64x128xf32>
    %mul3A_171 = arith.mulf %mul3A_170, %slice3A_168 : vector<64x128xf32>
    %sub3A_172 = vector.broadcast %slice3A_140 : vector<64x1xf32> to vector<64x128xf32>
    %sub3A_173 = arith.subf %sub3A_172, %mul3A_171 : vector<64x128xf32>
    %slice3A_174 = vector.extract_strided_slice %reduce_sum3A_10 {offsets = [256], sizes = [128], strides = [1]} : vector<1024xf32> to vector<128xf32>
    %broadcast_in_dim3A_175 = vector.shape_cast %slice3A_174 : vector<128xf32> to vector<1x128xf32>
    %add3A_176 = vector.broadcast %broadcast_in_dim3A_175 : vector<1x128xf32> to vector<64x128xf32>
    %add3A_177 = arith.addf %sub3A_173, %add3A_176 : vector<64x128xf32>
    %lt3A_178 = arith.cmpf olt, %add3A_177, %select_n3A_164 : vector<64x128xf32>
    %select_n3A_179 = arith.select %lt3A_178, %add3A_177, %select_n3A_164 : vector<64x128xi1>, vector<64x128xf32>
    %jit3A_180 = arith.constant 2 : i32
    %broadcast_in_dim3A_181 = vector.broadcast %jit3A_180 : i32 to vector<64x128xi32>
    %select_n3A_182 = arith.select %lt3A_178, %broadcast_in_dim3A_181, %select_n3A_167 : vector<64x128xi1>, vector<64x128xi32>
    %slice3A_183 = vector.extract_strided_slice %dot_general3A_6 {offsets = [64, 384], sizes = [64, 128], strides = [1, 1]} : vector<1152x1024xf32> to vector<64x128xf32>
    %mul3A_184 = arith.constant 2.000000e+00 : f32
    %mul3A_185 = vector.broadcast %mul3A_184 : f32 to vector<64x128xf32>
    %mul3A_186 = arith.mulf %mul3A_185, %slice3A_183 : vector<64x128xf32>
    %sub3A_187 = vector.broadcast %slice3A_140 : vector<64x1xf32> to vector<64x128xf32>
    %sub3A_188 = arith.subf %sub3A_187, %mul3A_186 : vector<64x128xf32>
    %slice3A_189 = vector.extract_strided_slice %reduce_sum3A_10 {offsets = [384], sizes = [128], strides = [1]} : vector<1024xf32> to vector<128xf32>
    %broadcast_in_dim3A_190 = vector.shape_cast %slice3A_189 : vector<128xf32> to vector<1x128xf32>
    %add3A_191 = vector.broadcast %broadcast_in_dim3A_190 : vector<1x128xf32> to vector<64x128xf32>
    %add3A_192 = arith.addf %sub3A_188, %add3A_191 : vector<64x128xf32>
    %lt3A_193 = arith.cmpf olt, %add3A_192, %select_n3A_179 : vector<64x128xf32>
    %select_n3A_194 = arith.select %lt3A_193, %add3A_192, %select_n3A_179 : vector<64x128xi1>, vector<64x128xf32>
    %jit3A_195 = arith.constant 3 : i32
    %broadcast_in_dim3A_196 = vector.broadcast %jit3A_195 : i32 to vector<64x128xi32>
    %select_n3A_197 = arith.select %lt3A_193, %broadcast_in_dim3A_196, %select_n3A_182 : vector<64x128xi1>, vector<64x128xi32>
    %slice3A_198 = vector.extract_strided_slice %dot_general3A_6 {offsets = [64, 512], sizes = [64, 128], strides = [1, 1]} : vector<1152x1024xf32> to vector<64x128xf32>
    %mul3A_199 = arith.constant 2.000000e+00 : f32
    %mul3A_200 = vector.broadcast %mul3A_199 : f32 to vector<64x128xf32>
    %mul3A_201 = arith.mulf %mul3A_200, %slice3A_198 : vector<64x128xf32>
    %sub3A_202 = vector.broadcast %slice3A_140 : vector<64x1xf32> to vector<64x128xf32>
    %sub3A_203 = arith.subf %sub3A_202, %mul3A_201 : vector<64x128xf32>
    %slice3A_204 = vector.extract_strided_slice %reduce_sum3A_10 {offsets = [512], sizes = [128], strides = [1]} : vector<1024xf32> to vector<128xf32>
    %broadcast_in_dim3A_205 = vector.shape_cast %slice3A_204 : vector<128xf32> to vector<1x128xf32>
    %add3A_206 = vector.broadcast %broadcast_in_dim3A_205 : vector<1x128xf32> to vector<64x128xf32>
    %add3A_207 = arith.addf %sub3A_203, %add3A_206 : vector<64x128xf32>
    %lt3A_208 = arith.cmpf olt, %add3A_207, %select_n3A_194 : vector<64x128xf32>
    %select_n3A_209 = arith.select %lt3A_208, %add3A_207, %select_n3A_194 : vector<64x128xi1>, vector<64x128xf32>
    %jit3A_210 = arith.constant 4 : i32
    %broadcast_in_dim3A_211 = vector.broadcast %jit3A_210 : i32 to vector<64x128xi32>
    %select_n3A_212 = arith.select %lt3A_208, %broadcast_in_dim3A_211, %select_n3A_197 : vector<64x128xi1>, vector<64x128xi32>
    %slice3A_213 = vector.extract_strided_slice %dot_general3A_6 {offsets = [64, 640], sizes = [64, 128], strides = [1, 1]} : vector<1152x1024xf32> to vector<64x128xf32>
    %mul3A_214 = arith.constant 2.000000e+00 : f32
    %mul3A_215 = vector.broadcast %mul3A_214 : f32 to vector<64x128xf32>
    %mul3A_216 = arith.mulf %mul3A_215, %slice3A_213 : vector<64x128xf32>
    %sub3A_217 = vector.broadcast %slice3A_140 : vector<64x1xf32> to vector<64x128xf32>
    %sub3A_218 = arith.subf %sub3A_217, %mul3A_216 : vector<64x128xf32>
    %slice3A_219 = vector.extract_strided_slice %reduce_sum3A_10 {offsets = [640], sizes = [128], strides = [1]} : vector<1024xf32> to vector<128xf32>
    %broadcast_in_dim3A_220 = vector.shape_cast %slice3A_219 : vector<128xf32> to vector<1x128xf32>
    %add3A_221 = vector.broadcast %broadcast_in_dim3A_220 : vector<1x128xf32> to vector<64x128xf32>
    %add3A_222 = arith.addf %sub3A_218, %add3A_221 : vector<64x128xf32>
    %lt3A_223 = arith.cmpf olt, %add3A_222, %select_n3A_209 : vector<64x128xf32>
    %select_n3A_224 = arith.select %lt3A_223, %add3A_222, %select_n3A_209 : vector<64x128xi1>, vector<64x128xf32>
    %jit3A_225 = arith.constant 5 : i32
    %broadcast_in_dim3A_226 = vector.broadcast %jit3A_225 : i32 to vector<64x128xi32>
    %select_n3A_227 = arith.select %lt3A_223, %broadcast_in_dim3A_226, %select_n3A_212 : vector<64x128xi1>, vector<64x128xi32>
    %slice3A_228 = vector.extract_strided_slice %dot_general3A_6 {offsets = [64, 768], sizes = [64, 128], strides = [1, 1]} : vector<1152x1024xf32> to vector<64x128xf32>
    %mul3A_229 = arith.constant 2.000000e+00 : f32
    %mul3A_230 = vector.broadcast %mul3A_229 : f32 to vector<64x128xf32>
    %mul3A_231 = arith.mulf %mul3A_230, %slice3A_228 : vector<64x128xf32>
    %sub3A_232 = vector.broadcast %slice3A_140 : vector<64x1xf32> to vector<64x128xf32>
    %sub3A_233 = arith.subf %sub3A_232, %mul3A_231 : vector<64x128xf32>
    %slice3A_234 = vector.extract_strided_slice %reduce_sum3A_10 {offsets = [768], sizes = [128], strides = [1]} : vector<1024xf32> to vector<128xf32>
    %broadcast_in_dim3A_235 = vector.shape_cast %slice3A_234 : vector<128xf32> to vector<1x128xf32>
    %add3A_236 = vector.broadcast %broadcast_in_dim3A_235 : vector<1x128xf32> to vector<64x128xf32>
    %add3A_237 = arith.addf %sub3A_233, %add3A_236 : vector<64x128xf32>
    %lt3A_238 = arith.cmpf olt, %add3A_237, %select_n3A_224 : vector<64x128xf32>
    %select_n3A_239 = arith.select %lt3A_238, %add3A_237, %select_n3A_224 : vector<64x128xi1>, vector<64x128xf32>
    %jit3A_240 = arith.constant 6 : i32
    %broadcast_in_dim3A_241 = vector.broadcast %jit3A_240 : i32 to vector<64x128xi32>
    %select_n3A_242 = arith.select %lt3A_238, %broadcast_in_dim3A_241, %select_n3A_227 : vector<64x128xi1>, vector<64x128xi32>
    %slice3A_243 = vector.extract_strided_slice %dot_general3A_6 {offsets = [64, 896], sizes = [64, 128], strides = [1, 1]} : vector<1152x1024xf32> to vector<64x128xf32>
    %mul3A_244 = arith.constant 2.000000e+00 : f32
    %mul3A_245 = vector.broadcast %mul3A_244 : f32 to vector<64x128xf32>
    %mul3A_246 = arith.mulf %mul3A_245, %slice3A_243 : vector<64x128xf32>
    %sub3A_247 = vector.broadcast %slice3A_140 : vector<64x1xf32> to vector<64x128xf32>
    %sub3A_248 = arith.subf %sub3A_247, %mul3A_246 : vector<64x128xf32>
    %slice3A_249 = vector.extract_strided_slice %reduce_sum3A_10 {offsets = [896], sizes = [128], strides = [1]} : vector<1024xf32> to vector<128xf32>
    %broadcast_in_dim3A_250 = vector.shape_cast %slice3A_249 : vector<128xf32> to vector<1x128xf32>
    %add3A_251 = vector.broadcast %broadcast_in_dim3A_250 : vector<1x128xf32> to vector<64x128xf32>
    %add3A_252 = arith.addf %sub3A_248, %add3A_251 : vector<64x128xf32>
    %lt3A_253 = arith.cmpf olt, %add3A_252, %select_n3A_239 : vector<64x128xf32>
    %select_n3A_254 = arith.select %lt3A_253, %add3A_252, %select_n3A_239 : vector<64x128xi1>, vector<64x128xf32>
    %jit3A_255 = arith.constant 7 : i32
    %broadcast_in_dim3A_256 = vector.broadcast %jit3A_255 : i32 to vector<64x128xi32>
    %select_n3A_257 = arith.select %lt3A_253, %broadcast_in_dim3A_256, %select_n3A_242 : vector<64x128xi1>, vector<64x128xi32>
    %reduce_min3A_258 = arith.constant dense<0x7F800000> : vector<64xf32>
    %reduce_min3A_259 = vector.multi_reduction <minimumf>, %select_n3A_254, %reduce_min3A_258 [1] : vector<64x128xf32> to vector<64xf32>
    %broadcast_in_dim3A_260 = vector.shape_cast %reduce_min3A_259 : vector<64xf32> to vector<64x1xf32>
    %eq3A_261 = vector.broadcast %broadcast_in_dim3A_260 : vector<64x1xf32> to vector<64x128xf32>
    %eq3A_262 = arith.cmpf oeq, %select_n3A_254, %eq3A_261 : vector<64x128xf32>
    %mul3A_263 = arith.constant 128 : i32
    %mul3A_264 = vector.broadcast %mul3A_263 : i32 to vector<64x128xi32>
    %mul3A_265 = arith.muli %select_n3A_257, %mul3A_264 : vector<64x128xi32>
    %add3A_266 = arith.addi %mul3A_265, %iota3A : vector<64x128xi32>
    %jit3A_267 = arith.constant 1024 : i32
    %broadcast_in_dim3A_268 = vector.broadcast %jit3A_267 : i32 to vector<64x128xi32>
    %select_n3A_269 = arith.select %eq3A_262, %add3A_266, %broadcast_in_dim3A_268 : vector<64x128xi1>, vector<64x128xi32>
    %reduce_min3A_270 = arith.constant dense<2147483647> : vector<64xi32>
    %reduce_min3A_271 = vector.multi_reduction <minsi>, %select_n3A_269, %reduce_min3A_270 [1] : vector<64x128xi32> to vector<64xi32>
    %swap3A_272 = arith.constant 0 : index
    %swap3A_273 = arith.constant 0 : index
    %swap3A_274 = arith.constant 64 : index
    %swap3A_275 = vector.load %arg3[%swap3A_272, %swap3A_273, %swap3A_274] : memref<1x1x1152xi32, #tpu.memory_space<vmem>>, vector<1x1x64xi32>
    %swap3A_276 = vector.shape_cast %swap3A_275 : vector<1x1x64xi32> to vector<64xi32>
    %swap3A_277 = vector.shape_cast %reduce_min3A_271 : vector<64xi32> to vector<1x1x64xi32>
    tpu.vector_store %arg3[%swap3A_272, %swap3A_273, %swap3A_274], %swap3A_277 {strides = array<i32>} : memref<1x1x1152xi32, #tpu.memory_space<vmem>>, vector<1x1x64xi32>,
    %slice3A_278 = vector.extract_strided_slice %broadcast_in_dim3A {offsets = [128, 0], sizes = [64, 1], strides = [1, 1]} : vector<1152x1xf32> to vector<64x1xf32>
    %slice3A_279 = vector.extract_strided_slice %dot_general3A_6 {offsets = [128, 0], sizes = [64, 128], strides = [1, 1]} : vector<1152x1024xf32> to vector<64x128xf32>
    %mul3A_280 = arith.constant 2.000000e+00 : f32
    %mul3A_281 = vector.broadcast %mul3A_280 : f32 to vector<64x128xf32>
    %mul3A_282 = arith.mulf %mul3A_281, %slice3A_279 : vector<64x128xf32>
    %sub3A_283 = vector.broadcast %slice3A_278 : vector<64x1xf32> to vector<64x128xf32>
    %sub3A_284 = arith.subf %sub3A_283, %mul3A_282 : vector<64x128xf32>
    %slice3A_285 = vector.extract_strided_slice %reduce_sum3A_10 {offsets = [0], sizes = [128], strides = [1]} : vector<1024xf32> to vector<128xf32>
    %broadcast_in_dim3A_286 = vector.shape_cast %slice3A_285 : vector<128xf32> to vector<1x128xf32>
    %add3A_287 = vector.broadcast %broadcast_in_dim3A_286 : vector<1x128xf32> to vector<64x128xf32>
    %add3A_288 = arith.addf %sub3A_284, %add3A_287 : vector<64x128xf32>
    %broadcast_in_dim3A_289 = arith.constant 0 : i32
    %broadcast_in_dim3A_290 = vector.broadcast %broadcast_in_dim3A_289 : i32 to vector<64x128xi32>
    %slice3A_291 = vector.extract_strided_slice %dot_general3A_6 {offsets = [128, 128], sizes = [64, 128], strides = [1, 1]} : vector<1152x1024xf32> to vector<64x128xf32>
    %mul3A_292 = arith.constant 2.000000e+00 : f32
    %mul3A_293 = vector.broadcast %mul3A_292 : f32 to vector<64x128xf32>
    %mul3A_294 = arith.mulf %mul3A_293, %slice3A_291 : vector<64x128xf32>
    %sub3A_295 = vector.broadcast %slice3A_278 : vector<64x1xf32> to vector<64x128xf32>
    %sub3A_296 = arith.subf %sub3A_295, %mul3A_294 : vector<64x128xf32>
    %slice3A_297 = vector.extract_strided_slice %reduce_sum3A_10 {offsets = [128], sizes = [128], strides = [1]} : vector<1024xf32> to vector<128xf32>
    %broadcast_in_dim3A_298 = vector.shape_cast %slice3A_297 : vector<128xf32> to vector<1x128xf32>
    %add3A_299 = vector.broadcast %broadcast_in_dim3A_298 : vector<1x128xf32> to vector<64x128xf32>
    %add3A_300 = arith.addf %sub3A_296, %add3A_299 : vector<64x128xf32>
    %lt3A_301 = arith.cmpf olt, %add3A_300, %add3A_288 : vector<64x128xf32>
    %select_n3A_302 = arith.select %lt3A_301, %add3A_300, %add3A_288 : vector<64x128xi1>, vector<64x128xf32>
    %jit3A_303 = arith.constant 1 : i32
    %broadcast_in_dim3A_304 = vector.broadcast %jit3A_303 : i32 to vector<64x128xi32>
    %select_n3A_305 = arith.select %lt3A_301, %broadcast_in_dim3A_304, %broadcast_in_dim3A_290 : vector<64x128xi1>, vector<64x128xi32>
    %slice3A_306 = vector.extract_strided_slice %dot_general3A_6 {offsets = [128, 256], sizes = [64, 128], strides = [1, 1]} : vector<1152x1024xf32> to vector<64x128xf32>
    %mul3A_307 = arith.constant 2.000000e+00 : f32
    %mul3A_308 = vector.broadcast %mul3A_307 : f32 to vector<64x128xf32>
    %mul3A_309 = arith.mulf %mul3A_308, %slice3A_306 : vector<64x128xf32>
    %sub3A_310 = vector.broadcast %slice3A_278 : vector<64x1xf32> to vector<64x128xf32>
    %sub3A_311 = arith.subf %sub3A_310, %mul3A_309 : vector<64x128xf32>
    %slice3A_312 = vector.extract_strided_slice %reduce_sum3A_10 {offsets = [256], sizes = [128], strides = [1]} : vector<1024xf32> to vector<128xf32>
    %broadcast_in_dim3A_313 = vector.shape_cast %slice3A_312 : vector<128xf32> to vector<1x128xf32>
    %add3A_314 = vector.broadcast %broadcast_in_dim3A_313 : vector<1x128xf32> to vector<64x128xf32>
    %add3A_315 = arith.addf %sub3A_311, %add3A_314 : vector<64x128xf32>
    %lt3A_316 = arith.cmpf olt, %add3A_315, %select_n3A_302 : vector<64x128xf32>
    %select_n3A_317 = arith.select %lt3A_316, %add3A_315, %select_n3A_302 : vector<64x128xi1>, vector<64x128xf32>
    %jit3A_318 = arith.constant 2 : i32
    %broadcast_in_dim3A_319 = vector.broadcast %jit3A_318 : i32 to vector<64x128xi32>
    %select_n3A_320 = arith.select %lt3A_316, %broadcast_in_dim3A_319, %select_n3A_305 : vector<64x128xi1>, vector<64x128xi32>
    %slice3A_321 = vector.extract_strided_slice %dot_general3A_6 {offsets = [128, 384], sizes = [64, 128], strides = [1, 1]} : vector<1152x1024xf32> to vector<64x128xf32>
    %mul3A_322 = arith.constant 2.000000e+00 : f32
    %mul3A_323 = vector.broadcast %mul3A_322 : f32 to vector<64x128xf32>
    %mul3A_324 = arith.mulf %mul3A_323, %slice3A_321 : vector<64x128xf32>
    %sub3A_325 = vector.broadcast %slice3A_278 : vector<64x1xf32> to vector<64x128xf32>
    %sub3A_326 = arith.subf %sub3A_325, %mul3A_324 : vector<64x128xf32>
    %slice3A_327 = vector.extract_strided_slice %reduce_sum3A_10 {offsets = [384], sizes = [128], strides = [1]} : vector<1024xf32> to vector<128xf32>
    %broadcast_in_dim3A_328 = vector.shape_cast %slice3A_327 : vector<128xf32> to vector<1x128xf32>
    %add3A_329 = vector.broadcast %broadcast_in_dim3A_328 : vector<1x128xf32> to vector<64x128xf32>
    %add3A_330 = arith.addf %sub3A_326, %add3A_329 : vector<64x128xf32>
    %lt3A_331 = arith.cmpf olt, %add3A_330, %select_n3A_317 : vector<64x128xf32>
    %select_n3A_332 = arith.select %lt3A_331, %add3A_330, %select_n3A_317 : vector<64x128xi1>, vector<64x128xf32>
    %jit3A_333 = arith.constant 3 : i32
    %broadcast_in_dim3A_334 = vector.broadcast %jit3A_333 : i32 to vector<64x128xi32>
    %select_n3A_335 = arith.select %lt3A_331, %broadcast_in_dim3A_334, %select_n3A_320 : vector<64x128xi1>, vector<64x128xi32>
    %slice3A_336 = vector.extract_strided_slice %dot_general3A_6 {offsets = [128, 512], sizes = [64, 128], strides = [1, 1]} : vector<1152x1024xf32> to vector<64x128xf32>
    %mul3A_337 = arith.constant 2.000000e+00 : f32
    %mul3A_338 = vector.broadcast %mul3A_337 : f32 to vector<64x128xf32>
    %mul3A_339 = arith.mulf %mul3A_338, %slice3A_336 : vector<64x128xf32>
    %sub3A_340 = vector.broadcast %slice3A_278 : vector<64x1xf32> to vector<64x128xf32>
    %sub3A_341 = arith.subf %sub3A_340, %mul3A_339 : vector<64x128xf32>
    %slice3A_342 = vector.extract_strided_slice %reduce_sum3A_10 {offsets = [512], sizes = [128], strides = [1]} : vector<1024xf32> to vector<128xf32>
    %broadcast_in_dim3A_343 = vector.shape_cast %slice3A_342 : vector<128xf32> to vector<1x128xf32>
    %add3A_344 = vector.broadcast %broadcast_in_dim3A_343 : vector<1x128xf32> to vector<64x128xf32>
    %add3A_345 = arith.addf %sub3A_341, %add3A_344 : vector<64x128xf32>
    %lt3A_346 = arith.cmpf olt, %add3A_345, %select_n3A_332 : vector<64x128xf32>
    %select_n3A_347 = arith.select %lt3A_346, %add3A_345, %select_n3A_332 : vector<64x128xi1>, vector<64x128xf32>
    %jit3A_348 = arith.constant 4 : i32
    %broadcast_in_dim3A_349 = vector.broadcast %jit3A_348 : i32 to vector<64x128xi32>
    %select_n3A_350 = arith.select %lt3A_346, %broadcast_in_dim3A_349, %select_n3A_335 : vector<64x128xi1>, vector<64x128xi32>
    %slice3A_351 = vector.extract_strided_slice %dot_general3A_6 {offsets = [128, 640], sizes = [64, 128], strides = [1, 1]} : vector<1152x1024xf32> to vector<64x128xf32>
    %mul3A_352 = arith.constant 2.000000e+00 : f32
    %mul3A_353 = vector.broadcast %mul3A_352 : f32 to vector<64x128xf32>
    %mul3A_354 = arith.mulf %mul3A_353, %slice3A_351 : vector<64x128xf32>
    %sub3A_355 = vector.broadcast %slice3A_278 : vector<64x1xf32> to vector<64x128xf32>
    %sub3A_356 = arith.subf %sub3A_355, %mul3A_354 : vector<64x128xf32>
    %slice3A_357 = vector.extract_strided_slice %reduce_sum3A_10 {offsets = [640], sizes = [128], strides = [1]} : vector<1024xf32> to vector<128xf32>
    %broadcast_in_dim3A_358 = vector.shape_cast %slice3A_357 : vector<128xf32> to vector<1x128xf32>
    %add3A_359 = vector.broadcast %broadcast_in_dim3A_358 : vector<1x128xf32> to vector<64x128xf32>
    %add3A_360 = arith.addf %sub3A_356, %add3A_359 : vector<64x128xf32>
    %lt3A_361 = arith.cmpf olt, %add3A_360, %select_n3A_347 : vector<64x128xf32>
    %select_n3A_362 = arith.select %lt3A_361, %add3A_360, %select_n3A_347 : vector<64x128xi1>, vector<64x128xf32>
    %jit3A_363 = arith.constant 5 : i32
    %broadcast_in_dim3A_364 = vector.broadcast %jit3A_363 : i32 to vector<64x128xi32>
    %select_n3A_365 = arith.select %lt3A_361, %broadcast_in_dim3A_364, %select_n3A_350 : vector<64x128xi1>, vector<64x128xi32>
    %slice3A_366 = vector.extract_strided_slice %dot_general3A_6 {offsets = [128, 768], sizes = [64, 128], strides = [1, 1]} : vector<1152x1024xf32> to vector<64x128xf32>
    %mul3A_367 = arith.constant 2.000000e+00 : f32
    %mul3A_368 = vector.broadcast %mul3A_367 : f32 to vector<64x128xf32>
    %mul3A_369 = arith.mulf %mul3A_368, %slice3A_366 : vector<64x128xf32>
    %sub3A_370 = vector.broadcast %slice3A_278 : vector<64x1xf32> to vector<64x128xf32>
    %sub3A_371 = arith.subf %sub3A_370, %mul3A_369 : vector<64x128xf32>
    %slice3A_372 = vector.extract_strided_slice %reduce_sum3A_10 {offsets = [768], sizes = [128], strides = [1]} : vector<1024xf32> to vector<128xf32>
    %broadcast_in_dim3A_373 = vector.shape_cast %slice3A_372 : vector<128xf32> to vector<1x128xf32>
    %add3A_374 = vector.broadcast %broadcast_in_dim3A_373 : vector<1x128xf32> to vector<64x128xf32>
    %add3A_375 = arith.addf %sub3A_371, %add3A_374 : vector<64x128xf32>
    %lt3A_376 = arith.cmpf olt, %add3A_375, %select_n3A_362 : vector<64x128xf32>
    %select_n3A_377 = arith.select %lt3A_376, %add3A_375, %select_n3A_362 : vector<64x128xi1>, vector<64x128xf32>
    %jit3A_378 = arith.constant 6 : i32
    %broadcast_in_dim3A_379 = vector.broadcast %jit3A_378 : i32 to vector<64x128xi32>
    %select_n3A_380 = arith.select %lt3A_376, %broadcast_in_dim3A_379, %select_n3A_365 : vector<64x128xi1>, vector<64x128xi32>
    %slice3A_381 = vector.extract_strided_slice %dot_general3A_6 {offsets = [128, 896], sizes = [64, 128], strides = [1, 1]} : vector<1152x1024xf32> to vector<64x128xf32>
    %mul3A_382 = arith.constant 2.000000e+00 : f32
    %mul3A_383 = vector.broadcast %mul3A_382 : f32 to vector<64x128xf32>
    %mul3A_384 = arith.mulf %mul3A_383, %slice3A_381 : vector<64x128xf32>
    %sub3A_385 = vector.broadcast %slice3A_278 : vector<64x1xf32> to vector<64x128xf32>
    %sub3A_386 = arith.subf %sub3A_385, %mul3A_384 : vector<64x128xf32>
    %slice3A_387 = vector.extract_strided_slice %reduce_sum3A_10 {offsets = [896], sizes = [128], strides = [1]} : vector<1024xf32> to vector<128xf32>
    %broadcast_in_dim3A_388 = vector.shape_cast %slice3A_387 : vector<128xf32> to vector<1x128xf32>
    %add3A_389 = vector.broadcast %broadcast_in_dim3A_388 : vector<1x128xf32> to vector<64x128xf32>
    %add3A_390 = arith.addf %sub3A_386, %add3A_389 : vector<64x128xf32>
    %lt3A_391 = arith.cmpf olt, %add3A_390, %select_n3A_377 : vector<64x128xf32>
    %select_n3A_392 = arith.select %lt3A_391, %add3A_390, %select_n3A_377 : vector<64x128xi1>, vector<64x128xf32>
    %jit3A_393 = arith.constant 7 : i32
    %broadcast_in_dim3A_394 = vector.broadcast %jit3A_393 : i32 to vector<64x128xi32>
    %select_n3A_395 = arith.select %lt3A_391, %broadcast_in_dim3A_394, %select_n3A_380 : vector<64x128xi1>, vector<64x128xi32>
    %reduce_min3A_396 = arith.constant dense<0x7F800000> : vector<64xf32>
    %reduce_min3A_397 = vector.multi_reduction <minimumf>, %select_n3A_392, %reduce_min3A_396 [1] : vector<64x128xf32> to vector<64xf32>
    %broadcast_in_dim3A_398 = vector.shape_cast %reduce_min3A_397 : vector<64xf32> to vector<64x1xf32>
    %eq3A_399 = vector.broadcast %broadcast_in_dim3A_398 : vector<64x1xf32> to vector<64x128xf32>
    %eq3A_400 = arith.cmpf oeq, %select_n3A_392, %eq3A_399 : vector<64x128xf32>
    %mul3A_401 = arith.constant 128 : i32
    %mul3A_402 = vector.broadcast %mul3A_401 : i32 to vector<64x128xi32>
    %mul3A_403 = arith.muli %select_n3A_395, %mul3A_402 : vector<64x128xi32>
    %add3A_404 = arith.addi %mul3A_403, %iota3A : vector<64x128xi32>
    %jit3A_405 = arith.constant 1024 : i32
    %broadcast_in_dim3A_406 = vector.broadcast %jit3A_405 : i32 to vector<64x128xi32>
    %select_n3A_407 = arith.select %eq3A_400, %add3A_404, %broadcast_in_dim3A_406 : vector<64x128xi1>, vector<64x128xi32>
    %reduce_min3A_408 = arith.constant dense<2147483647> : vector<64xi32>
    %reduce_min3A_409 = vector.multi_reduction <minsi>, %select_n3A_407, %reduce_min3A_408 [1] : vector<64x128xi32> to vector<64xi32>
    %swap3A_410 = arith.constant 0 : index
    %swap3A_411 = arith.constant 0 : index
    %swap3A_412 = arith.constant 128 : index
    %swap3A_413 = vector.load %arg3[%swap3A_410, %swap3A_411, %swap3A_412] : memref<1x1x1152xi32, #tpu.memory_space<vmem>>, vector<1x1x64xi32>
    %swap3A_414 = vector.shape_cast %swap3A_413 : vector<1x1x64xi32> to vector<64xi32>
    %swap3A_415 = vector.shape_cast %reduce_min3A_409 : vector<64xi32> to vector<1x1x64xi32>
    tpu.vector_store %arg3[%swap3A_410, %swap3A_411, %swap3A_412], %swap3A_415 {strides = array<i32>} : memref<1x1x1152xi32, #tpu.memory_space<vmem>>, vector<1x1x64xi32>,
    %slice3A_416 = vector.extract_strided_slice %broadcast_in_dim3A {offsets = [192, 0], sizes = [64, 1], strides = [1, 1]} : vector<1152x1xf32> to vector<64x1xf32>
    %slice3A_417 = vector.extract_strided_slice %dot_general3A_6 {offsets = [192, 0], sizes = [64, 128], strides = [1, 1]} : vector<1152x1024xf32> to vector<64x128xf32>
    %mul3A_418 = arith.constant 2.000000e+00 : f32
    %mul3A_419 = vector.broadcast %mul3A_418 : f32 to vector<64x128xf32>
    %mul3A_420 = arith.mulf %mul3A_419, %slice3A_417 : vector<64x128xf32>
    %sub3A_421 = vector.broadcast %slice3A_416 : vector<64x1xf32> to vector<64x128xf32>
    %sub3A_422 = arith.subf %sub3A_421, %mul3A_420 : vector<64x128xf32>
    %slice3A_423 = vector.extract_strided_slice %reduce_sum3A_10 {offsets = [0], sizes = [128], strides = [1]} : vector<1024xf32> to vector<128xf32>
    %broadcast_in_dim3A_424 = vector.shape_cast %slice3A_423 : vector<128xf32> to vector<1x128xf32>
    %add3A_425 = vector.broadcast %broadcast_in_dim3A_424 : vector<1x128xf32> to vector<64x128xf32>
    %add3A_426 = arith.addf %sub3A_422, %add3A_425 : vector<64x128xf32>
    %broadcast_in_dim3A_427 = arith.constant 0 : i32
    %broadcast_in_dim3A_428 = vector.broadcast %broadcast_in_dim3A_427 : i32 to vector<64x128xi32>
    %slice3A_429 = vector.extract_strided_slice %dot_general3A_6 {offsets = [192, 128], sizes = [64, 128], strides = [1, 1]} : vector<1152x1024xf32> to vector<64x128xf32>
    %mul3A_430 = arith.constant 2.000000e+00 : f32
    %mul3A_431 = vector.broadcast %mul3A_430 : f32 to vector<64x128xf32>
    %mul3A_432 = arith.mulf %mul3A_431, %slice3A_429 : vector<64x128xf32>
    %sub3A_433 = vector.broadcast %slice3A_416 : vector<64x1xf32> to vector<64x128xf32>
    %sub3A_434 = arith.subf %sub3A_433, %mul3A_432 : vector<64x128xf32>
    %slice3A_435 = vector.extract_strided_slice %reduce_sum3A_10 {offsets = [128], sizes = [128], strides = [1]} : vector<1024xf32> to vector<128xf32>
    %broadcast_in_dim3A_436 = vector.shape_cast %slice3A_435 : vector<128xf32> to vector<1x128xf32>
    %add3A_437 = vector.broadcast %broadcast_in_dim3A_436 : vector<1x128xf32> to vector<64x128xf32>
    %add3A_438 = arith.addf %sub3A_434, %add3A_437 : vector<64x128xf32>
    %lt3A_439 = arith.cmpf olt, %add3A_438, %add3A_426 : vector<64x128xf32>
    %select_n3A_440 = arith.select %lt3A_439, %add3A_438, %add3A_426 : vector<64x128xi1>, vector<64x128xf32>
    %jit3A_441 = arith.constant 1 : i32
    %broadcast_in_dim3A_442 = vector.broadcast %jit3A_441 : i32 to vector<64x128xi32>
    %select_n3A_443 = arith.select %lt3A_439, %broadcast_in_dim3A_442, %broadcast_in_dim3A_428 : vector<64x128xi1>, vector<64x128xi32>
    %slice3A_444 = vector.extract_strided_slice %dot_general3A_6 {offsets = [192, 256], sizes = [64, 128], strides = [1, 1]} : vector<1152x1024xf32> to vector<64x128xf32>
    %mul3A_445 = arith.constant 2.000000e+00 : f32
    %mul3A_446 = vector.broadcast %mul3A_445 : f32 to vector<64x128xf32>
    %mul3A_447 = arith.mulf %mul3A_446, %slice3A_444 : vector<64x128xf32>
    %sub3A_448 = vector.broadcast %slice3A_416 : vector<64x1xf32> to vector<64x128xf32>
    %sub3A_449 = arith.subf %sub3A_448, %mul3A_447 : vector<64x128xf32>
    %slice3A_450 = vector.extract_strided_slice %reduce_sum3A_10 {offsets = [256], sizes = [128], strides = [1]} : vector<1024xf32> to vector<128xf32>
    %broadcast_in_dim3A_451 = vector.shape_cast %slice3A_450 : vector<128xf32> to vector<1x128xf32>
    %add3A_452 = vector.broadcast %broadcast_in_dim3A_451 : vector<1x128xf32> to vector<64x128xf32>
    %add3A_453 = arith.addf %sub3A_449, %add3A_452 : vector<64x128xf32>
    %lt3A_454 = arith.cmpf olt, %add3A_453, %select_n3A_440 : vector<64x128xf32>
    %select_n3A_455 = arith.select %lt3A_454, %add3A_453, %select_n3A_440 : vector<64x128xi1>, vector<64x128xf32>
    %jit3A_456 = arith.constant 2 : i32
    %broadcast_in_dim3A_457 = vector.broadcast %jit3A_456 : i32 to vector<64x128xi32>
    %select_n3A_458 = arith.select %lt3A_454, %broadcast_in_dim3A_457, %select_n3A_443 : vector<64x128xi1>, vector<64x128xi32>
    %slice3A_459 = vector.extract_strided_slice %dot_general3A_6 {offsets = [192, 384], sizes = [64, 128], strides = [1, 1]} : vector<1152x1024xf32> to vector<64x128xf32>
    %mul3A_460 = arith.constant 2.000000e+00 : f32
    %mul3A_461 = vector.broadcast %mul3A_460 : f32 to vector<64x128xf32>
    %mul3A_462 = arith.mulf %mul3A_461, %slice3A_459 : vector<64x128xf32>
    %sub3A_463 = vector.broadcast %slice3A_416 : vector<64x1xf32> to vector<64x128xf32>
    %sub3A_464 = arith.subf %sub3A_463, %mul3A_462 : vector<64x128xf32>
    %slice3A_465 = vector.extract_strided_slice %reduce_sum3A_10 {offsets = [384], sizes = [128], strides = [1]} : vector<1024xf32> to vector<128xf32>
    %broadcast_in_dim3A_466 = vector.shape_cast %slice3A_465 : vector<128xf32> to vector<1x128xf32>
    %add3A_467 = vector.broadcast %broadcast_in_dim3A_466 : vector<1x128xf32> to vector<64x128xf32>
    %add3A_468 = arith.addf %sub3A_464, %add3A_467 : vector<64x128xf32>
    %lt3A_469 = arith.cmpf olt, %add3A_468, %select_n3A_455 : vector<64x128xf32>
    %select_n3A_470 = arith.select %lt3A_469, %add3A_468, %select_n3A_455 : vector<64x128xi1>, vector<64x128xf32>
    %jit3A_471 = arith.constant 3 : i32
    %broadcast_in_dim3A_472 = vector.broadcast %jit3A_471 : i32 to vector<64x128xi32>
    %select_n3A_473 = arith.select %lt3A_469, %broadcast_in_dim3A_472, %select_n3A_458 : vector<64x128xi1>, vector<64x128xi32>
    %slice3A_474 = vector.extract_strided_slice %dot_general3A_6 {offsets = [192, 512], sizes = [64, 128], strides = [1, 1]} : vector<1152x1024xf32> to vector<64x128xf32>
    %mul3A_475 = arith.constant 2.000000e+00 : f32
    %mul3A_476 = vector.broadcast %mul3A_475 : f32 to vector<64x128xf32>
    %mul3A_477 = arith.mulf %mul3A_476, %slice3A_474 : vector<64x128xf32>
    %sub3A_478 = vector.broadcast %slice3A_416 : vector<64x1xf32> to vector<64x128xf32>
    %sub3A_479 = arith.subf %sub3A_478, %mul3A_477 : vector<64x128xf32>
    %slice3A_480 = vector.extract_strided_slice %reduce_sum3A_10 {offsets = [512], sizes = [128], strides = [1]} : vector<1024xf32> to vector<128xf32>
    %broadcast_in_dim3A_481 = vector.shape_cast %slice3A_480 : vector<128xf32> to vector<1x128xf32>
    %add3A_482 = vector.broadcast %broadcast_in_dim3A_481 : vector<1x128xf32> to vector<64x128xf32>
    %add3A_483 = arith.addf %sub3A_479, %add3A_482 : vector<64x128xf32>
    %lt3A_484 = arith.cmpf olt, %add3A_483, %select_n3A_470 : vector<64x128xf32>
    %select_n3A_485 = arith.select %lt3A_484, %add3A_483, %select_n3A_470 : vector<64x128xi1>, vector<64x128xf32>
    %jit3A_486 = arith.constant 4 : i32
    %broadcast_in_dim3A_487 = vector.broadcast %jit3A_486 : i32 to vector<64x128xi32>
    %select_n3A_488 = arith.select %lt3A_484, %broadcast_in_dim3A_487, %select_n3A_473 : vector<64x128xi1>, vector<64x128xi32>
    %slice3A_489 = vector.extract_strided_slice %dot_general3A_6 {offsets = [192, 640], sizes = [64, 128], strides = [1, 1]} : vector<1152x1024xf32> to vector<64x128xf32>
    %mul3A_490 = arith.constant 2.000000e+00 : f32
    %mul3A_491 = vector.broadcast %mul3A_490 : f32 to vector<64x128xf32>
    %mul3A_492 = arith.mulf %mul3A_491, %slice3A_489 : vector<64x128xf32>
    %sub3A_493 = vector.broadcast %slice3A_416 : vector<64x1xf32> to vector<64x128xf32>
    %sub3A_494 = arith.subf %sub3A_493, %mul3A_492 : vector<64x128xf32>
    %slice3A_495 = vector.extract_strided_slice %reduce_sum3A_10 {offsets = [640], sizes = [128], strides = [1]} : vector<1024xf32> to vector<128xf32>
    %broadcast_in_dim3A_496 = vector.shape_cast %slice3A_495 : vector<128xf32> to vector<1x128xf32>
    %add3A_497 = vector.broadcast %broadcast_in_dim3A_496 : vector<1x128xf32> to vector<64x128xf32>
    %add3A_498 = arith.addf %sub3A_494, %add3A_497 : vector<64x128xf32>
    %lt3A_499 = arith.cmpf olt, %add3A_498, %select_n3A_485 : vector<64x128xf32>
    %select_n3A_500 = arith.select %lt3A_499, %add3A_498, %select_n3A_485 : vector<64x128xi1>, vector<64x128xf32>
    %jit3A_501 = arith.constant 5 : i32
    %broadcast_in_dim3A_502 = vector.broadcast %jit3A_501 : i32 to vector<64x128xi32>
    %select_n3A_503 = arith.select %lt3A_499, %broadcast_in_dim3A_502, %select_n3A_488 : vector<64x128xi1>, vector<64x128xi32>
    %slice3A_504 = vector.extract_strided_slice %dot_general3A_6 {offsets = [192, 768], sizes = [64, 128], strides = [1, 1]} : vector<1152x1024xf32> to vector<64x128xf32>
    %mul3A_505 = arith.constant 2.000000e+00 : f32
    %mul3A_506 = vector.broadcast %mul3A_505 : f32 to vector<64x128xf32>
    %mul3A_507 = arith.mulf %mul3A_506, %slice3A_504 : vector<64x128xf32>
    %sub3A_508 = vector.broadcast %slice3A_416 : vector<64x1xf32> to vector<64x128xf32>
    %sub3A_509 = arith.subf %sub3A_508, %mul3A_507 : vector<64x128xf32>
    %slice3A_510 = vector.extract_strided_slice %reduce_sum3A_10 {offsets = [768], sizes = [128], strides = [1]} : vector<1024xf32> to vector<128xf32>
    %broadcast_in_dim3A_511 = vector.shape_cast %slice3A_510 : vector<128xf32> to vector<1x128xf32>
    %add3A_512 = vector.broadcast %broadcast_in_dim3A_511 : vector<1x128xf32> to vector<64x128xf32>
    %add3A_513 = arith.addf %sub3A_509, %add3A_512 : vector<64x128xf32>
    %lt3A_514 = arith.cmpf olt, %add3A_513, %select_n3A_500 : vector<64x128xf32>
    %select_n3A_515 = arith.select %lt3A_514, %add3A_513, %select_n3A_500 : vector<64x128xi1>, vector<64x128xf32>
    %jit3A_516 = arith.constant 6 : i32
    %broadcast_in_dim3A_517 = vector.broadcast %jit3A_516 : i32 to vector<64x128xi32>
    %select_n3A_518 = arith.select %lt3A_514, %broadcast_in_dim3A_517, %select_n3A_503 : vector<64x128xi1>, vector<64x128xi32>
    %slice3A_519 = vector.extract_strided_slice %dot_general3A_6 {offsets = [192, 896], sizes = [64, 128], strides = [1, 1]} : vector<1152x1024xf32> to vector<64x128xf32>
    %mul3A_520 = arith.constant 2.000000e+00 : f32
    %mul3A_521 = vector.broadcast %mul3A_520 : f32 to vector<64x128xf32>
    %mul3A_522 = arith.mulf %mul3A_521, %slice3A_519 : vector<64x128xf32>
    %sub3A_523 = vector.broadcast %slice3A_416 : vector<64x1xf32> to vector<64x128xf32>
    %sub3A_524 = arith.subf %sub3A_523, %mul3A_522 : vector<64x128xf32>
    %slice3A_525 = vector.extract_strided_slice %reduce_sum3A_10 {offsets = [896], sizes = [128], strides = [1]} : vector<1024xf32> to vector<128xf32>
    %broadcast_in_dim3A_526 = vector.shape_cast %slice3A_525 : vector<128xf32> to vector<1x128xf32>
    %add3A_527 = vector.broadcast %broadcast_in_dim3A_526 : vector<1x128xf32> to vector<64x128xf32>
    %add3A_528 = arith.addf %sub3A_524, %add3A_527 : vector<64x128xf32>
    %lt3A_529 = arith.cmpf olt, %add3A_528, %select_n3A_515 : vector<64x128xf32>
    %select_n3A_530 = arith.select %lt3A_529, %add3A_528, %select_n3A_515 : vector<64x128xi1>, vector<64x128xf32>
    %jit3A_531 = arith.constant 7 : i32
    %broadcast_in_dim3A_532 = vector.broadcast %jit3A_531 : i32 to vector<64x128xi32>
    %select_n3A_533 = arith.select %lt3A_529, %broadcast_in_dim3A_532, %select_n3A_518 : vector<64x128xi1>, vector<64x128xi32>
    %reduce_min3A_534 = arith.constant dense<0x7F800000> : vector<64xf32>
    %reduce_min3A_535 = vector.multi_reduction <minimumf>, %select_n3A_530, %reduce_min3A_534 [1] : vector<64x128xf32> to vector<64xf32>
    %broadcast_in_dim3A_536 = vector.shape_cast %reduce_min3A_535 : vector<64xf32> to vector<64x1xf32>
    %eq3A_537 = vector.broadcast %broadcast_in_dim3A_536 : vector<64x1xf32> to vector<64x128xf32>
    %eq3A_538 = arith.cmpf oeq, %select_n3A_530, %eq3A_537 : vector<64x128xf32>
    %mul3A_539 = arith.constant 128 : i32
    %mul3A_540 = vector.broadcast %mul3A_539 : i32 to vector<64x128xi32>
    %mul3A_541 = arith.muli %select_n3A_533, %mul3A_540 : vector<64x128xi32>
    %add3A_542 = arith.addi %mul3A_541, %iota3A : vector<64x128xi32>
    %jit3A_543 = arith.constant 1024 : i32
    %broadcast_in_dim3A_544 = vector.broadcast %jit3A_543 : i32 to vector<64x128xi32>
    %select_n3A_545 = arith.select %eq3A_538, %add3A_542, %broadcast_in_dim3A_544 : vector<64x128xi1>, vector<64x128xi32>
    %reduce_min3A_546 = arith.constant dense<2147483647> : vector<64xi32>
    %reduce_min3A_547 = vector.multi_reduction <minsi>, %select_n3A_545, %reduce_min3A_546 [1] : vector<64x128xi32> to vector<64xi32>
    %swap3A_548 = arith.constant 0 : index
    %swap3A_549 = arith.constant 0 : index
    %swap3A_550 = arith.constant 192 : index
    %swap3A_551 = vector.load %arg3[%swap3A_548, %swap3A_549, %swap3A_550] : memref<1x1x1152xi32, #tpu.memory_space<vmem>>, vector<1x1x64xi32>
    %swap3A_552 = vector.shape_cast %swap3A_551 : vector<1x1x64xi32> to vector<64xi32>
    %swap3A_553 = vector.shape_cast %reduce_min3A_547 : vector<64xi32> to vector<1x1x64xi32>
    tpu.vector_store %arg3[%swap3A_548, %swap3A_549, %swap3A_550], %swap3A_553 {strides = array<i32>} : memref<1x1x1152xi32, #tpu.memory_space<vmem>>, vector<1x1x64xi32>,
    %slice3A_554 = vector.extract_strided_slice %broadcast_in_dim3A {offsets = [256, 0], sizes = [64, 1], strides = [1, 1]} : vector<1152x1xf32> to vector<64x1xf32>
    %slice3A_555 = vector.extract_strided_slice %dot_general3A_6 {offsets = [256, 0], sizes = [64, 128], strides = [1, 1]} : vector<1152x1024xf32> to vector<64x128xf32>
    %mul3A_556 = arith.constant 2.000000e+00 : f32
    %mul3A_557 = vector.broadcast %mul3A_556 : f32 to vector<64x128xf32>
    %mul3A_558 = arith.mulf %mul3A_557, %slice3A_555 : vector<64x128xf32>
    %sub3A_559 = vector.broadcast %slice3A_554 : vector<64x1xf32> to vector<64x128xf32>
    %sub3A_560 = arith.subf %sub3A_559, %mul3A_558 : vector<64x128xf32>
    %slice3A_561 = vector.extract_strided_slice %reduce_sum3A_10 {offsets = [0], sizes = [128], strides = [1]} : vector<1024xf32> to vector<128xf32>
    %broadcast_in_dim3A_562 = vector.shape_cast %slice3A_561 : vector<128xf32> to vector<1x128xf32>
    %add3A_563 = vector.broadcast %broadcast_in_dim3A_562 : vector<1x128xf32> to vector<64x128xf32>
    %add3A_564 = arith.addf %sub3A_560, %add3A_563 : vector<64x128xf32>
    %broadcast_in_dim3A_565 = arith.constant 0 : i32
    %broadcast_in_dim3A_566 = vector.broadcast %broadcast_in_dim3A_565 : i32 to vector<64x128xi32>
    %slice3A_567 = vector.extract_strided_slice %dot_general3A_6 {offsets = [256, 128], sizes = [64, 128], strides = [1, 1]} : vector<1152x1024xf32> to vector<64x128xf32>
    %mul3A_568 = arith.constant 2.000000e+00 : f32
    %mul3A_569 = vector.broadcast %mul3A_568 : f32 to vector<64x128xf32>
    %mul3A_570 = arith.mulf %mul3A_569, %slice3A_567 : vector<64x128xf32>
    %sub3A_571 = vector.broadcast %slice3A_554 : vector<64x1xf32> to vector<64x128xf32>
    %sub3A_572 = arith.subf %sub3A_571, %mul3A_570 : vector<64x128xf32>
    %slice3A_573 = vector.extract_strided_slice %reduce_sum3A_10 {offsets = [128], sizes = [128], strides = [1]} : vector<1024xf32> to vector<128xf32>
    %broadcast_in_dim3A_574 = vector.shape_cast %slice3A_573 : vector<128xf32> to vector<1x128xf32>
    %add3A_575 = vector.broadcast %broadcast_in_dim3A_574 : vector<1x128xf32> to vector<64x128xf32>
    %add3A_576 = arith.addf %sub3A_572, %add3A_575 : vector<64x128xf32>
    %lt3A_577 = arith.cmpf olt, %add3A_576, %add3A_564 : vector<64x128xf32>
    %select_n3A_578 = arith.select %lt3A_577, %add3A_576, %add3A_564 : vector<64x128xi1>, vector<64x128xf32>
    %jit3A_579 = arith.constant 1 : i32
    %broadcast_in_dim3A_580 = vector.broadcast %jit3A_579 : i32 to vector<64x128xi32>
    %select_n3A_581 = arith.select %lt3A_577, %broadcast_in_dim3A_580, %broadcast_in_dim3A_566 : vector<64x128xi1>, vector<64x128xi32>
    %slice3A_582 = vector.extract_strided_slice %dot_general3A_6 {offsets = [256, 256], sizes = [64, 128], strides = [1, 1]} : vector<1152x1024xf32> to vector<64x128xf32>
    %mul3A_583 = arith.constant 2.000000e+00 : f32
    %mul3A_584 = vector.broadcast %mul3A_583 : f32 to vector<64x128xf32>
    %mul3A_585 = arith.mulf %mul3A_584, %slice3A_582 : vector<64x128xf32>
    %sub3A_586 = vector.broadcast %slice3A_554 : vector<64x1xf32> to vector<64x128xf32>
    %sub3A_587 = arith.subf %sub3A_586, %mul3A_585 : vector<64x128xf32>
    %slice3A_588 = vector.extract_strided_slice %reduce_sum3A_10 {offsets = [256], sizes = [128], strides = [1]} : vector<1024xf32> to vector<128xf32>
    %broadcast_in_dim3A_589 = vector.shape_cast %slice3A_588 : vector<128xf32> to vector<1x128xf32>
    %add3A_590 = vector.broadcast %broadcast_in_dim3A_589 : vector<1x128xf32> to vector<64x128xf32>
    %add3A_591 = arith.addf %sub3A_587, %add3A_590 : vector<64x128xf32>
    %lt3A_592 = arith.cmpf olt, %add3A_591, %select_n3A_578 : vector<64x128xf32>
    %select_n3A_593 = arith.select %lt3A_592, %add3A_591, %select_n3A_578 : vector<64x128xi1>, vector<64x128xf32>
    %jit3A_594 = arith.constant 2 : i32
    %broadcast_in_dim3A_595 = vector.broadcast %jit3A_594 : i32 to vector<64x128xi32>
    %select_n3A_596 = arith.select %lt3A_592, %broadcast_in_dim3A_595, %select_n3A_581 : vector<64x128xi1>, vector<64x128xi32>
    %slice3A_597 = vector.extract_strided_slice %dot_general3A_6 {offsets = [256, 384], sizes = [64, 128], strides = [1, 1]} : vector<1152x1024xf32> to vector<64x128xf32>
    %mul3A_598 = arith.constant 2.000000e+00 : f32
    %mul3A_599 = vector.broadcast %mul3A_598 : f32 to vector<64x128xf32>
    %mul3A_600 = arith.mulf %mul3A_599, %slice3A_597 : vector<64x128xf32>
    %sub3A_601 = vector.broadcast %slice3A_554 : vector<64x1xf32> to vector<64x128xf32>
    %sub3A_602 = arith.subf %sub3A_601, %mul3A_600 : vector<64x128xf32>
    %slice3A_603 = vector.extract_strided_slice %reduce_sum3A_10 {offsets = [384], sizes = [128], strides = [1]} : vector<1024xf32> to vector<128xf32>
    %broadcast_in_dim3A_604 = vector.shape_cast %slice3A_603 : vector<128xf32> to vector<1x128xf32>
    %add3A_605 = vector.broadcast %broadcast_in_dim3A_604 : vector<1x128xf32> to vector<64x128xf32>
    %add3A_606 = arith.addf %sub3A_602, %add3A_605 : vector<64x128xf32>
    %lt3A_607 = arith.cmpf olt, %add3A_606, %select_n3A_593 : vector<64x128xf32>
    %select_n3A_608 = arith.select %lt3A_607, %add3A_606, %select_n3A_593 : vector<64x128xi1>, vector<64x128xf32>
    %jit3A_609 = arith.constant 3 : i32
    %broadcast_in_dim3A_610 = vector.broadcast %jit3A_609 : i32 to vector<64x128xi32>
    %select_n3A_611 = arith.select %lt3A_607, %broadcast_in_dim3A_610, %select_n3A_596 : vector<64x128xi1>, vector<64x128xi32>
    %slice3A_612 = vector.extract_strided_slice %dot_general3A_6 {offsets = [256, 512], sizes = [64, 128], strides = [1, 1]} : vector<1152x1024xf32> to vector<64x128xf32>
    %mul3A_613 = arith.constant 2.000000e+00 : f32
    %mul3A_614 = vector.broadcast %mul3A_613 : f32 to vector<64x128xf32>
    %mul3A_615 = arith.mulf %mul3A_614, %slice3A_612 : vector<64x128xf32>
    %sub3A_616 = vector.broadcast %slice3A_554 : vector<64x1xf32> to vector<64x128xf32>
    %sub3A_617 = arith.subf %sub3A_616, %mul3A_615 : vector<64x128xf32>
    %slice3A_618 = vector.extract_strided_slice %reduce_sum3A_10 {offsets = [512], sizes = [128], strides = [1]} : vector<1024xf32> to vector<128xf32>
    %broadcast_in_dim3A_619 = vector.shape_cast %slice3A_618 : vector<128xf32> to vector<1x128xf32>
    %add3A_620 = vector.broadcast %broadcast_in_dim3A_619 : vector<1x128xf32> to vector<64x128xf32>
    %add3A_621 = arith.addf %sub3A_617, %add3A_620 : vector<64x128xf32>
    %lt3A_622 = arith.cmpf olt, %add3A_621, %select_n3A_608 : vector<64x128xf32>
    %select_n3A_623 = arith.select %lt3A_622, %add3A_621, %select_n3A_608 : vector<64x128xi1>, vector<64x128xf32>
    %jit3A_624 = arith.constant 4 : i32
    %broadcast_in_dim3A_625 = vector.broadcast %jit3A_624 : i32 to vector<64x128xi32>
    %select_n3A_626 = arith.select %lt3A_622, %broadcast_in_dim3A_625, %select_n3A_611 : vector<64x128xi1>, vector<64x128xi32>
    %slice3A_627 = vector.extract_strided_slice %dot_general3A_6 {offsets = [256, 640], sizes = [64, 128], strides = [1, 1]} : vector<1152x1024xf32> to vector<64x128xf32>
    %mul3A_628 = arith.constant 2.000000e+00 : f32
    %mul3A_629 = vector.broadcast %mul3A_628 : f32 to vector<64x128xf32>
    %mul3A_630 = arith.mulf %mul3A_629, %slice3A_627 : vector<64x128xf32>
    %sub3A_631 = vector.broadcast %slice3A_554 : vector<64x1xf32> to vector<64x128xf32>
    %sub3A_632 = arith.subf %sub3A_631, %mul3A_630 : vector<64x128xf32>
    %slice3A_633 = vector.extract_strided_slice %reduce_sum3A_10 {offsets = [640], sizes = [128], strides = [1]} : vector<1024xf32> to vector<128xf32>
    %broadcast_in_dim3A_634 = vector.shape_cast %slice3A_633 : vector<128xf32> to vector<1x128xf32>
    %add3A_635 = vector.broadcast %broadcast_in_dim3A_634 : vector<1x128xf32> to vector<64x128xf32>
    %add3A_636 = arith.addf %sub3A_632, %add3A_635 : vector<64x128xf32>
    %lt3A_637 = arith.cmpf olt, %add3A_636, %select_n3A_623 : vector<64x128xf32>
    %select_n3A_638 = arith.select %lt3A_637, %add3A_636, %select_n3A_623 : vector<64x128xi1>, vector<64x128xf32>
    %jit3A_639 = arith.constant 5 : i32
    %broadcast_in_dim3A_640 = vector.broadcast %jit3A_639 : i32 to vector<64x128xi32>
    %select_n3A_641 = arith.select %lt3A_637, %broadcast_in_dim3A_640, %select_n3A_626 : vector<64x128xi1>, vector<64x128xi32>
    %slice3A_642 = vector.extract_strided_slice %dot_general3A_6 {offsets = [256, 768], sizes = [64, 128], strides = [1, 1]} : vector<1152x1024xf32> to vector<64x128xf32>
    %mul3A_643 = arith.constant 2.000000e+00 : f32
    %mul3A_644 = vector.broadcast %mul3A_643 : f32 to vector<64x128xf32>
    %mul3A_645 = arith.mulf %mul3A_644, %slice3A_642 : vector<64x128xf32>
    %sub3A_646 = vector.broadcast %slice3A_554 : vector<64x1xf32> to vector<64x128xf32>
    %sub3A_647 = arith.subf %sub3A_646, %mul3A_645 : vector<64x128xf32>
    %slice3A_648 = vector.extract_strided_slice %reduce_sum3A_10 {offsets = [768], sizes = [128], strides = [1]} : vector<1024xf32> to vector<128xf32>
    %broadcast_in_dim3A_649 = vector.shape_cast %slice3A_648 : vector<128xf32> to vector<1x128xf32>
    %add3A_650 = vector.broadcast %broadcast_in_dim3A_649 : vector<1x128xf32> to vector<64x128xf32>
    %add3A_651 = arith.addf %sub3A_647, %add3A_650 : vector<64x128xf32>
    %lt3A_652 = arith.cmpf olt, %add3A_651, %select_n3A_638 : vector<64x128xf32>
    %select_n3A_653 = arith.select %lt3A_652, %add3A_651, %select_n3A_638 : vector<64x128xi1>, vector<64x128xf32>
    %jit3A_654 = arith.constant 6 : i32
    %broadcast_in_dim3A_655 = vector.broadcast %jit3A_654 : i32 to vector<64x128xi32>
    %select_n3A_656 = arith.select %lt3A_652, %broadcast_in_dim3A_655, %select_n3A_641 : vector<64x128xi1>, vector<64x128xi32>
    %slice3A_657 = vector.extract_strided_slice %dot_general3A_6 {offsets = [256, 896], sizes = [64, 128], strides = [1, 1]} : vector<1152x1024xf32> to vector<64x128xf32>
    %mul3A_658 = arith.constant 2.000000e+00 : f32
    %mul3A_659 = vector.broadcast %mul3A_658 : f32 to vector<64x128xf32>
    %mul3A_660 = arith.mulf %mul3A_659, %slice3A_657 : vector<64x128xf32>
    %sub3A_661 = vector.broadcast %slice3A_554 : vector<64x1xf32> to vector<64x128xf32>
    %sub3A_662 = arith.subf %sub3A_661, %mul3A_660 : vector<64x128xf32>
    %slice3A_663 = vector.extract_strided_slice %reduce_sum3A_10 {offsets = [896], sizes = [128], strides = [1]} : vector<1024xf32> to vector<128xf32>
    %broadcast_in_dim3A_664 = vector.shape_cast %slice3A_663 : vector<128xf32> to vector<1x128xf32>
    %add3A_665 = vector.broadcast %broadcast_in_dim3A_664 : vector<1x128xf32> to vector<64x128xf32>
    %add3A_666 = arith.addf %sub3A_662, %add3A_665 : vector<64x128xf32>
    %lt3A_667 = arith.cmpf olt, %add3A_666, %select_n3A_653 : vector<64x128xf32>
    %select_n3A_668 = arith.select %lt3A_667, %add3A_666, %select_n3A_653 : vector<64x128xi1>, vector<64x128xf32>
    %jit3A_669 = arith.constant 7 : i32
    %broadcast_in_dim3A_670 = vector.broadcast %jit3A_669 : i32 to vector<64x128xi32>
    %select_n3A_671 = arith.select %lt3A_667, %broadcast_in_dim3A_670, %select_n3A_656 : vector<64x128xi1>, vector<64x128xi32>
    %reduce_min3A_672 = arith.constant dense<0x7F800000> : vector<64xf32>
    %reduce_min3A_673 = vector.multi_reduction <minimumf>, %select_n3A_668, %reduce_min3A_672 [1] : vector<64x128xf32> to vector<64xf32>
    %broadcast_in_dim3A_674 = vector.shape_cast %reduce_min3A_673 : vector<64xf32> to vector<64x1xf32>
    %eq3A_675 = vector.broadcast %broadcast_in_dim3A_674 : vector<64x1xf32> to vector<64x128xf32>
    %eq3A_676 = arith.cmpf oeq, %select_n3A_668, %eq3A_675 : vector<64x128xf32>
    %mul3A_677 = arith.constant 128 : i32
    %mul3A_678 = vector.broadcast %mul3A_677 : i32 to vector<64x128xi32>
    %mul3A_679 = arith.muli %select_n3A_671, %mul3A_678 : vector<64x128xi32>
    %add3A_680 = arith.addi %mul3A_679, %iota3A : vector<64x128xi32>
    %jit3A_681 = arith.constant 1024 : i32
    %broadcast_in_dim3A_682 = vector.broadcast %jit3A_681 : i32 to vector<64x128xi32>
    %select_n3A_683 = arith.select %eq3A_676, %add3A_680, %broadcast_in_dim3A_682 : vector<64x128xi1>, vector<64x128xi32>
    %reduce_min3A_684 = arith.constant dense<2147483647> : vector<64xi32>
    %reduce_min3A_685 = vector.multi_reduction <minsi>, %select_n3A_683, %reduce_min3A_684 [1] : vector<64x128xi32> to vector<64xi32>
    %swap3A_686 = arith.constant 0 : index
    %swap3A_687 = arith.constant 0 : index
    %swap3A_688 = arith.constant 256 : index
    %swap3A_689 = vector.load %arg3[%swap3A_686, %swap3A_687, %swap3A_688] : memref<1x1x1152xi32, #tpu.memory_space<vmem>>, vector<1x1x64xi32>
    %swap3A_690 = vector.shape_cast %swap3A_689 : vector<1x1x64xi32> to vector<64xi32>
    %swap3A_691 = vector.shape_cast %reduce_min3A_685 : vector<64xi32> to vector<1x1x64xi32>
    tpu.vector_store %arg3[%swap3A_686, %swap3A_687, %swap3A_688], %swap3A_691 {strides = array<i32>} : memref<1x1x1152xi32, #tpu.memory_space<vmem>>, vector<1x1x64xi32>,
    %slice3A_692 = vector.extract_strided_slice %broadcast_in_dim3A {offsets = [320, 0], sizes = [64, 1], strides = [1, 1]} : vector<1152x1xf32> to vector<64x1xf32>
    %slice3A_693 = vector.extract_strided_slice %dot_general3A_6 {offsets = [320, 0], sizes = [64, 128], strides = [1, 1]} : vector<1152x1024xf32> to vector<64x128xf32>
    %mul3A_694 = arith.constant 2.000000e+00 : f32
    %mul3A_695 = vector.broadcast %mul3A_694 : f32 to vector<64x128xf32>
    %mul3A_696 = arith.mulf %mul3A_695, %slice3A_693 : vector<64x128xf32>
    %sub3A_697 = vector.broadcast %slice3A_692 : vector<64x1xf32> to vector<64x128xf32>
    %sub3A_698 = arith.subf %sub3A_697, %mul3A_696 : vector<64x128xf32>
    %slice3A_699 = vector.extract_strided_slice %reduce_sum3A_10 {offsets = [0], sizes = [128], strides = [1]} : vector<1024xf32> to vector<128xf32>
    %broadcast_in_dim3A_700 = vector.shape_cast %slice3A_699 : vector<128xf32> to vector<1x128xf32>
    %add3A_701 = vector.broadcast %broadcast_in_dim3A_700 : vector<1x128xf32> to vector<64x128xf32>
    %add3A_702 = arith.addf %sub3A_698, %add3A_701 : vector<64x128xf32>
    %broadcast_in_dim3A_703 = arith.constant 0 : i32
    %broadcast_in_dim3A_704 = vector.broadcast %broadcast_in_dim3A_703 : i32 to vector<64x128xi32>
    %slice3A_705 = vector.extract_strided_slice %dot_general3A_6 {offsets = [320, 128], sizes = [64, 128], strides = [1, 1]} : vector<1152x1024xf32> to vector<64x128xf32>
    %mul3A_706 = arith.constant 2.000000e+00 : f32
    %mul3A_707 = vector.broadcast %mul3A_706 : f32 to vector<64x128xf32>
    %mul3A_708 = arith.mulf %mul3A_707, %slice3A_705 : vector<64x128xf32>
    %sub3A_709 = vector.broadcast %slice3A_692 : vector<64x1xf32> to vector<64x128xf32>
    %sub3A_710 = arith.subf %sub3A_709, %mul3A_708 : vector<64x128xf32>
    %slice3A_711 = vector.extract_strided_slice %reduce_sum3A_10 {offsets = [128], sizes = [128], strides = [1]} : vector<1024xf32> to vector<128xf32>
    %broadcast_in_dim3A_712 = vector.shape_cast %slice3A_711 : vector<128xf32> to vector<1x128xf32>
    %add3A_713 = vector.broadcast %broadcast_in_dim3A_712 : vector<1x128xf32> to vector<64x128xf32>
    %add3A_714 = arith.addf %sub3A_710, %add3A_713 : vector<64x128xf32>
    %lt3A_715 = arith.cmpf olt, %add3A_714, %add3A_702 : vector<64x128xf32>
    %select_n3A_716 = arith.select %lt3A_715, %add3A_714, %add3A_702 : vector<64x128xi1>, vector<64x128xf32>
    %jit3A_717 = arith.constant 1 : i32
    %broadcast_in_dim3A_718 = vector.broadcast %jit3A_717 : i32 to vector<64x128xi32>
    %select_n3A_719 = arith.select %lt3A_715, %broadcast_in_dim3A_718, %broadcast_in_dim3A_704 : vector<64x128xi1>, vector<64x128xi32>
    %slice3A_720 = vector.extract_strided_slice %dot_general3A_6 {offsets = [320, 256], sizes = [64, 128], strides = [1, 1]} : vector<1152x1024xf32> to vector<64x128xf32>
    %mul3A_721 = arith.constant 2.000000e+00 : f32
    %mul3A_722 = vector.broadcast %mul3A_721 : f32 to vector<64x128xf32>
    %mul3A_723 = arith.mulf %mul3A_722, %slice3A_720 : vector<64x128xf32>
    %sub3A_724 = vector.broadcast %slice3A_692 : vector<64x1xf32> to vector<64x128xf32>
    %sub3A_725 = arith.subf %sub3A_724, %mul3A_723 : vector<64x128xf32>
    %slice3A_726 = vector.extract_strided_slice %reduce_sum3A_10 {offsets = [256], sizes = [128], strides = [1]} : vector<1024xf32> to vector<128xf32>
    %broadcast_in_dim3A_727 = vector.shape_cast %slice3A_726 : vector<128xf32> to vector<1x128xf32>
    %add3A_728 = vector.broadcast %broadcast_in_dim3A_727 : vector<1x128xf32> to vector<64x128xf32>
    %add3A_729 = arith.addf %sub3A_725, %add3A_728 : vector<64x128xf32>
    %lt3A_730 = arith.cmpf olt, %add3A_729, %select_n3A_716 : vector<64x128xf32>
    %select_n3A_731 = arith.select %lt3A_730, %add3A_729, %select_n3A_716 : vector<64x128xi1>, vector<64x128xf32>
    %jit3A_732 = arith.constant 2 : i32
    %broadcast_in_dim3A_733 = vector.broadcast %jit3A_732 : i32 to vector<64x128xi32>
    %select_n3A_734 = arith.select %lt3A_730, %broadcast_in_dim3A_733, %select_n3A_719 : vector<64x128xi1>, vector<64x128xi32>
    %slice3A_735 = vector.extract_strided_slice %dot_general3A_6 {offsets = [320, 384], sizes = [64, 128], strides = [1, 1]} : vector<1152x1024xf32> to vector<64x128xf32>
    %mul3A_736 = arith.constant 2.000000e+00 : f32
    %mul3A_737 = vector.broadcast %mul3A_736 : f32 to vector<64x128xf32>
    %mul3A_738 = arith.mulf %mul3A_737, %slice3A_735 : vector<64x128xf32>
    %sub3A_739 = vector.broadcast %slice3A_692 : vector<64x1xf32> to vector<64x128xf32>
    %sub3A_740 = arith.subf %sub3A_739, %mul3A_738 : vector<64x128xf32>
    %slice3A_741 = vector.extract_strided_slice %reduce_sum3A_10 {offsets = [384], sizes = [128], strides = [1]} : vector<1024xf32> to vector<128xf32>
    %broadcast_in_dim3A_742 = vector.shape_cast %slice3A_741 : vector<128xf32> to vector<1x128xf32>
    %add3A_743 = vector.broadcast %broadcast_in_dim3A_742 : vector<1x128xf32> to vector<64x128xf32>
    %add3A_744 = arith.addf %sub3A_740, %add3A_743 : vector<64x128xf32>
    %lt3A_745 = arith.cmpf olt, %add3A_744, %select_n3A_731 : vector<64x128xf32>
    %select_n3A_746 = arith.select %lt3A_745, %add3A_744, %select_n3A_731 : vector<64x128xi1>, vector<64x128xf32>
    %jit3A_747 = arith.constant 3 : i32
    %broadcast_in_dim3A_748 = vector.broadcast %jit3A_747 : i32 to vector<64x128xi32>
    %select_n3A_749 = arith.select %lt3A_745, %broadcast_in_dim3A_748, %select_n3A_734 : vector<64x128xi1>, vector<64x128xi32>
    %slice3A_750 = vector.extract_strided_slice %dot_general3A_6 {offsets = [320, 512], sizes = [64, 128], strides = [1, 1]} : vector<1152x1024xf32> to vector<64x128xf32>
    %mul3A_751 = arith.constant 2.000000e+00 : f32
    %mul3A_752 = vector.broadcast %mul3A_751 : f32 to vector<64x128xf32>
    %mul3A_753 = arith.mulf %mul3A_752, %slice3A_750 : vector<64x128xf32>
    %sub3A_754 = vector.broadcast %slice3A_692 : vector<64x1xf32> to vector<64x128xf32>
    %sub3A_755 = arith.subf %sub3A_754, %mul3A_753 : vector<64x128xf32>
    %slice3A_756 = vector.extract_strided_slice %reduce_sum3A_10 {offsets = [512], sizes = [128], strides = [1]} : vector<1024xf32> to vector<128xf32>
    %broadcast_in_dim3A_757 = vector.shape_cast %slice3A_756 : vector<128xf32> to vector<1x128xf32>
    %add3A_758 = vector.broadcast %broadcast_in_dim3A_757 : vector<1x128xf32> to vector<64x128xf32>
    %add3A_759 = arith.addf %sub3A_755, %add3A_758 : vector<64x128xf32>
    %lt3A_760 = arith.cmpf olt, %add3A_759, %select_n3A_746 : vector<64x128xf32>
    %select_n3A_761 = arith.select %lt3A_760, %add3A_759, %select_n3A_746 : vector<64x128xi1>, vector<64x128xf32>
    %jit3A_762 = arith.constant 4 : i32
    %broadcast_in_dim3A_763 = vector.broadcast %jit3A_762 : i32 to vector<64x128xi32>
    %select_n3A_764 = arith.select %lt3A_760, %broadcast_in_dim3A_763, %select_n3A_749 : vector<64x128xi1>, vector<64x128xi32>
    %slice3A_765 = vector.extract_strided_slice %dot_general3A_6 {offsets = [320, 640], sizes = [64, 128], strides = [1, 1]} : vector<1152x1024xf32> to vector<64x128xf32>
    %mul3A_766 = arith.constant 2.000000e+00 : f32
    %mul3A_767 = vector.broadcast %mul3A_766 : f32 to vector<64x128xf32>
    %mul3A_768 = arith.mulf %mul3A_767, %slice3A_765 : vector<64x128xf32>
    %sub3A_769 = vector.broadcast %slice3A_692 : vector<64x1xf32> to vector<64x128xf32>
    %sub3A_770 = arith.subf %sub3A_769, %mul3A_768 : vector<64x128xf32>
    %slice3A_771 = vector.extract_strided_slice %reduce_sum3A_10 {offsets = [640], sizes = [128], strides = [1]} : vector<1024xf32> to vector<128xf32>
    %broadcast_in_dim3A_772 = vector.shape_cast %slice3A_771 : vector<128xf32> to vector<1x128xf32>
    %add3A_773 = vector.broadcast %broadcast_in_dim3A_772 : vector<1x128xf32> to vector<64x128xf32>
    %add3A_774 = arith.addf %sub3A_770, %add3A_773 : vector<64x128xf32>
    %lt3A_775 = arith.cmpf olt, %add3A_774, %select_n3A_761 : vector<64x128xf32>
    %select_n3A_776 = arith.select %lt3A_775, %add3A_774, %select_n3A_761 : vector<64x128xi1>, vector<64x128xf32>
    %jit3A_777 = arith.constant 5 : i32
    %broadcast_in_dim3A_778 = vector.broadcast %jit3A_777 : i32 to vector<64x128xi32>
    %select_n3A_779 = arith.select %lt3A_775, %broadcast_in_dim3A_778, %select_n3A_764 : vector<64x128xi1>, vector<64x128xi32>
    %slice3A_780 = vector.extract_strided_slice %dot_general3A_6 {offsets = [320, 768], sizes = [64, 128], strides = [1, 1]} : vector<1152x1024xf32> to vector<64x128xf32>
    %mul3A_781 = arith.constant 2.000000e+00 : f32
    %mul3A_782 = vector.broadcast %mul3A_781 : f32 to vector<64x128xf32>
    %mul3A_783 = arith.mulf %mul3A_782, %slice3A_780 : vector<64x128xf32>
    %sub3A_784 = vector.broadcast %slice3A_692 : vector<64x1xf32> to vector<64x128xf32>
    %sub3A_785 = arith.subf %sub3A_784, %mul3A_783 : vector<64x128xf32>
    %slice3A_786 = vector.extract_strided_slice %reduce_sum3A_10 {offsets = [768], sizes = [128], strides = [1]} : vector<1024xf32> to vector<128xf32>
    %broadcast_in_dim3A_787 = vector.shape_cast %slice3A_786 : vector<128xf32> to vector<1x128xf32>
    %add3A_788 = vector.broadcast %broadcast_in_dim3A_787 : vector<1x128xf32> to vector<64x128xf32>
    %add3A_789 = arith.addf %sub3A_785, %add3A_788 : vector<64x128xf32>
    %lt3A_790 = arith.cmpf olt, %add3A_789, %select_n3A_776 : vector<64x128xf32>
    %select_n3A_791 = arith.select %lt3A_790, %add3A_789, %select_n3A_776 : vector<64x128xi1>, vector<64x128xf32>
    %jit3A_792 = arith.constant 6 : i32
    %broadcast_in_dim3A_793 = vector.broadcast %jit3A_792 : i32 to vector<64x128xi32>
    %select_n3A_794 = arith.select %lt3A_790, %broadcast_in_dim3A_793, %select_n3A_779 : vector<64x128xi1>, vector<64x128xi32>
    %slice3A_795 = vector.extract_strided_slice %dot_general3A_6 {offsets = [320, 896], sizes = [64, 128], strides = [1, 1]} : vector<1152x1024xf32> to vector<64x128xf32>
    %mul3A_796 = arith.constant 2.000000e+00 : f32
    %mul3A_797 = vector.broadcast %mul3A_796 : f32 to vector<64x128xf32>
    %mul3A_798 = arith.mulf %mul3A_797, %slice3A_795 : vector<64x128xf32>
    %sub3A_799 = vector.broadcast %slice3A_692 : vector<64x1xf32> to vector<64x128xf32>
    %sub3A_800 = arith.subf %sub3A_799, %mul3A_798 : vector<64x128xf32>
    %slice3A_801 = vector.extract_strided_slice %reduce_sum3A_10 {offsets = [896], sizes = [128], strides = [1]} : vector<1024xf32> to vector<128xf32>
    %broadcast_in_dim3A_802 = vector.shape_cast %slice3A_801 : vector<128xf32> to vector<1x128xf32>
    %add3A_803 = vector.broadcast %broadcast_in_dim3A_802 : vector<1x128xf32> to vector<64x128xf32>
    %add3A_804 = arith.addf %sub3A_800, %add3A_803 : vector<64x128xf32>
    %lt3A_805 = arith.cmpf olt, %add3A_804, %select_n3A_791 : vector<64x128xf32>
    %select_n3A_806 = arith.select %lt3A_805, %add3A_804, %select_n3A_791 : vector<64x128xi1>, vector<64x128xf32>
    %jit3A_807 = arith.constant 7 : i32
    %broadcast_in_dim3A_808 = vector.broadcast %jit3A_807 : i32 to vector<64x128xi32>
    %select_n3A_809 = arith.select %lt3A_805, %broadcast_in_dim3A_808, %select_n3A_794 : vector<64x128xi1>, vector<64x128xi32>
    %reduce_min3A_810 = arith.constant dense<0x7F800000> : vector<64xf32>
    %reduce_min3A_811 = vector.multi_reduction <minimumf>, %select_n3A_806, %reduce_min3A_810 [1] : vector<64x128xf32> to vector<64xf32>
    %broadcast_in_dim3A_812 = vector.shape_cast %reduce_min3A_811 : vector<64xf32> to vector<64x1xf32>
    %eq3A_813 = vector.broadcast %broadcast_in_dim3A_812 : vector<64x1xf32> to vector<64x128xf32>
    %eq3A_814 = arith.cmpf oeq, %select_n3A_806, %eq3A_813 : vector<64x128xf32>
    %mul3A_815 = arith.constant 128 : i32
    %mul3A_816 = vector.broadcast %mul3A_815 : i32 to vector<64x128xi32>
    %mul3A_817 = arith.muli %select_n3A_809, %mul3A_816 : vector<64x128xi32>
    %add3A_818 = arith.addi %mul3A_817, %iota3A : vector<64x128xi32>
    %jit3A_819 = arith.constant 1024 : i32
    %broadcast_in_dim3A_820 = vector.broadcast %jit3A_819 : i32 to vector<64x128xi32>
    %select_n3A_821 = arith.select %eq3A_814, %add3A_818, %broadcast_in_dim3A_820 : vector<64x128xi1>, vector<64x128xi32>
    %reduce_min3A_822 = arith.constant dense<2147483647> : vector<64xi32>
    %reduce_min3A_823 = vector.multi_reduction <minsi>, %select_n3A_821, %reduce_min3A_822 [1] : vector<64x128xi32> to vector<64xi32>
    %swap3A_824 = arith.constant 0 : index
    %swap3A_825 = arith.constant 0 : index
    %swap3A_826 = arith.constant 320 : index
    %swap3A_827 = vector.load %arg3[%swap3A_824, %swap3A_825, %swap3A_826] : memref<1x1x1152xi32, #tpu.memory_space<vmem>>, vector<1x1x64xi32>
    %swap3A_828 = vector.shape_cast %swap3A_827 : vector<1x1x64xi32> to vector<64xi32>
    %swap3A_829 = vector.shape_cast %reduce_min3A_823 : vector<64xi32> to vector<1x1x64xi32>
    tpu.vector_store %arg3[%swap3A_824, %swap3A_825, %swap3A_826], %swap3A_829 {strides = array<i32>} : memref<1x1x1152xi32, #tpu.memory_space<vmem>>, vector<1x1x64xi32>,
    %slice3A_830 = vector.extract_strided_slice %broadcast_in_dim3A {offsets = [384, 0], sizes = [64, 1], strides = [1, 1]} : vector<1152x1xf32> to vector<64x1xf32>
    %slice3A_831 = vector.extract_strided_slice %dot_general3A_6 {offsets = [384, 0], sizes = [64, 128], strides = [1, 1]} : vector<1152x1024xf32> to vector<64x128xf32>
    %mul3A_832 = arith.constant 2.000000e+00 : f32
    %mul3A_833 = vector.broadcast %mul3A_832 : f32 to vector<64x128xf32>
    %mul3A_834 = arith.mulf %mul3A_833, %slice3A_831 : vector<64x128xf32>
    %sub3A_835 = vector.broadcast %slice3A_830 : vector<64x1xf32> to vector<64x128xf32>
    %sub3A_836 = arith.subf %sub3A_835, %mul3A_834 : vector<64x128xf32>
    %slice3A_837 = vector.extract_strided_slice %reduce_sum3A_10 {offsets = [0], sizes = [128], strides = [1]} : vector<1024xf32> to vector<128xf32>
    %broadcast_in_dim3A_838 = vector.shape_cast %slice3A_837 : vector<128xf32> to vector<1x128xf32>
    %add3A_839 = vector.broadcast %broadcast_in_dim3A_838 : vector<1x128xf32> to vector<64x128xf32>
    %add3A_840 = arith.addf %sub3A_836, %add3A_839 : vector<64x128xf32>
    %broadcast_in_dim3A_841 = arith.constant 0 : i32
    %broadcast_in_dim3A_842 = vector.broadcast %broadcast_in_dim3A_841 : i32 to vector<64x128xi32>
    %slice3A_843 = vector.extract_strided_slice %dot_general3A_6 {offsets = [384, 128], sizes = [64, 128], strides = [1, 1]} : vector<1152x1024xf32> to vector<64x128xf32>
    %mul3A_844 = arith.constant 2.000000e+00 : f32
    %mul3A_845 = vector.broadcast %mul3A_844 : f32 to vector<64x128xf32>
    %mul3A_846 = arith.mulf %mul3A_845, %slice3A_843 : vector<64x128xf32>
    %sub3A_847 = vector.broadcast %slice3A_830 : vector<64x1xf32> to vector<64x128xf32>
    %sub3A_848 = arith.subf %sub3A_847, %mul3A_846 : vector<64x128xf32>
    %slice3A_849 = vector.extract_strided_slice %reduce_sum3A_10 {offsets = [128], sizes = [128], strides = [1]} : vector<1024xf32> to vector<128xf32>
    %broadcast_in_dim3A_850 = vector.shape_cast %slice3A_849 : vector<128xf32> to vector<1x128xf32>
    %add3A_851 = vector.broadcast %broadcast_in_dim3A_850 : vector<1x128xf32> to vector<64x128xf32>
    %add3A_852 = arith.addf %sub3A_848, %add3A_851 : vector<64x128xf32>
    %lt3A_853 = arith.cmpf olt, %add3A_852, %add3A_840 : vector<64x128xf32>
    %select_n3A_854 = arith.select %lt3A_853, %add3A_852, %add3A_840 : vector<64x128xi1>, vector<64x128xf32>
    %jit3A_855 = arith.constant 1 : i32
    %broadcast_in_dim3A_856 = vector.broadcast %jit3A_855 : i32 to vector<64x128xi32>
    %select_n3A_857 = arith.select %lt3A_853, %broadcast_in_dim3A_856, %broadcast_in_dim3A_842 : vector<64x128xi1>, vector<64x128xi32>
    %slice3A_858 = vector.extract_strided_slice %dot_general3A_6 {offsets = [384, 256], sizes = [64, 128], strides = [1, 1]} : vector<1152x1024xf32> to vector<64x128xf32>
    %mul3A_859 = arith.constant 2.000000e+00 : f32
    %mul3A_860 = vector.broadcast %mul3A_859 : f32 to vector<64x128xf32>
    %mul3A_861 = arith.mulf %mul3A_860, %slice3A_858 : vector<64x128xf32>
    %sub3A_862 = vector.broadcast %slice3A_830 : vector<64x1xf32> to vector<64x128xf32>
    %sub3A_863 = arith.subf %sub3A_862, %mul3A_861 : vector<64x128xf32>
    %slice3A_864 = vector.extract_strided_slice %reduce_sum3A_10 {offsets = [256], sizes = [128], strides = [1]} : vector<1024xf32> to vector<128xf32>
    %broadcast_in_dim3A_865 = vector.shape_cast %slice3A_864 : vector<128xf32> to vector<1x128xf32>
    %add3A_866 = vector.broadcast %broadcast_in_dim3A_865 : vector<1x128xf32> to vector<64x128xf32>
    %add3A_867 = arith.addf %sub3A_863, %add3A_866 : vector<64x128xf32>
    %lt3A_868 = arith.cmpf olt, %add3A_867, %select_n3A_854 : vector<64x128xf32>
    %select_n3A_869 = arith.select %lt3A_868, %add3A_867, %select_n3A_854 : vector<64x128xi1>, vector<64x128xf32>
    %jit3A_870 = arith.constant 2 : i32
    %broadcast_in_dim3A_871 = vector.broadcast %jit3A_870 : i32 to vector<64x128xi32>
    %select_n3A_872 = arith.select %lt3A_868, %broadcast_in_dim3A_871, %select_n3A_857 : vector<64x128xi1>, vector<64x128xi32>
    %slice3A_873 = vector.extract_strided_slice %dot_general3A_6 {offsets = [384, 384], sizes = [64, 128], strides = [1, 1]} : vector<1152x1024xf32> to vector<64x128xf32>
    %mul3A_874 = arith.constant 2.000000e+00 : f32
    %mul3A_875 = vector.broadcast %mul3A_874 : f32 to vector<64x128xf32>
    %mul3A_876 = arith.mulf %mul3A_875, %slice3A_873 : vector<64x128xf32>
    %sub3A_877 = vector.broadcast %slice3A_830 : vector<64x1xf32> to vector<64x128xf32>
    %sub3A_878 = arith.subf %sub3A_877, %mul3A_876 : vector<64x128xf32>
    %slice3A_879 = vector.extract_strided_slice %reduce_sum3A_10 {offsets = [384], sizes = [128], strides = [1]} : vector<1024xf32> to vector<128xf32>
    %broadcast_in_dim3A_880 = vector.shape_cast %slice3A_879 : vector<128xf32> to vector<1x128xf32>
    %add3A_881 = vector.broadcast %broadcast_in_dim3A_880 : vector<1x128xf32> to vector<64x128xf32>
    %add3A_882 = arith.addf %sub3A_878, %add3A_881 : vector<64x128xf32>
    %lt3A_883 = arith.cmpf olt, %add3A_882, %select_n3A_869 : vector<64x128xf32>
    %select_n3A_884 = arith.select %lt3A_883, %add3A_882, %select_n3A_869 : vector<64x128xi1>, vector<64x128xf32>
    %jit3A_885 = arith.constant 3 : i32
    %broadcast_in_dim3A_886 = vector.broadcast %jit3A_885 : i32 to vector<64x128xi32>
    %select_n3A_887 = arith.select %lt3A_883, %broadcast_in_dim3A_886, %select_n3A_872 : vector<64x128xi1>, vector<64x128xi32>
    %slice3A_888 = vector.extract_strided_slice %dot_general3A_6 {offsets = [384, 512], sizes = [64, 128], strides = [1, 1]} : vector<1152x1024xf32> to vector<64x128xf32>
    %mul3A_889 = arith.constant 2.000000e+00 : f32
    %mul3A_890 = vector.broadcast %mul3A_889 : f32 to vector<64x128xf32>
    %mul3A_891 = arith.mulf %mul3A_890, %slice3A_888 : vector<64x128xf32>
    %sub3A_892 = vector.broadcast %slice3A_830 : vector<64x1xf32> to vector<64x128xf32>
    %sub3A_893 = arith.subf %sub3A_892, %mul3A_891 : vector<64x128xf32>
    %slice3A_894 = vector.extract_strided_slice %reduce_sum3A_10 {offsets = [512], sizes = [128], strides = [1]} : vector<1024xf32> to vector<128xf32>
    %broadcast_in_dim3A_895 = vector.shape_cast %slice3A_894 : vector<128xf32> to vector<1x128xf32>
    %add3A_896 = vector.broadcast %broadcast_in_dim3A_895 : vector<1x128xf32> to vector<64x128xf32>
    %add3A_897 = arith.addf %sub3A_893, %add3A_896 : vector<64x128xf32>
    %lt3A_898 = arith.cmpf olt, %add3A_897, %select_n3A_884 : vector<64x128xf32>
    %select_n3A_899 = arith.select %lt3A_898, %add3A_897, %select_n3A_884 : vector<64x128xi1>, vector<64x128xf32>
    %jit3A_900 = arith.constant 4 : i32
    %broadcast_in_dim3A_901 = vector.broadcast %jit3A_900 : i32 to vector<64x128xi32>
    %select_n3A_902 = arith.select %lt3A_898, %broadcast_in_dim3A_901, %select_n3A_887 : vector<64x128xi1>, vector<64x128xi32>
    %slice3A_903 = vector.extract_strided_slice %dot_general3A_6 {offsets = [384, 640], sizes = [64, 128], strides = [1, 1]} : vector<1152x1024xf32> to vector<64x128xf32>
    %mul3A_904 = arith.constant 2.000000e+00 : f32
    %mul3A_905 = vector.broadcast %mul3A_904 : f32 to vector<64x128xf32>
    %mul3A_906 = arith.mulf %mul3A_905, %slice3A_903 : vector<64x128xf32>
    %sub3A_907 = vector.broadcast %slice3A_830 : vector<64x1xf32> to vector<64x128xf32>
    %sub3A_908 = arith.subf %sub3A_907, %mul3A_906 : vector<64x128xf32>
    %slice3A_909 = vector.extract_strided_slice %reduce_sum3A_10 {offsets = [640], sizes = [128], strides = [1]} : vector<1024xf32> to vector<128xf32>
    %broadcast_in_dim3A_910 = vector.shape_cast %slice3A_909 : vector<128xf32> to vector<1x128xf32>
    %add3A_911 = vector.broadcast %broadcast_in_dim3A_910 : vector<1x128xf32> to vector<64x128xf32>
    %add3A_912 = arith.addf %sub3A_908, %add3A_911 : vector<64x128xf32>
    %lt3A_913 = arith.cmpf olt, %add3A_912, %select_n3A_899 : vector<64x128xf32>
    %select_n3A_914 = arith.select %lt3A_913, %add3A_912, %select_n3A_899 : vector<64x128xi1>, vector<64x128xf32>
    %jit3A_915 = arith.constant 5 : i32
    %broadcast_in_dim3A_916 = vector.broadcast %jit3A_915 : i32 to vector<64x128xi32>
    %select_n3A_917 = arith.select %lt3A_913, %broadcast_in_dim3A_916, %select_n3A_902 : vector<64x128xi1>, vector<64x128xi32>
    %slice3A_918 = vector.extract_strided_slice %dot_general3A_6 {offsets = [384, 768], sizes = [64, 128], strides = [1, 1]} : vector<1152x1024xf32> to vector<64x128xf32>
    %mul3A_919 = arith.constant 2.000000e+00 : f32
    %mul3A_920 = vector.broadcast %mul3A_919 : f32 to vector<64x128xf32>
    %mul3A_921 = arith.mulf %mul3A_920, %slice3A_918 : vector<64x128xf32>
    %sub3A_922 = vector.broadcast %slice3A_830 : vector<64x1xf32> to vector<64x128xf32>
    %sub3A_923 = arith.subf %sub3A_922, %mul3A_921 : vector<64x128xf32>
    %slice3A_924 = vector.extract_strided_slice %reduce_sum3A_10 {offsets = [768], sizes = [128], strides = [1]} : vector<1024xf32> to vector<128xf32>
    %broadcast_in_dim3A_925 = vector.shape_cast %slice3A_924 : vector<128xf32> to vector<1x128xf32>
    %add3A_926 = vector.broadcast %broadcast_in_dim3A_925 : vector<1x128xf32> to vector<64x128xf32>
    %add3A_927 = arith.addf %sub3A_923, %add3A_926 : vector<64x128xf32>
    %lt3A_928 = arith.cmpf olt, %add3A_927, %select_n3A_914 : vector<64x128xf32>
    %select_n3A_929 = arith.select %lt3A_928, %add3A_927, %select_n3A_914 : vector<64x128xi1>, vector<64x128xf32>
    %jit3A_930 = arith.constant 6 : i32
    %broadcast_in_dim3A_931 = vector.broadcast %jit3A_930 : i32 to vector<64x128xi32>
    %select_n3A_932 = arith.select %lt3A_928, %broadcast_in_dim3A_931, %select_n3A_917 : vector<64x128xi1>, vector<64x128xi32>
    %slice3A_933 = vector.extract_strided_slice %dot_general3A_6 {offsets = [384, 896], sizes = [64, 128], strides = [1, 1]} : vector<1152x1024xf32> to vector<64x128xf32>
    %mul3A_934 = arith.constant 2.000000e+00 : f32
    %mul3A_935 = vector.broadcast %mul3A_934 : f32 to vector<64x128xf32>
    %mul3A_936 = arith.mulf %mul3A_935, %slice3A_933 : vector<64x128xf32>
    %sub3A_937 = vector.broadcast %slice3A_830 : vector<64x1xf32> to vector<64x128xf32>
    %sub3A_938 = arith.subf %sub3A_937, %mul3A_936 : vector<64x128xf32>
    %slice3A_939 = vector.extract_strided_slice %reduce_sum3A_10 {offsets = [896], sizes = [128], strides = [1]} : vector<1024xf32> to vector<128xf32>
    %broadcast_in_dim3A_940 = vector.shape_cast %slice3A_939 : vector<128xf32> to vector<1x128xf32>
    %add3A_941 = vector.broadcast %broadcast_in_dim3A_940 : vector<1x128xf32> to vector<64x128xf32>
    %add3A_942 = arith.addf %sub3A_938, %add3A_941 : vector<64x128xf32>
    %lt3A_943 = arith.cmpf olt, %add3A_942, %select_n3A_929 : vector<64x128xf32>
    %select_n3A_944 = arith.select %lt3A_943, %add3A_942, %select_n3A_929 : vector<64x128xi1>, vector<64x128xf32>
    %jit3A_945 = arith.constant 7 : i32
    %broadcast_in_dim3A_946 = vector.broadcast %jit3A_945 : i32 to vector<64x128xi32>
    %select_n3A_947 = arith.select %lt3A_943, %broadcast_in_dim3A_946, %select_n3A_932 : vector<64x128xi1>, vector<64x128xi32>
    %reduce_min3A_948 = arith.constant dense<0x7F800000> : vector<64xf32>
    %reduce_min3A_949 = vector.multi_reduction <minimumf>, %select_n3A_944, %reduce_min3A_948 [1] : vector<64x128xf32> to vector<64xf32>
    %broadcast_in_dim3A_950 = vector.shape_cast %reduce_min3A_949 : vector<64xf32> to vector<64x1xf32>
    %eq3A_951 = vector.broadcast %broadcast_in_dim3A_950 : vector<64x1xf32> to vector<64x128xf32>
    %eq3A_952 = arith.cmpf oeq, %select_n3A_944, %eq3A_951 : vector<64x128xf32>
    %mul3A_953 = arith.constant 128 : i32
    %mul3A_954 = vector.broadcast %mul3A_953 : i32 to vector<64x128xi32>
    %mul3A_955 = arith.muli %select_n3A_947, %mul3A_954 : vector<64x128xi32>
    %add3A_956 = arith.addi %mul3A_955, %iota3A : vector<64x128xi32>
    %jit3A_957 = arith.constant 1024 : i32
    %broadcast_in_dim3A_958 = vector.broadcast %jit3A_957 : i32 to vector<64x128xi32>
    %select_n3A_959 = arith.select %eq3A_952, %add3A_956, %broadcast_in_dim3A_958 : vector<64x128xi1>, vector<64x128xi32>
    %reduce_min3A_960 = arith.constant dense<2147483647> : vector<64xi32>
    %reduce_min3A_961 = vector.multi_reduction <minsi>, %select_n3A_959, %reduce_min3A_960 [1] : vector<64x128xi32> to vector<64xi32>
    %swap3A_962 = arith.constant 0 : index
    %swap3A_963 = arith.constant 0 : index
    %swap3A_964 = arith.constant 384 : index
    %swap3A_965 = vector.load %arg3[%swap3A_962, %swap3A_963, %swap3A_964] : memref<1x1x1152xi32, #tpu.memory_space<vmem>>, vector<1x1x64xi32>
    %swap3A_966 = vector.shape_cast %swap3A_965 : vector<1x1x64xi32> to vector<64xi32>
    %swap3A_967 = vector.shape_cast %reduce_min3A_961 : vector<64xi32> to vector<1x1x64xi32>
    tpu.vector_store %arg3[%swap3A_962, %swap3A_963, %swap3A_964], %swap3A_967 {strides = array<i32>} : memref<1x1x1152xi32, #tpu.memory_space<vmem>>, vector<1x1x64xi32>,
    %slice3A_968 = vector.extract_strided_slice %broadcast_in_dim3A {offsets = [448, 0], sizes = [64, 1], strides = [1, 1]} : vector<1152x1xf32> to vector<64x1xf32>
    %slice3A_969 = vector.extract_strided_slice %dot_general3A_6 {offsets = [448, 0], sizes = [64, 128], strides = [1, 1]} : vector<1152x1024xf32> to vector<64x128xf32>
    %mul3A_970 = arith.constant 2.000000e+00 : f32
    %mul3A_971 = vector.broadcast %mul3A_970 : f32 to vector<64x128xf32>
    %mul3A_972 = arith.mulf %mul3A_971, %slice3A_969 : vector<64x128xf32>
    %sub3A_973 = vector.broadcast %slice3A_968 : vector<64x1xf32> to vector<64x128xf32>
    %sub3A_974 = arith.subf %sub3A_973, %mul3A_972 : vector<64x128xf32>
    %slice3A_975 = vector.extract_strided_slice %reduce_sum3A_10 {offsets = [0], sizes = [128], strides = [1]} : vector<1024xf32> to vector<128xf32>
    %broadcast_in_dim3A_976 = vector.shape_cast %slice3A_975 : vector<128xf32> to vector<1x128xf32>
    %add3A_977 = vector.broadcast %broadcast_in_dim3A_976 : vector<1x128xf32> to vector<64x128xf32>
    %add3A_978 = arith.addf %sub3A_974, %add3A_977 : vector<64x128xf32>
    %broadcast_in_dim3A_979 = arith.constant 0 : i32
    %broadcast_in_dim3A_980 = vector.broadcast %broadcast_in_dim3A_979 : i32 to vector<64x128xi32>
    %slice3A_981 = vector.extract_strided_slice %dot_general3A_6 {offsets = [448, 128], sizes = [64, 128], strides = [1, 1]} : vector<1152x1024xf32> to vector<64x128xf32>
    %mul3A_982 = arith.constant 2.000000e+00 : f32
    %mul3A_983 = vector.broadcast %mul3A_982 : f32 to vector<64x128xf32>
    %mul3A_984 = arith.mulf %mul3A_983, %slice3A_981 : vector<64x128xf32>
    %sub3A_985 = vector.broadcast %slice3A_968 : vector<64x1xf32> to vector<64x128xf32>
    %sub3A_986 = arith.subf %sub3A_985, %mul3A_984 : vector<64x128xf32>
    %slice3A_987 = vector.extract_strided_slice %reduce_sum3A_10 {offsets = [128], sizes = [128], strides = [1]} : vector<1024xf32> to vector<128xf32>
    %broadcast_in_dim3A_988 = vector.shape_cast %slice3A_987 : vector<128xf32> to vector<1x128xf32>
    %add3A_989 = vector.broadcast %broadcast_in_dim3A_988 : vector<1x128xf32> to vector<64x128xf32>
    %add3A_990 = arith.addf %sub3A_986, %add3A_989 : vector<64x128xf32>
    %lt3A_991 = arith.cmpf olt, %add3A_990, %add3A_978 : vector<64x128xf32>
    %select_n3A_992 = arith.select %lt3A_991, %add3A_990, %add3A_978 : vector<64x128xi1>, vector<64x128xf32>
    %jit3A_993 = arith.constant 1 : i32
    %broadcast_in_dim3A_994 = vector.broadcast %jit3A_993 : i32 to vector<64x128xi32>
    %select_n3A_995 = arith.select %lt3A_991, %broadcast_in_dim3A_994, %broadcast_in_dim3A_980 : vector<64x128xi1>, vector<64x128xi32>
    %slice3A_996 = vector.extract_strided_slice %dot_general3A_6 {offsets = [448, 256], sizes = [64, 128], strides = [1, 1]} : vector<1152x1024xf32> to vector<64x128xf32>
    %mul3A_997 = arith.constant 2.000000e+00 : f32
    %mul3A_998 = vector.broadcast %mul3A_997 : f32 to vector<64x128xf32>
    %mul3A_999 = arith.mulf %mul3A_998, %slice3A_996 : vector<64x128xf32>
    %sub3A_1000 = vector.broadcast %slice3A_968 : vector<64x1xf32> to vector<64x128xf32>
    %sub3A_1001 = arith.subf %sub3A_1000, %mul3A_999 : vector<64x128xf32>
    %slice3A_1002 = vector.extract_strided_slice %reduce_sum3A_10 {offsets = [256], sizes = [128], strides = [1]} : vector<1024xf32> to vector<128xf32>
    %broadcast_in_dim3A_1003 = vector.shape_cast %slice3A_1002 : vector<128xf32> to vector<1x128xf32>
    %add3A_1004 = vector.broadcast %broadcast_in_dim3A_1003 : vector<1x128xf32> to vector<64x128xf32>
    %add3A_1005 = arith.addf %sub3A_1001, %add3A_1004 : vector<64x128xf32>
    %lt3A_1006 = arith.cmpf olt, %add3A_1005, %select_n3A_992 : vector<64x128xf32>
    %select_n3A_1007 = arith.select %lt3A_1006, %add3A_1005, %select_n3A_992 : vector<64x128xi1>, vector<64x128xf32>
    %jit3A_1008 = arith.constant 2 : i32
    %broadcast_in_dim3A_1009 = vector.broadcast %jit3A_1008 : i32 to vector<64x128xi32>
    %select_n3A_1010 = arith.select %lt3A_1006, %broadcast_in_dim3A_1009, %select_n3A_995 : vector<64x128xi1>, vector<64x128xi32>
    %slice3A_1011 = vector.extract_strided_slice %dot_general3A_6 {offsets = [448, 384], sizes = [64, 128], strides = [1, 1]} : vector<1152x1024xf32> to vector<64x128xf32>
    %mul3A_1012 = arith.constant 2.000000e+00 : f32
    %mul3A_1013 = vector.broadcast %mul3A_1012 : f32 to vector<64x128xf32>
    %mul3A_1014 = arith.mulf %mul3A_1013, %slice3A_1011 : vector<64x128xf32>
    %sub3A_1015 = vector.broadcast %slice3A_968 : vector<64x1xf32> to vector<64x128xf32>
    %sub3A_1016 = arith.subf %sub3A_1015, %mul3A_1014 : vector<64x128xf32>
    %slice3A_1017 = vector.extract_strided_slice %reduce_sum3A_10 {offsets = [384], sizes = [128], strides = [1]} : vector<1024xf32> to vector<128xf32>
    %broadcast_in_dim3A_1018 = vector.shape_cast %slice3A_1017 : vector<128xf32> to vector<1x128xf32>
    %add3A_1019 = vector.broadcast %broadcast_in_dim3A_1018 : vector<1x128xf32> to vector<64x128xf32>
    %add3A_1020 = arith.addf %sub3A_1016, %add3A_1019 : vector<64x128xf32>
    %lt3A_1021 = arith.cmpf olt, %add3A_1020, %select_n3A_1007 : vector<64x128xf32>
    %select_n3A_1022 = arith.select %lt3A_1021, %add3A_1020, %select_n3A_1007 : vector<64x128xi1>, vector<64x128xf32>
    %jit3A_1023 = arith.constant 3 : i32
    %broadcast_in_dim3A_1024 = vector.broadcast %jit3A_1023 : i32 to vector<64x128xi32>
    %select_n3A_1025 = arith.select %lt3A_1021, %broadcast_in_dim3A_1024, %select_n3A_1010 : vector<64x128xi1>, vector<64x128xi32>
    %slice3A_1026 = vector.extract_strided_slice %dot_general3A_6 {offsets = [448, 512], sizes = [64, 128], strides = [1, 1]} : vector<1152x1024xf32> to vector<64x128xf32>
    %mul3A_1027 = arith.constant 2.000000e+00 : f32
    %mul3A_1028 = vector.broadcast %mul3A_1027 : f32 to vector<64x128xf32>
    %mul3A_1029 = arith.mulf %mul3A_1028, %slice3A_1026 : vector<64x128xf32>
    %sub3A_1030 = vector.broadcast %slice3A_968 : vector<64x1xf32> to vector<64x128xf32>
    %sub3A_1031 = arith.subf %sub3A_1030, %mul3A_1029 : vector<64x128xf32>
    %slice3A_1032 = vector.extract_strided_slice %reduce_sum3A_10 {offsets = [512], sizes = [128], strides = [1]} : vector<1024xf32> to vector<128xf32>
    %broadcast_in_dim3A_1033 = vector.shape_cast %slice3A_1032 : vector<128xf32> to vector<1x128xf32>
    %add3A_1034 = vector.broadcast %broadcast_in_dim3A_1033 : vector<1x128xf32> to vector<64x128xf32>
    %add3A_1035 = arith.addf %sub3A_1031, %add3A_1034 : vector<64x128xf32>
    %lt3A_1036 = arith.cmpf olt, %add3A_1035, %select_n3A_1022 : vector<64x128xf32>
    %select_n3A_1037 = arith.select %lt3A_1036, %add3A_1035, %select_n3A_1022 : vector<64x128xi1>, vector<64x128xf32>
    %jit3A_1038 = arith.constant 4 : i32
    %broadcast_in_dim3A_1039 = vector.broadcast %jit3A_1038 : i32 to vector<64x128xi32>
    %select_n3A_1040 = arith.select %lt3A_1036, %broadcast_in_dim3A_1039, %select_n3A_1025 : vector<64x128xi1>, vector<64x128xi32>
    %slice3A_1041 = vector.extract_strided_slice %dot_general3A_6 {offsets = [448, 640], sizes = [64, 128], strides = [1, 1]} : vector<1152x1024xf32> to vector<64x128xf32>
    %mul3A_1042 = arith.constant 2.000000e+00 : f32
    %mul3A_1043 = vector.broadcast %mul3A_1042 : f32 to vector<64x128xf32>
    %mul3A_1044 = arith.mulf %mul3A_1043, %slice3A_1041 : vector<64x128xf32>
    %sub3A_1045 = vector.broadcast %slice3A_968 : vector<64x1xf32> to vector<64x128xf32>
    %sub3A_1046 = arith.subf %sub3A_1045, %mul3A_1044 : vector<64x128xf32>
    %slice3A_1047 = vector.extract_strided_slice %reduce_sum3A_10 {offsets = [640], sizes = [128], strides = [1]} : vector<1024xf32> to vector<128xf32>
    %broadcast_in_dim3A_1048 = vector.shape_cast %slice3A_1047 : vector<128xf32> to vector<1x128xf32>
    %add3A_1049 = vector.broadcast %broadcast_in_dim3A_1048 : vector<1x128xf32> to vector<64x128xf32>
    %add3A_1050 = arith.addf %sub3A_1046, %add3A_1049 : vector<64x128xf32>
    %lt3A_1051 = arith.cmpf olt, %add3A_1050, %select_n3A_1037 : vector<64x128xf32>
    %select_n3A_1052 = arith.select %lt3A_1051, %add3A_1050, %select_n3A_1037 : vector<64x128xi1>, vector<64x128xf32>
    %jit3A_1053 = arith.constant 5 : i32
    %broadcast_in_dim3A_1054 = vector.broadcast %jit3A_1053 : i32 to vector<64x128xi32>
    %select_n3A_1055 = arith.select %lt3A_1051, %broadcast_in_dim3A_1054, %select_n3A_1040 : vector<64x128xi1>, vector<64x128xi32>
    %slice3A_1056 = vector.extract_strided_slice %dot_general3A_6 {offsets = [448, 768], sizes = [64, 128], strides = [1, 1]} : vector<1152x1024xf32> to vector<64x128xf32>
    %mul3A_1057 = arith.constant 2.000000e+00 : f32
    %mul3A_1058 = vector.broadcast %mul3A_1057 : f32 to vector<64x128xf32>
    %mul3A_1059 = arith.mulf %mul3A_1058, %slice3A_1056 : vector<64x128xf32>
    %sub3A_1060 = vector.broadcast %slice3A_968 : vector<64x1xf32> to vector<64x128xf32>
    %sub3A_1061 = arith.subf %sub3A_1060, %mul3A_1059 : vector<64x128xf32>
    %slice3A_1062 = vector.extract_strided_slice %reduce_sum3A_10 {offsets = [768], sizes = [128], strides = [1]} : vector<1024xf32> to vector<128xf32>
    %broadcast_in_dim3A_1063 = vector.shape_cast %slice3A_1062 : vector<128xf32> to vector<1x128xf32>
    %add3A_1064 = vector.broadcast %broadcast_in_dim3A_1063 : vector<1x128xf32> to vector<64x128xf32>
    %add3A_1065 = arith.addf %sub3A_1061, %add3A_1064 : vector<64x128xf32>
    %lt3A_1066 = arith.cmpf olt, %add3A_1065, %select_n3A_1052 : vector<64x128xf32>
    %select_n3A_1067 = arith.select %lt3A_1066, %add3A_1065, %select_n3A_1052 : vector<64x128xi1>, vector<64x128xf32>
    %jit3A_1068 = arith.constant 6 : i32
    %broadcast_in_dim3A_1069 = vector.broadcast %jit3A_1068 : i32 to vector<64x128xi32>
    %select_n3A_1070 = arith.select %lt3A_1066, %broadcast_in_dim3A_1069, %select_n3A_1055 : vector<64x128xi1>, vector<64x128xi32>
    %slice3A_1071 = vector.extract_strided_slice %dot_general3A_6 {offsets = [448, 896], sizes = [64, 128], strides = [1, 1]} : vector<1152x1024xf32> to vector<64x128xf32>
    %mul3A_1072 = arith.constant 2.000000e+00 : f32
    %mul3A_1073 = vector.broadcast %mul3A_1072 : f32 to vector<64x128xf32>
    %mul3A_1074 = arith.mulf %mul3A_1073, %slice3A_1071 : vector<64x128xf32>
    %sub3A_1075 = vector.broadcast %slice3A_968 : vector<64x1xf32> to vector<64x128xf32>
    %sub3A_1076 = arith.subf %sub3A_1075, %mul3A_1074 : vector<64x128xf32>
    %slice3A_1077 = vector.extract_strided_slice %reduce_sum3A_10 {offsets = [896], sizes = [128], strides = [1]} : vector<1024xf32> to vector<128xf32>
    %broadcast_in_dim3A_1078 = vector.shape_cast %slice3A_1077 : vector<128xf32> to vector<1x128xf32>
    %add3A_1079 = vector.broadcast %broadcast_in_dim3A_1078 : vector<1x128xf32> to vector<64x128xf32>
    %add3A_1080 = arith.addf %sub3A_1076, %add3A_1079 : vector<64x128xf32>
    %lt3A_1081 = arith.cmpf olt, %add3A_1080, %select_n3A_1067 : vector<64x128xf32>
    %select_n3A_1082 = arith.select %lt3A_1081, %add3A_1080, %select_n3A_1067 : vector<64x128xi1>, vector<64x128xf32>
    %jit3A_1083 = arith.constant 7 : i32
    %broadcast_in_dim3A_1084 = vector.broadcast %jit3A_1083 : i32 to vector<64x128xi32>
    %select_n3A_1085 = arith.select %lt3A_1081, %broadcast_in_dim3A_1084, %select_n3A_1070 : vector<64x128xi1>, vector<64x128xi32>
    %reduce_min3A_1086 = arith.constant dense<0x7F800000> : vector<64xf32>
    %reduce_min3A_1087 = vector.multi_reduction <minimumf>, %select_n3A_1082, %reduce_min3A_1086 [1] : vector<64x128xf32> to vector<64xf32>
    %broadcast_in_dim3A_1088 = vector.shape_cast %reduce_min3A_1087 : vector<64xf32> to vector<64x1xf32>
    %eq3A_1089 = vector.broadcast %broadcast_in_dim3A_1088 : vector<64x1xf32> to vector<64x128xf32>
    %eq3A_1090 = arith.cmpf oeq, %select_n3A_1082, %eq3A_1089 : vector<64x128xf32>
    %mul3A_1091 = arith.constant 128 : i32
    %mul3A_1092 = vector.broadcast %mul3A_1091 : i32 to vector<64x128xi32>
    %mul3A_1093 = arith.muli %select_n3A_1085, %mul3A_1092 : vector<64x128xi32>
    %add3A_1094 = arith.addi %mul3A_1093, %iota3A : vector<64x128xi32>
    %jit3A_1095 = arith.constant 1024 : i32
    %broadcast_in_dim3A_1096 = vector.broadcast %jit3A_1095 : i32 to vector<64x128xi32>
    %select_n3A_1097 = arith.select %eq3A_1090, %add3A_1094, %broadcast_in_dim3A_1096 : vector<64x128xi1>, vector<64x128xi32>
    %reduce_min3A_1098 = arith.constant dense<2147483647> : vector<64xi32>
    %reduce_min3A_1099 = vector.multi_reduction <minsi>, %select_n3A_1097, %reduce_min3A_1098 [1] : vector<64x128xi32> to vector<64xi32>
    %swap3A_1100 = arith.constant 0 : index
    %swap3A_1101 = arith.constant 0 : index
    %swap3A_1102 = arith.constant 448 : index
    %swap3A_1103 = vector.load %arg3[%swap3A_1100, %swap3A_1101, %swap3A_1102] : memref<1x1x1152xi32, #tpu.memory_space<vmem>>, vector<1x1x64xi32>
    %swap3A_1104 = vector.shape_cast %swap3A_1103 : vector<1x1x64xi32> to vector<64xi32>
    %swap3A_1105 = vector.shape_cast %reduce_min3A_1099 : vector<64xi32> to vector<1x1x64xi32>
    tpu.vector_store %arg3[%swap3A_1100, %swap3A_1101, %swap3A_1102], %swap3A_1105 {strides = array<i32>} : memref<1x1x1152xi32, #tpu.memory_space<vmem>>, vector<1x1x64xi32>,
    %slice3A_1106 = vector.extract_strided_slice %broadcast_in_dim3A {offsets = [512, 0], sizes = [64, 1], strides = [1, 1]} : vector<1152x1xf32> to vector<64x1xf32>
    %slice3A_1107 = vector.extract_strided_slice %dot_general3A_6 {offsets = [512, 0], sizes = [64, 128], strides = [1, 1]} : vector<1152x1024xf32> to vector<64x128xf32>
    %mul3A_1108 = arith.constant 2.000000e+00 : f32
    %mul3A_1109 = vector.broadcast %mul3A_1108 : f32 to vector<64x128xf32>
    %mul3A_1110 = arith.mulf %mul3A_1109, %slice3A_1107 : vector<64x128xf32>
    %sub3A_1111 = vector.broadcast %slice3A_1106 : vector<64x1xf32> to vector<64x128xf32>
    %sub3A_1112 = arith.subf %sub3A_1111, %mul3A_1110 : vector<64x128xf32>
    %slice3A_1113 = vector.extract_strided_slice %reduce_sum3A_10 {offsets = [0], sizes = [128], strides = [1]} : vector<1024xf32> to vector<128xf32>
    %broadcast_in_dim3A_1114 = vector.shape_cast %slice3A_1113 : vector<128xf32> to vector<1x128xf32>
    %add3A_1115 = vector.broadcast %broadcast_in_dim3A_1114 : vector<1x128xf32> to vector<64x128xf32>
    %add3A_1116 = arith.addf %sub3A_1112, %add3A_1115 : vector<64x128xf32>
    %broadcast_in_dim3A_1117 = arith.constant 0 : i32
    %broadcast_in_dim3A_1118 = vector.broadcast %broadcast_in_dim3A_1117 : i32 to vector<64x128xi32>
    %slice3A_1119 = vector.extract_strided_slice %dot_general3A_6 {offsets = [512, 128], sizes = [64, 128], strides = [1, 1]} : vector<1152x1024xf32> to vector<64x128xf32>
    %mul3A_1120 = arith.constant 2.000000e+00 : f32
    %mul3A_1121 = vector.broadcast %mul3A_1120 : f32 to vector<64x128xf32>
    %mul3A_1122 = arith.mulf %mul3A_1121, %slice3A_1119 : vector<64x128xf32>
    %sub3A_1123 = vector.broadcast %slice3A_1106 : vector<64x1xf32> to vector<64x128xf32>
    %sub3A_1124 = arith.subf %sub3A_1123, %mul3A_1122 : vector<64x128xf32>
    %slice3A_1125 = vector.extract_strided_slice %reduce_sum3A_10 {offsets = [128], sizes = [128], strides = [1]} : vector<1024xf32> to vector<128xf32>
    %broadcast_in_dim3A_1126 = vector.shape_cast %slice3A_1125 : vector<128xf32> to vector<1x128xf32>
    %add3A_1127 = vector.broadcast %broadcast_in_dim3A_1126 : vector<1x128xf32> to vector<64x128xf32>
    %add3A_1128 = arith.addf %sub3A_1124, %add3A_1127 : vector<64x128xf32>
    %lt3A_1129 = arith.cmpf olt, %add3A_1128, %add3A_1116 : vector<64x128xf32>
    %select_n3A_1130 = arith.select %lt3A_1129, %add3A_1128, %add3A_1116 : vector<64x128xi1>, vector<64x128xf32>
    %jit3A_1131 = arith.constant 1 : i32
    %broadcast_in_dim3A_1132 = vector.broadcast %jit3A_1131 : i32 to vector<64x128xi32>
    %select_n3A_1133 = arith.select %lt3A_1129, %broadcast_in_dim3A_1132, %broadcast_in_dim3A_1118 : vector<64x128xi1>, vector<64x128xi32>
    %slice3A_1134 = vector.extract_strided_slice %dot_general3A_6 {offsets = [512, 256], sizes = [64, 128], strides = [1, 1]} : vector<1152x1024xf32> to vector<64x128xf32>
    %mul3A_1135 = arith.constant 2.000000e+00 : f32
    %mul3A_1136 = vector.broadcast %mul3A_1135 : f32 to vector<64x128xf32>
    %mul3A_1137 = arith.mulf %mul3A_1136, %slice3A_1134 : vector<64x128xf32>
    %sub3A_1138 = vector.broadcast %slice3A_1106 : vector<64x1xf32> to vector<64x128xf32>
    %sub3A_1139 = arith.subf %sub3A_1138, %mul3A_1137 : vector<64x128xf32>
    %slice3A_1140 = vector.extract_strided_slice %reduce_sum3A_10 {offsets = [256], sizes = [128], strides = [1]} : vector<1024xf32> to vector<128xf32>
    %broadcast_in_dim3A_1141 = vector.shape_cast %slice3A_1140 : vector<128xf32> to vector<1x128xf32>
    %add3A_1142 = vector.broadcast %broadcast_in_dim3A_1141 : vector<1x128xf32> to vector<64x128xf32>
    %add3A_1143 = arith.addf %sub3A_1139, %add3A_1142 : vector<64x128xf32>
    %lt3A_1144 = arith.cmpf olt, %add3A_1143, %select_n3A_1130 : vector<64x128xf32>
    %select_n3A_1145 = arith.select %lt3A_1144, %add3A_1143, %select_n3A_1130 : vector<64x128xi1>, vector<64x128xf32>
    %jit3A_1146 = arith.constant 2 : i32
    %broadcast_in_dim3A_1147 = vector.broadcast %jit3A_1146 : i32 to vector<64x128xi32>
    %select_n3A_1148 = arith.select %lt3A_1144, %broadcast_in_dim3A_1147, %select_n3A_1133 : vector<64x128xi1>, vector<64x128xi32>
    %slice3A_1149 = vector.extract_strided_slice %dot_general3A_6 {offsets = [512, 384], sizes = [64, 128], strides = [1, 1]} : vector<1152x1024xf32> to vector<64x128xf32>
    %mul3A_1150 = arith.constant 2.000000e+00 : f32
    %mul3A_1151 = vector.broadcast %mul3A_1150 : f32 to vector<64x128xf32>
    %mul3A_1152 = arith.mulf %mul3A_1151, %slice3A_1149 : vector<64x128xf32>
    %sub3A_1153 = vector.broadcast %slice3A_1106 : vector<64x1xf32> to vector<64x128xf32>
    %sub3A_1154 = arith.subf %sub3A_1153, %mul3A_1152 : vector<64x128xf32>
    %slice3A_1155 = vector.extract_strided_slice %reduce_sum3A_10 {offsets = [384], sizes = [128], strides = [1]} : vector<1024xf32> to vector<128xf32>
    %broadcast_in_dim3A_1156 = vector.shape_cast %slice3A_1155 : vector<128xf32> to vector<1x128xf32>
    %add3A_1157 = vector.broadcast %broadcast_in_dim3A_1156 : vector<1x128xf32> to vector<64x128xf32>
    %add3A_1158 = arith.addf %sub3A_1154, %add3A_1157 : vector<64x128xf32>
    %lt3A_1159 = arith.cmpf olt, %add3A_1158, %select_n3A_1145 : vector<64x128xf32>
    %select_n3A_1160 = arith.select %lt3A_1159, %add3A_1158, %select_n3A_1145 : vector<64x128xi1>, vector<64x128xf32>
    %jit3A_1161 = arith.constant 3 : i32
    %broadcast_in_dim3A_1162 = vector.broadcast %jit3A_1161 : i32 to vector<64x128xi32>
    %select_n3A_1163 = arith.select %lt3A_1159, %broadcast_in_dim3A_1162, %select_n3A_1148 : vector<64x128xi1>, vector<64x128xi32>
    %slice3A_1164 = vector.extract_strided_slice %dot_general3A_6 {offsets = [512, 512], sizes = [64, 128], strides = [1, 1]} : vector<1152x1024xf32> to vector<64x128xf32>
    %mul3A_1165 = arith.constant 2.000000e+00 : f32
    %mul3A_1166 = vector.broadcast %mul3A_1165 : f32 to vector<64x128xf32>
    %mul3A_1167 = arith.mulf %mul3A_1166, %slice3A_1164 : vector<64x128xf32>
    %sub3A_1168 = vector.broadcast %slice3A_1106 : vector<64x1xf32> to vector<64x128xf32>
    %sub3A_1169 = arith.subf %sub3A_1168, %mul3A_1167 : vector<64x128xf32>
    %slice3A_1170 = vector.extract_strided_slice %reduce_sum3A_10 {offsets = [512], sizes = [128], strides = [1]} : vector<1024xf32> to vector<128xf32>
    %broadcast_in_dim3A_1171 = vector.shape_cast %slice3A_1170 : vector<128xf32> to vector<1x128xf32>
    %add3A_1172 = vector.broadcast %broadcast_in_dim3A_1171 : vector<1x128xf32> to vector<64x128xf32>
    %add3A_1173 = arith.addf %sub3A_1169, %add3A_1172 : vector<64x128xf32>
    %lt3A_1174 = arith.cmpf olt, %add3A_1173, %select_n3A_1160 : vector<64x128xf32>
    %select_n3A_1175 = arith.select %lt3A_1174, %add3A_1173, %select_n3A_1160 : vector<64x128xi1>, vector<64x128xf32>
    %jit3A_1176 = arith.constant 4 : i32
    %broadcast_in_dim3A_1177 = vector.broadcast %jit3A_1176 : i32 to vector<64x128xi32>
    %select_n3A_1178 = arith.select %lt3A_1174, %broadcast_in_dim3A_1177, %select_n3A_1163 : vector<64x128xi1>, vector<64x128xi32>
    %slice3A_1179 = vector.extract_strided_slice %dot_general3A_6 {offsets = [512, 640], sizes = [64, 128], strides = [1, 1]} : vector<1152x1024xf32> to vector<64x128xf32>
    %mul3A_1180 = arith.constant 2.000000e+00 : f32
    %mul3A_1181 = vector.broadcast %mul3A_1180 : f32 to vector<64x128xf32>
    %mul3A_1182 = arith.mulf %mul3A_1181, %slice3A_1179 : vector<64x128xf32>
    %sub3A_1183 = vector.broadcast %slice3A_1106 : vector<64x1xf32> to vector<64x128xf32>
    %sub3A_1184 = arith.subf %sub3A_1183, %mul3A_1182 : vector<64x128xf32>
    %slice3A_1185 = vector.extract_strided_slice %reduce_sum3A_10 {offsets = [640], sizes = [128], strides = [1]} : vector<1024xf32> to vector<128xf32>
    %broadcast_in_dim3A_1186 = vector.shape_cast %slice3A_1185 : vector<128xf32> to vector<1x128xf32>
    %add3A_1187 = vector.broadcast %broadcast_in_dim3A_1186 : vector<1x128xf32> to vector<64x128xf32>
    %add3A_1188 = arith.addf %sub3A_1184, %add3A_1187 : vector<64x128xf32>
    %lt3A_1189 = arith.cmpf olt, %add3A_1188, %select_n3A_1175 : vector<64x128xf32>
    %select_n3A_1190 = arith.select %lt3A_1189, %add3A_1188, %select_n3A_1175 : vector<64x128xi1>, vector<64x128xf32>
    %jit3A_1191 = arith.constant 5 : i32
    %broadcast_in_dim3A_1192 = vector.broadcast %jit3A_1191 : i32 to vector<64x128xi32>
    %select_n3A_1193 = arith.select %lt3A_1189, %broadcast_in_dim3A_1192, %select_n3A_1178 : vector<64x128xi1>, vector<64x128xi32>
    %slice3A_1194 = vector.extract_strided_slice %dot_general3A_6 {offsets = [512, 768], sizes = [64, 128], strides = [1, 1]} : vector<1152x1024xf32> to vector<64x128xf32>
    %mul3A_1195 = arith.constant 2.000000e+00 : f32
    %mul3A_1196 = vector.broadcast %mul3A_1195 : f32 to vector<64x128xf32>
    %mul3A_1197 = arith.mulf %mul3A_1196, %slice3A_1194 : vector<64x128xf32>
    %sub3A_1198 = vector.broadcast %slice3A_1106 : vector<64x1xf32> to vector<64x128xf32>
    %sub3A_1199 = arith.subf %sub3A_1198, %mul3A_1197 : vector<64x128xf32>
    %slice3A_1200 = vector.extract_strided_slice %reduce_sum3A_10 {offsets = [768], sizes = [128], strides = [1]} : vector<1024xf32> to vector<128xf32>
    %broadcast_in_dim3A_1201 = vector.shape_cast %slice3A_1200 : vector<128xf32> to vector<1x128xf32>
    %add3A_1202 = vector.broadcast %broadcast_in_dim3A_1201 : vector<1x128xf32> to vector<64x128xf32>
    %add3A_1203 = arith.addf %sub3A_1199, %add3A_1202 : vector<64x128xf32>
    %lt3A_1204 = arith.cmpf olt, %add3A_1203, %select_n3A_1190 : vector<64x128xf32>
    %select_n3A_1205 = arith.select %lt3A_1204, %add3A_1203, %select_n3A_1190 : vector<64x128xi1>, vector<64x128xf32>
    %jit3A_1206 = arith.constant 6 : i32
    %broadcast_in_dim3A_1207 = vector.broadcast %jit3A_1206 : i32 to vector<64x128xi32>
    %select_n3A_1208 = arith.select %lt3A_1204, %broadcast_in_dim3A_1207, %select_n3A_1193 : vector<64x128xi1>, vector<64x128xi32>
    %slice3A_1209 = vector.extract_strided_slice %dot_general3A_6 {offsets = [512, 896], sizes = [64, 128], strides = [1, 1]} : vector<1152x1024xf32> to vector<64x128xf32>
    %mul3A_1210 = arith.constant 2.000000e+00 : f32
    %mul3A_1211 = vector.broadcast %mul3A_1210 : f32 to vector<64x128xf32>
    %mul3A_1212 = arith.mulf %mul3A_1211, %slice3A_1209 : vector<64x128xf32>
    %sub3A_1213 = vector.broadcast %slice3A_1106 : vector<64x1xf32> to vector<64x128xf32>
    %sub3A_1214 = arith.subf %sub3A_1213, %mul3A_1212 : vector<64x128xf32>
    %slice3A_1215 = vector.extract_strided_slice %reduce_sum3A_10 {offsets = [896], sizes = [128], strides = [1]} : vector<1024xf32> to vector<128xf32>
    %broadcast_in_dim3A_1216 = vector.shape_cast %slice3A_1215 : vector<128xf32> to vector<1x128xf32>
    %add3A_1217 = vector.broadcast %broadcast_in_dim3A_1216 : vector<1x128xf32> to vector<64x128xf32>
    %add3A_1218 = arith.addf %sub3A_1214, %add3A_1217 : vector<64x128xf32>
    %lt3A_1219 = arith.cmpf olt, %add3A_1218, %select_n3A_1205 : vector<64x128xf32>
    %select_n3A_1220 = arith.select %lt3A_1219, %add3A_1218, %select_n3A_1205 : vector<64x128xi1>, vector<64x128xf32>
    %jit3A_1221 = arith.constant 7 : i32
    %broadcast_in_dim3A_1222 = vector.broadcast %jit3A_1221 : i32 to vector<64x128xi32>
    %select_n3A_1223 = arith.select %lt3A_1219, %broadcast_in_dim3A_1222, %select_n3A_1208 : vector<64x128xi1>, vector<64x128xi32>
    %reduce_min3A_1224 = arith.constant dense<0x7F800000> : vector<64xf32>
    %reduce_min3A_1225 = vector.multi_reduction <minimumf>, %select_n3A_1220, %reduce_min3A_1224 [1] : vector<64x128xf32> to vector<64xf32>
    %broadcast_in_dim3A_1226 = vector.shape_cast %reduce_min3A_1225 : vector<64xf32> to vector<64x1xf32>
    %eq3A_1227 = vector.broadcast %broadcast_in_dim3A_1226 : vector<64x1xf32> to vector<64x128xf32>
    %eq3A_1228 = arith.cmpf oeq, %select_n3A_1220, %eq3A_1227 : vector<64x128xf32>
    %mul3A_1229 = arith.constant 128 : i32
    %mul3A_1230 = vector.broadcast %mul3A_1229 : i32 to vector<64x128xi32>
    %mul3A_1231 = arith.muli %select_n3A_1223, %mul3A_1230 : vector<64x128xi32>
    %add3A_1232 = arith.addi %mul3A_1231, %iota3A : vector<64x128xi32>
    %jit3A_1233 = arith.constant 1024 : i32
    %broadcast_in_dim3A_1234 = vector.broadcast %jit3A_1233 : i32 to vector<64x128xi32>
    %select_n3A_1235 = arith.select %eq3A_1228, %add3A_1232, %broadcast_in_dim3A_1234 : vector<64x128xi1>, vector<64x128xi32>
    %reduce_min3A_1236 = arith.constant dense<2147483647> : vector<64xi32>
    %reduce_min3A_1237 = vector.multi_reduction <minsi>, %select_n3A_1235, %reduce_min3A_1236 [1] : vector<64x128xi32> to vector<64xi32>
    %swap3A_1238 = arith.constant 0 : index
    %swap3A_1239 = arith.constant 0 : index
    %swap3A_1240 = arith.constant 512 : index
    %swap3A_1241 = vector.load %arg3[%swap3A_1238, %swap3A_1239, %swap3A_1240] : memref<1x1x1152xi32, #tpu.memory_space<vmem>>, vector<1x1x64xi32>
    %swap3A_1242 = vector.shape_cast %swap3A_1241 : vector<1x1x64xi32> to vector<64xi32>
    %swap3A_1243 = vector.shape_cast %reduce_min3A_1237 : vector<64xi32> to vector<1x1x64xi32>
    tpu.vector_store %arg3[%swap3A_1238, %swap3A_1239, %swap3A_1240], %swap3A_1243 {strides = array<i32>} : memref<1x1x1152xi32, #tpu.memory_space<vmem>>, vector<1x1x64xi32>,
    %slice3A_1244 = vector.extract_strided_slice %broadcast_in_dim3A {offsets = [576, 0], sizes = [64, 1], strides = [1, 1]} : vector<1152x1xf32> to vector<64x1xf32>
    %slice3A_1245 = vector.extract_strided_slice %dot_general3A_6 {offsets = [576, 0], sizes = [64, 128], strides = [1, 1]} : vector<1152x1024xf32> to vector<64x128xf32>
    %mul3A_1246 = arith.constant 2.000000e+00 : f32
    %mul3A_1247 = vector.broadcast %mul3A_1246 : f32 to vector<64x128xf32>
    %mul3A_1248 = arith.mulf %mul3A_1247, %slice3A_1245 : vector<64x128xf32>
    %sub3A_1249 = vector.broadcast %slice3A_1244 : vector<64x1xf32> to vector<64x128xf32>
    %sub3A_1250 = arith.subf %sub3A_1249, %mul3A_1248 : vector<64x128xf32>
    %slice3A_1251 = vector.extract_strided_slice %reduce_sum3A_10 {offsets = [0], sizes = [128], strides = [1]} : vector<1024xf32> to vector<128xf32>
    %broadcast_in_dim3A_1252 = vector.shape_cast %slice3A_1251 : vector<128xf32> to vector<1x128xf32>
    %add3A_1253 = vector.broadcast %broadcast_in_dim3A_1252 : vector<1x128xf32> to vector<64x128xf32>
    %add3A_1254 = arith.addf %sub3A_1250, %add3A_1253 : vector<64x128xf32>
    %broadcast_in_dim3A_1255 = arith.constant 0 : i32
    %broadcast_in_dim3A_1256 = vector.broadcast %broadcast_in_dim3A_1255 : i32 to vector<64x128xi32>
    %slice3A_1257 = vector.extract_strided_slice %dot_general3A_6 {offsets = [576, 128], sizes = [64, 128], strides = [1, 1]} : vector<1152x1024xf32> to vector<64x128xf32>
    %mul3A_1258 = arith.constant 2.000000e+00 : f32
    %mul3A_1259 = vector.broadcast %mul3A_1258 : f32 to vector<64x128xf32>
    %mul3A_1260 = arith.mulf %mul3A_1259, %slice3A_1257 : vector<64x128xf32>
    %sub3A_1261 = vector.broadcast %slice3A_1244 : vector<64x1xf32> to vector<64x128xf32>
    %sub3A_1262 = arith.subf %sub3A_1261, %mul3A_1260 : vector<64x128xf32>
    %slice3A_1263 = vector.extract_strided_slice %reduce_sum3A_10 {offsets = [128], sizes = [128], strides = [1]} : vector<1024xf32> to vector<128xf32>
    %broadcast_in_dim3A_1264 = vector.shape_cast %slice3A_1263 : vector<128xf32> to vector<1x128xf32>
    %add3A_1265 = vector.broadcast %broadcast_in_dim3A_1264 : vector<1x128xf32> to vector<64x128xf32>
    %add3A_1266 = arith.addf %sub3A_1262, %add3A_1265 : vector<64x128xf32>
    %lt3A_1267 = arith.cmpf olt, %add3A_1266, %add3A_1254 : vector<64x128xf32>
    %select_n3A_1268 = arith.select %lt3A_1267, %add3A_1266, %add3A_1254 : vector<64x128xi1>, vector<64x128xf32>
    %jit3A_1269 = arith.constant 1 : i32
    %broadcast_in_dim3A_1270 = vector.broadcast %jit3A_1269 : i32 to vector<64x128xi32>
    %select_n3A_1271 = arith.select %lt3A_1267, %broadcast_in_dim3A_1270, %broadcast_in_dim3A_1256 : vector<64x128xi1>, vector<64x128xi32>
    %slice3A_1272 = vector.extract_strided_slice %dot_general3A_6 {offsets = [576, 256], sizes = [64, 128], strides = [1, 1]} : vector<1152x1024xf32> to vector<64x128xf32>
    %mul3A_1273 = arith.constant 2.000000e+00 : f32
    %mul3A_1274 = vector.broadcast %mul3A_1273 : f32 to vector<64x128xf32>
    %mul3A_1275 = arith.mulf %mul3A_1274, %slice3A_1272 : vector<64x128xf32>
    %sub3A_1276 = vector.broadcast %slice3A_1244 : vector<64x1xf32> to vector<64x128xf32>
    %sub3A_1277 = arith.subf %sub3A_1276, %mul3A_1275 : vector<64x128xf32>
    %slice3A_1278 = vector.extract_strided_slice %reduce_sum3A_10 {offsets = [256], sizes = [128], strides = [1]} : vector<1024xf32> to vector<128xf32>
    %broadcast_in_dim3A_1279 = vector.shape_cast %slice3A_1278 : vector<128xf32> to vector<1x128xf32>
    %add3A_1280 = vector.broadcast %broadcast_in_dim3A_1279 : vector<1x128xf32> to vector<64x128xf32>
    %add3A_1281 = arith.addf %sub3A_1277, %add3A_1280 : vector<64x128xf32>
    %lt3A_1282 = arith.cmpf olt, %add3A_1281, %select_n3A_1268 : vector<64x128xf32>
    %select_n3A_1283 = arith.select %lt3A_1282, %add3A_1281, %select_n3A_1268 : vector<64x128xi1>, vector<64x128xf32>
    %jit3A_1284 = arith.constant 2 : i32
    %broadcast_in_dim3A_1285 = vector.broadcast %jit3A_1284 : i32 to vector<64x128xi32>
    %select_n3A_1286 = arith.select %lt3A_1282, %broadcast_in_dim3A_1285, %select_n3A_1271 : vector<64x128xi1>, vector<64x128xi32>
    %slice3A_1287 = vector.extract_strided_slice %dot_general3A_6 {offsets = [576, 384], sizes = [64, 128], strides = [1, 1]} : vector<1152x1024xf32> to vector<64x128xf32>
    %mul3A_1288 = arith.constant 2.000000e+00 : f32
    %mul3A_1289 = vector.broadcast %mul3A_1288 : f32 to vector<64x128xf32>
    %mul3A_1290 = arith.mulf %mul3A_1289, %slice3A_1287 : vector<64x128xf32>
    %sub3A_1291 = vector.broadcast %slice3A_1244 : vector<64x1xf32> to vector<64x128xf32>
    %sub3A_1292 = arith.subf %sub3A_1291, %mul3A_1290 : vector<64x128xf32>
    %slice3A_1293 = vector.extract_strided_slice %reduce_sum3A_10 {offsets = [384], sizes = [128], strides = [1]} : vector<1024xf32> to vector<128xf32>
    %broadcast_in_dim3A_1294 = vector.shape_cast %slice3A_1293 : vector<128xf32> to vector<1x128xf32>
    %add3A_1295 = vector.broadcast %broadcast_in_dim3A_1294 : vector<1x128xf32> to vector<64x128xf32>
    %add3A_1296 = arith.addf %sub3A_1292, %add3A_1295 : vector<64x128xf32>
    %lt3A_1297 = arith.cmpf olt, %add3A_1296, %select_n3A_1283 : vector<64x128xf32>
    %select_n3A_1298 = arith.select %lt3A_1297, %add3A_1296, %select_n3A_1283 : vector<64x128xi1>, vector<64x128xf32>
    %jit3A_1299 = arith.constant 3 : i32
    %broadcast_in_dim3A_1300 = vector.broadcast %jit3A_1299 : i32 to vector<64x128xi32>
    %select_n3A_1301 = arith.select %lt3A_1297, %broadcast_in_dim3A_1300, %select_n3A_1286 : vector<64x128xi1>, vector<64x128xi32>
    %slice3A_1302 = vector.extract_strided_slice %dot_general3A_6 {offsets = [576, 512], sizes = [64, 128], strides = [1, 1]} : vector<1152x1024xf32> to vector<64x128xf32>
    %mul3A_1303 = arith.constant 2.000000e+00 : f32
    %mul3A_1304 = vector.broadcast %mul3A_1303 : f32 to vector<64x128xf32>
    %mul3A_1305 = arith.mulf %mul3A_1304, %slice3A_1302 : vector<64x128xf32>
    %sub3A_1306 = vector.broadcast %slice3A_1244 : vector<64x1xf32> to vector<64x128xf32>
    %sub3A_1307 = arith.subf %sub3A_1306, %mul3A_1305 : vector<64x128xf32>
    %slice3A_1308 = vector.extract_strided_slice %reduce_sum3A_10 {offsets = [512], sizes = [128], strides = [1]} : vector<1024xf32> to vector<128xf32>
    %broadcast_in_dim3A_1309 = vector.shape_cast %slice3A_1308 : vector<128xf32> to vector<1x128xf32>
    %add3A_1310 = vector.broadcast %broadcast_in_dim3A_1309 : vector<1x128xf32> to vector<64x128xf32>
    %add3A_1311 = arith.addf %sub3A_1307, %add3A_1310 : vector<64x128xf32>
    %lt3A_1312 = arith.cmpf olt, %add3A_1311, %select_n3A_1298 : vector<64x128xf32>
    %select_n3A_1313 = arith.select %lt3A_1312, %add3A_1311, %select_n3A_1298 : vector<64x128xi1>, vector<64x128xf32>
    %jit3A_1314 = arith.constant 4 : i32
    %broadcast_in_dim3A_1315 = vector.broadcast %jit3A_1314 : i32 to vector<64x128xi32>
    %select_n3A_1316 = arith.select %lt3A_1312, %broadcast_in_dim3A_1315, %select_n3A_1301 : vector<64x128xi1>, vector<64x128xi32>
    %slice3A_1317 = vector.extract_strided_slice %dot_general3A_6 {offsets = [576, 640], sizes = [64, 128], strides = [1, 1]} : vector<1152x1024xf32> to vector<64x128xf32>
    %mul3A_1318 = arith.constant 2.000000e+00 : f32
    %mul3A_1319 = vector.broadcast %mul3A_1318 : f32 to vector<64x128xf32>
    %mul3A_1320 = arith.mulf %mul3A_1319, %slice3A_1317 : vector<64x128xf32>
    %sub3A_1321 = vector.broadcast %slice3A_1244 : vector<64x1xf32> to vector<64x128xf32>
    %sub3A_1322 = arith.subf %sub3A_1321, %mul3A_1320 : vector<64x128xf32>
    %slice3A_1323 = vector.extract_strided_slice %reduce_sum3A_10 {offsets = [640], sizes = [128], strides = [1]} : vector<1024xf32> to vector<128xf32>
    %broadcast_in_dim3A_1324 = vector.shape_cast %slice3A_1323 : vector<128xf32> to vector<1x128xf32>
    %add3A_1325 = vector.broadcast %broadcast_in_dim3A_1324 : vector<1x128xf32> to vector<64x128xf32>
    %add3A_1326 = arith.addf %sub3A_1322, %add3A_1325 : vector<64x128xf32>
    %lt3A_1327 = arith.cmpf olt, %add3A_1326, %select_n3A_1313 : vector<64x128xf32>
    %select_n3A_1328 = arith.select %lt3A_1327, %add3A_1326, %select_n3A_1313 : vector<64x128xi1>, vector<64x128xf32>
    %jit3A_1329 = arith.constant 5 : i32
    %broadcast_in_dim3A_1330 = vector.broadcast %jit3A_1329 : i32 to vector<64x128xi32>
    %select_n3A_1331 = arith.select %lt3A_1327, %broadcast_in_dim3A_1330, %select_n3A_1316 : vector<64x128xi1>, vector<64x128xi32>
    %slice3A_1332 = vector.extract_strided_slice %dot_general3A_6 {offsets = [576, 768], sizes = [64, 128], strides = [1, 1]} : vector<1152x1024xf32> to vector<64x128xf32>
    %mul3A_1333 = arith.constant 2.000000e+00 : f32
    %mul3A_1334 = vector.broadcast %mul3A_1333 : f32 to vector<64x128xf32>
    %mul3A_1335 = arith.mulf %mul3A_1334, %slice3A_1332 : vector<64x128xf32>
    %sub3A_1336 = vector.broadcast %slice3A_1244 : vector<64x1xf32> to vector<64x128xf32>
    %sub3A_1337 = arith.subf %sub3A_1336, %mul3A_1335 : vector<64x128xf32>
    %slice3A_1338 = vector.extract_strided_slice %reduce_sum3A_10 {offsets = [768], sizes = [128], strides = [1]} : vector<1024xf32> to vector<128xf32>
    %broadcast_in_dim3A_1339 = vector.shape_cast %slice3A_1338 : vector<128xf32> to vector<1x128xf32>
    %add3A_1340 = vector.broadcast %broadcast_in_dim3A_1339 : vector<1x128xf32> to vector<64x128xf32>
    %add3A_1341 = arith.addf %sub3A_1337, %add3A_1340 : vector<64x128xf32>
    %lt3A_1342 = arith.cmpf olt, %add3A_1341, %select_n3A_1328 : vector<64x128xf32>
    %select_n3A_1343 = arith.select %lt3A_1342, %add3A_1341, %select_n3A_1328 : vector<64x128xi1>, vector<64x128xf32>
    %jit3A_1344 = arith.constant 6 : i32
    %broadcast_in_dim3A_1345 = vector.broadcast %jit3A_1344 : i32 to vector<64x128xi32>
    %select_n3A_1346 = arith.select %lt3A_1342, %broadcast_in_dim3A_1345, %select_n3A_1331 : vector<64x128xi1>, vector<64x128xi32>
    %slice3A_1347 = vector.extract_strided_slice %dot_general3A_6 {offsets = [576, 896], sizes = [64, 128], strides = [1, 1]} : vector<1152x1024xf32> to vector<64x128xf32>
    %mul3A_1348 = arith.constant 2.000000e+00 : f32
    %mul3A_1349 = vector.broadcast %mul3A_1348 : f32 to vector<64x128xf32>
    %mul3A_1350 = arith.mulf %mul3A_1349, %slice3A_1347 : vector<64x128xf32>
    %sub3A_1351 = vector.broadcast %slice3A_1244 : vector<64x1xf32> to vector<64x128xf32>
    %sub3A_1352 = arith.subf %sub3A_1351, %mul3A_1350 : vector<64x128xf32>
    %slice3A_1353 = vector.extract_strided_slice %reduce_sum3A_10 {offsets = [896], sizes = [128], strides = [1]} : vector<1024xf32> to vector<128xf32>
    %broadcast_in_dim3A_1354 = vector.shape_cast %slice3A_1353 : vector<128xf32> to vector<1x128xf32>
    %add3A_1355 = vector.broadcast %broadcast_in_dim3A_1354 : vector<1x128xf32> to vector<64x128xf32>
    %add3A_1356 = arith.addf %sub3A_1352, %add3A_1355 : vector<64x128xf32>
    %lt3A_1357 = arith.cmpf olt, %add3A_1356, %select_n3A_1343 : vector<64x128xf32>
    %select_n3A_1358 = arith.select %lt3A_1357, %add3A_1356, %select_n3A_1343 : vector<64x128xi1>, vector<64x128xf32>
    %jit3A_1359 = arith.constant 7 : i32
    %broadcast_in_dim3A_1360 = vector.broadcast %jit3A_1359 : i32 to vector<64x128xi32>
    %select_n3A_1361 = arith.select %lt3A_1357, %broadcast_in_dim3A_1360, %select_n3A_1346 : vector<64x128xi1>, vector<64x128xi32>
    %reduce_min3A_1362 = arith.constant dense<0x7F800000> : vector<64xf32>
    %reduce_min3A_1363 = vector.multi_reduction <minimumf>, %select_n3A_1358, %reduce_min3A_1362 [1] : vector<64x128xf32> to vector<64xf32>
    %broadcast_in_dim3A_1364 = vector.shape_cast %reduce_min3A_1363 : vector<64xf32> to vector<64x1xf32>
    %eq3A_1365 = vector.broadcast %broadcast_in_dim3A_1364 : vector<64x1xf32> to vector<64x128xf32>
    %eq3A_1366 = arith.cmpf oeq, %select_n3A_1358, %eq3A_1365 : vector<64x128xf32>
    %mul3A_1367 = arith.constant 128 : i32
    %mul3A_1368 = vector.broadcast %mul3A_1367 : i32 to vector<64x128xi32>
    %mul3A_1369 = arith.muli %select_n3A_1361, %mul3A_1368 : vector<64x128xi32>
    %add3A_1370 = arith.addi %mul3A_1369, %iota3A : vector<64x128xi32>
    %jit3A_1371 = arith.constant 1024 : i32
    %broadcast_in_dim3A_1372 = vector.broadcast %jit3A_1371 : i32 to vector<64x128xi32>
    %select_n3A_1373 = arith.select %eq3A_1366, %add3A_1370, %broadcast_in_dim3A_1372 : vector<64x128xi1>, vector<64x128xi32>
    %reduce_min3A_1374 = arith.constant dense<2147483647> : vector<64xi32>
    %reduce_min3A_1375 = vector.multi_reduction <minsi>, %select_n3A_1373, %reduce_min3A_1374 [1] : vector<64x128xi32> to vector<64xi32>
    %swap3A_1376 = arith.constant 0 : index
    %swap3A_1377 = arith.constant 0 : index
    %swap3A_1378 = arith.constant 576 : index
    %swap3A_1379 = vector.load %arg3[%swap3A_1376, %swap3A_1377, %swap3A_1378] : memref<1x1x1152xi32, #tpu.memory_space<vmem>>, vector<1x1x64xi32>
    %swap3A_1380 = vector.shape_cast %swap3A_1379 : vector<1x1x64xi32> to vector<64xi32>
    %swap3A_1381 = vector.shape_cast %reduce_min3A_1375 : vector<64xi32> to vector<1x1x64xi32>
    tpu.vector_store %arg3[%swap3A_1376, %swap3A_1377, %swap3A_1378], %swap3A_1381 {strides = array<i32>} : memref<1x1x1152xi32, #tpu.memory_space<vmem>>, vector<1x1x64xi32>,
    %slice3A_1382 = vector.extract_strided_slice %broadcast_in_dim3A {offsets = [640, 0], sizes = [64, 1], strides = [1, 1]} : vector<1152x1xf32> to vector<64x1xf32>
    %slice3A_1383 = vector.extract_strided_slice %dot_general3A_6 {offsets = [640, 0], sizes = [64, 128], strides = [1, 1]} : vector<1152x1024xf32> to vector<64x128xf32>
    %mul3A_1384 = arith.constant 2.000000e+00 : f32
    %mul3A_1385 = vector.broadcast %mul3A_1384 : f32 to vector<64x128xf32>
    %mul3A_1386 = arith.mulf %mul3A_1385, %slice3A_1383 : vector<64x128xf32>
    %sub3A_1387 = vector.broadcast %slice3A_1382 : vector<64x1xf32> to vector<64x128xf32>
    %sub3A_1388 = arith.subf %sub3A_1387, %mul3A_1386 : vector<64x128xf32>
    %slice3A_1389 = vector.extract_strided_slice %reduce_sum3A_10 {offsets = [0], sizes = [128], strides = [1]} : vector<1024xf32> to vector<128xf32>
    %broadcast_in_dim3A_1390 = vector.shape_cast %slice3A_1389 : vector<128xf32> to vector<1x128xf32>
    %add3A_1391 = vector.broadcast %broadcast_in_dim3A_1390 : vector<1x128xf32> to vector<64x128xf32>
    %add3A_1392 = arith.addf %sub3A_1388, %add3A_1391 : vector<64x128xf32>
    %broadcast_in_dim3A_1393 = arith.constant 0 : i32
    %broadcast_in_dim3A_1394 = vector.broadcast %broadcast_in_dim3A_1393 : i32 to vector<64x128xi32>
    %slice3A_1395 = vector.extract_strided_slice %dot_general3A_6 {offsets = [640, 128], sizes = [64, 128], strides = [1, 1]} : vector<1152x1024xf32> to vector<64x128xf32>
    %mul3A_1396 = arith.constant 2.000000e+00 : f32
    %mul3A_1397 = vector.broadcast %mul3A_1396 : f32 to vector<64x128xf32>
    %mul3A_1398 = arith.mulf %mul3A_1397, %slice3A_1395 : vector<64x128xf32>
    %sub3A_1399 = vector.broadcast %slice3A_1382 : vector<64x1xf32> to vector<64x128xf32>
    %sub3A_1400 = arith.subf %sub3A_1399, %mul3A_1398 : vector<64x128xf32>
    %slice3A_1401 = vector.extract_strided_slice %reduce_sum3A_10 {offsets = [128], sizes = [128], strides = [1]} : vector<1024xf32> to vector<128xf32>
    %broadcast_in_dim3A_1402 = vector.shape_cast %slice3A_1401 : vector<128xf32> to vector<1x128xf32>
    %add3A_1403 = vector.broadcast %broadcast_in_dim3A_1402 : vector<1x128xf32> to vector<64x128xf32>
    %add3A_1404 = arith.addf %sub3A_1400, %add3A_1403 : vector<64x128xf32>
    %lt3A_1405 = arith.cmpf olt, %add3A_1404, %add3A_1392 : vector<64x128xf32>
    %select_n3A_1406 = arith.select %lt3A_1405, %add3A_1404, %add3A_1392 : vector<64x128xi1>, vector<64x128xf32>
    %jit3A_1407 = arith.constant 1 : i32
    %broadcast_in_dim3A_1408 = vector.broadcast %jit3A_1407 : i32 to vector<64x128xi32>
    %select_n3A_1409 = arith.select %lt3A_1405, %broadcast_in_dim3A_1408, %broadcast_in_dim3A_1394 : vector<64x128xi1>, vector<64x128xi32>
    %slice3A_1410 = vector.extract_strided_slice %dot_general3A_6 {offsets = [640, 256], sizes = [64, 128], strides = [1, 1]} : vector<1152x1024xf32> to vector<64x128xf32>
    %mul3A_1411 = arith.constant 2.000000e+00 : f32
    %mul3A_1412 = vector.broadcast %mul3A_1411 : f32 to vector<64x128xf32>
    %mul3A_1413 = arith.mulf %mul3A_1412, %slice3A_1410 : vector<64x128xf32>
    %sub3A_1414 = vector.broadcast %slice3A_1382 : vector<64x1xf32> to vector<64x128xf32>
    %sub3A_1415 = arith.subf %sub3A_1414, %mul3A_1413 : vector<64x128xf32>
    %slice3A_1416 = vector.extract_strided_slice %reduce_sum3A_10 {offsets = [256], sizes = [128], strides = [1]} : vector<1024xf32> to vector<128xf32>
    %broadcast_in_dim3A_1417 = vector.shape_cast %slice3A_1416 : vector<128xf32> to vector<1x128xf32>
    %add3A_1418 = vector.broadcast %broadcast_in_dim3A_1417 : vector<1x128xf32> to vector<64x128xf32>
    %add3A_1419 = arith.addf %sub3A_1415, %add3A_1418 : vector<64x128xf32>
    %lt3A_1420 = arith.cmpf olt, %add3A_1419, %select_n3A_1406 : vector<64x128xf32>
    %select_n3A_1421 = arith.select %lt3A_1420, %add3A_1419, %select_n3A_1406 : vector<64x128xi1>, vector<64x128xf32>
    %jit3A_1422 = arith.constant 2 : i32
    %broadcast_in_dim3A_1423 = vector.broadcast %jit3A_1422 : i32 to vector<64x128xi32>
    %select_n3A_1424 = arith.select %lt3A_1420, %broadcast_in_dim3A_1423, %select_n3A_1409 : vector<64x128xi1>, vector<64x128xi32>
    %slice3A_1425 = vector.extract_strided_slice %dot_general3A_6 {offsets = [640, 384], sizes = [64, 128], strides = [1, 1]} : vector<1152x1024xf32> to vector<64x128xf32>
    %mul3A_1426 = arith.constant 2.000000e+00 : f32
    %mul3A_1427 = vector.broadcast %mul3A_1426 : f32 to vector<64x128xf32>
    %mul3A_1428 = arith.mulf %mul3A_1427, %slice3A_1425 : vector<64x128xf32>
    %sub3A_1429 = vector.broadcast %slice3A_1382 : vector<64x1xf32> to vector<64x128xf32>
    %sub3A_1430 = arith.subf %sub3A_1429, %mul3A_1428 : vector<64x128xf32>
    %slice3A_1431 = vector.extract_strided_slice %reduce_sum3A_10 {offsets = [384], sizes = [128], strides = [1]} : vector<1024xf32> to vector<128xf32>
    %broadcast_in_dim3A_1432 = vector.shape_cast %slice3A_1431 : vector<128xf32> to vector<1x128xf32>
    %add3A_1433 = vector.broadcast %broadcast_in_dim3A_1432 : vector<1x128xf32> to vector<64x128xf32>
    %add3A_1434 = arith.addf %sub3A_1430, %add3A_1433 : vector<64x128xf32>
    %lt3A_1435 = arith.cmpf olt, %add3A_1434, %select_n3A_1421 : vector<64x128xf32>
    %select_n3A_1436 = arith.select %lt3A_1435, %add3A_1434, %select_n3A_1421 : vector<64x128xi1>, vector<64x128xf32>
    %jit3A_1437 = arith.constant 3 : i32
    %broadcast_in_dim3A_1438 = vector.broadcast %jit3A_1437 : i32 to vector<64x128xi32>
    %select_n3A_1439 = arith.select %lt3A_1435, %broadcast_in_dim3A_1438, %select_n3A_1424 : vector<64x128xi1>, vector<64x128xi32>
    %slice3A_1440 = vector.extract_strided_slice %dot_general3A_6 {offsets = [640, 512], sizes = [64, 128], strides = [1, 1]} : vector<1152x1024xf32> to vector<64x128xf32>
    %mul3A_1441 = arith.constant 2.000000e+00 : f32
    %mul3A_1442 = vector.broadcast %mul3A_1441 : f32 to vector<64x128xf32>
    %mul3A_1443 = arith.mulf %mul3A_1442, %slice3A_1440 : vector<64x128xf32>
    %sub3A_1444 = vector.broadcast %slice3A_1382 : vector<64x1xf32> to vector<64x128xf32>
    %sub3A_1445 = arith.subf %sub3A_1444, %mul3A_1443 : vector<64x128xf32>
    %slice3A_1446 = vector.extract_strided_slice %reduce_sum3A_10 {offsets = [512], sizes = [128], strides = [1]} : vector<1024xf32> to vector<128xf32>
    %broadcast_in_dim3A_1447 = vector.shape_cast %slice3A_1446 : vector<128xf32> to vector<1x128xf32>
    %add3A_1448 = vector.broadcast %broadcast_in_dim3A_1447 : vector<1x128xf32> to vector<64x128xf32>
    %add3A_1449 = arith.addf %sub3A_1445, %add3A_1448 : vector<64x128xf32>
    %lt3A_1450 = arith.cmpf olt, %add3A_1449, %select_n3A_1436 : vector<64x128xf32>
    %select_n3A_1451 = arith.select %lt3A_1450, %add3A_1449, %select_n3A_1436 : vector<64x128xi1>, vector<64x128xf32>
    %jit3A_1452 = arith.constant 4 : i32
    %broadcast_in_dim3A_1453 = vector.broadcast %jit3A_1452 : i32 to vector<64x128xi32>
    %select_n3A_1454 = arith.select %lt3A_1450, %broadcast_in_dim3A_1453, %select_n3A_1439 : vector<64x128xi1>, vector<64x128xi32>
    %slice3A_1455 = vector.extract_strided_slice %dot_general3A_6 {offsets = [640, 640], sizes = [64, 128], strides = [1, 1]} : vector<1152x1024xf32> to vector<64x128xf32>
    %mul3A_1456 = arith.constant 2.000000e+00 : f32
    %mul3A_1457 = vector.broadcast %mul3A_1456 : f32 to vector<64x128xf32>
    %mul3A_1458 = arith.mulf %mul3A_1457, %slice3A_1455 : vector<64x128xf32>
    %sub3A_1459 = vector.broadcast %slice3A_1382 : vector<64x1xf32> to vector<64x128xf32>
    %sub3A_1460 = arith.subf %sub3A_1459, %mul3A_1458 : vector<64x128xf32>
    %slice3A_1461 = vector.extract_strided_slice %reduce_sum3A_10 {offsets = [640], sizes = [128], strides = [1]} : vector<1024xf32> to vector<128xf32>
    %broadcast_in_dim3A_1462 = vector.shape_cast %slice3A_1461 : vector<128xf32> to vector<1x128xf32>
    %add3A_1463 = vector.broadcast %broadcast_in_dim3A_1462 : vector<1x128xf32> to vector<64x128xf32>
    %add3A_1464 = arith.addf %sub3A_1460, %add3A_1463 : vector<64x128xf32>
    %lt3A_1465 = arith.cmpf olt, %add3A_1464, %select_n3A_1451 : vector<64x128xf32>
    %select_n3A_1466 = arith.select %lt3A_1465, %add3A_1464, %select_n3A_1451 : vector<64x128xi1>, vector<64x128xf32>
    %jit3A_1467 = arith.constant 5 : i32
    %broadcast_in_dim3A_1468 = vector.broadcast %jit3A_1467 : i32 to vector<64x128xi32>
    %select_n3A_1469 = arith.select %lt3A_1465, %broadcast_in_dim3A_1468, %select_n3A_1454 : vector<64x128xi1>, vector<64x128xi32>
    %slice3A_1470 = vector.extract_strided_slice %dot_general3A_6 {offsets = [640, 768], sizes = [64, 128], strides = [1, 1]} : vector<1152x1024xf32> to vector<64x128xf32>
    %mul3A_1471 = arith.constant 2.000000e+00 : f32
    %mul3A_1472 = vector.broadcast %mul3A_1471 : f32 to vector<64x128xf32>
    %mul3A_1473 = arith.mulf %mul3A_1472, %slice3A_1470 : vector<64x128xf32>
    %sub3A_1474 = vector.broadcast %slice3A_1382 : vector<64x1xf32> to vector<64x128xf32>
    %sub3A_1475 = arith.subf %sub3A_1474, %mul3A_1473 : vector<64x128xf32>
    %slice3A_1476 = vector.extract_strided_slice %reduce_sum3A_10 {offsets = [768], sizes = [128], strides = [1]} : vector<1024xf32> to vector<128xf32>
    %broadcast_in_dim3A_1477 = vector.shape_cast %slice3A_1476 : vector<128xf32> to vector<1x128xf32>
    %add3A_1478 = vector.broadcast %broadcast_in_dim3A_1477 : vector<1x128xf32> to vector<64x128xf32>
    %add3A_1479 = arith.addf %sub3A_1475, %add3A_1478 : vector<64x128xf32>
    %lt3A_1480 = arith.cmpf olt, %add3A_1479, %select_n3A_1466 : vector<64x128xf32>
    %select_n3A_1481 = arith.select %lt3A_1480, %add3A_1479, %select_n3A_1466 : vector<64x128xi1>, vector<64x128xf32>
    %jit3A_1482 = arith.constant 6 : i32
    %broadcast_in_dim3A_1483 = vector.broadcast %jit3A_1482 : i32 to vector<64x128xi32>
    %select_n3A_1484 = arith.select %lt3A_1480, %broadcast_in_dim3A_1483, %select_n3A_1469 : vector<64x128xi1>, vector<64x128xi32>
    %slice3A_1485 = vector.extract_strided_slice %dot_general3A_6 {offsets = [640, 896], sizes = [64, 128], strides = [1, 1]} : vector<1152x1024xf32> to vector<64x128xf32>
    %mul3A_1486 = arith.constant 2.000000e+00 : f32
    %mul3A_1487 = vector.broadcast %mul3A_1486 : f32 to vector<64x128xf32>
    %mul3A_1488 = arith.mulf %mul3A_1487, %slice3A_1485 : vector<64x128xf32>
    %sub3A_1489 = vector.broadcast %slice3A_1382 : vector<64x1xf32> to vector<64x128xf32>
    %sub3A_1490 = arith.subf %sub3A_1489, %mul3A_1488 : vector<64x128xf32>
    %slice3A_1491 = vector.extract_strided_slice %reduce_sum3A_10 {offsets = [896], sizes = [128], strides = [1]} : vector<1024xf32> to vector<128xf32>
    %broadcast_in_dim3A_1492 = vector.shape_cast %slice3A_1491 : vector<128xf32> to vector<1x128xf32>
    %add3A_1493 = vector.broadcast %broadcast_in_dim3A_1492 : vector<1x128xf32> to vector<64x128xf32>
    %add3A_1494 = arith.addf %sub3A_1490, %add3A_1493 : vector<64x128xf32>
    %lt3A_1495 = arith.cmpf olt, %add3A_1494, %select_n3A_1481 : vector<64x128xf32>
    %select_n3A_1496 = arith.select %lt3A_1495, %add3A_1494, %select_n3A_1481 : vector<64x128xi1>, vector<64x128xf32>
    %jit3A_1497 = arith.constant 7 : i32
    %broadcast_in_dim3A_1498 = vector.broadcast %jit3A_1497 : i32 to vector<64x128xi32>
    %select_n3A_1499 = arith.select %lt3A_1495, %broadcast_in_dim3A_1498, %select_n3A_1484 : vector<64x128xi1>, vector<64x128xi32>
    %reduce_min3A_1500 = arith.constant dense<0x7F800000> : vector<64xf32>
    %reduce_min3A_1501 = vector.multi_reduction <minimumf>, %select_n3A_1496, %reduce_min3A_1500 [1] : vector<64x128xf32> to vector<64xf32>
    %broadcast_in_dim3A_1502 = vector.shape_cast %reduce_min3A_1501 : vector<64xf32> to vector<64x1xf32>
    %eq3A_1503 = vector.broadcast %broadcast_in_dim3A_1502 : vector<64x1xf32> to vector<64x128xf32>
    %eq3A_1504 = arith.cmpf oeq, %select_n3A_1496, %eq3A_1503 : vector<64x128xf32>
    %mul3A_1505 = arith.constant 128 : i32
    %mul3A_1506 = vector.broadcast %mul3A_1505 : i32 to vector<64x128xi32>
    %mul3A_1507 = arith.muli %select_n3A_1499, %mul3A_1506 : vector<64x128xi32>
    %add3A_1508 = arith.addi %mul3A_1507, %iota3A : vector<64x128xi32>
    %jit3A_1509 = arith.constant 1024 : i32
    %broadcast_in_dim3A_1510 = vector.broadcast %jit3A_1509 : i32 to vector<64x128xi32>
    %select_n3A_1511 = arith.select %eq3A_1504, %add3A_1508, %broadcast_in_dim3A_1510 : vector<64x128xi1>, vector<64x128xi32>
    %reduce_min3A_1512 = arith.constant dense<2147483647> : vector<64xi32>
    %reduce_min3A_1513 = vector.multi_reduction <minsi>, %select_n3A_1511, %reduce_min3A_1512 [1] : vector<64x128xi32> to vector<64xi32>
    %swap3A_1514 = arith.constant 0 : index
    %swap3A_1515 = arith.constant 0 : index
    %swap3A_1516 = arith.constant 640 : index
    %swap3A_1517 = vector.load %arg3[%swap3A_1514, %swap3A_1515, %swap3A_1516] : memref<1x1x1152xi32, #tpu.memory_space<vmem>>, vector<1x1x64xi32>
    %swap3A_1518 = vector.shape_cast %swap3A_1517 : vector<1x1x64xi32> to vector<64xi32>
    %swap3A_1519 = vector.shape_cast %reduce_min3A_1513 : vector<64xi32> to vector<1x1x64xi32>
    tpu.vector_store %arg3[%swap3A_1514, %swap3A_1515, %swap3A_1516], %swap3A_1519 {strides = array<i32>} : memref<1x1x1152xi32, #tpu.memory_space<vmem>>, vector<1x1x64xi32>,
    %slice3A_1520 = vector.extract_strided_slice %broadcast_in_dim3A {offsets = [704, 0], sizes = [64, 1], strides = [1, 1]} : vector<1152x1xf32> to vector<64x1xf32>
    %slice3A_1521 = vector.extract_strided_slice %dot_general3A_6 {offsets = [704, 0], sizes = [64, 128], strides = [1, 1]} : vector<1152x1024xf32> to vector<64x128xf32>
    %mul3A_1522 = arith.constant 2.000000e+00 : f32
    %mul3A_1523 = vector.broadcast %mul3A_1522 : f32 to vector<64x128xf32>
    %mul3A_1524 = arith.mulf %mul3A_1523, %slice3A_1521 : vector<64x128xf32>
    %sub3A_1525 = vector.broadcast %slice3A_1520 : vector<64x1xf32> to vector<64x128xf32>
    %sub3A_1526 = arith.subf %sub3A_1525, %mul3A_1524 : vector<64x128xf32>
    %slice3A_1527 = vector.extract_strided_slice %reduce_sum3A_10 {offsets = [0], sizes = [128], strides = [1]} : vector<1024xf32> to vector<128xf32>
    %broadcast_in_dim3A_1528 = vector.shape_cast %slice3A_1527 : vector<128xf32> to vector<1x128xf32>
    %add3A_1529 = vector.broadcast %broadcast_in_dim3A_1528 : vector<1x128xf32> to vector<64x128xf32>
    %add3A_1530 = arith.addf %sub3A_1526, %add3A_1529 : vector<64x128xf32>
    %broadcast_in_dim3A_1531 = arith.constant 0 : i32
    %broadcast_in_dim3A_1532 = vector.broadcast %broadcast_in_dim3A_1531 : i32 to vector<64x128xi32>
    %slice3A_1533 = vector.extract_strided_slice %dot_general3A_6 {offsets = [704, 128], sizes = [64, 128], strides = [1, 1]} : vector<1152x1024xf32> to vector<64x128xf32>
    %mul3A_1534 = arith.constant 2.000000e+00 : f32
    %mul3A_1535 = vector.broadcast %mul3A_1534 : f32 to vector<64x128xf32>
    %mul3A_1536 = arith.mulf %mul3A_1535, %slice3A_1533 : vector<64x128xf32>
    %sub3A_1537 = vector.broadcast %slice3A_1520 : vector<64x1xf32> to vector<64x128xf32>
    %sub3A_1538 = arith.subf %sub3A_1537, %mul3A_1536 : vector<64x128xf32>
    %slice3A_1539 = vector.extract_strided_slice %reduce_sum3A_10 {offsets = [128], sizes = [128], strides = [1]} : vector<1024xf32> to vector<128xf32>
    %broadcast_in_dim3A_1540 = vector.shape_cast %slice3A_1539 : vector<128xf32> to vector<1x128xf32>
    %add3A_1541 = vector.broadcast %broadcast_in_dim3A_1540 : vector<1x128xf32> to vector<64x128xf32>
    %add3A_1542 = arith.addf %sub3A_1538, %add3A_1541 : vector<64x128xf32>
    %lt3A_1543 = arith.cmpf olt, %add3A_1542, %add3A_1530 : vector<64x128xf32>
    %select_n3A_1544 = arith.select %lt3A_1543, %add3A_1542, %add3A_1530 : vector<64x128xi1>, vector<64x128xf32>
    %jit3A_1545 = arith.constant 1 : i32
    %broadcast_in_dim3A_1546 = vector.broadcast %jit3A_1545 : i32 to vector<64x128xi32>
    %select_n3A_1547 = arith.select %lt3A_1543, %broadcast_in_dim3A_1546, %broadcast_in_dim3A_1532 : vector<64x128xi1>, vector<64x128xi32>
    %slice3A_1548 = vector.extract_strided_slice %dot_general3A_6 {offsets = [704, 256], sizes = [64, 128], strides = [1, 1]} : vector<1152x1024xf32> to vector<64x128xf32>
    %mul3A_1549 = arith.constant 2.000000e+00 : f32
    %mul3A_1550 = vector.broadcast %mul3A_1549 : f32 to vector<64x128xf32>
    %mul3A_1551 = arith.mulf %mul3A_1550, %slice3A_1548 : vector<64x128xf32>
    %sub3A_1552 = vector.broadcast %slice3A_1520 : vector<64x1xf32> to vector<64x128xf32>
    %sub3A_1553 = arith.subf %sub3A_1552, %mul3A_1551 : vector<64x128xf32>
    %slice3A_1554 = vector.extract_strided_slice %reduce_sum3A_10 {offsets = [256], sizes = [128], strides = [1]} : vector<1024xf32> to vector<128xf32>
    %broadcast_in_dim3A_1555 = vector.shape_cast %slice3A_1554 : vector<128xf32> to vector<1x128xf32>
    %add3A_1556 = vector.broadcast %broadcast_in_dim3A_1555 : vector<1x128xf32> to vector<64x128xf32>
    %add3A_1557 = arith.addf %sub3A_1553, %add3A_1556 : vector<64x128xf32>
    %lt3A_1558 = arith.cmpf olt, %add3A_1557, %select_n3A_1544 : vector<64x128xf32>
    %select_n3A_1559 = arith.select %lt3A_1558, %add3A_1557, %select_n3A_1544 : vector<64x128xi1>, vector<64x128xf32>
    %jit3A_1560 = arith.constant 2 : i32
    %broadcast_in_dim3A_1561 = vector.broadcast %jit3A_1560 : i32 to vector<64x128xi32>
    %select_n3A_1562 = arith.select %lt3A_1558, %broadcast_in_dim3A_1561, %select_n3A_1547 : vector<64x128xi1>, vector<64x128xi32>
    %slice3A_1563 = vector.extract_strided_slice %dot_general3A_6 {offsets = [704, 384], sizes = [64, 128], strides = [1, 1]} : vector<1152x1024xf32> to vector<64x128xf32>
    %mul3A_1564 = arith.constant 2.000000e+00 : f32
    %mul3A_1565 = vector.broadcast %mul3A_1564 : f32 to vector<64x128xf32>
    %mul3A_1566 = arith.mulf %mul3A_1565, %slice3A_1563 : vector<64x128xf32>
    %sub3A_1567 = vector.broadcast %slice3A_1520 : vector<64x1xf32> to vector<64x128xf32>
    %sub3A_1568 = arith.subf %sub3A_1567, %mul3A_1566 : vector<64x128xf32>
    %slice3A_1569 = vector.extract_strided_slice %reduce_sum3A_10 {offsets = [384], sizes = [128], strides = [1]} : vector<1024xf32> to vector<128xf32>
    %broadcast_in_dim3A_1570 = vector.shape_cast %slice3A_1569 : vector<128xf32> to vector<1x128xf32>
    %add3A_1571 = vector.broadcast %broadcast_in_dim3A_1570 : vector<1x128xf32> to vector<64x128xf32>
    %add3A_1572 = arith.addf %sub3A_1568, %add3A_1571 : vector<64x128xf32>
    %lt3A_1573 = arith.cmpf olt, %add3A_1572, %select_n3A_1559 : vector<64x128xf32>
    %select_n3A_1574 = arith.select %lt3A_1573, %add3A_1572, %select_n3A_1559 : vector<64x128xi1>, vector<64x128xf32>
    %jit3A_1575 = arith.constant 3 : i32
    %broadcast_in_dim3A_1576 = vector.broadcast %jit3A_1575 : i32 to vector<64x128xi32>
    %select_n3A_1577 = arith.select %lt3A_1573, %broadcast_in_dim3A_1576, %select_n3A_1562 : vector<64x128xi1>, vector<64x128xi32>
    %slice3A_1578 = vector.extract_strided_slice %dot_general3A_6 {offsets = [704, 512], sizes = [64, 128], strides = [1, 1]} : vector<1152x1024xf32> to vector<64x128xf32>
    %mul3A_1579 = arith.constant 2.000000e+00 : f32
    %mul3A_1580 = vector.broadcast %mul3A_1579 : f32 to vector<64x128xf32>
    %mul3A_1581 = arith.mulf %mul3A_1580, %slice3A_1578 : vector<64x128xf32>
    %sub3A_1582 = vector.broadcast %slice3A_1520 : vector<64x1xf32> to vector<64x128xf32>
    %sub3A_1583 = arith.subf %sub3A_1582, %mul3A_1581 : vector<64x128xf32>
    %slice3A_1584 = vector.extract_strided_slice %reduce_sum3A_10 {offsets = [512], sizes = [128], strides = [1]} : vector<1024xf32> to vector<128xf32>
    %broadcast_in_dim3A_1585 = vector.shape_cast %slice3A_1584 : vector<128xf32> to vector<1x128xf32>
    %add3A_1586 = vector.broadcast %broadcast_in_dim3A_1585 : vector<1x128xf32> to vector<64x128xf32>
    %add3A_1587 = arith.addf %sub3A_1583, %add3A_1586 : vector<64x128xf32>
    %lt3A_1588 = arith.cmpf olt, %add3A_1587, %select_n3A_1574 : vector<64x128xf32>
    %select_n3A_1589 = arith.select %lt3A_1588, %add3A_1587, %select_n3A_1574 : vector<64x128xi1>, vector<64x128xf32>
    %jit3A_1590 = arith.constant 4 : i32
    %broadcast_in_dim3A_1591 = vector.broadcast %jit3A_1590 : i32 to vector<64x128xi32>
    %select_n3A_1592 = arith.select %lt3A_1588, %broadcast_in_dim3A_1591, %select_n3A_1577 : vector<64x128xi1>, vector<64x128xi32>
    %slice3A_1593 = vector.extract_strided_slice %dot_general3A_6 {offsets = [704, 640], sizes = [64, 128], strides = [1, 1]} : vector<1152x1024xf32> to vector<64x128xf32>
    %mul3A_1594 = arith.constant 2.000000e+00 : f32
    %mul3A_1595 = vector.broadcast %mul3A_1594 : f32 to vector<64x128xf32>
    %mul3A_1596 = arith.mulf %mul3A_1595, %slice3A_1593 : vector<64x128xf32>
    %sub3A_1597 = vector.broadcast %slice3A_1520 : vector<64x1xf32> to vector<64x128xf32>
    %sub3A_1598 = arith.subf %sub3A_1597, %mul3A_1596 : vector<64x128xf32>
    %slice3A_1599 = vector.extract_strided_slice %reduce_sum3A_10 {offsets = [640], sizes = [128], strides = [1]} : vector<1024xf32> to vector<128xf32>
    %broadcast_in_dim3A_1600 = vector.shape_cast %slice3A_1599 : vector<128xf32> to vector<1x128xf32>
    %add3A_1601 = vector.broadcast %broadcast_in_dim3A_1600 : vector<1x128xf32> to vector<64x128xf32>
    %add3A_1602 = arith.addf %sub3A_1598, %add3A_1601 : vector<64x128xf32>
    %lt3A_1603 = arith.cmpf olt, %add3A_1602, %select_n3A_1589 : vector<64x128xf32>
    %select_n3A_1604 = arith.select %lt3A_1603, %add3A_1602, %select_n3A_1589 : vector<64x128xi1>, vector<64x128xf32>
    %jit3A_1605 = arith.constant 5 : i32
    %broadcast_in_dim3A_1606 = vector.broadcast %jit3A_1605 : i32 to vector<64x128xi32>
    %select_n3A_1607 = arith.select %lt3A_1603, %broadcast_in_dim3A_1606, %select_n3A_1592 : vector<64x128xi1>, vector<64x128xi32>
    %slice3A_1608 = vector.extract_strided_slice %dot_general3A_6 {offsets = [704, 768], sizes = [64, 128], strides = [1, 1]} : vector<1152x1024xf32> to vector<64x128xf32>
    %mul3A_1609 = arith.constant 2.000000e+00 : f32
    %mul3A_1610 = vector.broadcast %mul3A_1609 : f32 to vector<64x128xf32>
    %mul3A_1611 = arith.mulf %mul3A_1610, %slice3A_1608 : vector<64x128xf32>
    %sub3A_1612 = vector.broadcast %slice3A_1520 : vector<64x1xf32> to vector<64x128xf32>
    %sub3A_1613 = arith.subf %sub3A_1612, %mul3A_1611 : vector<64x128xf32>
    %slice3A_1614 = vector.extract_strided_slice %reduce_sum3A_10 {offsets = [768], sizes = [128], strides = [1]} : vector<1024xf32> to vector<128xf32>
    %broadcast_in_dim3A_1615 = vector.shape_cast %slice3A_1614 : vector<128xf32> to vector<1x128xf32>
    %add3A_1616 = vector.broadcast %broadcast_in_dim3A_1615 : vector<1x128xf32> to vector<64x128xf32>
    %add3A_1617 = arith.addf %sub3A_1613, %add3A_1616 : vector<64x128xf32>
    %lt3A_1618 = arith.cmpf olt, %add3A_1617, %select_n3A_1604 : vector<64x128xf32>
    %select_n3A_1619 = arith.select %lt3A_1618, %add3A_1617, %select_n3A_1604 : vector<64x128xi1>, vector<64x128xf32>
    %jit3A_1620 = arith.constant 6 : i32
    %broadcast_in_dim3A_1621 = vector.broadcast %jit3A_1620 : i32 to vector<64x128xi32>
    %select_n3A_1622 = arith.select %lt3A_1618, %broadcast_in_dim3A_1621, %select_n3A_1607 : vector<64x128xi1>, vector<64x128xi32>
    %slice3A_1623 = vector.extract_strided_slice %dot_general3A_6 {offsets = [704, 896], sizes = [64, 128], strides = [1, 1]} : vector<1152x1024xf32> to vector<64x128xf32>
    %mul3A_1624 = arith.constant 2.000000e+00 : f32
    %mul3A_1625 = vector.broadcast %mul3A_1624 : f32 to vector<64x128xf32>
    %mul3A_1626 = arith.mulf %mul3A_1625, %slice3A_1623 : vector<64x128xf32>
    %sub3A_1627 = vector.broadcast %slice3A_1520 : vector<64x1xf32> to vector<64x128xf32>
    %sub3A_1628 = arith.subf %sub3A_1627, %mul3A_1626 : vector<64x128xf32>
    %slice3A_1629 = vector.extract_strided_slice %reduce_sum3A_10 {offsets = [896], sizes = [128], strides = [1]} : vector<1024xf32> to vector<128xf32>
    %broadcast_in_dim3A_1630 = vector.shape_cast %slice3A_1629 : vector<128xf32> to vector<1x128xf32>
    %add3A_1631 = vector.broadcast %broadcast_in_dim3A_1630 : vector<1x128xf32> to vector<64x128xf32>
    %add3A_1632 = arith.addf %sub3A_1628, %add3A_1631 : vector<64x128xf32>
    %lt3A_1633 = arith.cmpf olt, %add3A_1632, %select_n3A_1619 : vector<64x128xf32>
    %select_n3A_1634 = arith.select %lt3A_1633, %add3A_1632, %select_n3A_1619 : vector<64x128xi1>, vector<64x128xf32>
    %jit3A_1635 = arith.constant 7 : i32
    %broadcast_in_dim3A_1636 = vector.broadcast %jit3A_1635 : i32 to vector<64x128xi32>
    %select_n3A_1637 = arith.select %lt3A_1633, %broadcast_in_dim3A_1636, %select_n3A_1622 : vector<64x128xi1>, vector<64x128xi32>
    %reduce_min3A_1638 = arith.constant dense<0x7F800000> : vector<64xf32>
    %reduce_min3A_1639 = vector.multi_reduction <minimumf>, %select_n3A_1634, %reduce_min3A_1638 [1] : vector<64x128xf32> to vector<64xf32>
    %broadcast_in_dim3A_1640 = vector.shape_cast %reduce_min3A_1639 : vector<64xf32> to vector<64x1xf32>
    %eq3A_1641 = vector.broadcast %broadcast_in_dim3A_1640 : vector<64x1xf32> to vector<64x128xf32>
    %eq3A_1642 = arith.cmpf oeq, %select_n3A_1634, %eq3A_1641 : vector<64x128xf32>
    %mul3A_1643 = arith.constant 128 : i32
    %mul3A_1644 = vector.broadcast %mul3A_1643 : i32 to vector<64x128xi32>
    %mul3A_1645 = arith.muli %select_n3A_1637, %mul3A_1644 : vector<64x128xi32>
    %add3A_1646 = arith.addi %mul3A_1645, %iota3A : vector<64x128xi32>
    %jit3A_1647 = arith.constant 1024 : i32
    %broadcast_in_dim3A_1648 = vector.broadcast %jit3A_1647 : i32 to vector<64x128xi32>
    %select_n3A_1649 = arith.select %eq3A_1642, %add3A_1646, %broadcast_in_dim3A_1648 : vector<64x128xi1>, vector<64x128xi32>
    %reduce_min3A_1650 = arith.constant dense<2147483647> : vector<64xi32>
    %reduce_min3A_1651 = vector.multi_reduction <minsi>, %select_n3A_1649, %reduce_min3A_1650 [1] : vector<64x128xi32> to vector<64xi32>
    %swap3A_1652 = arith.constant 0 : index
    %swap3A_1653 = arith.constant 0 : index
    %swap3A_1654 = arith.constant 704 : index
    %swap3A_1655 = vector.load %arg3[%swap3A_1652, %swap3A_1653, %swap3A_1654] : memref<1x1x1152xi32, #tpu.memory_space<vmem>>, vector<1x1x64xi32>
    %swap3A_1656 = vector.shape_cast %swap3A_1655 : vector<1x1x64xi32> to vector<64xi32>
    %swap3A_1657 = vector.shape_cast %reduce_min3A_1651 : vector<64xi32> to vector<1x1x64xi32>
    tpu.vector_store %arg3[%swap3A_1652, %swap3A_1653, %swap3A_1654], %swap3A_1657 {strides = array<i32>} : memref<1x1x1152xi32, #tpu.memory_space<vmem>>, vector<1x1x64xi32>,
    %slice3A_1658 = vector.extract_strided_slice %broadcast_in_dim3A {offsets = [768, 0], sizes = [64, 1], strides = [1, 1]} : vector<1152x1xf32> to vector<64x1xf32>
    %slice3A_1659 = vector.extract_strided_slice %dot_general3A_6 {offsets = [768, 0], sizes = [64, 128], strides = [1, 1]} : vector<1152x1024xf32> to vector<64x128xf32>
    %mul3A_1660 = arith.constant 2.000000e+00 : f32
    %mul3A_1661 = vector.broadcast %mul3A_1660 : f32 to vector<64x128xf32>
    %mul3A_1662 = arith.mulf %mul3A_1661, %slice3A_1659 : vector<64x128xf32>
    %sub3A_1663 = vector.broadcast %slice3A_1658 : vector<64x1xf32> to vector<64x128xf32>
    %sub3A_1664 = arith.subf %sub3A_1663, %mul3A_1662 : vector<64x128xf32>
    %slice3A_1665 = vector.extract_strided_slice %reduce_sum3A_10 {offsets = [0], sizes = [128], strides = [1]} : vector<1024xf32> to vector<128xf32>
    %broadcast_in_dim3A_1666 = vector.shape_cast %slice3A_1665 : vector<128xf32> to vector<1x128xf32>
    %add3A_1667 = vector.broadcast %broadcast_in_dim3A_1666 : vector<1x128xf32> to vector<64x128xf32>
    %add3A_1668 = arith.addf %sub3A_1664, %add3A_1667 : vector<64x128xf32>
    %broadcast_in_dim3A_1669 = arith.constant 0 : i32
    %broadcast_in_dim3A_1670 = vector.broadcast %broadcast_in_dim3A_1669 : i32 to vector<64x128xi32>
    %slice3A_1671 = vector.extract_strided_slice %dot_general3A_6 {offsets = [768, 128], sizes = [64, 128], strides = [1, 1]} : vector<1152x1024xf32> to vector<64x128xf32>
    %mul3A_1672 = arith.constant 2.000000e+00 : f32
    %mul3A_1673 = vector.broadcast %mul3A_1672 : f32 to vector<64x128xf32>
    %mul3A_1674 = arith.mulf %mul3A_1673, %slice3A_1671 : vector<64x128xf32>
    %sub3A_1675 = vector.broadcast %slice3A_1658 : vector<64x1xf32> to vector<64x128xf32>
    %sub3A_1676 = arith.subf %sub3A_1675, %mul3A_1674 : vector<64x128xf32>
    %slice3A_1677 = vector.extract_strided_slice %reduce_sum3A_10 {offsets = [128], sizes = [128], strides = [1]} : vector<1024xf32> to vector<128xf32>
    %broadcast_in_dim3A_1678 = vector.shape_cast %slice3A_1677 : vector<128xf32> to vector<1x128xf32>
    %add3A_1679 = vector.broadcast %broadcast_in_dim3A_1678 : vector<1x128xf32> to vector<64x128xf32>
    %add3A_1680 = arith.addf %sub3A_1676, %add3A_1679 : vector<64x128xf32>
    %lt3A_1681 = arith.cmpf olt, %add3A_1680, %add3A_1668 : vector<64x128xf32>
    %select_n3A_1682 = arith.select %lt3A_1681, %add3A_1680, %add3A_1668 : vector<64x128xi1>, vector<64x128xf32>
    %jit3A_1683 = arith.constant 1 : i32
    %broadcast_in_dim3A_1684 = vector.broadcast %jit3A_1683 : i32 to vector<64x128xi32>
    %select_n3A_1685 = arith.select %lt3A_1681, %broadcast_in_dim3A_1684, %broadcast_in_dim3A_1670 : vector<64x128xi1>, vector<64x128xi32>
    %slice3A_1686 = vector.extract_strided_slice %dot_general3A_6 {offsets = [768, 256], sizes = [64, 128], strides = [1, 1]} : vector<1152x1024xf32> to vector<64x128xf32>
    %mul3A_1687 = arith.constant 2.000000e+00 : f32
    %mul3A_1688 = vector.broadcast %mul3A_1687 : f32 to vector<64x128xf32>
    %mul3A_1689 = arith.mulf %mul3A_1688, %slice3A_1686 : vector<64x128xf32>
    %sub3A_1690 = vector.broadcast %slice3A_1658 : vector<64x1xf32> to vector<64x128xf32>
    %sub3A_1691 = arith.subf %sub3A_1690, %mul3A_1689 : vector<64x128xf32>
    %slice3A_1692 = vector.extract_strided_slice %reduce_sum3A_10 {offsets = [256], sizes = [128], strides = [1]} : vector<1024xf32> to vector<128xf32>
    %broadcast_in_dim3A_1693 = vector.shape_cast %slice3A_1692 : vector<128xf32> to vector<1x128xf32>
    %add3A_1694 = vector.broadcast %broadcast_in_dim3A_1693 : vector<1x128xf32> to vector<64x128xf32>
    %add3A_1695 = arith.addf %sub3A_1691, %add3A_1694 : vector<64x128xf32>
    %lt3A_1696 = arith.cmpf olt, %add3A_1695, %select_n3A_1682 : vector<64x128xf32>
    %select_n3A_1697 = arith.select %lt3A_1696, %add3A_1695, %select_n3A_1682 : vector<64x128xi1>, vector<64x128xf32>
    %jit3A_1698 = arith.constant 2 : i32
    %broadcast_in_dim3A_1699 = vector.broadcast %jit3A_1698 : i32 to vector<64x128xi32>
    %select_n3A_1700 = arith.select %lt3A_1696, %broadcast_in_dim3A_1699, %select_n3A_1685 : vector<64x128xi1>, vector<64x128xi32>
    %slice3A_1701 = vector.extract_strided_slice %dot_general3A_6 {offsets = [768, 384], sizes = [64, 128], strides = [1, 1]} : vector<1152x1024xf32> to vector<64x128xf32>
    %mul3A_1702 = arith.constant 2.000000e+00 : f32
    %mul3A_1703 = vector.broadcast %mul3A_1702 : f32 to vector<64x128xf32>
    %mul3A_1704 = arith.mulf %mul3A_1703, %slice3A_1701 : vector<64x128xf32>
    %sub3A_1705 = vector.broadcast %slice3A_1658 : vector<64x1xf32> to vector<64x128xf32>
    %sub3A_1706 = arith.subf %sub3A_1705, %mul3A_1704 : vector<64x128xf32>
    %slice3A_1707 = vector.extract_strided_slice %reduce_sum3A_10 {offsets = [384], sizes = [128], strides = [1]} : vector<1024xf32> to vector<128xf32>
    %broadcast_in_dim3A_1708 = vector.shape_cast %slice3A_1707 : vector<128xf32> to vector<1x128xf32>
    %add3A_1709 = vector.broadcast %broadcast_in_dim3A_1708 : vector<1x128xf32> to vector<64x128xf32>
    %add3A_1710 = arith.addf %sub3A_1706, %add3A_1709 : vector<64x128xf32>
    %lt3A_1711 = arith.cmpf olt, %add3A_1710, %select_n3A_1697 : vector<64x128xf32>
    %select_n3A_1712 = arith.select %lt3A_1711, %add3A_1710, %select_n3A_1697 : vector<64x128xi1>, vector<64x128xf32>
    %jit3A_1713 = arith.constant 3 : i32
    %broadcast_in_dim3A_1714 = vector.broadcast %jit3A_1713 : i32 to vector<64x128xi32>
    %select_n3A_1715 = arith.select %lt3A_1711, %broadcast_in_dim3A_1714, %select_n3A_1700 : vector<64x128xi1>, vector<64x128xi32>
    %slice3A_1716 = vector.extract_strided_slice %dot_general3A_6 {offsets = [768, 512], sizes = [64, 128], strides = [1, 1]} : vector<1152x1024xf32> to vector<64x128xf32>
    %mul3A_1717 = arith.constant 2.000000e+00 : f32
    %mul3A_1718 = vector.broadcast %mul3A_1717 : f32 to vector<64x128xf32>
    %mul3A_1719 = arith.mulf %mul3A_1718, %slice3A_1716 : vector<64x128xf32>
    %sub3A_1720 = vector.broadcast %slice3A_1658 : vector<64x1xf32> to vector<64x128xf32>
    %sub3A_1721 = arith.subf %sub3A_1720, %mul3A_1719 : vector<64x128xf32>
    %slice3A_1722 = vector.extract_strided_slice %reduce_sum3A_10 {offsets = [512], sizes = [128], strides = [1]} : vector<1024xf32> to vector<128xf32>
    %broadcast_in_dim3A_1723 = vector.shape_cast %slice3A_1722 : vector<128xf32> to vector<1x128xf32>
    %add3A_1724 = vector.broadcast %broadcast_in_dim3A_1723 : vector<1x128xf32> to vector<64x128xf32>
    %add3A_1725 = arith.addf %sub3A_1721, %add3A_1724 : vector<64x128xf32>
    %lt3A_1726 = arith.cmpf olt, %add3A_1725, %select_n3A_1712 : vector<64x128xf32>
    %select_n3A_1727 = arith.select %lt3A_1726, %add3A_1725, %select_n3A_1712 : vector<64x128xi1>, vector<64x128xf32>
    %jit3A_1728 = arith.constant 4 : i32
    %broadcast_in_dim3A_1729 = vector.broadcast %jit3A_1728 : i32 to vector<64x128xi32>
    %select_n3A_1730 = arith.select %lt3A_1726, %broadcast_in_dim3A_1729, %select_n3A_1715 : vector<64x128xi1>, vector<64x128xi32>
    %slice3A_1731 = vector.extract_strided_slice %dot_general3A_6 {offsets = [768, 640], sizes = [64, 128], strides = [1, 1]} : vector<1152x1024xf32> to vector<64x128xf32>
    %mul3A_1732 = arith.constant 2.000000e+00 : f32
    %mul3A_1733 = vector.broadcast %mul3A_1732 : f32 to vector<64x128xf32>
    %mul3A_1734 = arith.mulf %mul3A_1733, %slice3A_1731 : vector<64x128xf32>
    %sub3A_1735 = vector.broadcast %slice3A_1658 : vector<64x1xf32> to vector<64x128xf32>
    %sub3A_1736 = arith.subf %sub3A_1735, %mul3A_1734 : vector<64x128xf32>
    %slice3A_1737 = vector.extract_strided_slice %reduce_sum3A_10 {offsets = [640], sizes = [128], strides = [1]} : vector<1024xf32> to vector<128xf32>
    %broadcast_in_dim3A_1738 = vector.shape_cast %slice3A_1737 : vector<128xf32> to vector<1x128xf32>
    %add3A_1739 = vector.broadcast %broadcast_in_dim3A_1738 : vector<1x128xf32> to vector<64x128xf32>
    %add3A_1740 = arith.addf %sub3A_1736, %add3A_1739 : vector<64x128xf32>
    %lt3A_1741 = arith.cmpf olt, %add3A_1740, %select_n3A_1727 : vector<64x128xf32>
    %select_n3A_1742 = arith.select %lt3A_1741, %add3A_1740, %select_n3A_1727 : vector<64x128xi1>, vector<64x128xf32>
    %jit3A_1743 = arith.constant 5 : i32
    %broadcast_in_dim3A_1744 = vector.broadcast %jit3A_1743 : i32 to vector<64x128xi32>
    %select_n3A_1745 = arith.select %lt3A_1741, %broadcast_in_dim3A_1744, %select_n3A_1730 : vector<64x128xi1>, vector<64x128xi32>
    %slice3A_1746 = vector.extract_strided_slice %dot_general3A_6 {offsets = [768, 768], sizes = [64, 128], strides = [1, 1]} : vector<1152x1024xf32> to vector<64x128xf32>
    %mul3A_1747 = arith.constant 2.000000e+00 : f32
    %mul3A_1748 = vector.broadcast %mul3A_1747 : f32 to vector<64x128xf32>
    %mul3A_1749 = arith.mulf %mul3A_1748, %slice3A_1746 : vector<64x128xf32>
    %sub3A_1750 = vector.broadcast %slice3A_1658 : vector<64x1xf32> to vector<64x128xf32>
    %sub3A_1751 = arith.subf %sub3A_1750, %mul3A_1749 : vector<64x128xf32>
    %slice3A_1752 = vector.extract_strided_slice %reduce_sum3A_10 {offsets = [768], sizes = [128], strides = [1]} : vector<1024xf32> to vector<128xf32>
    %broadcast_in_dim3A_1753 = vector.shape_cast %slice3A_1752 : vector<128xf32> to vector<1x128xf32>
    %add3A_1754 = vector.broadcast %broadcast_in_dim3A_1753 : vector<1x128xf32> to vector<64x128xf32>
    %add3A_1755 = arith.addf %sub3A_1751, %add3A_1754 : vector<64x128xf32>
    %lt3A_1756 = arith.cmpf olt, %add3A_1755, %select_n3A_1742 : vector<64x128xf32>
    %select_n3A_1757 = arith.select %lt3A_1756, %add3A_1755, %select_n3A_1742 : vector<64x128xi1>, vector<64x128xf32>
    %jit3A_1758 = arith.constant 6 : i32
    %broadcast_in_dim3A_1759 = vector.broadcast %jit3A_1758 : i32 to vector<64x128xi32>
    %select_n3A_1760 = arith.select %lt3A_1756, %broadcast_in_dim3A_1759, %select_n3A_1745 : vector<64x128xi1>, vector<64x128xi32>
    %slice3A_1761 = vector.extract_strided_slice %dot_general3A_6 {offsets = [768, 896], sizes = [64, 128], strides = [1, 1]} : vector<1152x1024xf32> to vector<64x128xf32>
    %mul3A_1762 = arith.constant 2.000000e+00 : f32
    %mul3A_1763 = vector.broadcast %mul3A_1762 : f32 to vector<64x128xf32>
    %mul3A_1764 = arith.mulf %mul3A_1763, %slice3A_1761 : vector<64x128xf32>
    %sub3A_1765 = vector.broadcast %slice3A_1658 : vector<64x1xf32> to vector<64x128xf32>
    %sub3A_1766 = arith.subf %sub3A_1765, %mul3A_1764 : vector<64x128xf32>
    %slice3A_1767 = vector.extract_strided_slice %reduce_sum3A_10 {offsets = [896], sizes = [128], strides = [1]} : vector<1024xf32> to vector<128xf32>
    %broadcast_in_dim3A_1768 = vector.shape_cast %slice3A_1767 : vector<128xf32> to vector<1x128xf32>
    %add3A_1769 = vector.broadcast %broadcast_in_dim3A_1768 : vector<1x128xf32> to vector<64x128xf32>
    %add3A_1770 = arith.addf %sub3A_1766, %add3A_1769 : vector<64x128xf32>
    %lt3A_1771 = arith.cmpf olt, %add3A_1770, %select_n3A_1757 : vector<64x128xf32>
    %select_n3A_1772 = arith.select %lt3A_1771, %add3A_1770, %select_n3A_1757 : vector<64x128xi1>, vector<64x128xf32>
    %jit3A_1773 = arith.constant 7 : i32
    %broadcast_in_dim3A_1774 = vector.broadcast %jit3A_1773 : i32 to vector<64x128xi32>
    %select_n3A_1775 = arith.select %lt3A_1771, %broadcast_in_dim3A_1774, %select_n3A_1760 : vector<64x128xi1>, vector<64x128xi32>
    %reduce_min3A_1776 = arith.constant dense<0x7F800000> : vector<64xf32>
    %reduce_min3A_1777 = vector.multi_reduction <minimumf>, %select_n3A_1772, %reduce_min3A_1776 [1] : vector<64x128xf32> to vector<64xf32>
    %broadcast_in_dim3A_1778 = vector.shape_cast %reduce_min3A_1777 : vector<64xf32> to vector<64x1xf32>
    %eq3A_1779 = vector.broadcast %broadcast_in_dim3A_1778 : vector<64x1xf32> to vector<64x128xf32>
    %eq3A_1780 = arith.cmpf oeq, %select_n3A_1772, %eq3A_1779 : vector<64x128xf32>
    %mul3A_1781 = arith.constant 128 : i32
    %mul3A_1782 = vector.broadcast %mul3A_1781 : i32 to vector<64x128xi32>
    %mul3A_1783 = arith.muli %select_n3A_1775, %mul3A_1782 : vector<64x128xi32>
    %add3A_1784 = arith.addi %mul3A_1783, %iota3A : vector<64x128xi32>
    %jit3A_1785 = arith.constant 1024 : i32
    %broadcast_in_dim3A_1786 = vector.broadcast %jit3A_1785 : i32 to vector<64x128xi32>
    %select_n3A_1787 = arith.select %eq3A_1780, %add3A_1784, %broadcast_in_dim3A_1786 : vector<64x128xi1>, vector<64x128xi32>
    %reduce_min3A_1788 = arith.constant dense<2147483647> : vector<64xi32>
    %reduce_min3A_1789 = vector.multi_reduction <minsi>, %select_n3A_1787, %reduce_min3A_1788 [1] : vector<64x128xi32> to vector<64xi32>
    %swap3A_1790 = arith.constant 0 : index
    %swap3A_1791 = arith.constant 0 : index
    %swap3A_1792 = arith.constant 768 : index
    %swap3A_1793 = vector.load %arg3[%swap3A_1790, %swap3A_1791, %swap3A_1792] : memref<1x1x1152xi32, #tpu.memory_space<vmem>>, vector<1x1x64xi32>
    %swap3A_1794 = vector.shape_cast %swap3A_1793 : vector<1x1x64xi32> to vector<64xi32>
    %swap3A_1795 = vector.shape_cast %reduce_min3A_1789 : vector<64xi32> to vector<1x1x64xi32>
    tpu.vector_store %arg3[%swap3A_1790, %swap3A_1791, %swap3A_1792], %swap3A_1795 {strides = array<i32>} : memref<1x1x1152xi32, #tpu.memory_space<vmem>>, vector<1x1x64xi32>,
    %slice3A_1796 = vector.extract_strided_slice %broadcast_in_dim3A {offsets = [832, 0], sizes = [64, 1], strides = [1, 1]} : vector<1152x1xf32> to vector<64x1xf32>
    %slice3A_1797 = vector.extract_strided_slice %dot_general3A_6 {offsets = [832, 0], sizes = [64, 128], strides = [1, 1]} : vector<1152x1024xf32> to vector<64x128xf32>
    %mul3A_1798 = arith.constant 2.000000e+00 : f32
    %mul3A_1799 = vector.broadcast %mul3A_1798 : f32 to vector<64x128xf32>
    %mul3A_1800 = arith.mulf %mul3A_1799, %slice3A_1797 : vector<64x128xf32>
    %sub3A_1801 = vector.broadcast %slice3A_1796 : vector<64x1xf32> to vector<64x128xf32>
    %sub3A_1802 = arith.subf %sub3A_1801, %mul3A_1800 : vector<64x128xf32>
    %slice3A_1803 = vector.extract_strided_slice %reduce_sum3A_10 {offsets = [0], sizes = [128], strides = [1]} : vector<1024xf32> to vector<128xf32>
    %broadcast_in_dim3A_1804 = vector.shape_cast %slice3A_1803 : vector<128xf32> to vector<1x128xf32>
    %add3A_1805 = vector.broadcast %broadcast_in_dim3A_1804 : vector<1x128xf32> to vector<64x128xf32>
    %add3A_1806 = arith.addf %sub3A_1802, %add3A_1805 : vector<64x128xf32>
    %broadcast_in_dim3A_1807 = arith.constant 0 : i32
    %broadcast_in_dim3A_1808 = vector.broadcast %broadcast_in_dim3A_1807 : i32 to vector<64x128xi32>
    %slice3A_1809 = vector.extract_strided_slice %dot_general3A_6 {offsets = [832, 128], sizes = [64, 128], strides = [1, 1]} : vector<1152x1024xf32> to vector<64x128xf32>
    %mul3A_1810 = arith.constant 2.000000e+00 : f32
    %mul3A_1811 = vector.broadcast %mul3A_1810 : f32 to vector<64x128xf32>
    %mul3A_1812 = arith.mulf %mul3A_1811, %slice3A_1809 : vector<64x128xf32>
    %sub3A_1813 = vector.broadcast %slice3A_1796 : vector<64x1xf32> to vector<64x128xf32>
    %sub3A_1814 = arith.subf %sub3A_1813, %mul3A_1812 : vector<64x128xf32>
    %slice3A_1815 = vector.extract_strided_slice %reduce_sum3A_10 {offsets = [128], sizes = [128], strides = [1]} : vector<1024xf32> to vector<128xf32>
    %broadcast_in_dim3A_1816 = vector.shape_cast %slice3A_1815 : vector<128xf32> to vector<1x128xf32>
    %add3A_1817 = vector.broadcast %broadcast_in_dim3A_1816 : vector<1x128xf32> to vector<64x128xf32>
    %add3A_1818 = arith.addf %sub3A_1814, %add3A_1817 : vector<64x128xf32>
    %lt3A_1819 = arith.cmpf olt, %add3A_1818, %add3A_1806 : vector<64x128xf32>
    %select_n3A_1820 = arith.select %lt3A_1819, %add3A_1818, %add3A_1806 : vector<64x128xi1>, vector<64x128xf32>
    %jit3A_1821 = arith.constant 1 : i32
    %broadcast_in_dim3A_1822 = vector.broadcast %jit3A_1821 : i32 to vector<64x128xi32>
    %select_n3A_1823 = arith.select %lt3A_1819, %broadcast_in_dim3A_1822, %broadcast_in_dim3A_1808 : vector<64x128xi1>, vector<64x128xi32>
    %slice3A_1824 = vector.extract_strided_slice %dot_general3A_6 {offsets = [832, 256], sizes = [64, 128], strides = [1, 1]} : vector<1152x1024xf32> to vector<64x128xf32>
    %mul3A_1825 = arith.constant 2.000000e+00 : f32
    %mul3A_1826 = vector.broadcast %mul3A_1825 : f32 to vector<64x128xf32>
    %mul3A_1827 = arith.mulf %mul3A_1826, %slice3A_1824 : vector<64x128xf32>
    %sub3A_1828 = vector.broadcast %slice3A_1796 : vector<64x1xf32> to vector<64x128xf32>
    %sub3A_1829 = arith.subf %sub3A_1828, %mul3A_1827 : vector<64x128xf32>
    %slice3A_1830 = vector.extract_strided_slice %reduce_sum3A_10 {offsets = [256], sizes = [128], strides = [1]} : vector<1024xf32> to vector<128xf32>
    %broadcast_in_dim3A_1831 = vector.shape_cast %slice3A_1830 : vector<128xf32> to vector<1x128xf32>
    %add3A_1832 = vector.broadcast %broadcast_in_dim3A_1831 : vector<1x128xf32> to vector<64x128xf32>
    %add3A_1833 = arith.addf %sub3A_1829, %add3A_1832 : vector<64x128xf32>
    %lt3A_1834 = arith.cmpf olt, %add3A_1833, %select_n3A_1820 : vector<64x128xf32>
    %select_n3A_1835 = arith.select %lt3A_1834, %add3A_1833, %select_n3A_1820 : vector<64x128xi1>, vector<64x128xf32>
    %jit3A_1836 = arith.constant 2 : i32
    %broadcast_in_dim3A_1837 = vector.broadcast %jit3A_1836 : i32 to vector<64x128xi32>
    %select_n3A_1838 = arith.select %lt3A_1834, %broadcast_in_dim3A_1837, %select_n3A_1823 : vector<64x128xi1>, vector<64x128xi32>
    %slice3A_1839 = vector.extract_strided_slice %dot_general3A_6 {offsets = [832, 384], sizes = [64, 128], strides = [1, 1]} : vector<1152x1024xf32> to vector<64x128xf32>
    %mul3A_1840 = arith.constant 2.000000e+00 : f32
    %mul3A_1841 = vector.broadcast %mul3A_1840 : f32 to vector<64x128xf32>
    %mul3A_1842 = arith.mulf %mul3A_1841, %slice3A_1839 : vector<64x128xf32>
    %sub3A_1843 = vector.broadcast %slice3A_1796 : vector<64x1xf32> to vector<64x128xf32>
    %sub3A_1844 = arith.subf %sub3A_1843, %mul3A_1842 : vector<64x128xf32>
    %slice3A_1845 = vector.extract_strided_slice %reduce_sum3A_10 {offsets = [384], sizes = [128], strides = [1]} : vector<1024xf32> to vector<128xf32>
    %broadcast_in_dim3A_1846 = vector.shape_cast %slice3A_1845 : vector<128xf32> to vector<1x128xf32>
    %add3A_1847 = vector.broadcast %broadcast_in_dim3A_1846 : vector<1x128xf32> to vector<64x128xf32>
    %add3A_1848 = arith.addf %sub3A_1844, %add3A_1847 : vector<64x128xf32>
    %lt3A_1849 = arith.cmpf olt, %add3A_1848, %select_n3A_1835 : vector<64x128xf32>
    %select_n3A_1850 = arith.select %lt3A_1849, %add3A_1848, %select_n3A_1835 : vector<64x128xi1>, vector<64x128xf32>
    %jit3A_1851 = arith.constant 3 : i32
    %broadcast_in_dim3A_1852 = vector.broadcast %jit3A_1851 : i32 to vector<64x128xi32>
    %select_n3A_1853 = arith.select %lt3A_1849, %broadcast_in_dim3A_1852, %select_n3A_1838 : vector<64x128xi1>, vector<64x128xi32>
    %slice3A_1854 = vector.extract_strided_slice %dot_general3A_6 {offsets = [832, 512], sizes = [64, 128], strides = [1, 1]} : vector<1152x1024xf32> to vector<64x128xf32>
    %mul3A_1855 = arith.constant 2.000000e+00 : f32
    %mul3A_1856 = vector.broadcast %mul3A_1855 : f32 to vector<64x128xf32>
    %mul3A_1857 = arith.mulf %mul3A_1856, %slice3A_1854 : vector<64x128xf32>
    %sub3A_1858 = vector.broadcast %slice3A_1796 : vector<64x1xf32> to vector<64x128xf32>
    %sub3A_1859 = arith.subf %sub3A_1858, %mul3A_1857 : vector<64x128xf32>
    %slice3A_1860 = vector.extract_strided_slice %reduce_sum3A_10 {offsets = [512], sizes = [128], strides = [1]} : vector<1024xf32> to vector<128xf32>
    %broadcast_in_dim3A_1861 = vector.shape_cast %slice3A_1860 : vector<128xf32> to vector<1x128xf32>
    %add3A_1862 = vector.broadcast %broadcast_in_dim3A_1861 : vector<1x128xf32> to vector<64x128xf32>
    %add3A_1863 = arith.addf %sub3A_1859, %add3A_1862 : vector<64x128xf32>
    %lt3A_1864 = arith.cmpf olt, %add3A_1863, %select_n3A_1850 : vector<64x128xf32>
    %select_n3A_1865 = arith.select %lt3A_1864, %add3A_1863, %select_n3A_1850 : vector<64x128xi1>, vector<64x128xf32>
    %jit3A_1866 = arith.constant 4 : i32
    %broadcast_in_dim3A_1867 = vector.broadcast %jit3A_1866 : i32 to vector<64x128xi32>
    %select_n3A_1868 = arith.select %lt3A_1864, %broadcast_in_dim3A_1867, %select_n3A_1853 : vector<64x128xi1>, vector<64x128xi32>
    %slice3A_1869 = vector.extract_strided_slice %dot_general3A_6 {offsets = [832, 640], sizes = [64, 128], strides = [1, 1]} : vector<1152x1024xf32> to vector<64x128xf32>
    %mul3A_1870 = arith.constant 2.000000e+00 : f32
    %mul3A_1871 = vector.broadcast %mul3A_1870 : f32 to vector<64x128xf32>
    %mul3A_1872 = arith.mulf %mul3A_1871, %slice3A_1869 : vector<64x128xf32>
    %sub3A_1873 = vector.broadcast %slice3A_1796 : vector<64x1xf32> to vector<64x128xf32>
    %sub3A_1874 = arith.subf %sub3A_1873, %mul3A_1872 : vector<64x128xf32>
    %slice3A_1875 = vector.extract_strided_slice %reduce_sum3A_10 {offsets = [640], sizes = [128], strides = [1]} : vector<1024xf32> to vector<128xf32>
    %broadcast_in_dim3A_1876 = vector.shape_cast %slice3A_1875 : vector<128xf32> to vector<1x128xf32>
    %add3A_1877 = vector.broadcast %broadcast_in_dim3A_1876 : vector<1x128xf32> to vector<64x128xf32>
    %add3A_1878 = arith.addf %sub3A_1874, %add3A_1877 : vector<64x128xf32>
    %lt3A_1879 = arith.cmpf olt, %add3A_1878, %select_n3A_1865 : vector<64x128xf32>
    %select_n3A_1880 = arith.select %lt3A_1879, %add3A_1878, %select_n3A_1865 : vector<64x128xi1>, vector<64x128xf32>
    %jit3A_1881 = arith.constant 5 : i32
    %broadcast_in_dim3A_1882 = vector.broadcast %jit3A_1881 : i32 to vector<64x128xi32>
    %select_n3A_1883 = arith.select %lt3A_1879, %broadcast_in_dim3A_1882, %select_n3A_1868 : vector<64x128xi1>, vector<64x128xi32>
    %slice3A_1884 = vector.extract_strided_slice %dot_general3A_6 {offsets = [832, 768], sizes = [64, 128], strides = [1, 1]} : vector<1152x1024xf32> to vector<64x128xf32>
    %mul3A_1885 = arith.constant 2.000000e+00 : f32
    %mul3A_1886 = vector.broadcast %mul3A_1885 : f32 to vector<64x128xf32>
    %mul3A_1887 = arith.mulf %mul3A_1886, %slice3A_1884 : vector<64x128xf32>
    %sub3A_1888 = vector.broadcast %slice3A_1796 : vector<64x1xf32> to vector<64x128xf32>
    %sub3A_1889 = arith.subf %sub3A_1888, %mul3A_1887 : vector<64x128xf32>
    %slice3A_1890 = vector.extract_strided_slice %reduce_sum3A_10 {offsets = [768], sizes = [128], strides = [1]} : vector<1024xf32> to vector<128xf32>
    %broadcast_in_dim3A_1891 = vector.shape_cast %slice3A_1890 : vector<128xf32> to vector<1x128xf32>
    %add3A_1892 = vector.broadcast %broadcast_in_dim3A_1891 : vector<1x128xf32> to vector<64x128xf32>
    %add3A_1893 = arith.addf %sub3A_1889, %add3A_1892 : vector<64x128xf32>
    %lt3A_1894 = arith.cmpf olt, %add3A_1893, %select_n3A_1880 : vector<64x128xf32>
    %select_n3A_1895 = arith.select %lt3A_1894, %add3A_1893, %select_n3A_1880 : vector<64x128xi1>, vector<64x128xf32>
    %jit3A_1896 = arith.constant 6 : i32
    %broadcast_in_dim3A_1897 = vector.broadcast %jit3A_1896 : i32 to vector<64x128xi32>
    %select_n3A_1898 = arith.select %lt3A_1894, %broadcast_in_dim3A_1897, %select_n3A_1883 : vector<64x128xi1>, vector<64x128xi32>
    %slice3A_1899 = vector.extract_strided_slice %dot_general3A_6 {offsets = [832, 896], sizes = [64, 128], strides = [1, 1]} : vector<1152x1024xf32> to vector<64x128xf32>
    %mul3A_1900 = arith.constant 2.000000e+00 : f32
    %mul3A_1901 = vector.broadcast %mul3A_1900 : f32 to vector<64x128xf32>
    %mul3A_1902 = arith.mulf %mul3A_1901, %slice3A_1899 : vector<64x128xf32>
    %sub3A_1903 = vector.broadcast %slice3A_1796 : vector<64x1xf32> to vector<64x128xf32>
    %sub3A_1904 = arith.subf %sub3A_1903, %mul3A_1902 : vector<64x128xf32>
    %slice3A_1905 = vector.extract_strided_slice %reduce_sum3A_10 {offsets = [896], sizes = [128], strides = [1]} : vector<1024xf32> to vector<128xf32>
    %broadcast_in_dim3A_1906 = vector.shape_cast %slice3A_1905 : vector<128xf32> to vector<1x128xf32>
    %add3A_1907 = vector.broadcast %broadcast_in_dim3A_1906 : vector<1x128xf32> to vector<64x128xf32>
    %add3A_1908 = arith.addf %sub3A_1904, %add3A_1907 : vector<64x128xf32>
    %lt3A_1909 = arith.cmpf olt, %add3A_1908, %select_n3A_1895 : vector<64x128xf32>
    %select_n3A_1910 = arith.select %lt3A_1909, %add3A_1908, %select_n3A_1895 : vector<64x128xi1>, vector<64x128xf32>
    %jit3A_1911 = arith.constant 7 : i32
    %broadcast_in_dim3A_1912 = vector.broadcast %jit3A_1911 : i32 to vector<64x128xi32>
    %select_n3A_1913 = arith.select %lt3A_1909, %broadcast_in_dim3A_1912, %select_n3A_1898 : vector<64x128xi1>, vector<64x128xi32>
    %reduce_min3A_1914 = arith.constant dense<0x7F800000> : vector<64xf32>
    %reduce_min3A_1915 = vector.multi_reduction <minimumf>, %select_n3A_1910, %reduce_min3A_1914 [1] : vector<64x128xf32> to vector<64xf32>
    %broadcast_in_dim3A_1916 = vector.shape_cast %reduce_min3A_1915 : vector<64xf32> to vector<64x1xf32>
    %eq3A_1917 = vector.broadcast %broadcast_in_dim3A_1916 : vector<64x1xf32> to vector<64x128xf32>
    %eq3A_1918 = arith.cmpf oeq, %select_n3A_1910, %eq3A_1917 : vector<64x128xf32>
    %mul3A_1919 = arith.constant 128 : i32
    %mul3A_1920 = vector.broadcast %mul3A_1919 : i32 to vector<64x128xi32>
    %mul3A_1921 = arith.muli %select_n3A_1913, %mul3A_1920 : vector<64x128xi32>
    %add3A_1922 = arith.addi %mul3A_1921, %iota3A : vector<64x128xi32>
    %jit3A_1923 = arith.constant 1024 : i32
    %broadcast_in_dim3A_1924 = vector.broadcast %jit3A_1923 : i32 to vector<64x128xi32>
    %select_n3A_1925 = arith.select %eq3A_1918, %add3A_1922, %broadcast_in_dim3A_1924 : vector<64x128xi1>, vector<64x128xi32>
    %reduce_min3A_1926 = arith.constant dense<2147483647> : vector<64xi32>
    %reduce_min3A_1927 = vector.multi_reduction <minsi>, %select_n3A_1925, %reduce_min3A_1926 [1] : vector<64x128xi32> to vector<64xi32>
    %swap3A_1928 = arith.constant 0 : index
    %swap3A_1929 = arith.constant 0 : index
    %swap3A_1930 = arith.constant 832 : index
    %swap3A_1931 = vector.load %arg3[%swap3A_1928, %swap3A_1929, %swap3A_1930] : memref<1x1x1152xi32, #tpu.memory_space<vmem>>, vector<1x1x64xi32>
    %swap3A_1932 = vector.shape_cast %swap3A_1931 : vector<1x1x64xi32> to vector<64xi32>
    %swap3A_1933 = vector.shape_cast %reduce_min3A_1927 : vector<64xi32> to vector<1x1x64xi32>
    tpu.vector_store %arg3[%swap3A_1928, %swap3A_1929, %swap3A_1930], %swap3A_1933 {strides = array<i32>} : memref<1x1x1152xi32, #tpu.memory_space<vmem>>, vector<1x1x64xi32>,
    %slice3A_1934 = vector.extract_strided_slice %broadcast_in_dim3A {offsets = [896, 0], sizes = [64, 1], strides = [1, 1]} : vector<1152x1xf32> to vector<64x1xf32>
    %slice3A_1935 = vector.extract_strided_slice %dot_general3A_6 {offsets = [896, 0], sizes = [64, 128], strides = [1, 1]} : vector<1152x1024xf32> to vector<64x128xf32>
    %mul3A_1936 = arith.constant 2.000000e+00 : f32
    %mul3A_1937 = vector.broadcast %mul3A_1936 : f32 to vector<64x128xf32>
    %mul3A_1938 = arith.mulf %mul3A_1937, %slice3A_1935 : vector<64x128xf32>
    %sub3A_1939 = vector.broadcast %slice3A_1934 : vector<64x1xf32> to vector<64x128xf32>
    %sub3A_1940 = arith.subf %sub3A_1939, %mul3A_1938 : vector<64x128xf32>
    %slice3A_1941 = vector.extract_strided_slice %reduce_sum3A_10 {offsets = [0], sizes = [128], strides = [1]} : vector<1024xf32> to vector<128xf32>
    %broadcast_in_dim3A_1942 = vector.shape_cast %slice3A_1941 : vector<128xf32> to vector<1x128xf32>
    %add3A_1943 = vector.broadcast %broadcast_in_dim3A_1942 : vector<1x128xf32> to vector<64x128xf32>
    %add3A_1944 = arith.addf %sub3A_1940, %add3A_1943 : vector<64x128xf32>
    %broadcast_in_dim3A_1945 = arith.constant 0 : i32
    %broadcast_in_dim3A_1946 = vector.broadcast %broadcast_in_dim3A_1945 : i32 to vector<64x128xi32>
    %slice3A_1947 = vector.extract_strided_slice %dot_general3A_6 {offsets = [896, 128], sizes = [64, 128], strides = [1, 1]} : vector<1152x1024xf32> to vector<64x128xf32>
    %mul3A_1948 = arith.constant 2.000000e+00 : f32
    %mul3A_1949 = vector.broadcast %mul3A_1948 : f32 to vector<64x128xf32>
    %mul3A_1950 = arith.mulf %mul3A_1949, %slice3A_1947 : vector<64x128xf32>
    %sub3A_1951 = vector.broadcast %slice3A_1934 : vector<64x1xf32> to vector<64x128xf32>
    %sub3A_1952 = arith.subf %sub3A_1951, %mul3A_1950 : vector<64x128xf32>
    %slice3A_1953 = vector.extract_strided_slice %reduce_sum3A_10 {offsets = [128], sizes = [128], strides = [1]} : vector<1024xf32> to vector<128xf32>
    %broadcast_in_dim3A_1954 = vector.shape_cast %slice3A_1953 : vector<128xf32> to vector<1x128xf32>
    %add3A_1955 = vector.broadcast %broadcast_in_dim3A_1954 : vector<1x128xf32> to vector<64x128xf32>
    %add3A_1956 = arith.addf %sub3A_1952, %add3A_1955 : vector<64x128xf32>
    %lt3A_1957 = arith.cmpf olt, %add3A_1956, %add3A_1944 : vector<64x128xf32>
    %select_n3A_1958 = arith.select %lt3A_1957, %add3A_1956, %add3A_1944 : vector<64x128xi1>, vector<64x128xf32>
    %jit3A_1959 = arith.constant 1 : i32
    %broadcast_in_dim3A_1960 = vector.broadcast %jit3A_1959 : i32 to vector<64x128xi32>
    %select_n3A_1961 = arith.select %lt3A_1957, %broadcast_in_dim3A_1960, %broadcast_in_dim3A_1946 : vector<64x128xi1>, vector<64x128xi32>
    %slice3A_1962 = vector.extract_strided_slice %dot_general3A_6 {offsets = [896, 256], sizes = [64, 128], strides = [1, 1]} : vector<1152x1024xf32> to vector<64x128xf32>
    %mul3A_1963 = arith.constant 2.000000e+00 : f32
    %mul3A_1964 = vector.broadcast %mul3A_1963 : f32 to vector<64x128xf32>
    %mul3A_1965 = arith.mulf %mul3A_1964, %slice3A_1962 : vector<64x128xf32>
    %sub3A_1966 = vector.broadcast %slice3A_1934 : vector<64x1xf32> to vector<64x128xf32>
    %sub3A_1967 = arith.subf %sub3A_1966, %mul3A_1965 : vector<64x128xf32>
    %slice3A_1968 = vector.extract_strided_slice %reduce_sum3A_10 {offsets = [256], sizes = [128], strides = [1]} : vector<1024xf32> to vector<128xf32>
    %broadcast_in_dim3A_1969 = vector.shape_cast %slice3A_1968 : vector<128xf32> to vector<1x128xf32>
    %add3A_1970 = vector.broadcast %broadcast_in_dim3A_1969 : vector<1x128xf32> to vector<64x128xf32>
    %add3A_1971 = arith.addf %sub3A_1967, %add3A_1970 : vector<64x128xf32>
    %lt3A_1972 = arith.cmpf olt, %add3A_1971, %select_n3A_1958 : vector<64x128xf32>
    %select_n3A_1973 = arith.select %lt3A_1972, %add3A_1971, %select_n3A_1958 : vector<64x128xi1>, vector<64x128xf32>
    %jit3A_1974 = arith.constant 2 : i32
    %broadcast_in_dim3A_1975 = vector.broadcast %jit3A_1974 : i32 to vector<64x128xi32>
    %select_n3A_1976 = arith.select %lt3A_1972, %broadcast_in_dim3A_1975, %select_n3A_1961 : vector<64x128xi1>, vector<64x128xi32>
    %slice3A_1977 = vector.extract_strided_slice %dot_general3A_6 {offsets = [896, 384], sizes = [64, 128], strides = [1, 1]} : vector<1152x1024xf32> to vector<64x128xf32>
    %mul3A_1978 = arith.constant 2.000000e+00 : f32
    %mul3A_1979 = vector.broadcast %mul3A_1978 : f32 to vector<64x128xf32>
    %mul3A_1980 = arith.mulf %mul3A_1979, %slice3A_1977 : vector<64x128xf32>
    %sub3A_1981 = vector.broadcast %slice3A_1934 : vector<64x1xf32> to vector<64x128xf32>
    %sub3A_1982 = arith.subf %sub3A_1981, %mul3A_1980 : vector<64x128xf32>
    %slice3A_1983 = vector.extract_strided_slice %reduce_sum3A_10 {offsets = [384], sizes = [128], strides = [1]} : vector<1024xf32> to vector<128xf32>
    %broadcast_in_dim3A_1984 = vector.shape_cast %slice3A_1983 : vector<128xf32> to vector<1x128xf32>
    %add3A_1985 = vector.broadcast %broadcast_in_dim3A_1984 : vector<1x128xf32> to vector<64x128xf32>
    %add3A_1986 = arith.addf %sub3A_1982, %add3A_1985 : vector<64x128xf32>
    %lt3A_1987 = arith.cmpf olt, %add3A_1986, %select_n3A_1973 : vector<64x128xf32>
    %select_n3A_1988 = arith.select %lt3A_1987, %add3A_1986, %select_n3A_1973 : vector<64x128xi1>, vector<64x128xf32>
    %jit3A_1989 = arith.constant 3 : i32
    %broadcast_in_dim3A_1990 = vector.broadcast %jit3A_1989 : i32 to vector<64x128xi32>
    %select_n3A_1991 = arith.select %lt3A_1987, %broadcast_in_dim3A_1990, %select_n3A_1976 : vector<64x128xi1>, vector<64x128xi32>
    %slice3A_1992 = vector.extract_strided_slice %dot_general3A_6 {offsets = [896, 512], sizes = [64, 128], strides = [1, 1]} : vector<1152x1024xf32> to vector<64x128xf32>
    %mul3A_1993 = arith.constant 2.000000e+00 : f32
    %mul3A_1994 = vector.broadcast %mul3A_1993 : f32 to vector<64x128xf32>
    %mul3A_1995 = arith.mulf %mul3A_1994, %slice3A_1992 : vector<64x128xf32>
    %sub3A_1996 = vector.broadcast %slice3A_1934 : vector<64x1xf32> to vector<64x128xf32>
    %sub3A_1997 = arith.subf %sub3A_1996, %mul3A_1995 : vector<64x128xf32>
    %slice3A_1998 = vector.extract_strided_slice %reduce_sum3A_10 {offsets = [512], sizes = [128], strides = [1]} : vector<1024xf32> to vector<128xf32>
    %broadcast_in_dim3A_1999 = vector.shape_cast %slice3A_1998 : vector<128xf32> to vector<1x128xf32>
    %add3A_2000 = vector.broadcast %broadcast_in_dim3A_1999 : vector<1x128xf32> to vector<64x128xf32>
    %add3A_2001 = arith.addf %sub3A_1997, %add3A_2000 : vector<64x128xf32>
    %lt3A_2002 = arith.cmpf olt, %add3A_2001, %select_n3A_1988 : vector<64x128xf32>
    %select_n3A_2003 = arith.select %lt3A_2002, %add3A_2001, %select_n3A_1988 : vector<64x128xi1>, vector<64x128xf32>
    %jit3A_2004 = arith.constant 4 : i32
    %broadcast_in_dim3A_2005 = vector.broadcast %jit3A_2004 : i32 to vector<64x128xi32>
    %select_n3A_2006 = arith.select %lt3A_2002, %broadcast_in_dim3A_2005, %select_n3A_1991 : vector<64x128xi1>, vector<64x128xi32>
    %slice3A_2007 = vector.extract_strided_slice %dot_general3A_6 {offsets = [896, 640], sizes = [64, 128], strides = [1, 1]} : vector<1152x1024xf32> to vector<64x128xf32>
    %mul3A_2008 = arith.constant 2.000000e+00 : f32
    %mul3A_2009 = vector.broadcast %mul3A_2008 : f32 to vector<64x128xf32>
    %mul3A_2010 = arith.mulf %mul3A_2009, %slice3A_2007 : vector<64x128xf32>
    %sub3A_2011 = vector.broadcast %slice3A_1934 : vector<64x1xf32> to vector<64x128xf32>
    %sub3A_2012 = arith.subf %sub3A_2011, %mul3A_2010 : vector<64x128xf32>
    %slice3A_2013 = vector.extract_strided_slice %reduce_sum3A_10 {offsets = [640], sizes = [128], strides = [1]} : vector<1024xf32> to vector<128xf32>
    %broadcast_in_dim3A_2014 = vector.shape_cast %slice3A_2013 : vector<128xf32> to vector<1x128xf32>
    %add3A_2015 = vector.broadcast %broadcast_in_dim3A_2014 : vector<1x128xf32> to vector<64x128xf32>
    %add3A_2016 = arith.addf %sub3A_2012, %add3A_2015 : vector<64x128xf32>
    %lt3A_2017 = arith.cmpf olt, %add3A_2016, %select_n3A_2003 : vector<64x128xf32>
    %select_n3A_2018 = arith.select %lt3A_2017, %add3A_2016, %select_n3A_2003 : vector<64x128xi1>, vector<64x128xf32>
    %jit3A_2019 = arith.constant 5 : i32
    %broadcast_in_dim3A_2020 = vector.broadcast %jit3A_2019 : i32 to vector<64x128xi32>
    %select_n3A_2021 = arith.select %lt3A_2017, %broadcast_in_dim3A_2020, %select_n3A_2006 : vector<64x128xi1>, vector<64x128xi32>
    %slice3A_2022 = vector.extract_strided_slice %dot_general3A_6 {offsets = [896, 768], sizes = [64, 128], strides = [1, 1]} : vector<1152x1024xf32> to vector<64x128xf32>
    %mul3A_2023 = arith.constant 2.000000e+00 : f32
    %mul3A_2024 = vector.broadcast %mul3A_2023 : f32 to vector<64x128xf32>
    %mul3A_2025 = arith.mulf %mul3A_2024, %slice3A_2022 : vector<64x128xf32>
    %sub3A_2026 = vector.broadcast %slice3A_1934 : vector<64x1xf32> to vector<64x128xf32>
    %sub3A_2027 = arith.subf %sub3A_2026, %mul3A_2025 : vector<64x128xf32>
    %slice3A_2028 = vector.extract_strided_slice %reduce_sum3A_10 {offsets = [768], sizes = [128], strides = [1]} : vector<1024xf32> to vector<128xf32>
    %broadcast_in_dim3A_2029 = vector.shape_cast %slice3A_2028 : vector<128xf32> to vector<1x128xf32>
    %add3A_2030 = vector.broadcast %broadcast_in_dim3A_2029 : vector<1x128xf32> to vector<64x128xf32>
    %add3A_2031 = arith.addf %sub3A_2027, %add3A_2030 : vector<64x128xf32>
    %lt3A_2032 = arith.cmpf olt, %add3A_2031, %select_n3A_2018 : vector<64x128xf32>
    %select_n3A_2033 = arith.select %lt3A_2032, %add3A_2031, %select_n3A_2018 : vector<64x128xi1>, vector<64x128xf32>
    %jit3A_2034 = arith.constant 6 : i32
    %broadcast_in_dim3A_2035 = vector.broadcast %jit3A_2034 : i32 to vector<64x128xi32>
    %select_n3A_2036 = arith.select %lt3A_2032, %broadcast_in_dim3A_2035, %select_n3A_2021 : vector<64x128xi1>, vector<64x128xi32>
    %slice3A_2037 = vector.extract_strided_slice %dot_general3A_6 {offsets = [896, 896], sizes = [64, 128], strides = [1, 1]} : vector<1152x1024xf32> to vector<64x128xf32>
    %mul3A_2038 = arith.constant 2.000000e+00 : f32
    %mul3A_2039 = vector.broadcast %mul3A_2038 : f32 to vector<64x128xf32>
    %mul3A_2040 = arith.mulf %mul3A_2039, %slice3A_2037 : vector<64x128xf32>
    %sub3A_2041 = vector.broadcast %slice3A_1934 : vector<64x1xf32> to vector<64x128xf32>
    %sub3A_2042 = arith.subf %sub3A_2041, %mul3A_2040 : vector<64x128xf32>
    %slice3A_2043 = vector.extract_strided_slice %reduce_sum3A_10 {offsets = [896], sizes = [128], strides = [1]} : vector<1024xf32> to vector<128xf32>
    %broadcast_in_dim3A_2044 = vector.shape_cast %slice3A_2043 : vector<128xf32> to vector<1x128xf32>
    %add3A_2045 = vector.broadcast %broadcast_in_dim3A_2044 : vector<1x128xf32> to vector<64x128xf32>
    %add3A_2046 = arith.addf %sub3A_2042, %add3A_2045 : vector<64x128xf32>
    %lt3A_2047 = arith.cmpf olt, %add3A_2046, %select_n3A_2033 : vector<64x128xf32>
    %select_n3A_2048 = arith.select %lt3A_2047, %add3A_2046, %select_n3A_2033 : vector<64x128xi1>, vector<64x128xf32>
    %jit3A_2049 = arith.constant 7 : i32
    %broadcast_in_dim3A_2050 = vector.broadcast %jit3A_2049 : i32 to vector<64x128xi32>
    %select_n3A_2051 = arith.select %lt3A_2047, %broadcast_in_dim3A_2050, %select_n3A_2036 : vector<64x128xi1>, vector<64x128xi32>
    %reduce_min3A_2052 = arith.constant dense<0x7F800000> : vector<64xf32>
    %reduce_min3A_2053 = vector.multi_reduction <minimumf>, %select_n3A_2048, %reduce_min3A_2052 [1] : vector<64x128xf32> to vector<64xf32>
    %broadcast_in_dim3A_2054 = vector.shape_cast %reduce_min3A_2053 : vector<64xf32> to vector<64x1xf32>
    %eq3A_2055 = vector.broadcast %broadcast_in_dim3A_2054 : vector<64x1xf32> to vector<64x128xf32>
    %eq3A_2056 = arith.cmpf oeq, %select_n3A_2048, %eq3A_2055 : vector<64x128xf32>
    %mul3A_2057 = arith.constant 128 : i32
    %mul3A_2058 = vector.broadcast %mul3A_2057 : i32 to vector<64x128xi32>
    %mul3A_2059 = arith.muli %select_n3A_2051, %mul3A_2058 : vector<64x128xi32>
    %add3A_2060 = arith.addi %mul3A_2059, %iota3A : vector<64x128xi32>
    %jit3A_2061 = arith.constant 1024 : i32
    %broadcast_in_dim3A_2062 = vector.broadcast %jit3A_2061 : i32 to vector<64x128xi32>
    %select_n3A_2063 = arith.select %eq3A_2056, %add3A_2060, %broadcast_in_dim3A_2062 : vector<64x128xi1>, vector<64x128xi32>
    %reduce_min3A_2064 = arith.constant dense<2147483647> : vector<64xi32>
    %reduce_min3A_2065 = vector.multi_reduction <minsi>, %select_n3A_2063, %reduce_min3A_2064 [1] : vector<64x128xi32> to vector<64xi32>
    %swap3A_2066 = arith.constant 0 : index
    %swap3A_2067 = arith.constant 0 : index
    %swap3A_2068 = arith.constant 896 : index
    %swap3A_2069 = vector.load %arg3[%swap3A_2066, %swap3A_2067, %swap3A_2068] : memref<1x1x1152xi32, #tpu.memory_space<vmem>>, vector<1x1x64xi32>
    %swap3A_2070 = vector.shape_cast %swap3A_2069 : vector<1x1x64xi32> to vector<64xi32>
    %swap3A_2071 = vector.shape_cast %reduce_min3A_2065 : vector<64xi32> to vector<1x1x64xi32>
    tpu.vector_store %arg3[%swap3A_2066, %swap3A_2067, %swap3A_2068], %swap3A_2071 {strides = array<i32>} : memref<1x1x1152xi32, #tpu.memory_space<vmem>>, vector<1x1x64xi32>,
    %slice3A_2072 = vector.extract_strided_slice %broadcast_in_dim3A {offsets = [960, 0], sizes = [64, 1], strides = [1, 1]} : vector<1152x1xf32> to vector<64x1xf32>
    %slice3A_2073 = vector.extract_strided_slice %dot_general3A_6 {offsets = [960, 0], sizes = [64, 128], strides = [1, 1]} : vector<1152x1024xf32> to vector<64x128xf32>
    %mul3A_2074 = arith.constant 2.000000e+00 : f32
    %mul3A_2075 = vector.broadcast %mul3A_2074 : f32 to vector<64x128xf32>
    %mul3A_2076 = arith.mulf %mul3A_2075, %slice3A_2073 : vector<64x128xf32>
    %sub3A_2077 = vector.broadcast %slice3A_2072 : vector<64x1xf32> to vector<64x128xf32>
    %sub3A_2078 = arith.subf %sub3A_2077, %mul3A_2076 : vector<64x128xf32>
    %slice3A_2079 = vector.extract_strided_slice %reduce_sum3A_10 {offsets = [0], sizes = [128], strides = [1]} : vector<1024xf32> to vector<128xf32>
    %broadcast_in_dim3A_2080 = vector.shape_cast %slice3A_2079 : vector<128xf32> to vector<1x128xf32>
    %add3A_2081 = vector.broadcast %broadcast_in_dim3A_2080 : vector<1x128xf32> to vector<64x128xf32>
    %add3A_2082 = arith.addf %sub3A_2078, %add3A_2081 : vector<64x128xf32>
    %broadcast_in_dim3A_2083 = arith.constant 0 : i32
    %broadcast_in_dim3A_2084 = vector.broadcast %broadcast_in_dim3A_2083 : i32 to vector<64x128xi32>
    %slice3A_2085 = vector.extract_strided_slice %dot_general3A_6 {offsets = [960, 128], sizes = [64, 128], strides = [1, 1]} : vector<1152x1024xf32> to vector<64x128xf32>
    %mul3A_2086 = arith.constant 2.000000e+00 : f32
    %mul3A_2087 = vector.broadcast %mul3A_2086 : f32 to vector<64x128xf32>
    %mul3A_2088 = arith.mulf %mul3A_2087, %slice3A_2085 : vector<64x128xf32>
    %sub3A_2089 = vector.broadcast %slice3A_2072 : vector<64x1xf32> to vector<64x128xf32>
    %sub3A_2090 = arith.subf %sub3A_2089, %mul3A_2088 : vector<64x128xf32>
    %slice3A_2091 = vector.extract_strided_slice %reduce_sum3A_10 {offsets = [128], sizes = [128], strides = [1]} : vector<1024xf32> to vector<128xf32>
    %broadcast_in_dim3A_2092 = vector.shape_cast %slice3A_2091 : vector<128xf32> to vector<1x128xf32>
    %add3A_2093 = vector.broadcast %broadcast_in_dim3A_2092 : vector<1x128xf32> to vector<64x128xf32>
    %add3A_2094 = arith.addf %sub3A_2090, %add3A_2093 : vector<64x128xf32>
    %lt3A_2095 = arith.cmpf olt, %add3A_2094, %add3A_2082 : vector<64x128xf32>
    %select_n3A_2096 = arith.select %lt3A_2095, %add3A_2094, %add3A_2082 : vector<64x128xi1>, vector<64x128xf32>
    %jit3A_2097 = arith.constant 1 : i32
    %broadcast_in_dim3A_2098 = vector.broadcast %jit3A_2097 : i32 to vector<64x128xi32>
    %select_n3A_2099 = arith.select %lt3A_2095, %broadcast_in_dim3A_2098, %broadcast_in_dim3A_2084 : vector<64x128xi1>, vector<64x128xi32>
    %slice3A_2100 = vector.extract_strided_slice %dot_general3A_6 {offsets = [960, 256], sizes = [64, 128], strides = [1, 1]} : vector<1152x1024xf32> to vector<64x128xf32>
    %mul3A_2101 = arith.constant 2.000000e+00 : f32
    %mul3A_2102 = vector.broadcast %mul3A_2101 : f32 to vector<64x128xf32>
    %mul3A_2103 = arith.mulf %mul3A_2102, %slice3A_2100 : vector<64x128xf32>
    %sub3A_2104 = vector.broadcast %slice3A_2072 : vector<64x1xf32> to vector<64x128xf32>
    %sub3A_2105 = arith.subf %sub3A_2104, %mul3A_2103 : vector<64x128xf32>
    %slice3A_2106 = vector.extract_strided_slice %reduce_sum3A_10 {offsets = [256], sizes = [128], strides = [1]} : vector<1024xf32> to vector<128xf32>
    %broadcast_in_dim3A_2107 = vector.shape_cast %slice3A_2106 : vector<128xf32> to vector<1x128xf32>
    %add3A_2108 = vector.broadcast %broadcast_in_dim3A_2107 : vector<1x128xf32> to vector<64x128xf32>
    %add3A_2109 = arith.addf %sub3A_2105, %add3A_2108 : vector<64x128xf32>
    %lt3A_2110 = arith.cmpf olt, %add3A_2109, %select_n3A_2096 : vector<64x128xf32>
    %select_n3A_2111 = arith.select %lt3A_2110, %add3A_2109, %select_n3A_2096 : vector<64x128xi1>, vector<64x128xf32>
    %jit3A_2112 = arith.constant 2 : i32
    %broadcast_in_dim3A_2113 = vector.broadcast %jit3A_2112 : i32 to vector<64x128xi32>
    %select_n3A_2114 = arith.select %lt3A_2110, %broadcast_in_dim3A_2113, %select_n3A_2099 : vector<64x128xi1>, vector<64x128xi32>
    %slice3A_2115 = vector.extract_strided_slice %dot_general3A_6 {offsets = [960, 384], sizes = [64, 128], strides = [1, 1]} : vector<1152x1024xf32> to vector<64x128xf32>
    %mul3A_2116 = arith.constant 2.000000e+00 : f32
    %mul3A_2117 = vector.broadcast %mul3A_2116 : f32 to vector<64x128xf32>
    %mul3A_2118 = arith.mulf %mul3A_2117, %slice3A_2115 : vector<64x128xf32>
    %sub3A_2119 = vector.broadcast %slice3A_2072 : vector<64x1xf32> to vector<64x128xf32>
    %sub3A_2120 = arith.subf %sub3A_2119, %mul3A_2118 : vector<64x128xf32>
    %slice3A_2121 = vector.extract_strided_slice %reduce_sum3A_10 {offsets = [384], sizes = [128], strides = [1]} : vector<1024xf32> to vector<128xf32>
    %broadcast_in_dim3A_2122 = vector.shape_cast %slice3A_2121 : vector<128xf32> to vector<1x128xf32>
    %add3A_2123 = vector.broadcast %broadcast_in_dim3A_2122 : vector<1x128xf32> to vector<64x128xf32>
    %add3A_2124 = arith.addf %sub3A_2120, %add3A_2123 : vector<64x128xf32>
    %lt3A_2125 = arith.cmpf olt, %add3A_2124, %select_n3A_2111 : vector<64x128xf32>
    %select_n3A_2126 = arith.select %lt3A_2125, %add3A_2124, %select_n3A_2111 : vector<64x128xi1>, vector<64x128xf32>
    %jit3A_2127 = arith.constant 3 : i32
    %broadcast_in_dim3A_2128 = vector.broadcast %jit3A_2127 : i32 to vector<64x128xi32>
    %select_n3A_2129 = arith.select %lt3A_2125, %broadcast_in_dim3A_2128, %select_n3A_2114 : vector<64x128xi1>, vector<64x128xi32>
    %slice3A_2130 = vector.extract_strided_slice %dot_general3A_6 {offsets = [960, 512], sizes = [64, 128], strides = [1, 1]} : vector<1152x1024xf32> to vector<64x128xf32>
    %mul3A_2131 = arith.constant 2.000000e+00 : f32
    %mul3A_2132 = vector.broadcast %mul3A_2131 : f32 to vector<64x128xf32>
    %mul3A_2133 = arith.mulf %mul3A_2132, %slice3A_2130 : vector<64x128xf32>
    %sub3A_2134 = vector.broadcast %slice3A_2072 : vector<64x1xf32> to vector<64x128xf32>
    %sub3A_2135 = arith.subf %sub3A_2134, %mul3A_2133 : vector<64x128xf32>
    %slice3A_2136 = vector.extract_strided_slice %reduce_sum3A_10 {offsets = [512], sizes = [128], strides = [1]} : vector<1024xf32> to vector<128xf32>
    %broadcast_in_dim3A_2137 = vector.shape_cast %slice3A_2136 : vector<128xf32> to vector<1x128xf32>
    %add3A_2138 = vector.broadcast %broadcast_in_dim3A_2137 : vector<1x128xf32> to vector<64x128xf32>
    %add3A_2139 = arith.addf %sub3A_2135, %add3A_2138 : vector<64x128xf32>
    %lt3A_2140 = arith.cmpf olt, %add3A_2139, %select_n3A_2126 : vector<64x128xf32>
    %select_n3A_2141 = arith.select %lt3A_2140, %add3A_2139, %select_n3A_2126 : vector<64x128xi1>, vector<64x128xf32>
    %jit3A_2142 = arith.constant 4 : i32
    %broadcast_in_dim3A_2143 = vector.broadcast %jit3A_2142 : i32 to vector<64x128xi32>
    %select_n3A_2144 = arith.select %lt3A_2140, %broadcast_in_dim3A_2143, %select_n3A_2129 : vector<64x128xi1>, vector<64x128xi32>
    %slice3A_2145 = vector.extract_strided_slice %dot_general3A_6 {offsets = [960, 640], sizes = [64, 128], strides = [1, 1]} : vector<1152x1024xf32> to vector<64x128xf32>
    %mul3A_2146 = arith.constant 2.000000e+00 : f32
    %mul3A_2147 = vector.broadcast %mul3A_2146 : f32 to vector<64x128xf32>
    %mul3A_2148 = arith.mulf %mul3A_2147, %slice3A_2145 : vector<64x128xf32>
    %sub3A_2149 = vector.broadcast %slice3A_2072 : vector<64x1xf32> to vector<64x128xf32>
    %sub3A_2150 = arith.subf %sub3A_2149, %mul3A_2148 : vector<64x128xf32>
    %slice3A_2151 = vector.extract_strided_slice %reduce_sum3A_10 {offsets = [640], sizes = [128], strides = [1]} : vector<1024xf32> to vector<128xf32>
    %broadcast_in_dim3A_2152 = vector.shape_cast %slice3A_2151 : vector<128xf32> to vector<1x128xf32>
    %add3A_2153 = vector.broadcast %broadcast_in_dim3A_2152 : vector<1x128xf32> to vector<64x128xf32>
    %add3A_2154 = arith.addf %sub3A_2150, %add3A_2153 : vector<64x128xf32>
    %lt3A_2155 = arith.cmpf olt, %add3A_2154, %select_n3A_2141 : vector<64x128xf32>
    %select_n3A_2156 = arith.select %lt3A_2155, %add3A_2154, %select_n3A_2141 : vector<64x128xi1>, vector<64x128xf32>
    %jit3A_2157 = arith.constant 5 : i32
    %broadcast_in_dim3A_2158 = vector.broadcast %jit3A_2157 : i32 to vector<64x128xi32>
    %select_n3A_2159 = arith.select %lt3A_2155, %broadcast_in_dim3A_2158, %select_n3A_2144 : vector<64x128xi1>, vector<64x128xi32>
    %slice3A_2160 = vector.extract_strided_slice %dot_general3A_6 {offsets = [960, 768], sizes = [64, 128], strides = [1, 1]} : vector<1152x1024xf32> to vector<64x128xf32>
    %mul3A_2161 = arith.constant 2.000000e+00 : f32
    %mul3A_2162 = vector.broadcast %mul3A_2161 : f32 to vector<64x128xf32>
    %mul3A_2163 = arith.mulf %mul3A_2162, %slice3A_2160 : vector<64x128xf32>
    %sub3A_2164 = vector.broadcast %slice3A_2072 : vector<64x1xf32> to vector<64x128xf32>
    %sub3A_2165 = arith.subf %sub3A_2164, %mul3A_2163 : vector<64x128xf32>
    %slice3A_2166 = vector.extract_strided_slice %reduce_sum3A_10 {offsets = [768], sizes = [128], strides = [1]} : vector<1024xf32> to vector<128xf32>
    %broadcast_in_dim3A_2167 = vector.shape_cast %slice3A_2166 : vector<128xf32> to vector<1x128xf32>
    %add3A_2168 = vector.broadcast %broadcast_in_dim3A_2167 : vector<1x128xf32> to vector<64x128xf32>
    %add3A_2169 = arith.addf %sub3A_2165, %add3A_2168 : vector<64x128xf32>
    %lt3A_2170 = arith.cmpf olt, %add3A_2169, %select_n3A_2156 : vector<64x128xf32>
    %select_n3A_2171 = arith.select %lt3A_2170, %add3A_2169, %select_n3A_2156 : vector<64x128xi1>, vector<64x128xf32>
    %jit3A_2172 = arith.constant 6 : i32
    %broadcast_in_dim3A_2173 = vector.broadcast %jit3A_2172 : i32 to vector<64x128xi32>
    %select_n3A_2174 = arith.select %lt3A_2170, %broadcast_in_dim3A_2173, %select_n3A_2159 : vector<64x128xi1>, vector<64x128xi32>
    %slice3A_2175 = vector.extract_strided_slice %dot_general3A_6 {offsets = [960, 896], sizes = [64, 128], strides = [1, 1]} : vector<1152x1024xf32> to vector<64x128xf32>
    %mul3A_2176 = arith.constant 2.000000e+00 : f32
    %mul3A_2177 = vector.broadcast %mul3A_2176 : f32 to vector<64x128xf32>
    %mul3A_2178 = arith.mulf %mul3A_2177, %slice3A_2175 : vector<64x128xf32>
    %sub3A_2179 = vector.broadcast %slice3A_2072 : vector<64x1xf32> to vector<64x128xf32>
    %sub3A_2180 = arith.subf %sub3A_2179, %mul3A_2178 : vector<64x128xf32>
    %slice3A_2181 = vector.extract_strided_slice %reduce_sum3A_10 {offsets = [896], sizes = [128], strides = [1]} : vector<1024xf32> to vector<128xf32>
    %broadcast_in_dim3A_2182 = vector.shape_cast %slice3A_2181 : vector<128xf32> to vector<1x128xf32>
    %add3A_2183 = vector.broadcast %broadcast_in_dim3A_2182 : vector<1x128xf32> to vector<64x128xf32>
    %add3A_2184 = arith.addf %sub3A_2180, %add3A_2183 : vector<64x128xf32>
    %lt3A_2185 = arith.cmpf olt, %add3A_2184, %select_n3A_2171 : vector<64x128xf32>
    %select_n3A_2186 = arith.select %lt3A_2185, %add3A_2184, %select_n3A_2171 : vector<64x128xi1>, vector<64x128xf32>
    %jit3A_2187 = arith.constant 7 : i32
    %broadcast_in_dim3A_2188 = vector.broadcast %jit3A_2187 : i32 to vector<64x128xi32>
    %select_n3A_2189 = arith.select %lt3A_2185, %broadcast_in_dim3A_2188, %select_n3A_2174 : vector<64x128xi1>, vector<64x128xi32>
    %reduce_min3A_2190 = arith.constant dense<0x7F800000> : vector<64xf32>
    %reduce_min3A_2191 = vector.multi_reduction <minimumf>, %select_n3A_2186, %reduce_min3A_2190 [1] : vector<64x128xf32> to vector<64xf32>
    %broadcast_in_dim3A_2192 = vector.shape_cast %reduce_min3A_2191 : vector<64xf32> to vector<64x1xf32>
    %eq3A_2193 = vector.broadcast %broadcast_in_dim3A_2192 : vector<64x1xf32> to vector<64x128xf32>
    %eq3A_2194 = arith.cmpf oeq, %select_n3A_2186, %eq3A_2193 : vector<64x128xf32>
    %mul3A_2195 = arith.constant 128 : i32
    %mul3A_2196 = vector.broadcast %mul3A_2195 : i32 to vector<64x128xi32>
    %mul3A_2197 = arith.muli %select_n3A_2189, %mul3A_2196 : vector<64x128xi32>
    %add3A_2198 = arith.addi %mul3A_2197, %iota3A : vector<64x128xi32>
    %jit3A_2199 = arith.constant 1024 : i32
    %broadcast_in_dim3A_2200 = vector.broadcast %jit3A_2199 : i32 to vector<64x128xi32>
    %select_n3A_2201 = arith.select %eq3A_2194, %add3A_2198, %broadcast_in_dim3A_2200 : vector<64x128xi1>, vector<64x128xi32>
    %reduce_min3A_2202 = arith.constant dense<2147483647> : vector<64xi32>
    %reduce_min3A_2203 = vector.multi_reduction <minsi>, %select_n3A_2201, %reduce_min3A_2202 [1] : vector<64x128xi32> to vector<64xi32>
    %swap3A_2204 = arith.constant 0 : index
    %swap3A_2205 = arith.constant 0 : index
    %swap3A_2206 = arith.constant 960 : index
    %swap3A_2207 = vector.load %arg3[%swap3A_2204, %swap3A_2205, %swap3A_2206] : memref<1x1x1152xi32, #tpu.memory_space<vmem>>, vector<1x1x64xi32>
    %swap3A_2208 = vector.shape_cast %swap3A_2207 : vector<1x1x64xi32> to vector<64xi32>
    %swap3A_2209 = vector.shape_cast %reduce_min3A_2203 : vector<64xi32> to vector<1x1x64xi32>
    tpu.vector_store %arg3[%swap3A_2204, %swap3A_2205, %swap3A_2206], %swap3A_2209 {strides = array<i32>} : memref<1x1x1152xi32, #tpu.memory_space<vmem>>, vector<1x1x64xi32>,
    %slice3A_2210 = vector.extract_strided_slice %broadcast_in_dim3A {offsets = [1024, 0], sizes = [64, 1], strides = [1, 1]} : vector<1152x1xf32> to vector<64x1xf32>
    %slice3A_2211 = vector.extract_strided_slice %dot_general3A_6 {offsets = [1024, 0], sizes = [64, 128], strides = [1, 1]} : vector<1152x1024xf32> to vector<64x128xf32>
    %mul3A_2212 = arith.constant 2.000000e+00 : f32
    %mul3A_2213 = vector.broadcast %mul3A_2212 : f32 to vector<64x128xf32>
    %mul3A_2214 = arith.mulf %mul3A_2213, %slice3A_2211 : vector<64x128xf32>
    %sub3A_2215 = vector.broadcast %slice3A_2210 : vector<64x1xf32> to vector<64x128xf32>
    %sub3A_2216 = arith.subf %sub3A_2215, %mul3A_2214 : vector<64x128xf32>
    %slice3A_2217 = vector.extract_strided_slice %reduce_sum3A_10 {offsets = [0], sizes = [128], strides = [1]} : vector<1024xf32> to vector<128xf32>
    %broadcast_in_dim3A_2218 = vector.shape_cast %slice3A_2217 : vector<128xf32> to vector<1x128xf32>
    %add3A_2219 = vector.broadcast %broadcast_in_dim3A_2218 : vector<1x128xf32> to vector<64x128xf32>
    %add3A_2220 = arith.addf %sub3A_2216, %add3A_2219 : vector<64x128xf32>
    %broadcast_in_dim3A_2221 = arith.constant 0 : i32
    %broadcast_in_dim3A_2222 = vector.broadcast %broadcast_in_dim3A_2221 : i32 to vector<64x128xi32>
    %slice3A_2223 = vector.extract_strided_slice %dot_general3A_6 {offsets = [1024, 128], sizes = [64, 128], strides = [1, 1]} : vector<1152x1024xf32> to vector<64x128xf32>
    %mul3A_2224 = arith.constant 2.000000e+00 : f32
    %mul3A_2225 = vector.broadcast %mul3A_2224 : f32 to vector<64x128xf32>
    %mul3A_2226 = arith.mulf %mul3A_2225, %slice3A_2223 : vector<64x128xf32>
    %sub3A_2227 = vector.broadcast %slice3A_2210 : vector<64x1xf32> to vector<64x128xf32>
    %sub3A_2228 = arith.subf %sub3A_2227, %mul3A_2226 : vector<64x128xf32>
    %slice3A_2229 = vector.extract_strided_slice %reduce_sum3A_10 {offsets = [128], sizes = [128], strides = [1]} : vector<1024xf32> to vector<128xf32>
    %broadcast_in_dim3A_2230 = vector.shape_cast %slice3A_2229 : vector<128xf32> to vector<1x128xf32>
    %add3A_2231 = vector.broadcast %broadcast_in_dim3A_2230 : vector<1x128xf32> to vector<64x128xf32>
    %add3A_2232 = arith.addf %sub3A_2228, %add3A_2231 : vector<64x128xf32>
    %lt3A_2233 = arith.cmpf olt, %add3A_2232, %add3A_2220 : vector<64x128xf32>
    %select_n3A_2234 = arith.select %lt3A_2233, %add3A_2232, %add3A_2220 : vector<64x128xi1>, vector<64x128xf32>
    %jit3A_2235 = arith.constant 1 : i32
    %broadcast_in_dim3A_2236 = vector.broadcast %jit3A_2235 : i32 to vector<64x128xi32>
    %select_n3A_2237 = arith.select %lt3A_2233, %broadcast_in_dim3A_2236, %broadcast_in_dim3A_2222 : vector<64x128xi1>, vector<64x128xi32>
    %slice3A_2238 = vector.extract_strided_slice %dot_general3A_6 {offsets = [1024, 256], sizes = [64, 128], strides = [1, 1]} : vector<1152x1024xf32> to vector<64x128xf32>
    %mul3A_2239 = arith.constant 2.000000e+00 : f32
    %mul3A_2240 = vector.broadcast %mul3A_2239 : f32 to vector<64x128xf32>
    %mul3A_2241 = arith.mulf %mul3A_2240, %slice3A_2238 : vector<64x128xf32>
    %sub3A_2242 = vector.broadcast %slice3A_2210 : vector<64x1xf32> to vector<64x128xf32>
    %sub3A_2243 = arith.subf %sub3A_2242, %mul3A_2241 : vector<64x128xf32>
    %slice3A_2244 = vector.extract_strided_slice %reduce_sum3A_10 {offsets = [256], sizes = [128], strides = [1]} : vector<1024xf32> to vector<128xf32>
    %broadcast_in_dim3A_2245 = vector.shape_cast %slice3A_2244 : vector<128xf32> to vector<1x128xf32>
    %add3A_2246 = vector.broadcast %broadcast_in_dim3A_2245 : vector<1x128xf32> to vector<64x128xf32>
    %add3A_2247 = arith.addf %sub3A_2243, %add3A_2246 : vector<64x128xf32>
    %lt3A_2248 = arith.cmpf olt, %add3A_2247, %select_n3A_2234 : vector<64x128xf32>
    %select_n3A_2249 = arith.select %lt3A_2248, %add3A_2247, %select_n3A_2234 : vector<64x128xi1>, vector<64x128xf32>
    %jit3A_2250 = arith.constant 2 : i32
    %broadcast_in_dim3A_2251 = vector.broadcast %jit3A_2250 : i32 to vector<64x128xi32>
    %select_n3A_2252 = arith.select %lt3A_2248, %broadcast_in_dim3A_2251, %select_n3A_2237 : vector<64x128xi1>, vector<64x128xi32>
    %slice3A_2253 = vector.extract_strided_slice %dot_general3A_6 {offsets = [1024, 384], sizes = [64, 128], strides = [1, 1]} : vector<1152x1024xf32> to vector<64x128xf32>
    %mul3A_2254 = arith.constant 2.000000e+00 : f32
    %mul3A_2255 = vector.broadcast %mul3A_2254 : f32 to vector<64x128xf32>
    %mul3A_2256 = arith.mulf %mul3A_2255, %slice3A_2253 : vector<64x128xf32>
    %sub3A_2257 = vector.broadcast %slice3A_2210 : vector<64x1xf32> to vector<64x128xf32>
    %sub3A_2258 = arith.subf %sub3A_2257, %mul3A_2256 : vector<64x128xf32>
    %slice3A_2259 = vector.extract_strided_slice %reduce_sum3A_10 {offsets = [384], sizes = [128], strides = [1]} : vector<1024xf32> to vector<128xf32>
    %broadcast_in_dim3A_2260 = vector.shape_cast %slice3A_2259 : vector<128xf32> to vector<1x128xf32>
    %add3A_2261 = vector.broadcast %broadcast_in_dim3A_2260 : vector<1x128xf32> to vector<64x128xf32>
    %add3A_2262 = arith.addf %sub3A_2258, %add3A_2261 : vector<64x128xf32>
    %lt3A_2263 = arith.cmpf olt, %add3A_2262, %select_n3A_2249 : vector<64x128xf32>
    %select_n3A_2264 = arith.select %lt3A_2263, %add3A_2262, %select_n3A_2249 : vector<64x128xi1>, vector<64x128xf32>
    %jit3A_2265 = arith.constant 3 : i32
    %broadcast_in_dim3A_2266 = vector.broadcast %jit3A_2265 : i32 to vector<64x128xi32>
    %select_n3A_2267 = arith.select %lt3A_2263, %broadcast_in_dim3A_2266, %select_n3A_2252 : vector<64x128xi1>, vector<64x128xi32>
    %slice3A_2268 = vector.extract_strided_slice %dot_general3A_6 {offsets = [1024, 512], sizes = [64, 128], strides = [1, 1]} : vector<1152x1024xf32> to vector<64x128xf32>
    %mul3A_2269 = arith.constant 2.000000e+00 : f32
    %mul3A_2270 = vector.broadcast %mul3A_2269 : f32 to vector<64x128xf32>
    %mul3A_2271 = arith.mulf %mul3A_2270, %slice3A_2268 : vector<64x128xf32>
    %sub3A_2272 = vector.broadcast %slice3A_2210 : vector<64x1xf32> to vector<64x128xf32>
    %sub3A_2273 = arith.subf %sub3A_2272, %mul3A_2271 : vector<64x128xf32>
    %slice3A_2274 = vector.extract_strided_slice %reduce_sum3A_10 {offsets = [512], sizes = [128], strides = [1]} : vector<1024xf32> to vector<128xf32>
    %broadcast_in_dim3A_2275 = vector.shape_cast %slice3A_2274 : vector<128xf32> to vector<1x128xf32>
    %add3A_2276 = vector.broadcast %broadcast_in_dim3A_2275 : vector<1x128xf32> to vector<64x128xf32>
    %add3A_2277 = arith.addf %sub3A_2273, %add3A_2276 : vector<64x128xf32>
    %lt3A_2278 = arith.cmpf olt, %add3A_2277, %select_n3A_2264 : vector<64x128xf32>
    %select_n3A_2279 = arith.select %lt3A_2278, %add3A_2277, %select_n3A_2264 : vector<64x128xi1>, vector<64x128xf32>
    %jit3A_2280 = arith.constant 4 : i32
    %broadcast_in_dim3A_2281 = vector.broadcast %jit3A_2280 : i32 to vector<64x128xi32>
    %select_n3A_2282 = arith.select %lt3A_2278, %broadcast_in_dim3A_2281, %select_n3A_2267 : vector<64x128xi1>, vector<64x128xi32>
    %slice3A_2283 = vector.extract_strided_slice %dot_general3A_6 {offsets = [1024, 640], sizes = [64, 128], strides = [1, 1]} : vector<1152x1024xf32> to vector<64x128xf32>
    %mul3A_2284 = arith.constant 2.000000e+00 : f32
    %mul3A_2285 = vector.broadcast %mul3A_2284 : f32 to vector<64x128xf32>
    %mul3A_2286 = arith.mulf %mul3A_2285, %slice3A_2283 : vector<64x128xf32>
    %sub3A_2287 = vector.broadcast %slice3A_2210 : vector<64x1xf32> to vector<64x128xf32>
    %sub3A_2288 = arith.subf %sub3A_2287, %mul3A_2286 : vector<64x128xf32>
    %slice3A_2289 = vector.extract_strided_slice %reduce_sum3A_10 {offsets = [640], sizes = [128], strides = [1]} : vector<1024xf32> to vector<128xf32>
    %broadcast_in_dim3A_2290 = vector.shape_cast %slice3A_2289 : vector<128xf32> to vector<1x128xf32>
    %add3A_2291 = vector.broadcast %broadcast_in_dim3A_2290 : vector<1x128xf32> to vector<64x128xf32>
    %add3A_2292 = arith.addf %sub3A_2288, %add3A_2291 : vector<64x128xf32>
    %lt3A_2293 = arith.cmpf olt, %add3A_2292, %select_n3A_2279 : vector<64x128xf32>
    %select_n3A_2294 = arith.select %lt3A_2293, %add3A_2292, %select_n3A_2279 : vector<64x128xi1>, vector<64x128xf32>
    %jit3A_2295 = arith.constant 5 : i32
    %broadcast_in_dim3A_2296 = vector.broadcast %jit3A_2295 : i32 to vector<64x128xi32>
    %select_n3A_2297 = arith.select %lt3A_2293, %broadcast_in_dim3A_2296, %select_n3A_2282 : vector<64x128xi1>, vector<64x128xi32>
    %slice3A_2298 = vector.extract_strided_slice %dot_general3A_6 {offsets = [1024, 768], sizes = [64, 128], strides = [1, 1]} : vector<1152x1024xf32> to vector<64x128xf32>
    %mul3A_2299 = arith.constant 2.000000e+00 : f32
    %mul3A_2300 = vector.broadcast %mul3A_2299 : f32 to vector<64x128xf32>
    %mul3A_2301 = arith.mulf %mul3A_2300, %slice3A_2298 : vector<64x128xf32>
    %sub3A_2302 = vector.broadcast %slice3A_2210 : vector<64x1xf32> to vector<64x128xf32>
    %sub3A_2303 = arith.subf %sub3A_2302, %mul3A_2301 : vector<64x128xf32>
    %slice3A_2304 = vector.extract_strided_slice %reduce_sum3A_10 {offsets = [768], sizes = [128], strides = [1]} : vector<1024xf32> to vector<128xf32>
    %broadcast_in_dim3A_2305 = vector.shape_cast %slice3A_2304 : vector<128xf32> to vector<1x128xf32>
    %add3A_2306 = vector.broadcast %broadcast_in_dim3A_2305 : vector<1x128xf32> to vector<64x128xf32>
    %add3A_2307 = arith.addf %sub3A_2303, %add3A_2306 : vector<64x128xf32>
    %lt3A_2308 = arith.cmpf olt, %add3A_2307, %select_n3A_2294 : vector<64x128xf32>
    %select_n3A_2309 = arith.select %lt3A_2308, %add3A_2307, %select_n3A_2294 : vector<64x128xi1>, vector<64x128xf32>
    %jit3A_2310 = arith.constant 6 : i32
    %broadcast_in_dim3A_2311 = vector.broadcast %jit3A_2310 : i32 to vector<64x128xi32>
    %select_n3A_2312 = arith.select %lt3A_2308, %broadcast_in_dim3A_2311, %select_n3A_2297 : vector<64x128xi1>, vector<64x128xi32>
    %slice3A_2313 = vector.extract_strided_slice %dot_general3A_6 {offsets = [1024, 896], sizes = [64, 128], strides = [1, 1]} : vector<1152x1024xf32> to vector<64x128xf32>
    %mul3A_2314 = arith.constant 2.000000e+00 : f32
    %mul3A_2315 = vector.broadcast %mul3A_2314 : f32 to vector<64x128xf32>
    %mul3A_2316 = arith.mulf %mul3A_2315, %slice3A_2313 : vector<64x128xf32>
    %sub3A_2317 = vector.broadcast %slice3A_2210 : vector<64x1xf32> to vector<64x128xf32>
    %sub3A_2318 = arith.subf %sub3A_2317, %mul3A_2316 : vector<64x128xf32>
    %slice3A_2319 = vector.extract_strided_slice %reduce_sum3A_10 {offsets = [896], sizes = [128], strides = [1]} : vector<1024xf32> to vector<128xf32>
    %broadcast_in_dim3A_2320 = vector.shape_cast %slice3A_2319 : vector<128xf32> to vector<1x128xf32>
    %add3A_2321 = vector.broadcast %broadcast_in_dim3A_2320 : vector<1x128xf32> to vector<64x128xf32>
    %add3A_2322 = arith.addf %sub3A_2318, %add3A_2321 : vector<64x128xf32>
    %lt3A_2323 = arith.cmpf olt, %add3A_2322, %select_n3A_2309 : vector<64x128xf32>
    %select_n3A_2324 = arith.select %lt3A_2323, %add3A_2322, %select_n3A_2309 : vector<64x128xi1>, vector<64x128xf32>
    %jit3A_2325 = arith.constant 7 : i32
    %broadcast_in_dim3A_2326 = vector.broadcast %jit3A_2325 : i32 to vector<64x128xi32>
    %select_n3A_2327 = arith.select %lt3A_2323, %broadcast_in_dim3A_2326, %select_n3A_2312 : vector<64x128xi1>, vector<64x128xi32>
    %reduce_min3A_2328 = arith.constant dense<0x7F800000> : vector<64xf32>
    %reduce_min3A_2329 = vector.multi_reduction <minimumf>, %select_n3A_2324, %reduce_min3A_2328 [1] : vector<64x128xf32> to vector<64xf32>
    %broadcast_in_dim3A_2330 = vector.shape_cast %reduce_min3A_2329 : vector<64xf32> to vector<64x1xf32>
    %eq3A_2331 = vector.broadcast %broadcast_in_dim3A_2330 : vector<64x1xf32> to vector<64x128xf32>
    %eq3A_2332 = arith.cmpf oeq, %select_n3A_2324, %eq3A_2331 : vector<64x128xf32>
    %mul3A_2333 = arith.constant 128 : i32
    %mul3A_2334 = vector.broadcast %mul3A_2333 : i32 to vector<64x128xi32>
    %mul3A_2335 = arith.muli %select_n3A_2327, %mul3A_2334 : vector<64x128xi32>
    %add3A_2336 = arith.addi %mul3A_2335, %iota3A : vector<64x128xi32>
    %jit3A_2337 = arith.constant 1024 : i32
    %broadcast_in_dim3A_2338 = vector.broadcast %jit3A_2337 : i32 to vector<64x128xi32>
    %select_n3A_2339 = arith.select %eq3A_2332, %add3A_2336, %broadcast_in_dim3A_2338 : vector<64x128xi1>, vector<64x128xi32>
    %reduce_min3A_2340 = arith.constant dense<2147483647> : vector<64xi32>
    %reduce_min3A_2341 = vector.multi_reduction <minsi>, %select_n3A_2339, %reduce_min3A_2340 [1] : vector<64x128xi32> to vector<64xi32>
    %swap3A_2342 = arith.constant 0 : index
    %swap3A_2343 = arith.constant 0 : index
    %swap3A_2344 = arith.constant 1024 : index
    %swap3A_2345 = vector.load %arg3[%swap3A_2342, %swap3A_2343, %swap3A_2344] : memref<1x1x1152xi32, #tpu.memory_space<vmem>>, vector<1x1x64xi32>
    %swap3A_2346 = vector.shape_cast %swap3A_2345 : vector<1x1x64xi32> to vector<64xi32>
    %swap3A_2347 = vector.shape_cast %reduce_min3A_2341 : vector<64xi32> to vector<1x1x64xi32>
    tpu.vector_store %arg3[%swap3A_2342, %swap3A_2343, %swap3A_2344], %swap3A_2347 {strides = array<i32>} : memref<1x1x1152xi32, #tpu.memory_space<vmem>>, vector<1x1x64xi32>,
    %slice3A_2348 = vector.extract_strided_slice %broadcast_in_dim3A {offsets = [1088, 0], sizes = [64, 1], strides = [1, 1]} : vector<1152x1xf32> to vector<64x1xf32>
    %slice3A_2349 = vector.extract_strided_slice %dot_general3A_6 {offsets = [1088, 0], sizes = [64, 128], strides = [1, 1]} : vector<1152x1024xf32> to vector<64x128xf32>
    %mul3A_2350 = arith.constant 2.000000e+00 : f32
    %mul3A_2351 = vector.broadcast %mul3A_2350 : f32 to vector<64x128xf32>
    %mul3A_2352 = arith.mulf %mul3A_2351, %slice3A_2349 : vector<64x128xf32>
    %sub3A_2353 = vector.broadcast %slice3A_2348 : vector<64x1xf32> to vector<64x128xf32>
    %sub3A_2354 = arith.subf %sub3A_2353, %mul3A_2352 : vector<64x128xf32>
    %slice3A_2355 = vector.extract_strided_slice %reduce_sum3A_10 {offsets = [0], sizes = [128], strides = [1]} : vector<1024xf32> to vector<128xf32>
    %broadcast_in_dim3A_2356 = vector.shape_cast %slice3A_2355 : vector<128xf32> to vector<1x128xf32>
    %add3A_2357 = vector.broadcast %broadcast_in_dim3A_2356 : vector<1x128xf32> to vector<64x128xf32>
    %add3A_2358 = arith.addf %sub3A_2354, %add3A_2357 : vector<64x128xf32>
    %broadcast_in_dim3A_2359 = arith.constant 0 : i32
    %broadcast_in_dim3A_2360 = vector.broadcast %broadcast_in_dim3A_2359 : i32 to vector<64x128xi32>
    %slice3A_2361 = vector.extract_strided_slice %dot_general3A_6 {offsets = [1088, 128], sizes = [64, 128], strides = [1, 1]} : vector<1152x1024xf32> to vector<64x128xf32>
    %mul3A_2362 = arith.constant 2.000000e+00 : f32
    %mul3A_2363 = vector.broadcast %mul3A_2362 : f32 to vector<64x128xf32>
    %mul3A_2364 = arith.mulf %mul3A_2363, %slice3A_2361 : vector<64x128xf32>
    %sub3A_2365 = vector.broadcast %slice3A_2348 : vector<64x1xf32> to vector<64x128xf32>
    %sub3A_2366 = arith.subf %sub3A_2365, %mul3A_2364 : vector<64x128xf32>
    %slice3A_2367 = vector.extract_strided_slice %reduce_sum3A_10 {offsets = [128], sizes = [128], strides = [1]} : vector<1024xf32> to vector<128xf32>
    %broadcast_in_dim3A_2368 = vector.shape_cast %slice3A_2367 : vector<128xf32> to vector<1x128xf32>
    %add3A_2369 = vector.broadcast %broadcast_in_dim3A_2368 : vector<1x128xf32> to vector<64x128xf32>
    %add3A_2370 = arith.addf %sub3A_2366, %add3A_2369 : vector<64x128xf32>
    %lt3A_2371 = arith.cmpf olt, %add3A_2370, %add3A_2358 : vector<64x128xf32>
    %select_n3A_2372 = arith.select %lt3A_2371, %add3A_2370, %add3A_2358 : vector<64x128xi1>, vector<64x128xf32>
    %jit3A_2373 = arith.constant 1 : i32
    %broadcast_in_dim3A_2374 = vector.broadcast %jit3A_2373 : i32 to vector<64x128xi32>
    %select_n3A_2375 = arith.select %lt3A_2371, %broadcast_in_dim3A_2374, %broadcast_in_dim3A_2360 : vector<64x128xi1>, vector<64x128xi32>
    %slice3A_2376 = vector.extract_strided_slice %dot_general3A_6 {offsets = [1088, 256], sizes = [64, 128], strides = [1, 1]} : vector<1152x1024xf32> to vector<64x128xf32>
    %mul3A_2377 = arith.constant 2.000000e+00 : f32
    %mul3A_2378 = vector.broadcast %mul3A_2377 : f32 to vector<64x128xf32>
    %mul3A_2379 = arith.mulf %mul3A_2378, %slice3A_2376 : vector<64x128xf32>
    %sub3A_2380 = vector.broadcast %slice3A_2348 : vector<64x1xf32> to vector<64x128xf32>
    %sub3A_2381 = arith.subf %sub3A_2380, %mul3A_2379 : vector<64x128xf32>
    %slice3A_2382 = vector.extract_strided_slice %reduce_sum3A_10 {offsets = [256], sizes = [128], strides = [1]} : vector<1024xf32> to vector<128xf32>
    %broadcast_in_dim3A_2383 = vector.shape_cast %slice3A_2382 : vector<128xf32> to vector<1x128xf32>
    %add3A_2384 = vector.broadcast %broadcast_in_dim3A_2383 : vector<1x128xf32> to vector<64x128xf32>
    %add3A_2385 = arith.addf %sub3A_2381, %add3A_2384 : vector<64x128xf32>
    %lt3A_2386 = arith.cmpf olt, %add3A_2385, %select_n3A_2372 : vector<64x128xf32>
    %select_n3A_2387 = arith.select %lt3A_2386, %add3A_2385, %select_n3A_2372 : vector<64x128xi1>, vector<64x128xf32>
    %jit3A_2388 = arith.constant 2 : i32
    %broadcast_in_dim3A_2389 = vector.broadcast %jit3A_2388 : i32 to vector<64x128xi32>
    %select_n3A_2390 = arith.select %lt3A_2386, %broadcast_in_dim3A_2389, %select_n3A_2375 : vector<64x128xi1>, vector<64x128xi32>
    %slice3A_2391 = vector.extract_strided_slice %dot_general3A_6 {offsets = [1088, 384], sizes = [64, 128], strides = [1, 1]} : vector<1152x1024xf32> to vector<64x128xf32>
    %mul3A_2392 = arith.constant 2.000000e+00 : f32
    %mul3A_2393 = vector.broadcast %mul3A_2392 : f32 to vector<64x128xf32>
    %mul3A_2394 = arith.mulf %mul3A_2393, %slice3A_2391 : vector<64x128xf32>
    %sub3A_2395 = vector.broadcast %slice3A_2348 : vector<64x1xf32> to vector<64x128xf32>
    %sub3A_2396 = arith.subf %sub3A_2395, %mul3A_2394 : vector<64x128xf32>
    %slice3A_2397 = vector.extract_strided_slice %reduce_sum3A_10 {offsets = [384], sizes = [128], strides = [1]} : vector<1024xf32> to vector<128xf32>
    %broadcast_in_dim3A_2398 = vector.shape_cast %slice3A_2397 : vector<128xf32> to vector<1x128xf32>
    %add3A_2399 = vector.broadcast %broadcast_in_dim3A_2398 : vector<1x128xf32> to vector<64x128xf32>
    %add3A_2400 = arith.addf %sub3A_2396, %add3A_2399 : vector<64x128xf32>
    %lt3A_2401 = arith.cmpf olt, %add3A_2400, %select_n3A_2387 : vector<64x128xf32>
    %select_n3A_2402 = arith.select %lt3A_2401, %add3A_2400, %select_n3A_2387 : vector<64x128xi1>, vector<64x128xf32>
    %jit3A_2403 = arith.constant 3 : i32
    %broadcast_in_dim3A_2404 = vector.broadcast %jit3A_2403 : i32 to vector<64x128xi32>
    %select_n3A_2405 = arith.select %lt3A_2401, %broadcast_in_dim3A_2404, %select_n3A_2390 : vector<64x128xi1>, vector<64x128xi32>
    %slice3A_2406 = vector.extract_strided_slice %dot_general3A_6 {offsets = [1088, 512], sizes = [64, 128], strides = [1, 1]} : vector<1152x1024xf32> to vector<64x128xf32>
    %mul3A_2407 = arith.constant 2.000000e+00 : f32
    %mul3A_2408 = vector.broadcast %mul3A_2407 : f32 to vector<64x128xf32>
    %mul3A_2409 = arith.mulf %mul3A_2408, %slice3A_2406 : vector<64x128xf32>
    %sub3A_2410 = vector.broadcast %slice3A_2348 : vector<64x1xf32> to vector<64x128xf32>
    %sub3A_2411 = arith.subf %sub3A_2410, %mul3A_2409 : vector<64x128xf32>
    %slice3A_2412 = vector.extract_strided_slice %reduce_sum3A_10 {offsets = [512], sizes = [128], strides = [1]} : vector<1024xf32> to vector<128xf32>
    %broadcast_in_dim3A_2413 = vector.shape_cast %slice3A_2412 : vector<128xf32> to vector<1x128xf32>
    %add3A_2414 = vector.broadcast %broadcast_in_dim3A_2413 : vector<1x128xf32> to vector<64x128xf32>
    %add3A_2415 = arith.addf %sub3A_2411, %add3A_2414 : vector<64x128xf32>
    %lt3A_2416 = arith.cmpf olt, %add3A_2415, %select_n3A_2402 : vector<64x128xf32>
    %select_n3A_2417 = arith.select %lt3A_2416, %add3A_2415, %select_n3A_2402 : vector<64x128xi1>, vector<64x128xf32>
    %jit3A_2418 = arith.constant 4 : i32
    %broadcast_in_dim3A_2419 = vector.broadcast %jit3A_2418 : i32 to vector<64x128xi32>
    %select_n3A_2420 = arith.select %lt3A_2416, %broadcast_in_dim3A_2419, %select_n3A_2405 : vector<64x128xi1>, vector<64x128xi32>
    %slice3A_2421 = vector.extract_strided_slice %dot_general3A_6 {offsets = [1088, 640], sizes = [64, 128], strides = [1, 1]} : vector<1152x1024xf32> to vector<64x128xf32>
    %mul3A_2422 = arith.constant 2.000000e+00 : f32
    %mul3A_2423 = vector.broadcast %mul3A_2422 : f32 to vector<64x128xf32>
    %mul3A_2424 = arith.mulf %mul3A_2423, %slice3A_2421 : vector<64x128xf32>
    %sub3A_2425 = vector.broadcast %slice3A_2348 : vector<64x1xf32> to vector<64x128xf32>
    %sub3A_2426 = arith.subf %sub3A_2425, %mul3A_2424 : vector<64x128xf32>
    %slice3A_2427 = vector.extract_strided_slice %reduce_sum3A_10 {offsets = [640], sizes = [128], strides = [1]} : vector<1024xf32> to vector<128xf32>
    %broadcast_in_dim3A_2428 = vector.shape_cast %slice3A_2427 : vector<128xf32> to vector<1x128xf32>
    %add3A_2429 = vector.broadcast %broadcast_in_dim3A_2428 : vector<1x128xf32> to vector<64x128xf32>
    %add3A_2430 = arith.addf %sub3A_2426, %add3A_2429 : vector<64x128xf32>
    %lt3A_2431 = arith.cmpf olt, %add3A_2430, %select_n3A_2417 : vector<64x128xf32>
    %select_n3A_2432 = arith.select %lt3A_2431, %add3A_2430, %select_n3A_2417 : vector<64x128xi1>, vector<64x128xf32>
    %jit3A_2433 = arith.constant 5 : i32
    %broadcast_in_dim3A_2434 = vector.broadcast %jit3A_2433 : i32 to vector<64x128xi32>
    %select_n3A_2435 = arith.select %lt3A_2431, %broadcast_in_dim3A_2434, %select_n3A_2420 : vector<64x128xi1>, vector<64x128xi32>
    %slice3A_2436 = vector.extract_strided_slice %dot_general3A_6 {offsets = [1088, 768], sizes = [64, 128], strides = [1, 1]} : vector<1152x1024xf32> to vector<64x128xf32>
    %mul3A_2437 = arith.constant 2.000000e+00 : f32
    %mul3A_2438 = vector.broadcast %mul3A_2437 : f32 to vector<64x128xf32>
    %mul3A_2439 = arith.mulf %mul3A_2438, %slice3A_2436 : vector<64x128xf32>
    %sub3A_2440 = vector.broadcast %slice3A_2348 : vector<64x1xf32> to vector<64x128xf32>
    %sub3A_2441 = arith.subf %sub3A_2440, %mul3A_2439 : vector<64x128xf32>
    %slice3A_2442 = vector.extract_strided_slice %reduce_sum3A_10 {offsets = [768], sizes = [128], strides = [1]} : vector<1024xf32> to vector<128xf32>
    %broadcast_in_dim3A_2443 = vector.shape_cast %slice3A_2442 : vector<128xf32> to vector<1x128xf32>
    %add3A_2444 = vector.broadcast %broadcast_in_dim3A_2443 : vector<1x128xf32> to vector<64x128xf32>
    %add3A_2445 = arith.addf %sub3A_2441, %add3A_2444 : vector<64x128xf32>
    %lt3A_2446 = arith.cmpf olt, %add3A_2445, %select_n3A_2432 : vector<64x128xf32>
    %select_n3A_2447 = arith.select %lt3A_2446, %add3A_2445, %select_n3A_2432 : vector<64x128xi1>, vector<64x128xf32>
    %jit3A_2448 = arith.constant 6 : i32
    %broadcast_in_dim3A_2449 = vector.broadcast %jit3A_2448 : i32 to vector<64x128xi32>
    %select_n3A_2450 = arith.select %lt3A_2446, %broadcast_in_dim3A_2449, %select_n3A_2435 : vector<64x128xi1>, vector<64x128xi32>
    %slice3A_2451 = vector.extract_strided_slice %dot_general3A_6 {offsets = [1088, 896], sizes = [64, 128], strides = [1, 1]} : vector<1152x1024xf32> to vector<64x128xf32>
    %mul3A_2452 = arith.constant 2.000000e+00 : f32
    %mul3A_2453 = vector.broadcast %mul3A_2452 : f32 to vector<64x128xf32>
    %mul3A_2454 = arith.mulf %mul3A_2453, %slice3A_2451 : vector<64x128xf32>
    %sub3A_2455 = vector.broadcast %slice3A_2348 : vector<64x1xf32> to vector<64x128xf32>
    %sub3A_2456 = arith.subf %sub3A_2455, %mul3A_2454 : vector<64x128xf32>
    %slice3A_2457 = vector.extract_strided_slice %reduce_sum3A_10 {offsets = [896], sizes = [128], strides = [1]} : vector<1024xf32> to vector<128xf32>
    %broadcast_in_dim3A_2458 = vector.shape_cast %slice3A_2457 : vector<128xf32> to vector<1x128xf32>
    %add3A_2459 = vector.broadcast %broadcast_in_dim3A_2458 : vector<1x128xf32> to vector<64x128xf32>
    %add3A_2460 = arith.addf %sub3A_2456, %add3A_2459 : vector<64x128xf32>
    %lt3A_2461 = arith.cmpf olt, %add3A_2460, %select_n3A_2447 : vector<64x128xf32>
    %select_n3A_2462 = arith.select %lt3A_2461, %add3A_2460, %select_n3A_2447 : vector<64x128xi1>, vector<64x128xf32>
    %jit3A_2463 = arith.constant 7 : i32
    %broadcast_in_dim3A_2464 = vector.broadcast %jit3A_2463 : i32 to vector<64x128xi32>
    %select_n3A_2465 = arith.select %lt3A_2461, %broadcast_in_dim3A_2464, %select_n3A_2450 : vector<64x128xi1>, vector<64x128xi32>
    %reduce_min3A_2466 = arith.constant dense<0x7F800000> : vector<64xf32>
    %reduce_min3A_2467 = vector.multi_reduction <minimumf>, %select_n3A_2462, %reduce_min3A_2466 [1] : vector<64x128xf32> to vector<64xf32>
    %broadcast_in_dim3A_2468 = vector.shape_cast %reduce_min3A_2467 : vector<64xf32> to vector<64x1xf32>
    %eq3A_2469 = vector.broadcast %broadcast_in_dim3A_2468 : vector<64x1xf32> to vector<64x128xf32>
    %eq3A_2470 = arith.cmpf oeq, %select_n3A_2462, %eq3A_2469 : vector<64x128xf32>
    %mul3A_2471 = arith.constant 128 : i32
    %mul3A_2472 = vector.broadcast %mul3A_2471 : i32 to vector<64x128xi32>
    %mul3A_2473 = arith.muli %select_n3A_2465, %mul3A_2472 : vector<64x128xi32>
    %add3A_2474 = arith.addi %mul3A_2473, %iota3A : vector<64x128xi32>
    %jit3A_2475 = arith.constant 1024 : i32
    %broadcast_in_dim3A_2476 = vector.broadcast %jit3A_2475 : i32 to vector<64x128xi32>
    %select_n3A_2477 = arith.select %eq3A_2470, %add3A_2474, %broadcast_in_dim3A_2476 : vector<64x128xi1>, vector<64x128xi32>
    %reduce_min3A_2478 = arith.constant dense<2147483647> : vector<64xi32>
    %reduce_min3A_2479 = vector.multi_reduction <minsi>, %select_n3A_2477, %reduce_min3A_2478 [1] : vector<64x128xi32> to vector<64xi32>
    %swap3A_2480 = arith.constant 0 : index
    %swap3A_2481 = arith.constant 0 : index
    %swap3A_2482 = arith.constant 1088 : index
    %swap3A_2483 = vector.load %arg3[%swap3A_2480, %swap3A_2481, %swap3A_2482] : memref<1x1x1152xi32, #tpu.memory_space<vmem>>, vector<1x1x64xi32>
    %swap3A_2484 = vector.shape_cast %swap3A_2483 : vector<1x1x64xi32> to vector<64xi32>
    %swap3A_2485 = vector.shape_cast %reduce_min3A_2479 : vector<64xi32> to vector<1x1x64xi32>
    tpu.vector_store %arg3[%swap3A_2480, %swap3A_2481, %swap3A_2482], %swap3A_2485 {strides = array<i32>} : memref<1x1x1152xi32, #tpu.memory_space<vmem>>, vector<1x1x64xi32>,
    return
  }
  func.func @transform_0(%arg0: i32) -> (i32, i32, i32) {
    %add3A = arith.constant 4 : i32
    %add3A_0 = arith.addi %add3A, %arg0 : i32
    %c0_i32 = arith.constant 0 : i32
    %c0_i32_1 = arith.constant 0 : i32
    %c0_i32_2 = arith.constant 0 : i32
    return %add3A_0, %c0_i32, %c0_i32_1 : i32, i32, i32
  }
  func.func @transform_1(%arg0: i32) -> (i32, i32) {
    %c0_i32 = arith.constant 0 : i32
    %c0_i32_0 = arith.constant 0 : i32
    %c0_i32_1 = arith.constant 0 : i32
    return %c0_i32, %c0_i32_0 : i32, i32
  }
  func.func @transform_2(%arg0: i32) -> (i32, i32, i32) {
    %c0_i32 = arith.constant 0 : i32
    %c0_i32_0 = arith.constant 0 : i32
    %c0_i32_1 = arith.constant 0 : i32
    return %arg0, %c0_i32, %c0_i32_0 : i32, i32, i32
  }
}

</mosaic_0001>

<sc_bundles>
// kernel: kernel.6.cloned.1.call-start
scs
__scs_entry_jumppad:
0x0: {  	(pc) =	sbr.rel $0x88, $3  }
0x1: {  	(tag) =	ssettag $0x0;
	lr =	simm.s32 $0x1  }
0x2: {  	[smem:$0x3F9F] =	sst lr;
	_ =	strace $0xD0000000  }
0x3: {  	_ = 	snop  }
0x4: {  	_ = 	snop  }
0x5: {  	_ = 	snop  }
0x6: {  	_ = 	snop  }
0x7: {  	_ = 	snop  }
__scs_overlays_trampoline_lowered:
0x8: {  	[smem:$0x3FAE] =	sst s0  }
0x9: {  	[smem:$0x3FAF] =	sst s1  }
0xa: {  	[smem:$0x3FB0] =	sst s2  }
0xb: {  	[smem:$0x3FB1] =	sst s3  }
0xc: {  	[smem:$0x3FB2] =	sst s4  }
0xd: {  	[smem:$0x3FB3] =	sst s5  }
0xe: {  	[smem:$0x3FB4] =	sst s6  }
0xf: {  	[smem:$0x3FB5] =	sst s7  }
0x10: {  	[smem:$0x3FB6] =	sst s8  }
0x11: {  	[smem:$0x3FB7] =	sst s9;
	s0 =	simm.s32 @!p0 $0x0  }
0x12: {  	s1 =	sld [smem:$0x3F9D];
	s0 =	simm.s32 @p0 $0x1  }
0x13: {  	[smem:$0x3FB8] =	sst s0;
	s0 =	simm.s32 @!p1 $0x0  }
0x14: {  	s2 =	sld [smem:$0x3F9C];
	s0 =	simm.s32 @p1 $0x1  }
0x15: {  	[smem:$0x3FB9] =	sst s0;
	s0 =	simm.s32 @!p2 $0x0  }
0x16: {  	s3 =	sld [smem:$0x3FDB];
	s0 =	simm.s32 @p2 $0x1  }
0x17: {  	s4 =	simm.s32 $0x1BF5;
	[smem:$0x3FBB] =	sst s0  }
0x18: {  	s0 =	sld [smem:$0x3F9E];
	_ =	swait.ge [sflag:s4], $0x0  }
0x19: {  	s7 =	sld [smem:$0x3F9F]  }
0x1a: {  	s8 =	sadd.s32 $0xFFFFE003, lr  }
0x1b: {  	s9 =	sadd.s32 $0xFFFFFEF7, lr;
	s5 =	simm.s32 $0xFFFFFFFF;
	p2 =	slt.u32 s8, $0xFFFFF086  }
0x1c: {  	p1 =	slt.u32 s9, $0xF7A;
	s5 =	simm.s32 @!p2 $0x0  }
0x1d: {  	s5 =	simm.s32 @p1 $0x1;
	p0 =	seq.s32 s7, s2  }
0x1e: {  	s7 =	smul.u32 @!p0 $0xF7A, s2;
	p2 =	seq.s32 @!p0 s5, $0x0  }
0x1f: {  	s9 =	smul.u32 $0xF7A, s1;
	s8 =	simm.s32 @!p0 $0x1BF5;
	p2 =	por !p2, p0  }
0x20: {  	[sflag:s8] =	ssyncset.s32 @!p0 $0xFFFFF086;
	s6 =	sadd.s32 @!p0 s3, s7;
	s7 =	simm.s32 @!p0 $0x108  }
0x21: {  	s3 =	sadd.s32 s3, s9;
	s6 =	sadd.s32 @!p0 $0x88, s6;
	s7 =	simm.s32 @p2 $0x1082  }
0x22: {  	[simem:s7], [sflag:s8] =	dma.local @!p0 [hbm:s6], $0xF7A  }
0x23: {  	s9 =	sor.u32 $0xD0000000, s2;
	s6 =	simm.s32 $0x108;
	_ =	swait.ge @!p0 [sflag:s8], $0x0  }
0x24: {  	s3 =	sadd.s32 $0x88, s3;
	s6 =	simm.s32 @!p1 $0x1082;
	[sflag:s4] =	ssyncset.s32 $0xFFFFF086  }
0x25: {  	[simem:s6], [sflag:s4] =	dma.local [hbm:s3], $0xF7A  }
0x26: {  	[smem:$0x3F9F] =	sst s1;
	(tag) =	ssettag s2;
	_ =	strace s9  }
0x27: {  	s1 =	sld [smem:$0x3FAF]  }
0x28: {  	s2 =	sld [smem:$0x3FB0]  }
0x29: {  	s4 =	sld [smem:$0x3FB2]  }
0x2a: {  	p0 =	seq.s32 s5, $0x0;
	s5 =	sld [smem:$0x3FB3]  }
0x2b: {  	s6 =	sld [smem:$0x3FB4]  }
0x2c: {  	s7 =	sld [smem:$0x3FB5]  }
0x2d: {  	s3 =	simm.s32 $0x108;
	s8 =	sld [smem:$0x3FB6]  }
0x2e: {  	s3 =	simm.s32 @!p0 $0x1082;
	s9 =	sld [smem:$0x3FB7]  }
0x2f: {  	lr =	sadd.s32 s0, s3;
	s0 =	sld [smem:$0x3FAE]  }
0x30: {  	s3 =	sld [smem:$0x3FB1]  }
0x31: {  	[smem:$0x3FBA] =	sst s10  }
0x32: {  	s10 =	sld [smem:$0x3FB8];
	_ =	sdelay $0x3  }
0x33: {  	p0 =	seq.s32 s10, $0x1;
	s10 =	sld [smem:$0x3FBA];
	_ =	sdelay $0x3  }
0x34: {  	[smem:$0x3FBA] =	sst s10  }
0x35: {  	s10 =	sld [smem:$0x3FB9];
	_ =	sdelay $0x3  }
0x36: {  	p1 =	seq.s32 s10, $0x1;
	s10 =	sld [smem:$0x3FBA];
	_ =	sdelay $0x3  }
0x37: {  	[smem:$0x3FBA] =	sst s10  }
0x38: {  	s10 =	sld [smem:$0x3FBB]  }
0x39: {  	_ = 	snop;
	(pc) =	sbr.ind lr, $3  }
0x3a: {  	_ = 	snop  }
0x3b: {  	_ = 	snop  }
0x3c: {  	p2 =	seq.s32 s10, $0x1;
	s10 =	sld [smem:$0x3FBA]  }
0x3d: {  	_ =	shalt  }
0x3e: {  	_ =	shalt  }
0x3f: {  	_ =	shalt  }
0x40: {  	_ =	shalt  }
0x41: {  	_ =	shalt  }
0x42: {  	_ =	shalt  }
0x43: {  	_ =	shalt  }
0x44: {  	_ =	shalt  }
0x45: {  	_ =	shalt  }
0x46: {  	_ =	shalt  }
0x47: {  	_ =	shalt  }
0x48: {  	_ =	shalt  }
0x49: {  	_ =	shalt  }
0x4a: {  	_ =	shalt  }
0x4b: {  	_ =	shalt  }
0x4c: {  	_ =	shalt  }
0x4d: {  	_ =	shalt  }
0x4e: {  	_ =	shalt  }
0x4f: {  	_ =	shalt  }
0x50: {  	_ =	shalt  }
0x51: {  	_ =	shalt  }
0x52: {  	_ =	shalt  }
0x53: {  	_ =	shalt  }
0x54: {  	_ =	shalt  }
0x55: {  	_ =	shalt  }
0x56: {  	_ =	shalt  }
0x57: {  	_ =	shalt  }
0x58: {  	_ =	shalt  }
0x59: {  	_ =	shalt  }
0x5a: {  	_ =	shalt  }
0x5b: {  	_ =	shalt  }
0x5c: {  	_ =	shalt  }
0x5d: {  	_ =	shalt  }
0x5e: {  	_ =	shalt  }
0x5f: {  	_ =	shalt  }
0x60: {  	_ =	shalt  }
0x61: {  	_ =	shalt  }
0x62: {  	_ =	shalt  }
0x63: {  	_ =	shalt  }
0x64: {  	_ =	shalt  }
0x65: {  	_ =	shalt  }
0x66: {  	_ =	shalt  }
0x67: {  	_ =	shalt  }
0x68: {  	_ =	shalt  }
0x69: {  	_ =	shalt  }
0x6a: {  	_ =	shalt  }
0x6b: {  	_ =	shalt  }
0x6c: {  	_ =	shalt  }
0x6d: {  	_ =	shalt  }
0x6e: {  	_ =	shalt  }
0x6f: {  	_ =	shalt  }
0x70: {  	_ =	shalt  }
0x71: {  	_ =	shalt  }
0x72: {  	_ =	shalt  }
0x73: {  	_ =	shalt  }
0x74: {  	_ =	shalt  }
0x75: {  	_ =	shalt  }
0x76: {  	_ =	shalt  }
0x77: {  	_ =	shalt  }
0x78: {  	_ =	shalt  }
0x79: {  	_ =	shalt  }
0x7a: {  	_ =	shalt  }
0x7b: {  	_ =	shalt  }
0x7c: {  	_ =	shalt  }
0x7d: {  	_ =	shalt  }
0x7e: {  	_ =	shalt  }
0x7f: {  	_ =	shalt  }
0x80: {  	_ =	shalt  }
0x81: {  	_ =	shalt  }
0x82: {  	_ =	shalt  }
0x83: {  	_ =	shalt  }
0x84: {  	_ =	shalt  }
0x85: {  	_ =	shalt  }
0x86: {  	_ =	shalt  }
0x87: {  	_ =	shalt  }
.Lfunc_end0:
.L_simem_size_0:
called_computation_lowered:
.L_overlay_start_0:
0x88: {  	s2 =	sld [smem:$0x3FD9]  }
0x89: {  	s3 =	sld [smem:$0x3FFE];
	_ =	sdelay $0x1  }
0x8a: {  	s1 =	srdreg.scid  }
0x8b: {  	s0 =	sand.u32 $0x1, s1  }
0x8c: {  	s16 =	sshll.u32 s0, $0xA;
	s2 =	sadd.s32 s3, s2  }
0x8d: {  	s2 =	sadd.s32 s2, s16  }
0x8e: {  	[smem:$0x3FC6] =	sst s2  }
0x8f: {  	_ = 	snop  }
0x90: {  	(tm) =	ssettm $0x1  }
0x91: {  	s17 =	sld [smem:$0x3FFB];
	_ =	sdelay $0x3  }
0x92: {  	_ =	strace s17  }
0x93: {  	s2 =	sld [smem:$0x3FFC];
	_ =	sdelay $0x3  }
0x94: {  	_ =	strace s2  }
0x95: {  	s2 =	sld [smem:$0x3FFD];
	_ =	sdelay $0x3  }
0x96: {  	_ =	strace s2  }
0x97: {  	_ =	strace $0x8FFFFFFF  }
0x98: {  	s18 =	sld [smem:$0x3FDB];
	_ =	sdelay $0x1  }
0x99: {  	s19 =	simm.s32 $_scs_section_size  }
0x9a: {  	s4 =	simm.s32 $_size__tile_overlayer_lowered;
	s5 =	simm.s32 $_tile_overlayer_lowered  }
0x9b: {  	s22 =	simm.s32 $0x1BFF;
	s21 =	sshll.u32 s5, $0x1;
	s2 =	sadd.s32 s19, s18  }
0x9c: {  	s6 =	simm.s32 $0x0;
	s20 =	sshll.u32 s4, $0x1;
	s4 =	sadd.s32 s21, s2  }
0x9d: {  	[timem:s6], [sflag:s22] =	dma.local [hbm:s4], s20  }
0x9e: {  	_ =	swait.ge [sflag:s22], s20  }
0x9f: {  	s3 =	ssub.s32 $0x0, s20;
	[sflag:s22] =	ssyncset.done $0x0  }
0xa0: {  	[sflag:s22] =	ssyncadd.s32 s3;
	_ =	sdelay $0x1  }
0xa1: {  	s23 =	simm.s32 $0x1B8B  }
0xa2: {  	_ =	swait.ge [sflag:s23], $0x1  }
0xa3: {  	[sflag:s23] =	ssyncset.done $0x0  }
0xa4: {  	s25 =	simm.s32 $0x1B8E;
	s24 =	sld [smem:$0x3FFE];
	[sflag:s23] =	ssyncadd.s32 $0xFFFFFFFF  }
0xa5: {  	s26 =	simm.s32 $execute0_lowered;
	[smem:$0x3FD2] =	sst s25  }
0xa6: {  	s4 =	sshll.u32 s26, $0x1;
	_ =	strace $0x80000046;
	[dreg:$0x1] =	wrdreg $0xFFFFFFFF  }
0xa7: {  	s28 =	simm.s32 $_size_execute0_lowered;
	s2 =	sadd.s32 s2, s4;
	[dreg:$0x0] =	wrdreg $0x0  }
0xa8: {  	s4 =	sshll.u32 s28, $0x1;
	[dreg:$0x2] =	wrdreg s2  }
0xa9: {  	[dreg:$0x3] =	wrdreg s4  }
0xaa: {  	[dreg:$0x4] =	wrdreg $0xC0  }
0xab: {  	_ =	task [dreg:s6], $0x5FFFF  }
0xac: {  	[dreg:$0x1] =	wrdreg $0xFFFFFFFF  }
0xad: {  	[dreg:$0x0] =	wrdreg $0x60  }
0xae: {  	[dreg:$0x2] =	wrdreg s24  }
0xaf: {  	[dreg:$0x3] =	wrdreg $0x9  }
0xb0: {  	_ =	task.clear_ibuf [dreg:s6], $0x4FFFF;
	_ =	strace $0x90000046  }
0xb1: {  	s29 =	simm.s32 $0x9;
	_ =	strace $0x80000048  }
0xb2: {  	_ =	swait.ge [sflag:s29], $0x1  }
0xb3: {  	[sflag:s29] =	ssyncadd.s32 $0xFFFFFFFF  }
0xb4: {  	_ =	strace $0x90000048  }
0xb5: {  	_ =	sfence  }
0xb6: {  	s30 =	sld [smem:$0x0];
	_ =	sdelay $0x2  }
0xb7: {  	s31 =	sshll.u32 s1, $0xD;
	s1 =	sshrl.u32 s1, $0x2  }
0xb8: {  	s3 =	sand.u32 $0x4000, s31;
	s1 =	sadd.s32 s1, s30  }
0xb9: {  	s0 =	sor.u32 s3, s0;
	s1 =	sshll.u32 s1, $0x11  }
0xba: {  	s0 =	sor.u32 s1, s0  }
0xbb: {  	s0 =	sadd.s32 $0x8F2B, s0  }
0xbc: {  	[sflag:s0] =	ssyncadd.remote.s32 $0x1  }
0xbd: {  	_ =	sfence.sel $0xFFFF  }
0xbe: {  	[dreg:$0x0] =	wrdreg $0xFFFFFFFF;
	(pc) =	sbr.abs _section_cstart, $3  }
0xbf: {  	[dreg:$0x1] =	wrdreg $0xFFFFFFFF  }
0xc0: {  	_ =	task.clear_ibuf [dreg:s6], $0x2FFFF;
	_ =	strace $0x9FFFFFFF  }
0xc1: {  	(tm) =	ssettm $0x7FFFFFFF  }
tec
execute0_lowered:
.L_overlay_start_1:
0x0: {  	(tag) =	ssettag $0x1  }
0x1: {  	s1 =	srdreg.scid;
	s0 =	stileid.u32  }
0x2: {  	s6 =	sand.u32 $0x1, s1;
	s31 =	sshll.u32 s0, $0x1  }
0x3: {  	s7 =	sor.u32 s6, s31  }
0x4: {  	s1 =	smul.u32 $0x80010, s7;
	_ =	sdelay $0x1  }
0x5: {  	s2 =	smul.u32 $0x90, s7;
	s1 =	sshrl.u32 s1, $0x16  }
0x6: {  	s1 =	smul.u32 $0x480, s1  }
0x7: {  	s3 =	sshrl.u32 s0, $0x2  }
0x8: {  	s3 =	smul.u32 $0x480, s3;
	s1 =	ssub.s32 s2, s1  }
0x9: {  	s1 =	sand.u32 $0xFFF0, s1  }
0xa: {  	s2 =	rddreg [dreg:$0x0];
	s4 =	sadd.s32 s1, s3  }
0xb: {  	s1 =	rddreg [dreg:$0x1];
	s3 =	simm.s32 $0x0;
	s4 =	sshrl.u32 s4, $0x3  }
0xc: {  	s9 =	ssub.s32 $0x2, s6;
	[smem:$0x7FF] =	sst s3;
	s4 =	sadd.s32 s4, s2  }
0xd: {  	_ =	strace $0x80000047;
	s5 =	sadd.s32 $0x2000, s4;
	s4 =	simm.s32 $0x2  }
0xe: {  	[tilespmem:s3], [sflag:$0x2] =	stream.linear.gather [hbm4b:s5+s3], $0x90, $0x38;
	[tilespmem:$0x2490] =	vst v63  }
0xf: {  	s6 =	simm.s32 $0x90;
	s10 =	sshrl.u32 s9, $0x1;
	_ =	swait.ge [sflag:s4], $0x90  }
0x10: {  	s8 =	smul.u32 $0x480, s7;
	s9 =	ssub.s32 s9, s10;
	[sflag:s4] =	ssyncset.done $0x0  }
0x11: {  	s7 =	simm.s32 $0x1;
	s9 =	smax.u32 s9, $0x1;
	[sflag:s4] =	ssyncadd.s32 $0xFFFFFF70  }
0x12: {  	[tilespmem:s6], [sflag:$0x1] =	stream.indirect.gather [hbm4b:s2+s6], $0x40, s3, s6, $0xb8;
	[tilespmem:$0x2490] =	vst v63  }
0x13: {  	p0 =	sne.s32 s9, $0x1;
	_ =	swait.ge [sflag:s7], $0x2400  }
.Ltmp0:
0x14: {  	s8 =	sadd.s32 s8, s2;
	[sflag:s7] =	ssyncset.done $0x0;
	(pc) =	sbr.rel @!p0 .LBB2_2-.Ltmp0, $4  }
0x15: {  	s8 =	sadd.s32 $0x2400, s8;
	[sflag:s7] =	ssyncadd.s32 $0xFFFFDC00  }
0x16: {  	[hbm4b:s8+s3] =	stream.linear.scatter [tilespmem:s6], [sflag:$0x2], $0x2400, $0x38;
	[tilespmem:$0x2490] =	vst v63  }
0x17: {  	_ =	swait.ge [sflag:s4], $0x2400  }
0x18: {  	s9 =	sadd.s32 $0xFFFFFFFF, s9;
	[sflag:s4] =	ssyncset.done $0x0  }
.LBB2_1:
0x19: {  	p0 =	sne.s32 s9, $0x1;
	s9 =	sadd.s32 $0xFFFFFFFF, s9;
	[sflag:s4] =	ssyncadd.s32 $0xFFFFDC00  }
0x1a: {  	[tilespmem:s3], [sflag:$0x2] =	stream.linear.gather [hbm4b:s5+s3], $0x90, $0x38;
	[tilespmem:$0x2490] =	vst v63  }
0x1b: {  	_ =	swait.ge [sflag:s4], $0x90  }
0x1c: {  	[sflag:s4] =	ssyncset.done $0x0  }
0x1d: {  	[sflag:s4] =	ssyncadd.s32 $0xFFFFFF70  }
0x1e: {  	[tilespmem:s6], [sflag:$0x1] =	stream.indirect.gather [hbm4b:s2+s6], $0x40, s3, s6, $0xb8;
	[tilespmem:$0x2490] =	vst v63  }
0x1f: {  	_ =	swait.ge [sflag:s7], $0x2400  }
.Ltmp1:
0x20: {  	[sflag:s7] =	ssyncset.done $0x0;
	(pc) =	sbr.rel @p0 .LBB2_1-.Ltmp1, $4  }
0x21: {  	[sflag:s7] =	ssyncadd.s32 $0xFFFFDC00  }
0x22: {  	[hbm4b:s8+s3] =	stream.linear.scatter [tilespmem:s6], [sflag:$0x2], $0x2400, $0x38;
	[tilespmem:$0x2490] =	vst v63  }
0x23: {  	_ =	swait.ge [sflag:s4], $0x2400  }
0x24: {  	[sflag:s4] =	ssyncset.done $0x0  }
.LBB2_2:
0x25: {  	[sflag:s4] =	ssyncadd.s32 $0xFFFFDC00  }
0x26: {  	_ =	sfence.sel $0x180000  }
0x27: {  	[bflag:$0x0] =	sbarrier.arrive $0xFFFF  }
0x28: {  	p0 =	sne.s32 s0, $0x0;
	_ =	strace $0x90000047  }
0x29: {  	s0 =	sadd.s32 @!p0 $0x100000, s1;
	[bflag:$0x2] =	sbarrier.arrive $0xFFFF  }
0x2a: {  	[sflag:s0] =	ssyncadd.tile.s32 @!p0 $0x1;
	_ =	shalt  }
.Lfunc_end2:
_tile_overlayer_lowered:
.L_overlay_start_2:
0x2b: {  	(tag) =	ssettag $0x2  }
0x2c: {  	s0 =	rddreg [dreg:$0x0];
	s2 =	stileid.u32  }
0x2d: {  	s1 =	rddreg [dreg:$0x1];
	p0 =	sne.s32 s2, $0x0  }
0x2e: {  	s3 =	rddreg [dreg:$0x2];
	[bflag:$0x3] =	sbarrier.arrive $0xFFFF;
	s2 =	simm.s32 @!p0 $0x1C02  }
0x2f: {  	[timem:s3], [sflag:s2] =	dma.local @!p0 [hbm:s0], s1  }
0x30: {  	s0 =	simm.s32 @!p0 $0x2  }
0x31: {  	_ =	swait.ge @!p0 [sflag:s0], s1  }
0x32: {  	s1 =	ssub.s32 @!p0 $0x0, s1;
	[sflag:s0] =	ssyncset.done @!p0 $0x0  }
0x33: {  	[sflag:s0] =	ssyncadd.s32 @!p0 s1  }
0x34: {  	[bflag:$0x3] =	sbarrier.arrive $0xFFFF  }
0x35: {  	_ =	shalt  }

// kernel: kernel.9.cloned.1.call-start
scs
__scs_entry_jumppad:
0x0: {  	(pc) =	sbr.rel $0x88, $3  }
0x1: {  	(tag) =	ssettag $0x0;
	lr =	simm.s32 $0x1  }
0x2: {  	[smem:$0x3F9F] =	sst lr;
	_ =	strace $0xD0000000  }
0x3: {  	_ = 	snop  }
0x4: {  	_ = 	snop  }
0x5: {  	_ = 	snop  }
0x6: {  	_ = 	snop  }
0x7: {  	_ = 	snop  }
__scs_overlays_trampoline_lowered:
0x8: {  	[smem:$0x3FAE] =	sst s0  }
0x9: {  	[smem:$0x3FAF] =	sst s1  }
0xa: {  	[smem:$0x3FB0] =	sst s2  }
0xb: {  	[smem:$0x3FB1] =	sst s3  }
0xc: {  	[smem:$0x3FB2] =	sst s4  }
0xd: {  	[smem:$0x3FB3] =	sst s5  }
0xe: {  	[smem:$0x3FB4] =	sst s6  }
0xf: {  	[smem:$0x3FB5] =	sst s7  }
0x10: {  	[smem:$0x3FB6] =	sst s8  }
0x11: {  	[smem:$0x3FB7] =	sst s9;
	s0 =	simm.s32 @!p0 $0x0  }
0x12: {  	s1 =	sld [smem:$0x3F9D];
	s0 =	simm.s32 @p0 $0x1  }
0x13: {  	[smem:$0x3FB8] =	sst s0;
	s0 =	simm.s32 @!p1 $0x0  }
0x14: {  	s2 =	sld [smem:$0x3F9C];
	s0 =	simm.s32 @p1 $0x1  }
0x15: {  	[smem:$0x3FB9] =	sst s0;
	s0 =	simm.s32 @!p2 $0x0  }
0x16: {  	s3 =	sld [smem:$0x3FDB];
	s0 =	simm.s32 @p2 $0x1  }
0x17: {  	s4 =	simm.s32 $0x1BF5;
	[smem:$0x3FBB] =	sst s0  }
0x18: {  	s0 =	sld [smem:$0x3F9E];
	_ =	swait.ge [sflag:s4], $0x0  }
0x19: {  	s7 =	sld [smem:$0x3F9F]  }
0x1a: {  	s8 =	sadd.s32 $0xFFFFE003, lr  }
0x1b: {  	s9 =	sadd.s32 $0xFFFFFEF7, lr;
	s5 =	simm.s32 $0xFFFFFFFF;
	p2 =	slt.u32 s8, $0xFFFFF086  }
0x1c: {  	p1 =	slt.u32 s9, $0xF7A;
	s5 =	simm.s32 @!p2 $0x0  }
0x1d: {  	s5 =	simm.s32 @p1 $0x1;
	p0 =	seq.s32 s7, s2  }
0x1e: {  	s7 =	smul.u32 @!p0 $0xF7A, s2;
	p2 =	seq.s32 @!p0 s5, $0x0  }
0x1f: {  	s9 =	smul.u32 $0xF7A, s1;
	s8 =	simm.s32 @!p0 $0x1BF5;
	p2 =	por !p2, p0  }
0x20: {  	[sflag:s8] =	ssyncset.s32 @!p0 $0xFFFFF086;
	s6 =	sadd.s32 @!p0 s3, s7;
	s7 =	simm.s32 @!p0 $0x108  }
0x21: {  	s3 =	sadd.s32 s3, s9;
	s6 =	sadd.s32 @!p0 $0x88, s6;
	s7 =	simm.s32 @p2 $0x1082  }
0x22: {  	[simem:s7], [sflag:s8] =	dma.local @!p0 [hbm:s6], $0xF7A  }
0x23: {  	s9 =	sor.u32 $0xD0000000, s2;
	s6 =	simm.s32 $0x108;
	_ =	swait.ge @!p0 [sflag:s8], $0x0  }
0x24: {  	s3 =	sadd.s32 $0x88, s3;
	s6 =	simm.s32 @!p1 $0x1082;
	[sflag:s4] =	ssyncset.s32 $0xFFFFF086  }
0x25: {  	[simem:s6], [sflag:s4] =	dma.local [hbm:s3], $0xF7A  }
0x26: {  	[smem:$0x3F9F] =	sst s1;
	(tag) =	ssettag s2;
	_ =	strace s9  }
0x27: {  	s1 =	sld [smem:$0x3FAF]  }
0x28: {  	s2 =	sld [smem:$0x3FB0]  }
0x29: {  	s4 =	sld [smem:$0x3FB2]  }
0x2a: {  	p0 =	seq.s32 s5, $0x0;
	s5 =	sld [smem:$0x3FB3]  }
0x2b: {  	s6 =	sld [smem:$0x3FB4]  }
0x2c: {  	s7 =	sld [smem:$0x3FB5]  }
0x2d: {  	s3 =	simm.s32 $0x108;
	s8 =	sld [smem:$0x3FB6]  }
0x2e: {  	s3 =	simm.s32 @!p0 $0x1082;
	s9 =	sld [smem:$0x3FB7]  }
0x2f: {  	lr =	sadd.s32 s0, s3;
	s0 =	sld [smem:$0x3FAE]  }
0x30: {  	s3 =	sld [smem:$0x3FB1]  }
0x31: {  	[smem:$0x3FBA] =	sst s10  }
0x32: {  	s10 =	sld [smem:$0x3FB8];
	_ =	sdelay $0x3  }
0x33: {  	p0 =	seq.s32 s10, $0x1;
	s10 =	sld [smem:$0x3FBA];
	_ =	sdelay $0x3  }
0x34: {  	[smem:$0x3FBA] =	sst s10  }
0x35: {  	s10 =	sld [smem:$0x3FB9];
	_ =	sdelay $0x3  }
0x36: {  	p1 =	seq.s32 s10, $0x1;
	s10 =	sld [smem:$0x3FBA];
	_ =	sdelay $0x3  }
0x37: {  	[smem:$0x3FBA] =	sst s10  }
0x38: {  	s10 =	sld [smem:$0x3FBB]  }
0x39: {  	_ = 	snop;
	(pc) =	sbr.ind lr, $3  }
0x3a: {  	_ = 	snop  }
0x3b: {  	_ = 	snop  }
0x3c: {  	p2 =	seq.s32 s10, $0x1;
	s10 =	sld [smem:$0x3FBA]  }
0x3d: {  	_ =	shalt  }
0x3e: {  	_ =	shalt  }
0x3f: {  	_ =	shalt  }
0x40: {  	_ =	shalt  }
0x41: {  	_ =	shalt  }
0x42: {  	_ =	shalt  }
0x43: {  	_ =	shalt  }
0x44: {  	_ =	shalt  }
0x45: {  	_ =	shalt  }
0x46: {  	_ =	shalt  }
0x47: {  	_ =	shalt  }
0x48: {  	_ =	shalt  }
0x49: {  	_ =	shalt  }
0x4a: {  	_ =	shalt  }
0x4b: {  	_ =	shalt  }
0x4c: {  	_ =	shalt  }
0x4d: {  	_ =	shalt  }
0x4e: {  	_ =	shalt  }
0x4f: {  	_ =	shalt  }
0x50: {  	_ =	shalt  }
0x51: {  	_ =	shalt  }
0x52: {  	_ =	shalt  }
0x53: {  	_ =	shalt  }
0x54: {  	_ =	shalt  }
0x55: {  	_ =	shalt  }
0x56: {  	_ =	shalt  }
0x57: {  	_ =	shalt  }
0x58: {  	_ =	shalt  }
0x59: {  	_ =	shalt  }
0x5a: {  	_ =	shalt  }
0x5b: {  	_ =	shalt  }
0x5c: {  	_ =	shalt  }
0x5d: {  	_ =	shalt  }
0x5e: {  	_ =	shalt  }
0x5f: {  	_ =	shalt  }
0x60: {  	_ =	shalt  }
0x61: {  	_ =	shalt  }
0x62: {  	_ =	shalt  }
0x63: {  	_ =	shalt  }
0x64: {  	_ =	shalt  }
0x65: {  	_ =	shalt  }
0x66: {  	_ =	shalt  }
0x67: {  	_ =	shalt  }
0x68: {  	_ =	shalt  }
0x69: {  	_ =	shalt  }
0x6a: {  	_ =	shalt  }
0x6b: {  	_ =	shalt  }
0x6c: {  	_ =	shalt  }
0x6d: {  	_ =	shalt  }
0x6e: {  	_ =	shalt  }
0x6f: {  	_ =	shalt  }
0x70: {  	_ =	shalt  }
0x71: {  	_ =	shalt  }
0x72: {  	_ =	shalt  }
0x73: {  	_ =	shalt  }
0x74: {  	_ =	shalt  }
0x75: {  	_ =	shalt  }
0x76: {  	_ =	shalt  }
0x77: {  	_ =	shalt  }
0x78: {  	_ =	shalt  }
0x79: {  	_ =	shalt  }
0x7a: {  	_ =	shalt  }
0x7b: {  	_ =	shalt  }
0x7c: {  	_ =	shalt  }
0x7d: {  	_ =	shalt  }
0x7e: {  	_ =	shalt  }
0x7f: {  	_ =	shalt  }
0x80: {  	_ =	shalt  }
0x81: {  	_ =	shalt  }
0x82: {  	_ =	shalt  }
0x83: {  	_ =	shalt  }
0x84: {  	_ =	shalt  }
0x85: {  	_ =	shalt  }
0x86: {  	_ =	shalt  }
0x87: {  	_ =	shalt  }
.Lfunc_end0:
.L_simem_size_0:
called_computation.1_lowered:
.L_overlay_start_0:
0x88: {  	s2 =	sld [smem:$0x3FD9]  }
0x89: {  	s3 =	sld [smem:$0x3FFE];
	_ =	sdelay $0x1  }
0x8a: {  	s1 =	srdreg.scid  }
0x8b: {  	s0 =	sand.u32 $0x1, s1  }
0x8c: {  	s15 =	sshll.u32 s0, $0xA;
	s2 =	sadd.s32 s3, s2  }
0x8d: {  	s2 =	sadd.s32 s2, s15  }
0x8e: {  	[smem:$0x3FC6] =	sst s2  }
0x8f: {  	_ = 	snop  }
0x90: {  	s2 =	sld [smem:$0x3FD0];
	_ =	sdelay $0x2  }
0x91: {  	s16 =	simm.s32 $0xB;
	s4 =	simm.s32 $0x10  }
0x92: {  	[smem:s4], [sflag:s16] =	dma.local [hbm:s2], $0x1  }
0x93: {  	_ =	swait.eq [sflag:s16], $0x1  }
0x94: {  	[sflag:s16] =	ssyncset.done $0x0  }
0x95: {  	[sflag:s16] =	ssyncadd.s32 $0xFFFFFFFF  }
0x96: {  	s17 =	sld [smem:$0x11];
	(tm) =	ssettm $0x1  }
0x97: {  	s18 =	sld [smem:$0x3FFB];
	_ =	sdelay $0x3  }
0x98: {  	_ =	strace s18  }
0x99: {  	s2 =	sld [smem:$0x3FFC];
	_ =	sdelay $0x3  }
0x9a: {  	_ =	strace s2  }
0x9b: {  	s2 =	sld [smem:$0x3FFD];
	_ =	sdelay $0x3  }
0x9c: {  	_ =	strace s2  }
0x9d: {  	_ =	strace $0x8FFFFFFF  }
0x9e: {  	s19 =	sld [smem:$0x3FDB];
	_ =	sdelay $0x1  }
0x9f: {  	s20 =	simm.s32 $_scs_section_size  }
0xa0: {  	s5 =	simm.s32 $_size__tile_overlayer_lowered;
	s6 =	simm.s32 $_tile_overlayer_lowered  }
0xa1: {  	s7 =	simm.s32 $0x1BFF;
	s21 =	sshll.u32 s6, $0x1;
	s4 =	sadd.s32 s20, s19  }
0xa2: {  	s22 =	simm.s32 $0x0;
	s5 =	sshll.u32 s5, $0x1;
	s6 =	sadd.s32 s21, s4  }
0xa3: {  	[timem:s22], [sflag:s7] =	dma.local [hbm:s6], s5  }
0xa4: {  	_ =	swait.ge [sflag:s7], s5  }
0xa5: {  	s5 =	ssub.s32 $0x0, s5;
	[sflag:s7] =	ssyncset.done $0x0  }
0xa6: {  	[sflag:s7] =	ssyncadd.s32 s5;
	_ =	sdelay $0x1  }
0xa7: {  	s23 =	simm.s32 $0x1B8B  }
0xa8: {  	_ =	swait.ge [sflag:s23], $0x1  }
0xa9: {  	[sflag:s23] =	ssyncset.done $0x0  }
0xaa: {  	[sflag:s23] =	ssyncadd.s32 $0xFFFFFFFF  }
0xab: {  	s5 =	sld [smem:$0x0]  }
0xac: {  	s6 =	sand.u32 $0xFFFFFFFE, s1  }
0xad: {  	p0 =	sne.s32 s1, s6  }
0xae: {  	s6 =	sshll.u32 @p0 s6, $0xE  }
0xaf: {  	s6 =	sadd.s32 @p0 $0x11B8D, s6;
	s7 =	sshll.u32 @p0 s5, $0x11  }
0xb0: {  	s6 =	sor.u32 @p0 s7, s6  }
0xb1: {  	[sflag:s6] =	ssyncadd.remote.s32 @p0 $0x1;
	_ =	sdelay $0x1  }
0xb2: {  	s6 =	simm.s32 @p0 $0x1B8D  }
0xb3: {  	_ =	swait.eq @p0 [sflag:s6], $0x1  }
0xb4: {  	[sflag:s6] =	ssyncadd.s32 @p0 $0xFFFFFFFF  }
0xb5: {  	s7 =	sshll.u32 @!p0 s1, $0xE  }
0xb6: {  	s7 =	sor.u32 @!p0 $0x4000, s7;
	s6 =	simm.s32 @!p0 $0x1B8D  }
0xb7: {  	s5 =	sshll.u32 @!p0 s5, $0x11;
	s7 =	sadd.s32 @!p0 $0x11B8D, s7;
	_ =	swait.eq @!p0 [sflag:s6], $0x1  }
0xb8: {  	s5 =	sor.u32 @!p0 s5, s7;
	[sflag:s6] =	ssyncadd.s32 @!p0 $0xFFFFFFFF  }
0xb9: {  	s25 =	simm.s32 $0x1B8E;
	s24 =	sld [smem:$0x3FFE];
	[sflag:s5] =	ssyncadd.remote.s32 @!p0 $0x1  }
0xba: {  	s26 =	simm.s32 $execute0_lowered;
	[smem:$0x3FD2] =	sst s25  }
0xbb: {  	s6 =	sshll.u32 s26, $0x1;
	_ =	strace $0x80000049;
	[dreg:$0x1] =	wrdreg $0xFFFFFFFF  }
0xbc: {  	s28 =	simm.s32 $_size_execute0_lowered;
	s4 =	sadd.s32 s4, s6;
	[dreg:$0x0] =	wrdreg $0x0  }
0xbd: {  	s6 =	sshll.u32 s28, $0x1;
	[dreg:$0x2] =	wrdreg s4  }
0xbe: {  	[dreg:$0x3] =	wrdreg s6  }
0xbf: {  	[dreg:$0x4] =	wrdreg $0xC0  }
0xc0: {  	_ =	task [dreg:s22], $0x5FFFF  }
0xc1: {  	[dreg:$0x1] =	wrdreg $0xFFFFFFFF  }
0xc2: {  	[dreg:$0x0] =	wrdreg $0x60  }
0xc3: {  	[dreg:$0x2] =	wrdreg s24  }
0xc4: {  	[dreg:$0x3] =	wrdreg s17  }
0xc5: {  	[dreg:$0x4] =	wrdreg $0xA  }
0xc6: {  	_ =	task.clear_ibuf [dreg:s22], $0x5FFFF;
	_ =	strace $0x90000049  }
0xc7: {  	s29 =	simm.s32 $0xA;
	_ =	strace $0x8000004B  }
0xc8: {  	_ =	swait.ge [sflag:s29], $0x1  }
0xc9: {  	[sflag:s29] =	ssyncadd.s32 $0xFFFFFFFF  }
0xca: {  	_ =	strace $0x9000004B  }
0xcb: {  	_ =	sfence  }
0xcc: {  	s30 =	sld [smem:$0x0];
	_ =	sdelay $0x2  }
0xcd: {  	s31 =	sshll.u32 s1, $0xD;
	s1 =	sshrl.u32 s1, $0x2  }
0xce: {  	s4 =	sand.u32 $0x4000, s31;
	s1 =	sadd.s32 s1, s30  }
0xcf: {  	s0 =	sor.u32 s4, s0;
	s1 =	sshll.u32 s1, $0x11  }
0xd0: {  	s0 =	sor.u32 s1, s0  }
0xd1: {  	s0 =	sadd.s32 $0x8F2B, s0  }
0xd2: {  	[sflag:s0] =	ssyncadd.remote.s32 $0x1  }
0xd3: {  	_ =	sfence.sel $0xFFFF  }
0xd4: {  	[dreg:$0x0] =	wrdreg $0xFFFFFFFF;
	(pc) =	sbr.abs _section_cstart, $3  }
0xd5: {  	[dreg:$0x1] =	wrdreg $0xFFFFFFFF  }
0xd6: {  	_ =	task.clear_ibuf [dreg:s22], $0x2FFFF;
	_ =	strace $0x9FFFFFFF  }
0xd7: {  	(tm) =	ssettm $0x7FFFFFFF  }
tec
execute0_lowered:
.L_overlay_start_1:
0x0: {  	(tag) =	ssettag $0x1  }
0x1: {  	s1 =	srdreg.scid;
	s0 =	stileid.u32  }
0x2: {  	s6 =	sand.u32 $0x1, s1;
	s30 =	sshll.u32 s0, $0x1  }
0x3: {  	s8 =	sor.u32 s6, s30  }
0x4: {  	s1 =	smul.u32 $0x80010, s8;
	_ =	sdelay $0x1  }
0x5: {  	s2 =	smul.u32 $0x90, s8;
	s1 =	sshrl.u32 s1, $0x16  }
0x6: {  	s1 =	smul.u32 $0x480, s1  }
0x7: {  	s3 =	sshrl.u32 s0, $0x2  }
0x8: {  	s3 =	smul.u32 $0x480, s3;
	s1 =	ssub.s32 s2, s1  }
0x9: {  	s9 =	rddreg [dreg:$0x1];
	s1 =	sand.u32 $0xFFF0, s1  }
0xa: {  	s2 =	rddreg [dreg:$0x0];
	s4 =	sadd.s32 s1, s3  }
0xb: {  	s1 =	rddreg [dreg:$0x2];
	s3 =	simm.s32 $0x0;
	s4 =	sshrl.u32 s4, $0x3  }
0xc: {  	s10 =	ssub.s32 $0x2, s6;
	[smem:$0x7FF] =	sst s3;
	s4 =	sadd.s32 s4, s2  }
0xd: {  	_ =	strace $0x8000004A;
	s5 =	sadd.s32 $0xB400, s4;
	s4 =	simm.s32 $0x2  }
0xe: {  	[tilespmem:s3], [sflag:$0x2] =	stream.linear.gather [hbm4b:s5+s3], $0x90, $0x38;
	[tilespmem:$0x2490] =	vst v63  }
0xf: {  	s11 =	sshrl.u32 s10, $0x1;
	_ =	swait.ge [sflag:s4], $0x90  }
0x10: {  	s7 =	simm.s32 $0x1;
	s10 =	ssub.s32 s10, s11;
	[sflag:s4] =	ssyncset.done $0x0  }
0x11: {  	s6 =	simm.s32 $0x90;
	s31 =	smax.u32 s10, $0x1;
	[sflag:s4] =	ssyncadd.s32 $0xFFFFFF70  }
0x12: {  	[tilespmem:s6], [sflag:$0x1] =	stream.indirect.gather [hbm4b:s2+s6], $0x40, s3, s6, $0xb8;
	[tilespmem:$0x2490] =	vst v63  }
0x13: {  	s8 =	smul.u32 $0x480, s8;
	p0 =	sne.s32 s31, $0x1;
	_ =	swait.ge [sflag:s7], $0x2400  }
.Ltmp0:
0x14: {  	[sflag:s7] =	ssyncset.done $0x0;
	(pc) =	sbr.rel @!p0 .LBB2_2-.Ltmp0, $4  }
0x15: {  	s8 =	sadd.s32 s9, s8;
	[sflag:s7] =	ssyncadd.s32 $0xFFFFDC00  }
0x16: {  	[hbm4b:s8+s3] =	stream.linear.scatter [tilespmem:s6], [sflag:$0x2], $0x2400, $0x38;
	[tilespmem:$0x2490] =	vst v63  }
0x17: {  	_ =	swait.ge [sflag:s4], $0x2400  }
0x18: {  	s9 =	sadd.s32 $0xFFFFFFFF, s31;
	[sflag:s4] =	ssyncset.done $0x0  }
.LBB2_1:
0x19: {  	p0 =	sne.s32 s9, $0x1;
	s9 =	sadd.s32 $0xFFFFFFFF, s9;
	[sflag:s4] =	ssyncadd.s32 $0xFFFFDC00  }
0x1a: {  	[tilespmem:s3], [sflag:$0x2] =	stream.linear.gather [hbm4b:s5+s3], $0x90, $0x38;
	[tilespmem:$0x2490] =	vst v63  }
0x1b: {  	_ =	swait.ge [sflag:s4], $0x90  }
0x1c: {  	[sflag:s4] =	ssyncset.done $0x0  }
0x1d: {  	[sflag:s4] =	ssyncadd.s32 $0xFFFFFF70  }
0x1e: {  	[tilespmem:s6], [sflag:$0x1] =	stream.indirect.gather [hbm4b:s2+s6], $0x40, s3, s6, $0xb8;
	[tilespmem:$0x2490] =	vst v63  }
0x1f: {  	_ =	swait.ge [sflag:s7], $0x2400  }
.Ltmp1:
0x20: {  	[sflag:s7] =	ssyncset.done $0x0;
	(pc) =	sbr.rel @p0 .LBB2_1-.Ltmp1, $4  }
0x21: {  	[sflag:s7] =	ssyncadd.s32 $0xFFFFDC00  }
0x22: {  	[hbm4b:s8+s3] =	stream.linear.scatter [tilespmem:s6], [sflag:$0x2], $0x2400, $0x38;
	[tilespmem:$0x2490] =	vst v63  }
0x23: {  	_ =	swait.ge [sflag:s4], $0x2400  }
0x24: {  	[sflag:s4] =	ssyncset.done $0x0  }
.LBB2_2:
0x25: {  	[sflag:s4] =	ssyncadd.s32 $0xFFFFDC00  }
0x26: {  	_ =	sfence.sel $0x180000  }
0x27: {  	[bflag:$0x0] =	sbarrier.arrive $0xFFFF  }
0x28: {  	p0 =	sne.s32 s0, $0x0;
	_ =	strace $0x9000004A  }
0x29: {  	s0 =	sadd.s32 @!p0 $0x100000, s1;
	[bflag:$0x2] =	sbarrier.arrive $0xFFFF  }
0x2a: {  	[sflag:s0] =	ssyncadd.tile.s32 @!p0 $0x1;
	_ =	shalt  }
.Lfunc_end2:
_tile_overlayer_lowered:
.L_overlay_start_2:
0x2b: {  	(tag) =	ssettag $0x2  }
0x2c: {  	s0 =	rddreg [dreg:$0x0];
	s2 =	stileid.u32  }
0x2d: {  	s1 =	rddreg [dreg:$0x1];
	p0 =	sne.s32 s2, $0x0  }
0x2e: {  	s3 =	rddreg [dreg:$0x2];
	[bflag:$0x3] =	sbarrier.arrive $0xFFFF;
	s2 =	simm.s32 @!p0 $0x1C02  }
0x2f: {  	[timem:s3], [sflag:s2] =	dma.local @!p0 [hbm:s0], s1  }
0x30: {  	s0 =	simm.s32 @!p0 $0x2  }
0x31: {  	_ =	swait.ge @!p0 [sflag:s0], s1  }
0x32: {  	s1 =	ssub.s32 @!p0 $0x0, s1;
	[sflag:s0] =	ssyncset.done @!p0 $0x0  }
0x33: {  	[sflag:s0] =	ssyncadd.s32 @!p0 s1  }
0x34: {  	[bflag:$0x3] =	sbarrier.arrive $0xFFFF  }
0x35: {  	_ =	shalt  }

</sc_bundles>
